<compile_context>
chip_gen: v7x
topology: tpu7x:2x2x1
jax: 0.10.2.dev20260603
libtpu: 0.0.44.dev20260713+nightly
codegen_flags: <defaults>
</compile_context>

<pallas_src>
import functools

import jax
import jax.numpy as jnp
from jax import lax
from jax.experimental import pallas as pl
from jax.experimental.pallas import tpu as pltpu
from jax.experimental.pallas import tpu_sc as plsc

N = 100000
D = 16
L = 100000
O = 64
C = 1

NC = 2
NS = 16
NLANE = 16

CHUNK = 128
PW = N // NS
NCHUNK = 49
PWPAD = NCHUNK * CHUNK

LPAD = 101376
NPASS = 3
RANGE = LPAD // (NC * NPASS)
DUMP = CHUNK
STRIPE = RANGE // NS
ZROWS = 66
NGROUP = 7
GSZ = NCHUNK // NGROUP

LB = 9216
KSTEPS = LPAD // LB


def _sc_segment_sum(x_w, lab_w):
    mesh = plsc.VectorSubcoreMesh(
        core_axis_name="c", subcore_axis_name="s",
        num_cores=NC, num_subcores=NS)

    @functools.partial(
        pl.kernel,
        out_type=jax.ShapeDtypeStruct((LPAD, D), jnp.float32),
        mesh=mesh,
        scratch_types=[
            pltpu.VMEM((PWPAD,), jnp.int32),
            pltpu.VMEM((NCHUNK, CHUNK), jnp.int32),
            pltpu.VMEM((PWPAD, D), jnp.float32),
            pltpu.VMEM((ZROWS, D), jnp.float32),
            pltpu.VMEM_SHARED((RANGE + DUMP, D), jnp.float32),
            pltpu.SemaphoreType.DMA,
        ],
        compiler_params=pltpu.CompilerParams(use_tc_tiling_on_sc=False),
    )
    def k(x_hbm, lab_hbm, out_hbm, lab_v, idx_v, x_v, z_v, s_sh, sem):
        c = lax.axis_index("c")
        s = lax.axis_index("s")
        zvec = jnp.zeros((D,), jnp.float32)

        @pl.loop(0, ZROWS)
        def _zfill(i):
            z_v[i, :] = zvec

        pltpu.sync_copy(lab_hbm.at[s], lab_v)
        pltpu.sync_copy(x_hbm.at[pl.ds(s * PW, PW)], x_v.at[pl.ds(0, PW)])

        lane = lax.iota(jnp.int32, NLANE)

        for p in range(NPASS):
            blk = c * NPASS + p
            base = blk * RANGE
            for z in range(STRIPE // ZROWS):
                pltpu.sync_copy(
                    z_v, s_sh.at[pl.ds(s * STRIPE + z * ZROWS, ZROWS)])

            @pl.loop(0, NCHUNK)
            def _mkidx(j):
                for t in range(CHUNK // NLANE):
                    lab = lab_v[pl.ds(j * CHUNK + t * NLANE, NLANE)]
                    rel = lab - base
                    inr = (rel >= 0) & (rel < RANGE)
                    dump = (RANGE + t * NLANE) + lane
                    idx_v[j, pl.ds(t * NLANE, NLANE)] = jnp.where(
                        inr, rel, dump)

            plsc.subcore_barrier()

            for g in range(NGROUP):
                @pl.loop(g * GSZ, (g + 1) * GSZ)
                def _fire(j):
                    pltpu.async_copy(x_v.at[pl.ds(j * CHUNK, CHUNK)],
                                     s_sh.at[idx_v.at[j]], sem, add=True)

                @pl.loop(g * GSZ, (g + 1) * GSZ)
                def _drain(j):
                    pltpu.make_async_copy(x_v.at[pl.ds(j * CHUNK, CHUNK)],
                                          s_sh.at[idx_v.at[j]], sem).wait()

            plsc.subcore_barrier()
            pltpu.sync_copy(
                s_sh.at[pl.ds(s * STRIPE, STRIPE)],
                out_hbm.at[pl.ds(base + s * STRIPE, STRIPE)])

    return k(x_w, lab_w)


def _tc_matmul_body(w_ref, s_ref, o_ref):
    kstep = pl.program_id(0)

    @pl.when(kstep == 0)
    def _():
        o_ref[...] = jnp.zeros_like(o_ref)

    w = w_ref[...]
    col = lax.broadcasted_iota(jnp.int32, (1, LB), 1) + kstep * LB
    w = jnp.where(col < L, w, 0.0)
    o_ref[...] += jnp.dot(w, s_ref[...], preferred_element_type=jnp.float32)


def kernel(x, node_labels, Param_W, Param_b):
    x = x.astype(jnp.float32)
    labels = node_labels.astype(jnp.int32)

    lab_w = jnp.pad(labels.reshape(NS, PW), ((0, 0), (0, PWPAD - PW)),
                    constant_values=-1)
    x_w = x

    s_tab = _sc_segment_sum(x_w, lab_w)

    w2 = Param_W.reshape(O, L)

    out = pl.pallas_call(
        _tc_matmul_body,
        grid=(KSTEPS,),
        in_specs=[
            pl.BlockSpec((O, LB), lambda k: (0, k)),
            pl.BlockSpec((LB, D), lambda k: (k, 0)),
        ],
        out_specs=pl.BlockSpec((O, D), lambda k: (0, 0)),
        out_shape=jax.ShapeDtypeStruct((O, D), jnp.float32),
        compiler_params=pltpu.CompilerParams(
            dimension_semantics=("arbitrary",)),
    )(w2, s_tab)

    return (out + Param_b.reshape(O, D)).reshape(C, O, D)

# --- scband reference (transcript-rebuilt; emitter-appended) ---
"""Pipeline reference for scband-rule-aggregation-layer-66005057405589 (READ-ONLY COPY).

The authoritative reference and input builder live on the scoring server;
editing this copy changes nothing except your own understanding.
"""

import jax, jax.numpy as jnp
import numpy as np

N = 100000          # number of nodes
D = 16              # input feature dimension
L = 100000          # number of unique node labels (weight vocabulary)
O = 64              # out_dim
C = 1               # out_channels


def setup_inputs(seed: int = 0) -> dict:
    key = jax.random.key(seed)
    k1, k2, k3 = jax.random.split(key, 3)
    x = jax.random.normal(k1, (N, D), dtype=jnp.float32)
    node_labels = jax.random.randint(k2, (N,), 0, L)
    weight_num = C * O * L
    # Param_W initialized like the torch module (constant 1e-4 after init), use small random for generality
    Param_W = jax.random.normal(k3, (weight_num,), dtype=jnp.float32) * (1.0 / np.sqrt(weight_num))
    Param_b = jnp.zeros((C, O, D), dtype=jnp.float32)
    return {"x": x, "node_labels": node_labels, "Param_W": Param_W, "Param_b": Param_b}


def reference(x, node_labels, Param_W, Param_b):
    # weight_map[c, o, label] -> flat index into Param_W (matches np.arange(...).reshape((C, O, L)))
    weight_map = jnp.arange(C * O * L, dtype=jnp.int32).reshape(C, O, L)
    # set_weights: current_W[c, o, v] = Param_W[weight_map[c, o, label(v)]]
    idx = jnp.take(weight_map, node_labels, axis=2)          # (C, O, N) gather over label axis
    current_W = jnp.take(Param_W, idx)                        # (C, O, N) gather from flat parameter vector
    # forward: out[c, o, d] = sum_v current_W[c, o, v] * x[v, d] + bias
    out = jnp.einsum('con,nd->cod', current_W, x) + Param_b   # (C, O, D)
    return out

if __name__ == "__main__":
    import jax
    _d = setup_inputs()
    print(jax.jit(kernel)(*tuple(_d.values())))

</pallas_src>

<mosaic_0001>
#map = affine_map<(d0, d1) -> (0, 0)>
module attributes {stable_mosaic.version = 14 : i64} {
  func.func @k(%arg0: i32, %arg1: i32, %arg2: memref<100000x16xf32, #tpu.memory_space<hbm>>, %arg3: memref<16x6272xi32, #tpu.memory_space<hbm>>, %arg4: memref<101376x16xf32, #tpu.memory_space<hbm>>, %arg5: memref<6272xi32, #tpu.memory_space<vmem>>, %arg6: memref<49x128xi32, #tpu.memory_space<vmem>>, %arg7: memref<6272x16xf32, #tpu.memory_space<vmem>>, %arg8: memref<66x16xf32, #tpu.memory_space<vmem>>, %arg9: memref<17024x16xf32, #tpu.memory_space<vmem_shared>>, %arg10: memref<!tpu.dma_semaphore, #tpu.memory_space<semaphore_mem>>) attributes {dimension_semantics = [#tpu.dimension_semantics<core_parallel>, #tpu.dimension_semantics<subcore_parallel>], iteration_bounds = array<i64: 2, 16>, scalar_prefetch = 0 : i64, scratch_operands = 6 : i64, tpu.core_type = #tpu.core_type<sc_vector_subcore>, window_params = [{transform_indices = #map}, {transform_indices = #map}, {transform_indices = #map}]} {
    %broadcast_in_dim3A = arith.constant 0.000000e+00 : f32
    %broadcast_in_dim3A_0 = vector.broadcast %broadcast_in_dim3A : f32 to vector<16xf32>
    %scan3A = arith.constant 0 : i32
    %scan3A_1 = arith.constant 66 : i32
    %scan3A_2 = arith.addi %scan3A, %scan3A_1 : i32
    %scan3A_3 = arith.constant 1 : i32
    scf.for %scan3A_460 = %scan3A to %scan3A_2 step %scan3A_3  : i32 {
      %mul3A_461 = arith.constant 1 : i32
      %mul3A_462 = arith.muli %scan3A_460, %mul3A_461 : i32
      %add3A_463 = arith.constant 0 : i32
      %add3A_464 = arith.addi %add3A_463, %mul3A_462 : i32
      %swap3A = arith.index_cast %add3A_464 : i32 to index
      %swap3A_465 = arith.constant 0 : index
      %swap3A_466 = tpu.vector_load %arg8[%swap3A, %swap3A_465] {strides = array<i32>} : memref<66x16xf32, #tpu.memory_space<vmem>>, vector<1x16xf32>,
      %swap3A_467 = vector.shape_cast %swap3A_466 : vector<1x16xf32> to vector<16xf32>
      %swap3A_468 = vector.shape_cast %broadcast_in_dim3A_0 : vector<16xf32> to vector<1x16xf32>
      tpu.vector_store %arg8[%swap3A, %swap3A_465], %swap3A_468 {strides = array<i32>} : memref<66x16xf32, #tpu.memory_space<vmem>>, vector<1x16xf32>,
    }
    %scan3A_4 = arith.constant 66 : i32
    "tpu.region"() ({
      %run_scoped3A = tpu.sem_alloc : memref<!tpu.dma_semaphore, #tpu.memory_space<semaphore_mem>>
      %dma_start3A = arith.constant 0 : i32
      %dma_start3A_460 = tpu.memref_slice %arg3[%arg1, %dma_start3A] : memref<16x6272xi32, #tpu.memory_space<hbm>> -> memref<1x6272xi32, #tpu.memory_space<hbm>>
      %dma_start3A_461 = tpu.memref_squeeze %dma_start3A_460 : memref<1x6272xi32, #tpu.memory_space<hbm>> -> memref<6272xi32, #tpu.memory_space<hbm>>
      %dma_start3A_462 = arith.constant 0 : i32
      %dma_start3A_463 = tpu.memref_slice %arg3[%arg1, %dma_start3A_462] : memref<16x6272xi32, #tpu.memory_space<hbm>> -> memref<1x6272xi32, #tpu.memory_space<hbm>>
      %dma_start3A_464 = tpu.memref_squeeze %dma_start3A_463 : memref<1x6272xi32, #tpu.memory_space<hbm>> -> memref<6272xi32, #tpu.memory_space<hbm>>
      tpu.enqueue_dma source(%dma_start3A_464 : memref<6272xi32, #tpu.memory_space<hbm>>) target(%arg5 : memref<6272xi32, #tpu.memory_space<vmem>>) target_semaphore(%run_scoped3A : memref<!tpu.dma_semaphore, #tpu.memory_space<semaphore_mem>>)
      %dma_wait3A = arith.constant 0 : i32
      %dma_wait3A_465 = tpu.memref_slice %arg3[%arg1, %dma_wait3A] : memref<16x6272xi32, #tpu.memory_space<hbm>> -> memref<1x6272xi32, #tpu.memory_space<hbm>>
      %dma_wait3A_466 = tpu.memref_squeeze %dma_wait3A_465 : memref<1x6272xi32, #tpu.memory_space<hbm>> -> memref<6272xi32, #tpu.memory_space<hbm>>
      %dma_wait3A_467 = arith.constant 0 : i32
      %dma_wait3A_468 = tpu.memref_slice %arg3[%arg1, %dma_wait3A_467] : memref<16x6272xi32, #tpu.memory_space<hbm>> -> memref<1x6272xi32, #tpu.memory_space<hbm>>
      %dma_wait3A_469 = tpu.memref_squeeze %dma_wait3A_468 : memref<1x6272xi32, #tpu.memory_space<hbm>> -> memref<6272xi32, #tpu.memory_space<hbm>>
      tpu.wait_dma2 semaphore(%run_scoped3A : memref<!tpu.dma_semaphore, #tpu.memory_space<semaphore_mem>>) src(%dma_wait3A_469 : memref<6272xi32, #tpu.memory_space<hbm>>) dst(%arg5 : memref<6272xi32, #tpu.memory_space<vmem>>)
      tpu.yield
    }) : () -> ()
    %mul3A = arith.constant 6250 : i32
    %mul3A_5 = arith.muli %arg1, %mul3A : i32
    "tpu.region"() ({
      %run_scoped3A = tpu.sem_alloc : memref<!tpu.dma_semaphore, #tpu.memory_space<semaphore_mem>>
      %dma_start3A = arith.constant 0 : i32
      %dma_start3A_460 = arith.constant 0 : i32
      %dma_start3A_461 = tpu.memref_slice %arg7[%dma_start3A, %dma_start3A_460] : memref<6272x16xf32, #tpu.memory_space<vmem>> -> memref<6250x16xf32, #tpu.memory_space<vmem>>
      %dma_start3A_462 = arith.constant 0 : i32
      %dma_start3A_463 = tpu.memref_slice %arg2[%mul3A_5, %dma_start3A_462] : memref<100000x16xf32, #tpu.memory_space<hbm>> -> memref<6250x16xf32, #tpu.memory_space<hbm>>
      %dma_start3A_464 = arith.constant 0 : i32
      %dma_start3A_465 = arith.constant 0 : i32
      %dma_start3A_466 = tpu.memref_slice %arg7[%dma_start3A_464, %dma_start3A_465] : memref<6272x16xf32, #tpu.memory_space<vmem>> -> memref<6250x16xf32, #tpu.memory_space<vmem>>
      %dma_start3A_467 = arith.constant 0 : i32
      %dma_start3A_468 = tpu.memref_slice %arg2[%mul3A_5, %dma_start3A_467] : memref<100000x16xf32, #tpu.memory_space<hbm>> -> memref<6250x16xf32, #tpu.memory_space<hbm>>
      tpu.enqueue_dma source(%dma_start3A_468 : memref<6250x16xf32, #tpu.memory_space<hbm>>) target(%dma_start3A_466 : memref<6250x16xf32, #tpu.memory_space<vmem>>) target_semaphore(%run_scoped3A : memref<!tpu.dma_semaphore, #tpu.memory_space<semaphore_mem>>)
      %dma_wait3A = arith.constant 0 : i32
      %dma_wait3A_469 = arith.constant 0 : i32
      %dma_wait3A_470 = tpu.memref_slice %arg7[%dma_wait3A, %dma_wait3A_469] : memref<6272x16xf32, #tpu.memory_space<vmem>> -> memref<6250x16xf32, #tpu.memory_space<vmem>>
      %dma_wait3A_471 = arith.constant 0 : i32
      %dma_wait3A_472 = tpu.memref_slice %arg2[%mul3A_5, %dma_wait3A_471] : memref<100000x16xf32, #tpu.memory_space<hbm>> -> memref<6250x16xf32, #tpu.memory_space<hbm>>
      %dma_wait3A_473 = arith.constant 0 : i32
      %dma_wait3A_474 = arith.constant 0 : i32
      %dma_wait3A_475 = tpu.memref_slice %arg7[%dma_wait3A_473, %dma_wait3A_474] : memref<6272x16xf32, #tpu.memory_space<vmem>> -> memref<6250x16xf32, #tpu.memory_space<vmem>>
      %dma_wait3A_476 = arith.constant 0 : i32
      %dma_wait3A_477 = tpu.memref_slice %arg2[%mul3A_5, %dma_wait3A_476] : memref<100000x16xf32, #tpu.memory_space<hbm>> -> memref<6250x16xf32, #tpu.memory_space<hbm>>
      tpu.wait_dma2 semaphore(%run_scoped3A : memref<!tpu.dma_semaphore, #tpu.memory_space<semaphore_mem>>) src(%dma_wait3A_477 : memref<6250x16xf32, #tpu.memory_space<hbm>>) dst(%dma_wait3A_475 : memref<6250x16xf32, #tpu.memory_space<vmem>>)
      tpu.yield
    }) : () -> ()
    %iota3A = tpu.iota {dimensions = array<i32: 0>} : vector<16xi32>
    %mul3A_6 = arith.constant 3 : i32
    %mul3A_7 = arith.muli %arg0, %mul3A_6 : i32
    %add3A = arith.constant 0 : i32
    %add3A_8 = arith.addi %mul3A_7, %add3A : i32
    %mul3A_9 = arith.constant 16896 : i32
    %mul3A_10 = arith.muli %add3A_8, %mul3A_9 : i32
    %mul3A_11 = arith.constant 1056 : i32
    %mul3A_12 = arith.muli %arg1, %mul3A_11 : i32
    %add3A_13 = arith.constant 0 : i32
    %add3A_14 = arith.addi %mul3A_12, %add3A_13 : i32
    "tpu.region"() ({
      %run_scoped3A = tpu.sem_alloc : memref<!tpu.dma_semaphore, #tpu.memory_space<semaphore_mem>>
      %dma_start3A = arith.constant 0 : i32
      %dma_start3A_460 = tpu.memref_slice %arg9[%add3A_14, %dma_start3A] : memref<17024x16xf32, #tpu.memory_space<vmem_shared>> -> memref<66x16xf32, #tpu.memory_space<vmem_shared>>
      %dma_start3A_461 = arith.constant 0 : i32
      %dma_start3A_462 = tpu.memref_slice %arg9[%add3A_14, %dma_start3A_461] : memref<17024x16xf32, #tpu.memory_space<vmem_shared>> -> memref<66x16xf32, #tpu.memory_space<vmem_shared>>
      tpu.enqueue_dma source(%arg8 : memref<66x16xf32, #tpu.memory_space<vmem>>) target(%dma_start3A_462 : memref<66x16xf32, #tpu.memory_space<vmem_shared>>) target_semaphore(%run_scoped3A : memref<!tpu.dma_semaphore, #tpu.memory_space<semaphore_mem>>)
      %dma_wait3A = arith.constant 0 : i32
      %dma_wait3A_463 = tpu.memref_slice %arg9[%add3A_14, %dma_wait3A] : memref<17024x16xf32, #tpu.memory_space<vmem_shared>> -> memref<66x16xf32, #tpu.memory_space<vmem_shared>>
      %dma_wait3A_464 = arith.constant 0 : i32
      %dma_wait3A_465 = tpu.memref_slice %arg9[%add3A_14, %dma_wait3A_464] : memref<17024x16xf32, #tpu.memory_space<vmem_shared>> -> memref<66x16xf32, #tpu.memory_space<vmem_shared>>
      tpu.wait_dma2 semaphore(%run_scoped3A : memref<!tpu.dma_semaphore, #tpu.memory_space<semaphore_mem>>) src(%arg8 : memref<66x16xf32, #tpu.memory_space<vmem>>) dst(%dma_wait3A_465 : memref<66x16xf32, #tpu.memory_space<vmem_shared>>)
      tpu.yield
    }) : () -> ()
    %mul3A_15 = arith.constant 1056 : i32
    %mul3A_16 = arith.muli %arg1, %mul3A_15 : i32
    %add3A_17 = arith.constant 66 : i32
    %add3A_18 = arith.addi %mul3A_16, %add3A_17 : i32
    "tpu.region"() ({
      %run_scoped3A = tpu.sem_alloc : memref<!tpu.dma_semaphore, #tpu.memory_space<semaphore_mem>>
      %dma_start3A = arith.constant 0 : i32
      %dma_start3A_460 = tpu.memref_slice %arg9[%add3A_18, %dma_start3A] : memref<17024x16xf32, #tpu.memory_space<vmem_shared>> -> memref<66x16xf32, #tpu.memory_space<vmem_shared>>
      %dma_start3A_461 = arith.constant 0 : i32
      %dma_start3A_462 = tpu.memref_slice %arg9[%add3A_18, %dma_start3A_461] : memref<17024x16xf32, #tpu.memory_space<vmem_shared>> -> memref<66x16xf32, #tpu.memory_space<vmem_shared>>
      tpu.enqueue_dma source(%arg8 : memref<66x16xf32, #tpu.memory_space<vmem>>) target(%dma_start3A_462 : memref<66x16xf32, #tpu.memory_space<vmem_shared>>) target_semaphore(%run_scoped3A : memref<!tpu.dma_semaphore, #tpu.memory_space<semaphore_mem>>)
      %dma_wait3A = arith.constant 0 : i32
      %dma_wait3A_463 = tpu.memref_slice %arg9[%add3A_18, %dma_wait3A] : memref<17024x16xf32, #tpu.memory_space<vmem_shared>> -> memref<66x16xf32, #tpu.memory_space<vmem_shared>>
      %dma_wait3A_464 = arith.constant 0 : i32
      %dma_wait3A_465 = tpu.memref_slice %arg9[%add3A_18, %dma_wait3A_464] : memref<17024x16xf32, #tpu.memory_space<vmem_shared>> -> memref<66x16xf32, #tpu.memory_space<vmem_shared>>
      tpu.wait_dma2 semaphore(%run_scoped3A : memref<!tpu.dma_semaphore, #tpu.memory_space<semaphore_mem>>) src(%arg8 : memref<66x16xf32, #tpu.memory_space<vmem>>) dst(%dma_wait3A_465 : memref<66x16xf32, #tpu.memory_space<vmem_shared>>)
      tpu.yield
    }) : () -> ()
    %mul3A_19 = arith.constant 1056 : i32
    %mul3A_20 = arith.muli %arg1, %mul3A_19 : i32
    %add3A_21 = arith.constant 132 : i32
    %add3A_22 = arith.addi %mul3A_20, %add3A_21 : i32
    "tpu.region"() ({
      %run_scoped3A = tpu.sem_alloc : memref<!tpu.dma_semaphore, #tpu.memory_space<semaphore_mem>>
      %dma_start3A = arith.constant 0 : i32
      %dma_start3A_460 = tpu.memref_slice %arg9[%add3A_22, %dma_start3A] : memref<17024x16xf32, #tpu.memory_space<vmem_shared>> -> memref<66x16xf32, #tpu.memory_space<vmem_shared>>
      %dma_start3A_461 = arith.constant 0 : i32
      %dma_start3A_462 = tpu.memref_slice %arg9[%add3A_22, %dma_start3A_461] : memref<17024x16xf32, #tpu.memory_space<vmem_shared>> -> memref<66x16xf32, #tpu.memory_space<vmem_shared>>
      tpu.enqueue_dma source(%arg8 : memref<66x16xf32, #tpu.memory_space<vmem>>) target(%dma_start3A_462 : memref<66x16xf32, #tpu.memory_space<vmem_shared>>) target_semaphore(%run_scoped3A : memref<!tpu.dma_semaphore, #tpu.memory_space<semaphore_mem>>)
      %dma_wait3A = arith.constant 0 : i32
      %dma_wait3A_463 = tpu.memref_slice %arg9[%add3A_22, %dma_wait3A] : memref<17024x16xf32, #tpu.memory_space<vmem_shared>> -> memref<66x16xf32, #tpu.memory_space<vmem_shared>>
      %dma_wait3A_464 = arith.constant 0 : i32
      %dma_wait3A_465 = tpu.memref_slice %arg9[%add3A_22, %dma_wait3A_464] : memref<17024x16xf32, #tpu.memory_space<vmem_shared>> -> memref<66x16xf32, #tpu.memory_space<vmem_shared>>
      tpu.wait_dma2 semaphore(%run_scoped3A : memref<!tpu.dma_semaphore, #tpu.memory_space<semaphore_mem>>) src(%arg8 : memref<66x16xf32, #tpu.memory_space<vmem>>) dst(%dma_wait3A_465 : memref<66x16xf32, #tpu.memory_space<vmem_shared>>)
      tpu.yield
    }) : () -> ()
    %mul3A_23 = arith.constant 1056 : i32
    %mul3A_24 = arith.muli %arg1, %mul3A_23 : i32
    %add3A_25 = arith.constant 198 : i32
    %add3A_26 = arith.addi %mul3A_24, %add3A_25 : i32
    "tpu.region"() ({
      %run_scoped3A = tpu.sem_alloc : memref<!tpu.dma_semaphore, #tpu.memory_space<semaphore_mem>>
      %dma_start3A = arith.constant 0 : i32
      %dma_start3A_460 = tpu.memref_slice %arg9[%add3A_26, %dma_start3A] : memref<17024x16xf32, #tpu.memory_space<vmem_shared>> -> memref<66x16xf32, #tpu.memory_space<vmem_shared>>
      %dma_start3A_461 = arith.constant 0 : i32
      %dma_start3A_462 = tpu.memref_slice %arg9[%add3A_26, %dma_start3A_461] : memref<17024x16xf32, #tpu.memory_space<vmem_shared>> -> memref<66x16xf32, #tpu.memory_space<vmem_shared>>
      tpu.enqueue_dma source(%arg8 : memref<66x16xf32, #tpu.memory_space<vmem>>) target(%dma_start3A_462 : memref<66x16xf32, #tpu.memory_space<vmem_shared>>) target_semaphore(%run_scoped3A : memref<!tpu.dma_semaphore, #tpu.memory_space<semaphore_mem>>)
      %dma_wait3A = arith.constant 0 : i32
      %dma_wait3A_463 = tpu.memref_slice %arg9[%add3A_26, %dma_wait3A] : memref<17024x16xf32, #tpu.memory_space<vmem_shared>> -> memref<66x16xf32, #tpu.memory_space<vmem_shared>>
      %dma_wait3A_464 = arith.constant 0 : i32
      %dma_wait3A_465 = tpu.memref_slice %arg9[%add3A_26, %dma_wait3A_464] : memref<17024x16xf32, #tpu.memory_space<vmem_shared>> -> memref<66x16xf32, #tpu.memory_space<vmem_shared>>
      tpu.wait_dma2 semaphore(%run_scoped3A : memref<!tpu.dma_semaphore, #tpu.memory_space<semaphore_mem>>) src(%arg8 : memref<66x16xf32, #tpu.memory_space<vmem>>) dst(%dma_wait3A_465 : memref<66x16xf32, #tpu.memory_space<vmem_shared>>)
      tpu.yield
    }) : () -> ()
    %mul3A_27 = arith.constant 1056 : i32
    %mul3A_28 = arith.muli %arg1, %mul3A_27 : i32
    %add3A_29 = arith.constant 264 : i32
    %add3A_30 = arith.addi %mul3A_28, %add3A_29 : i32
    "tpu.region"() ({
      %run_scoped3A = tpu.sem_alloc : memref<!tpu.dma_semaphore, #tpu.memory_space<semaphore_mem>>
      %dma_start3A = arith.constant 0 : i32
      %dma_start3A_460 = tpu.memref_slice %arg9[%add3A_30, %dma_start3A] : memref<17024x16xf32, #tpu.memory_space<vmem_shared>> -> memref<66x16xf32, #tpu.memory_space<vmem_shared>>
      %dma_start3A_461 = arith.constant 0 : i32
      %dma_start3A_462 = tpu.memref_slice %arg9[%add3A_30, %dma_start3A_461] : memref<17024x16xf32, #tpu.memory_space<vmem_shared>> -> memref<66x16xf32, #tpu.memory_space<vmem_shared>>
      tpu.enqueue_dma source(%arg8 : memref<66x16xf32, #tpu.memory_space<vmem>>) target(%dma_start3A_462 : memref<66x16xf32, #tpu.memory_space<vmem_shared>>) target_semaphore(%run_scoped3A : memref<!tpu.dma_semaphore, #tpu.memory_space<semaphore_mem>>)
      %dma_wait3A = arith.constant 0 : i32
      %dma_wait3A_463 = tpu.memref_slice %arg9[%add3A_30, %dma_wait3A] : memref<17024x16xf32, #tpu.memory_space<vmem_shared>> -> memref<66x16xf32, #tpu.memory_space<vmem_shared>>
      %dma_wait3A_464 = arith.constant 0 : i32
      %dma_wait3A_465 = tpu.memref_slice %arg9[%add3A_30, %dma_wait3A_464] : memref<17024x16xf32, #tpu.memory_space<vmem_shared>> -> memref<66x16xf32, #tpu.memory_space<vmem_shared>>
      tpu.wait_dma2 semaphore(%run_scoped3A : memref<!tpu.dma_semaphore, #tpu.memory_space<semaphore_mem>>) src(%arg8 : memref<66x16xf32, #tpu.memory_space<vmem>>) dst(%dma_wait3A_465 : memref<66x16xf32, #tpu.memory_space<vmem_shared>>)
      tpu.yield
    }) : () -> ()
    %mul3A_31 = arith.constant 1056 : i32
    %mul3A_32 = arith.muli %arg1, %mul3A_31 : i32
    %add3A_33 = arith.constant 330 : i32
    %add3A_34 = arith.addi %mul3A_32, %add3A_33 : i32
    "tpu.region"() ({
      %run_scoped3A = tpu.sem_alloc : memref<!tpu.dma_semaphore, #tpu.memory_space<semaphore_mem>>
      %dma_start3A = arith.constant 0 : i32
      %dma_start3A_460 = tpu.memref_slice %arg9[%add3A_34, %dma_start3A] : memref<17024x16xf32, #tpu.memory_space<vmem_shared>> -> memref<66x16xf32, #tpu.memory_space<vmem_shared>>
      %dma_start3A_461 = arith.constant 0 : i32
      %dma_start3A_462 = tpu.memref_slice %arg9[%add3A_34, %dma_start3A_461] : memref<17024x16xf32, #tpu.memory_space<vmem_shared>> -> memref<66x16xf32, #tpu.memory_space<vmem_shared>>
      tpu.enqueue_dma source(%arg8 : memref<66x16xf32, #tpu.memory_space<vmem>>) target(%dma_start3A_462 : memref<66x16xf32, #tpu.memory_space<vmem_shared>>) target_semaphore(%run_scoped3A : memref<!tpu.dma_semaphore, #tpu.memory_space<semaphore_mem>>)
      %dma_wait3A = arith.constant 0 : i32
      %dma_wait3A_463 = tpu.memref_slice %arg9[%add3A_34, %dma_wait3A] : memref<17024x16xf32, #tpu.memory_space<vmem_shared>> -> memref<66x16xf32, #tpu.memory_space<vmem_shared>>
      %dma_wait3A_464 = arith.constant 0 : i32
      %dma_wait3A_465 = tpu.memref_slice %arg9[%add3A_34, %dma_wait3A_464] : memref<17024x16xf32, #tpu.memory_space<vmem_shared>> -> memref<66x16xf32, #tpu.memory_space<vmem_shared>>
      tpu.wait_dma2 semaphore(%run_scoped3A : memref<!tpu.dma_semaphore, #tpu.memory_space<semaphore_mem>>) src(%arg8 : memref<66x16xf32, #tpu.memory_space<vmem>>) dst(%dma_wait3A_465 : memref<66x16xf32, #tpu.memory_space<vmem_shared>>)
      tpu.yield
    }) : () -> ()
    %mul3A_35 = arith.constant 1056 : i32
    %mul3A_36 = arith.muli %arg1, %mul3A_35 : i32
    %add3A_37 = arith.constant 396 : i32
    %add3A_38 = arith.addi %mul3A_36, %add3A_37 : i32
    "tpu.region"() ({
      %run_scoped3A = tpu.sem_alloc : memref<!tpu.dma_semaphore, #tpu.memory_space<semaphore_mem>>
      %dma_start3A = arith.constant 0 : i32
      %dma_start3A_460 = tpu.memref_slice %arg9[%add3A_38, %dma_start3A] : memref<17024x16xf32, #tpu.memory_space<vmem_shared>> -> memref<66x16xf32, #tpu.memory_space<vmem_shared>>
      %dma_start3A_461 = arith.constant 0 : i32
      %dma_start3A_462 = tpu.memref_slice %arg9[%add3A_38, %dma_start3A_461] : memref<17024x16xf32, #tpu.memory_space<vmem_shared>> -> memref<66x16xf32, #tpu.memory_space<vmem_shared>>
      tpu.enqueue_dma source(%arg8 : memref<66x16xf32, #tpu.memory_space<vmem>>) target(%dma_start3A_462 : memref<66x16xf32, #tpu.memory_space<vmem_shared>>) target_semaphore(%run_scoped3A : memref<!tpu.dma_semaphore, #tpu.memory_space<semaphore_mem>>)
      %dma_wait3A = arith.constant 0 : i32
      %dma_wait3A_463 = tpu.memref_slice %arg9[%add3A_38, %dma_wait3A] : memref<17024x16xf32, #tpu.memory_space<vmem_shared>> -> memref<66x16xf32, #tpu.memory_space<vmem_shared>>
      %dma_wait3A_464 = arith.constant 0 : i32
      %dma_wait3A_465 = tpu.memref_slice %arg9[%add3A_38, %dma_wait3A_464] : memref<17024x16xf32, #tpu.memory_space<vmem_shared>> -> memref<66x16xf32, #tpu.memory_space<vmem_shared>>
      tpu.wait_dma2 semaphore(%run_scoped3A : memref<!tpu.dma_semaphore, #tpu.memory_space<semaphore_mem>>) src(%arg8 : memref<66x16xf32, #tpu.memory_space<vmem>>) dst(%dma_wait3A_465 : memref<66x16xf32, #tpu.memory_space<vmem_shared>>)
      tpu.yield
    }) : () -> ()
    %mul3A_39 = arith.constant 1056 : i32
    %mul3A_40 = arith.muli %arg1, %mul3A_39 : i32
    %add3A_41 = arith.constant 462 : i32
    %add3A_42 = arith.addi %mul3A_40, %add3A_41 : i32
    "tpu.region"() ({
      %run_scoped3A = tpu.sem_alloc : memref<!tpu.dma_semaphore, #tpu.memory_space<semaphore_mem>>
      %dma_start3A = arith.constant 0 : i32
      %dma_start3A_460 = tpu.memref_slice %arg9[%add3A_42, %dma_start3A] : memref<17024x16xf32, #tpu.memory_space<vmem_shared>> -> memref<66x16xf32, #tpu.memory_space<vmem_shared>>
      %dma_start3A_461 = arith.constant 0 : i32
      %dma_start3A_462 = tpu.memref_slice %arg9[%add3A_42, %dma_start3A_461] : memref<17024x16xf32, #tpu.memory_space<vmem_shared>> -> memref<66x16xf32, #tpu.memory_space<vmem_shared>>
      tpu.enqueue_dma source(%arg8 : memref<66x16xf32, #tpu.memory_space<vmem>>) target(%dma_start3A_462 : memref<66x16xf32, #tpu.memory_space<vmem_shared>>) target_semaphore(%run_scoped3A : memref<!tpu.dma_semaphore, #tpu.memory_space<semaphore_mem>>)
      %dma_wait3A = arith.constant 0 : i32
      %dma_wait3A_463 = tpu.memref_slice %arg9[%add3A_42, %dma_wait3A] : memref<17024x16xf32, #tpu.memory_space<vmem_shared>> -> memref<66x16xf32, #tpu.memory_space<vmem_shared>>
      %dma_wait3A_464 = arith.constant 0 : i32
      %dma_wait3A_465 = tpu.memref_slice %arg9[%add3A_42, %dma_wait3A_464] : memref<17024x16xf32, #tpu.memory_space<vmem_shared>> -> memref<66x16xf32, #tpu.memory_space<vmem_shared>>
      tpu.wait_dma2 semaphore(%run_scoped3A : memref<!tpu.dma_semaphore, #tpu.memory_space<semaphore_mem>>) src(%arg8 : memref<66x16xf32, #tpu.memory_space<vmem>>) dst(%dma_wait3A_465 : memref<66x16xf32, #tpu.memory_space<vmem_shared>>)
      tpu.yield
    }) : () -> ()
    %mul3A_43 = arith.constant 1056 : i32
    %mul3A_44 = arith.muli %arg1, %mul3A_43 : i32
    %add3A_45 = arith.constant 528 : i32
    %add3A_46 = arith.addi %mul3A_44, %add3A_45 : i32
    "tpu.region"() ({
      %run_scoped3A = tpu.sem_alloc : memref<!tpu.dma_semaphore, #tpu.memory_space<semaphore_mem>>
      %dma_start3A = arith.constant 0 : i32
      %dma_start3A_460 = tpu.memref_slice %arg9[%add3A_46, %dma_start3A] : memref<17024x16xf32, #tpu.memory_space<vmem_shared>> -> memref<66x16xf32, #tpu.memory_space<vmem_shared>>
      %dma_start3A_461 = arith.constant 0 : i32
      %dma_start3A_462 = tpu.memref_slice %arg9[%add3A_46, %dma_start3A_461] : memref<17024x16xf32, #tpu.memory_space<vmem_shared>> -> memref<66x16xf32, #tpu.memory_space<vmem_shared>>
      tpu.enqueue_dma source(%arg8 : memref<66x16xf32, #tpu.memory_space<vmem>>) target(%dma_start3A_462 : memref<66x16xf32, #tpu.memory_space<vmem_shared>>) target_semaphore(%run_scoped3A : memref<!tpu.dma_semaphore, #tpu.memory_space<semaphore_mem>>)
      %dma_wait3A = arith.constant 0 : i32
      %dma_wait3A_463 = tpu.memref_slice %arg9[%add3A_46, %dma_wait3A] : memref<17024x16xf32, #tpu.memory_space<vmem_shared>> -> memref<66x16xf32, #tpu.memory_space<vmem_shared>>
      %dma_wait3A_464 = arith.constant 0 : i32
      %dma_wait3A_465 = tpu.memref_slice %arg9[%add3A_46, %dma_wait3A_464] : memref<17024x16xf32, #tpu.memory_space<vmem_shared>> -> memref<66x16xf32, #tpu.memory_space<vmem_shared>>
      tpu.wait_dma2 semaphore(%run_scoped3A : memref<!tpu.dma_semaphore, #tpu.memory_space<semaphore_mem>>) src(%arg8 : memref<66x16xf32, #tpu.memory_space<vmem>>) dst(%dma_wait3A_465 : memref<66x16xf32, #tpu.memory_space<vmem_shared>>)
      tpu.yield
    }) : () -> ()
    %mul3A_47 = arith.constant 1056 : i32
    %mul3A_48 = arith.muli %arg1, %mul3A_47 : i32
    %add3A_49 = arith.constant 594 : i32
    %add3A_50 = arith.addi %mul3A_48, %add3A_49 : i32
    "tpu.region"() ({
      %run_scoped3A = tpu.sem_alloc : memref<!tpu.dma_semaphore, #tpu.memory_space<semaphore_mem>>
      %dma_start3A = arith.constant 0 : i32
      %dma_start3A_460 = tpu.memref_slice %arg9[%add3A_50, %dma_start3A] : memref<17024x16xf32, #tpu.memory_space<vmem_shared>> -> memref<66x16xf32, #tpu.memory_space<vmem_shared>>
      %dma_start3A_461 = arith.constant 0 : i32
      %dma_start3A_462 = tpu.memref_slice %arg9[%add3A_50, %dma_start3A_461] : memref<17024x16xf32, #tpu.memory_space<vmem_shared>> -> memref<66x16xf32, #tpu.memory_space<vmem_shared>>
      tpu.enqueue_dma source(%arg8 : memref<66x16xf32, #tpu.memory_space<vmem>>) target(%dma_start3A_462 : memref<66x16xf32, #tpu.memory_space<vmem_shared>>) target_semaphore(%run_scoped3A : memref<!tpu.dma_semaphore, #tpu.memory_space<semaphore_mem>>)
      %dma_wait3A = arith.constant 0 : i32
      %dma_wait3A_463 = tpu.memref_slice %arg9[%add3A_50, %dma_wait3A] : memref<17024x16xf32, #tpu.memory_space<vmem_shared>> -> memref<66x16xf32, #tpu.memory_space<vmem_shared>>
      %dma_wait3A_464 = arith.constant 0 : i32
      %dma_wait3A_465 = tpu.memref_slice %arg9[%add3A_50, %dma_wait3A_464] : memref<17024x16xf32, #tpu.memory_space<vmem_shared>> -> memref<66x16xf32, #tpu.memory_space<vmem_shared>>
      tpu.wait_dma2 semaphore(%run_scoped3A : memref<!tpu.dma_semaphore, #tpu.memory_space<semaphore_mem>>) src(%arg8 : memref<66x16xf32, #tpu.memory_space<vmem>>) dst(%dma_wait3A_465 : memref<66x16xf32, #tpu.memory_space<vmem_shared>>)
      tpu.yield
    }) : () -> ()
    %mul3A_51 = arith.constant 1056 : i32
    %mul3A_52 = arith.muli %arg1, %mul3A_51 : i32
    %add3A_53 = arith.constant 660 : i32
    %add3A_54 = arith.addi %mul3A_52, %add3A_53 : i32
    "tpu.region"() ({
      %run_scoped3A = tpu.sem_alloc : memref<!tpu.dma_semaphore, #tpu.memory_space<semaphore_mem>>
      %dma_start3A = arith.constant 0 : i32
      %dma_start3A_460 = tpu.memref_slice %arg9[%add3A_54, %dma_start3A] : memref<17024x16xf32, #tpu.memory_space<vmem_shared>> -> memref<66x16xf32, #tpu.memory_space<vmem_shared>>
      %dma_start3A_461 = arith.constant 0 : i32
      %dma_start3A_462 = tpu.memref_slice %arg9[%add3A_54, %dma_start3A_461] : memref<17024x16xf32, #tpu.memory_space<vmem_shared>> -> memref<66x16xf32, #tpu.memory_space<vmem_shared>>
      tpu.enqueue_dma source(%arg8 : memref<66x16xf32, #tpu.memory_space<vmem>>) target(%dma_start3A_462 : memref<66x16xf32, #tpu.memory_space<vmem_shared>>) target_semaphore(%run_scoped3A : memref<!tpu.dma_semaphore, #tpu.memory_space<semaphore_mem>>)
      %dma_wait3A = arith.constant 0 : i32
      %dma_wait3A_463 = tpu.memref_slice %arg9[%add3A_54, %dma_wait3A] : memref<17024x16xf32, #tpu.memory_space<vmem_shared>> -> memref<66x16xf32, #tpu.memory_space<vmem_shared>>
      %dma_wait3A_464 = arith.constant 0 : i32
      %dma_wait3A_465 = tpu.memref_slice %arg9[%add3A_54, %dma_wait3A_464] : memref<17024x16xf32, #tpu.memory_space<vmem_shared>> -> memref<66x16xf32, #tpu.memory_space<vmem_shared>>
      tpu.wait_dma2 semaphore(%run_scoped3A : memref<!tpu.dma_semaphore, #tpu.memory_space<semaphore_mem>>) src(%arg8 : memref<66x16xf32, #tpu.memory_space<vmem>>) dst(%dma_wait3A_465 : memref<66x16xf32, #tpu.memory_space<vmem_shared>>)
      tpu.yield
    }) : () -> ()
    %mul3A_55 = arith.constant 1056 : i32
    %mul3A_56 = arith.muli %arg1, %mul3A_55 : i32
    %add3A_57 = arith.constant 726 : i32
    %add3A_58 = arith.addi %mul3A_56, %add3A_57 : i32
    "tpu.region"() ({
      %run_scoped3A = tpu.sem_alloc : memref<!tpu.dma_semaphore, #tpu.memory_space<semaphore_mem>>
      %dma_start3A = arith.constant 0 : i32
      %dma_start3A_460 = tpu.memref_slice %arg9[%add3A_58, %dma_start3A] : memref<17024x16xf32, #tpu.memory_space<vmem_shared>> -> memref<66x16xf32, #tpu.memory_space<vmem_shared>>
      %dma_start3A_461 = arith.constant 0 : i32
      %dma_start3A_462 = tpu.memref_slice %arg9[%add3A_58, %dma_start3A_461] : memref<17024x16xf32, #tpu.memory_space<vmem_shared>> -> memref<66x16xf32, #tpu.memory_space<vmem_shared>>
      tpu.enqueue_dma source(%arg8 : memref<66x16xf32, #tpu.memory_space<vmem>>) target(%dma_start3A_462 : memref<66x16xf32, #tpu.memory_space<vmem_shared>>) target_semaphore(%run_scoped3A : memref<!tpu.dma_semaphore, #tpu.memory_space<semaphore_mem>>)
      %dma_wait3A = arith.constant 0 : i32
      %dma_wait3A_463 = tpu.memref_slice %arg9[%add3A_58, %dma_wait3A] : memref<17024x16xf32, #tpu.memory_space<vmem_shared>> -> memref<66x16xf32, #tpu.memory_space<vmem_shared>>
      %dma_wait3A_464 = arith.constant 0 : i32
      %dma_wait3A_465 = tpu.memref_slice %arg9[%add3A_58, %dma_wait3A_464] : memref<17024x16xf32, #tpu.memory_space<vmem_shared>> -> memref<66x16xf32, #tpu.memory_space<vmem_shared>>
      tpu.wait_dma2 semaphore(%run_scoped3A : memref<!tpu.dma_semaphore, #tpu.memory_space<semaphore_mem>>) src(%arg8 : memref<66x16xf32, #tpu.memory_space<vmem>>) dst(%dma_wait3A_465 : memref<66x16xf32, #tpu.memory_space<vmem_shared>>)
      tpu.yield
    }) : () -> ()
    %mul3A_59 = arith.constant 1056 : i32
    %mul3A_60 = arith.muli %arg1, %mul3A_59 : i32
    %add3A_61 = arith.constant 792 : i32
    %add3A_62 = arith.addi %mul3A_60, %add3A_61 : i32
    "tpu.region"() ({
      %run_scoped3A = tpu.sem_alloc : memref<!tpu.dma_semaphore, #tpu.memory_space<semaphore_mem>>
      %dma_start3A = arith.constant 0 : i32
      %dma_start3A_460 = tpu.memref_slice %arg9[%add3A_62, %dma_start3A] : memref<17024x16xf32, #tpu.memory_space<vmem_shared>> -> memref<66x16xf32, #tpu.memory_space<vmem_shared>>
      %dma_start3A_461 = arith.constant 0 : i32
      %dma_start3A_462 = tpu.memref_slice %arg9[%add3A_62, %dma_start3A_461] : memref<17024x16xf32, #tpu.memory_space<vmem_shared>> -> memref<66x16xf32, #tpu.memory_space<vmem_shared>>
      tpu.enqueue_dma source(%arg8 : memref<66x16xf32, #tpu.memory_space<vmem>>) target(%dma_start3A_462 : memref<66x16xf32, #tpu.memory_space<vmem_shared>>) target_semaphore(%run_scoped3A : memref<!tpu.dma_semaphore, #tpu.memory_space<semaphore_mem>>)
      %dma_wait3A = arith.constant 0 : i32
      %dma_wait3A_463 = tpu.memref_slice %arg9[%add3A_62, %dma_wait3A] : memref<17024x16xf32, #tpu.memory_space<vmem_shared>> -> memref<66x16xf32, #tpu.memory_space<vmem_shared>>
      %dma_wait3A_464 = arith.constant 0 : i32
      %dma_wait3A_465 = tpu.memref_slice %arg9[%add3A_62, %dma_wait3A_464] : memref<17024x16xf32, #tpu.memory_space<vmem_shared>> -> memref<66x16xf32, #tpu.memory_space<vmem_shared>>
      tpu.wait_dma2 semaphore(%run_scoped3A : memref<!tpu.dma_semaphore, #tpu.memory_space<semaphore_mem>>) src(%arg8 : memref<66x16xf32, #tpu.memory_space<vmem>>) dst(%dma_wait3A_465 : memref<66x16xf32, #tpu.memory_space<vmem_shared>>)
      tpu.yield
    }) : () -> ()
    %mul3A_63 = arith.constant 1056 : i32
    %mul3A_64 = arith.muli %arg1, %mul3A_63 : i32
    %add3A_65 = arith.constant 858 : i32
    %add3A_66 = arith.addi %mul3A_64, %add3A_65 : i32
    "tpu.region"() ({
      %run_scoped3A = tpu.sem_alloc : memref<!tpu.dma_semaphore, #tpu.memory_space<semaphore_mem>>
      %dma_start3A = arith.constant 0 : i32
      %dma_start3A_460 = tpu.memref_slice %arg9[%add3A_66, %dma_start3A] : memref<17024x16xf32, #tpu.memory_space<vmem_shared>> -> memref<66x16xf32, #tpu.memory_space<vmem_shared>>
      %dma_start3A_461 = arith.constant 0 : i32
      %dma_start3A_462 = tpu.memref_slice %arg9[%add3A_66, %dma_start3A_461] : memref<17024x16xf32, #tpu.memory_space<vmem_shared>> -> memref<66x16xf32, #tpu.memory_space<vmem_shared>>
      tpu.enqueue_dma source(%arg8 : memref<66x16xf32, #tpu.memory_space<vmem>>) target(%dma_start3A_462 : memref<66x16xf32, #tpu.memory_space<vmem_shared>>) target_semaphore(%run_scoped3A : memref<!tpu.dma_semaphore, #tpu.memory_space<semaphore_mem>>)
      %dma_wait3A = arith.constant 0 : i32
      %dma_wait3A_463 = tpu.memref_slice %arg9[%add3A_66, %dma_wait3A] : memref<17024x16xf32, #tpu.memory_space<vmem_shared>> -> memref<66x16xf32, #tpu.memory_space<vmem_shared>>
      %dma_wait3A_464 = arith.constant 0 : i32
      %dma_wait3A_465 = tpu.memref_slice %arg9[%add3A_66, %dma_wait3A_464] : memref<17024x16xf32, #tpu.memory_space<vmem_shared>> -> memref<66x16xf32, #tpu.memory_space<vmem_shared>>
      tpu.wait_dma2 semaphore(%run_scoped3A : memref<!tpu.dma_semaphore, #tpu.memory_space<semaphore_mem>>) src(%arg8 : memref<66x16xf32, #tpu.memory_space<vmem>>) dst(%dma_wait3A_465 : memref<66x16xf32, #tpu.memory_space<vmem_shared>>)
      tpu.yield
    }) : () -> ()
    %mul3A_67 = arith.constant 1056 : i32
    %mul3A_68 = arith.muli %arg1, %mul3A_67 : i32
    %add3A_69 = arith.constant 924 : i32
    %add3A_70 = arith.addi %mul3A_68, %add3A_69 : i32
    "tpu.region"() ({
      %run_scoped3A = tpu.sem_alloc : memref<!tpu.dma_semaphore, #tpu.memory_space<semaphore_mem>>
      %dma_start3A = arith.constant 0 : i32
      %dma_start3A_460 = tpu.memref_slice %arg9[%add3A_70, %dma_start3A] : memref<17024x16xf32, #tpu.memory_space<vmem_shared>> -> memref<66x16xf32, #tpu.memory_space<vmem_shared>>
      %dma_start3A_461 = arith.constant 0 : i32
      %dma_start3A_462 = tpu.memref_slice %arg9[%add3A_70, %dma_start3A_461] : memref<17024x16xf32, #tpu.memory_space<vmem_shared>> -> memref<66x16xf32, #tpu.memory_space<vmem_shared>>
      tpu.enqueue_dma source(%arg8 : memref<66x16xf32, #tpu.memory_space<vmem>>) target(%dma_start3A_462 : memref<66x16xf32, #tpu.memory_space<vmem_shared>>) target_semaphore(%run_scoped3A : memref<!tpu.dma_semaphore, #tpu.memory_space<semaphore_mem>>)
      %dma_wait3A = arith.constant 0 : i32
      %dma_wait3A_463 = tpu.memref_slice %arg9[%add3A_70, %dma_wait3A] : memref<17024x16xf32, #tpu.memory_space<vmem_shared>> -> memref<66x16xf32, #tpu.memory_space<vmem_shared>>
      %dma_wait3A_464 = arith.constant 0 : i32
      %dma_wait3A_465 = tpu.memref_slice %arg9[%add3A_70, %dma_wait3A_464] : memref<17024x16xf32, #tpu.memory_space<vmem_shared>> -> memref<66x16xf32, #tpu.memory_space<vmem_shared>>
      tpu.wait_dma2 semaphore(%run_scoped3A : memref<!tpu.dma_semaphore, #tpu.memory_space<semaphore_mem>>) src(%arg8 : memref<66x16xf32, #tpu.memory_space<vmem>>) dst(%dma_wait3A_465 : memref<66x16xf32, #tpu.memory_space<vmem_shared>>)
      tpu.yield
    }) : () -> ()
    %mul3A_71 = arith.constant 1056 : i32
    %mul3A_72 = arith.muli %arg1, %mul3A_71 : i32
    %add3A_73 = arith.constant 990 : i32
    %add3A_74 = arith.addi %mul3A_72, %add3A_73 : i32
    "tpu.region"() ({
      %run_scoped3A = tpu.sem_alloc : memref<!tpu.dma_semaphore, #tpu.memory_space<semaphore_mem>>
      %dma_start3A = arith.constant 0 : i32
      %dma_start3A_460 = tpu.memref_slice %arg9[%add3A_74, %dma_start3A] : memref<17024x16xf32, #tpu.memory_space<vmem_shared>> -> memref<66x16xf32, #tpu.memory_space<vmem_shared>>
      %dma_start3A_461 = arith.constant 0 : i32
      %dma_start3A_462 = tpu.memref_slice %arg9[%add3A_74, %dma_start3A_461] : memref<17024x16xf32, #tpu.memory_space<vmem_shared>> -> memref<66x16xf32, #tpu.memory_space<vmem_shared>>
      tpu.enqueue_dma source(%arg8 : memref<66x16xf32, #tpu.memory_space<vmem>>) target(%dma_start3A_462 : memref<66x16xf32, #tpu.memory_space<vmem_shared>>) target_semaphore(%run_scoped3A : memref<!tpu.dma_semaphore, #tpu.memory_space<semaphore_mem>>)
      %dma_wait3A = arith.constant 0 : i32
      %dma_wait3A_463 = tpu.memref_slice %arg9[%add3A_74, %dma_wait3A] : memref<17024x16xf32, #tpu.memory_space<vmem_shared>> -> memref<66x16xf32, #tpu.memory_space<vmem_shared>>
      %dma_wait3A_464 = arith.constant 0 : i32
      %dma_wait3A_465 = tpu.memref_slice %arg9[%add3A_74, %dma_wait3A_464] : memref<17024x16xf32, #tpu.memory_space<vmem_shared>> -> memref<66x16xf32, #tpu.memory_space<vmem_shared>>
      tpu.wait_dma2 semaphore(%run_scoped3A : memref<!tpu.dma_semaphore, #tpu.memory_space<semaphore_mem>>) src(%arg8 : memref<66x16xf32, #tpu.memory_space<vmem>>) dst(%dma_wait3A_465 : memref<66x16xf32, #tpu.memory_space<vmem_shared>>)
      tpu.yield
    }) : () -> ()
    %scan3A_75 = arith.constant 0 : i32
    %scan3A_76 = arith.constant 49 : i32
    %scan3A_77 = arith.addi %scan3A_75, %scan3A_76 : i32
    %scan3A_78 = arith.constant 1 : i32
    scf.for %scan3A_460 = %scan3A_75 to %scan3A_77 step %scan3A_78  : i32 {
      %mul3A_461 = arith.constant 1 : i32
      %mul3A_462 = arith.muli %scan3A_460, %mul3A_461 : i32
      %add3A_463 = arith.constant 0 : i32
      %add3A_464 = arith.addi %add3A_463, %mul3A_462 : i32
      %mul3A_465 = arith.constant 128 : i32
      %mul3A_466 = arith.muli %add3A_464, %mul3A_465 : i32
      %add3A_467 = arith.constant 0 : i32
      %add3A_468 = arith.addi %mul3A_466, %add3A_467 : i32
      %get3A = arith.index_cast %add3A_468 : i32 to index
      %get3A_469 = tpu.vector_load %arg5[%get3A] {strides = array<i32>} : memref<6272xi32, #tpu.memory_space<vmem>>, vector<16xi32>,
      %get3A_470 = vector.shape_cast %get3A_469 : vector<16xi32> to vector<16xi32>
      %sub3A = vector.broadcast %mul3A_10 : i32 to vector<16xi32>
      %sub3A_471 = arith.subi %get3A_470, %sub3A : vector<16xi32>
      %ge3A = arith.constant 0 : i32
      %ge3A_472 = vector.broadcast %ge3A : i32 to vector<16xi32>
      %ge3A_473 = arith.cmpi sge, %sub3A_471, %ge3A_472 : vector<16xi32>
      %lt3A = arith.constant 16896 : i32
      %lt3A_474 = vector.broadcast %lt3A : i32 to vector<16xi32>
      %lt3A_475 = arith.cmpi slt, %sub3A_471, %lt3A_474 : vector<16xi32>
      %and3A = arith.andi %ge3A_473, %lt3A_475 : vector<16xi1>
      %add3A_476 = arith.constant 16896 : i32
      %add3A_477 = vector.broadcast %add3A_476 : i32 to vector<16xi32>
      %add3A_478 = arith.addi %add3A_477, %iota3A : vector<16xi32>
      %select_n3A = arith.select %and3A, %sub3A_471, %add3A_478 : vector<16xi1>, vector<16xi32>
      %swap3A = arith.index_cast %add3A_464 : i32 to index
      %swap3A_479 = arith.constant 0 : index
      %swap3A_480 = tpu.vector_load %arg6[%swap3A, %swap3A_479] {strides = array<i32>} : memref<49x128xi32, #tpu.memory_space<vmem>>, vector<1x16xi32>,
      %swap3A_481 = vector.shape_cast %swap3A_480 : vector<1x16xi32> to vector<16xi32>
      %swap3A_482 = vector.shape_cast %select_n3A : vector<16xi32> to vector<1x16xi32>
      tpu.vector_store %arg6[%swap3A, %swap3A_479], %swap3A_482 {strides = array<i32>} : memref<49x128xi32, #tpu.memory_space<vmem>>, vector<1x16xi32>,
      %mul3A_483 = arith.constant 128 : i32
      %mul3A_484 = arith.muli %add3A_464, %mul3A_483 : i32
      %add3A_485 = arith.constant 16 : i32
      %add3A_486 = arith.addi %mul3A_484, %add3A_485 : i32
      %get3A_487 = arith.index_cast %add3A_486 : i32 to index
      %get3A_488 = tpu.vector_load %arg5[%get3A_487] {strides = array<i32>} : memref<6272xi32, #tpu.memory_space<vmem>>, vector<16xi32>,
      %get3A_489 = vector.shape_cast %get3A_488 : vector<16xi32> to vector<16xi32>
      %sub3A_490 = vector.broadcast %mul3A_10 : i32 to vector<16xi32>
      %sub3A_491 = arith.subi %get3A_489, %sub3A_490 : vector<16xi32>
      %ge3A_492 = arith.constant 0 : i32
      %ge3A_493 = vector.broadcast %ge3A_492 : i32 to vector<16xi32>
      %ge3A_494 = arith.cmpi sge, %sub3A_491, %ge3A_493 : vector<16xi32>
      %lt3A_495 = arith.constant 16896 : i32
      %lt3A_496 = vector.broadcast %lt3A_495 : i32 to vector<16xi32>
      %lt3A_497 = arith.cmpi slt, %sub3A_491, %lt3A_496 : vector<16xi32>
      %and3A_498 = arith.andi %ge3A_494, %lt3A_497 : vector<16xi1>
      %add3A_499 = arith.constant 16912 : i32
      %add3A_500 = vector.broadcast %add3A_499 : i32 to vector<16xi32>
      %add3A_501 = arith.addi %add3A_500, %iota3A : vector<16xi32>
      %select_n3A_502 = arith.select %and3A_498, %sub3A_491, %add3A_501 : vector<16xi1>, vector<16xi32>
      %swap3A_503 = arith.index_cast %add3A_464 : i32 to index
      %swap3A_504 = arith.constant 16 : index
      %swap3A_505 = tpu.vector_load %arg6[%swap3A_503, %swap3A_504] {strides = array<i32>} : memref<49x128xi32, #tpu.memory_space<vmem>>, vector<1x16xi32>,
      %swap3A_506 = vector.shape_cast %swap3A_505 : vector<1x16xi32> to vector<16xi32>
      %swap3A_507 = vector.shape_cast %select_n3A_502 : vector<16xi32> to vector<1x16xi32>
      tpu.vector_store %arg6[%swap3A_503, %swap3A_504], %swap3A_507 {strides = array<i32>} : memref<49x128xi32, #tpu.memory_space<vmem>>, vector<1x16xi32>,
      %mul3A_508 = arith.constant 128 : i32
      %mul3A_509 = arith.muli %add3A_464, %mul3A_508 : i32
      %add3A_510 = arith.constant 32 : i32
      %add3A_511 = arith.addi %mul3A_509, %add3A_510 : i32
      %get3A_512 = arith.index_cast %add3A_511 : i32 to index
      %get3A_513 = tpu.vector_load %arg5[%get3A_512] {strides = array<i32>} : memref<6272xi32, #tpu.memory_space<vmem>>, vector<16xi32>,
      %get3A_514 = vector.shape_cast %get3A_513 : vector<16xi32> to vector<16xi32>
      %sub3A_515 = vector.broadcast %mul3A_10 : i32 to vector<16xi32>
      %sub3A_516 = arith.subi %get3A_514, %sub3A_515 : vector<16xi32>
      %ge3A_517 = arith.constant 0 : i32
      %ge3A_518 = vector.broadcast %ge3A_517 : i32 to vector<16xi32>
      %ge3A_519 = arith.cmpi sge, %sub3A_516, %ge3A_518 : vector<16xi32>
      %lt3A_520 = arith.constant 16896 : i32
      %lt3A_521 = vector.broadcast %lt3A_520 : i32 to vector<16xi32>
      %lt3A_522 = arith.cmpi slt, %sub3A_516, %lt3A_521 : vector<16xi32>
      %and3A_523 = arith.andi %ge3A_519, %lt3A_522 : vector<16xi1>
      %add3A_524 = arith.constant 16928 : i32
      %add3A_525 = vector.broadcast %add3A_524 : i32 to vector<16xi32>
      %add3A_526 = arith.addi %add3A_525, %iota3A : vector<16xi32>
      %select_n3A_527 = arith.select %and3A_523, %sub3A_516, %add3A_526 : vector<16xi1>, vector<16xi32>
      %swap3A_528 = arith.index_cast %add3A_464 : i32 to index
      %swap3A_529 = arith.constant 32 : index
      %swap3A_530 = tpu.vector_load %arg6[%swap3A_528, %swap3A_529] {strides = array<i32>} : memref<49x128xi32, #tpu.memory_space<vmem>>, vector<1x16xi32>,
      %swap3A_531 = vector.shape_cast %swap3A_530 : vector<1x16xi32> to vector<16xi32>
      %swap3A_532 = vector.shape_cast %select_n3A_527 : vector<16xi32> to vector<1x16xi32>
      tpu.vector_store %arg6[%swap3A_528, %swap3A_529], %swap3A_532 {strides = array<i32>} : memref<49x128xi32, #tpu.memory_space<vmem>>, vector<1x16xi32>,
      %mul3A_533 = arith.constant 128 : i32
      %mul3A_534 = arith.muli %add3A_464, %mul3A_533 : i32
      %add3A_535 = arith.constant 48 : i32
      %add3A_536 = arith.addi %mul3A_534, %add3A_535 : i32
      %get3A_537 = arith.index_cast %add3A_536 : i32 to index
      %get3A_538 = tpu.vector_load %arg5[%get3A_537] {strides = array<i32>} : memref<6272xi32, #tpu.memory_space<vmem>>, vector<16xi32>,
      %get3A_539 = vector.shape_cast %get3A_538 : vector<16xi32> to vector<16xi32>
      %sub3A_540 = vector.broadcast %mul3A_10 : i32 to vector<16xi32>
      %sub3A_541 = arith.subi %get3A_539, %sub3A_540 : vector<16xi32>
      %ge3A_542 = arith.constant 0 : i32
      %ge3A_543 = vector.broadcast %ge3A_542 : i32 to vector<16xi32>
      %ge3A_544 = arith.cmpi sge, %sub3A_541, %ge3A_543 : vector<16xi32>
      %lt3A_545 = arith.constant 16896 : i32
      %lt3A_546 = vector.broadcast %lt3A_545 : i32 to vector<16xi32>
      %lt3A_547 = arith.cmpi slt, %sub3A_541, %lt3A_546 : vector<16xi32>
      %and3A_548 = arith.andi %ge3A_544, %lt3A_547 : vector<16xi1>
      %add3A_549 = arith.constant 16944 : i32
      %add3A_550 = vector.broadcast %add3A_549 : i32 to vector<16xi32>
      %add3A_551 = arith.addi %add3A_550, %iota3A : vector<16xi32>
      %select_n3A_552 = arith.select %and3A_548, %sub3A_541, %add3A_551 : vector<16xi1>, vector<16xi32>
      %swap3A_553 = arith.index_cast %add3A_464 : i32 to index
      %swap3A_554 = arith.constant 48 : index
      %swap3A_555 = tpu.vector_load %arg6[%swap3A_553, %swap3A_554] {strides = array<i32>} : memref<49x128xi32, #tpu.memory_space<vmem>>, vector<1x16xi32>,
      %swap3A_556 = vector.shape_cast %swap3A_555 : vector<1x16xi32> to vector<16xi32>
      %swap3A_557 = vector.shape_cast %select_n3A_552 : vector<16xi32> to vector<1x16xi32>
      tpu.vector_store %arg6[%swap3A_553, %swap3A_554], %swap3A_557 {strides = array<i32>} : memref<49x128xi32, #tpu.memory_space<vmem>>, vector<1x16xi32>,
      %mul3A_558 = arith.constant 128 : i32
      %mul3A_559 = arith.muli %add3A_464, %mul3A_558 : i32
      %add3A_560 = arith.constant 64 : i32
      %add3A_561 = arith.addi %mul3A_559, %add3A_560 : i32
      %get3A_562 = arith.index_cast %add3A_561 : i32 to index
      %get3A_563 = tpu.vector_load %arg5[%get3A_562] {strides = array<i32>} : memref<6272xi32, #tpu.memory_space<vmem>>, vector<16xi32>,
      %get3A_564 = vector.shape_cast %get3A_563 : vector<16xi32> to vector<16xi32>
      %sub3A_565 = vector.broadcast %mul3A_10 : i32 to vector<16xi32>
      %sub3A_566 = arith.subi %get3A_564, %sub3A_565 : vector<16xi32>
      %ge3A_567 = arith.constant 0 : i32
      %ge3A_568 = vector.broadcast %ge3A_567 : i32 to vector<16xi32>
      %ge3A_569 = arith.cmpi sge, %sub3A_566, %ge3A_568 : vector<16xi32>
      %lt3A_570 = arith.constant 16896 : i32
      %lt3A_571 = vector.broadcast %lt3A_570 : i32 to vector<16xi32>
      %lt3A_572 = arith.cmpi slt, %sub3A_566, %lt3A_571 : vector<16xi32>
      %and3A_573 = arith.andi %ge3A_569, %lt3A_572 : vector<16xi1>
      %add3A_574 = arith.constant 16960 : i32
      %add3A_575 = vector.broadcast %add3A_574 : i32 to vector<16xi32>
      %add3A_576 = arith.addi %add3A_575, %iota3A : vector<16xi32>
      %select_n3A_577 = arith.select %and3A_573, %sub3A_566, %add3A_576 : vector<16xi1>, vector<16xi32>
      %swap3A_578 = arith.index_cast %add3A_464 : i32 to index
      %swap3A_579 = arith.constant 64 : index
      %swap3A_580 = tpu.vector_load %arg6[%swap3A_578, %swap3A_579] {strides = array<i32>} : memref<49x128xi32, #tpu.memory_space<vmem>>, vector<1x16xi32>,
      %swap3A_581 = vector.shape_cast %swap3A_580 : vector<1x16xi32> to vector<16xi32>
      %swap3A_582 = vector.shape_cast %select_n3A_577 : vector<16xi32> to vector<1x16xi32>
      tpu.vector_store %arg6[%swap3A_578, %swap3A_579], %swap3A_582 {strides = array<i32>} : memref<49x128xi32, #tpu.memory_space<vmem>>, vector<1x16xi32>,
      %mul3A_583 = arith.constant 128 : i32
      %mul3A_584 = arith.muli %add3A_464, %mul3A_583 : i32
      %add3A_585 = arith.constant 80 : i32
      %add3A_586 = arith.addi %mul3A_584, %add3A_585 : i32
      %get3A_587 = arith.index_cast %add3A_586 : i32 to index
      %get3A_588 = tpu.vector_load %arg5[%get3A_587] {strides = array<i32>} : memref<6272xi32, #tpu.memory_space<vmem>>, vector<16xi32>,
      %get3A_589 = vector.shape_cast %get3A_588 : vector<16xi32> to vector<16xi32>
      %sub3A_590 = vector.broadcast %mul3A_10 : i32 to vector<16xi32>
      %sub3A_591 = arith.subi %get3A_589, %sub3A_590 : vector<16xi32>
      %ge3A_592 = arith.constant 0 : i32
      %ge3A_593 = vector.broadcast %ge3A_592 : i32 to vector<16xi32>
      %ge3A_594 = arith.cmpi sge, %sub3A_591, %ge3A_593 : vector<16xi32>
      %lt3A_595 = arith.constant 16896 : i32
      %lt3A_596 = vector.broadcast %lt3A_595 : i32 to vector<16xi32>
      %lt3A_597 = arith.cmpi slt, %sub3A_591, %lt3A_596 : vector<16xi32>
      %and3A_598 = arith.andi %ge3A_594, %lt3A_597 : vector<16xi1>
      %add3A_599 = arith.constant 16976 : i32
      %add3A_600 = vector.broadcast %add3A_599 : i32 to vector<16xi32>
      %add3A_601 = arith.addi %add3A_600, %iota3A : vector<16xi32>
      %select_n3A_602 = arith.select %and3A_598, %sub3A_591, %add3A_601 : vector<16xi1>, vector<16xi32>
      %swap3A_603 = arith.index_cast %add3A_464 : i32 to index
      %swap3A_604 = arith.constant 80 : index
      %swap3A_605 = tpu.vector_load %arg6[%swap3A_603, %swap3A_604] {strides = array<i32>} : memref<49x128xi32, #tpu.memory_space<vmem>>, vector<1x16xi32>,
      %swap3A_606 = vector.shape_cast %swap3A_605 : vector<1x16xi32> to vector<16xi32>
      %swap3A_607 = vector.shape_cast %select_n3A_602 : vector<16xi32> to vector<1x16xi32>
      tpu.vector_store %arg6[%swap3A_603, %swap3A_604], %swap3A_607 {strides = array<i32>} : memref<49x128xi32, #tpu.memory_space<vmem>>, vector<1x16xi32>,
      %mul3A_608 = arith.constant 128 : i32
      %mul3A_609 = arith.muli %add3A_464, %mul3A_608 : i32
      %add3A_610 = arith.constant 96 : i32
      %add3A_611 = arith.addi %mul3A_609, %add3A_610 : i32
      %get3A_612 = arith.index_cast %add3A_611 : i32 to index
      %get3A_613 = tpu.vector_load %arg5[%get3A_612] {strides = array<i32>} : memref<6272xi32, #tpu.memory_space<vmem>>, vector<16xi32>,
      %get3A_614 = vector.shape_cast %get3A_613 : vector<16xi32> to vector<16xi32>
      %sub3A_615 = vector.broadcast %mul3A_10 : i32 to vector<16xi32>
      %sub3A_616 = arith.subi %get3A_614, %sub3A_615 : vector<16xi32>
      %ge3A_617 = arith.constant 0 : i32
      %ge3A_618 = vector.broadcast %ge3A_617 : i32 to vector<16xi32>
      %ge3A_619 = arith.cmpi sge, %sub3A_616, %ge3A_618 : vector<16xi32>
      %lt3A_620 = arith.constant 16896 : i32
      %lt3A_621 = vector.broadcast %lt3A_620 : i32 to vector<16xi32>
      %lt3A_622 = arith.cmpi slt, %sub3A_616, %lt3A_621 : vector<16xi32>
      %and3A_623 = arith.andi %ge3A_619, %lt3A_622 : vector<16xi1>
      %add3A_624 = arith.constant 16992 : i32
      %add3A_625 = vector.broadcast %add3A_624 : i32 to vector<16xi32>
      %add3A_626 = arith.addi %add3A_625, %iota3A : vector<16xi32>
      %select_n3A_627 = arith.select %and3A_623, %sub3A_616, %add3A_626 : vector<16xi1>, vector<16xi32>
      %swap3A_628 = arith.index_cast %add3A_464 : i32 to index
      %swap3A_629 = arith.constant 96 : index
      %swap3A_630 = tpu.vector_load %arg6[%swap3A_628, %swap3A_629] {strides = array<i32>} : memref<49x128xi32, #tpu.memory_space<vmem>>, vector<1x16xi32>,
      %swap3A_631 = vector.shape_cast %swap3A_630 : vector<1x16xi32> to vector<16xi32>
      %swap3A_632 = vector.shape_cast %select_n3A_627 : vector<16xi32> to vector<1x16xi32>
      tpu.vector_store %arg6[%swap3A_628, %swap3A_629], %swap3A_632 {strides = array<i32>} : memref<49x128xi32, #tpu.memory_space<vmem>>, vector<1x16xi32>,
      %mul3A_633 = arith.constant 128 : i32
      %mul3A_634 = arith.muli %add3A_464, %mul3A_633 : i32
      %add3A_635 = arith.constant 112 : i32
      %add3A_636 = arith.addi %mul3A_634, %add3A_635 : i32
      %get3A_637 = arith.index_cast %add3A_636 : i32 to index
      %get3A_638 = tpu.vector_load %arg5[%get3A_637] {strides = array<i32>} : memref<6272xi32, #tpu.memory_space<vmem>>, vector<16xi32>,
      %get3A_639 = vector.shape_cast %get3A_638 : vector<16xi32> to vector<16xi32>
      %sub3A_640 = vector.broadcast %mul3A_10 : i32 to vector<16xi32>
      %sub3A_641 = arith.subi %get3A_639, %sub3A_640 : vector<16xi32>
      %ge3A_642 = arith.constant 0 : i32
      %ge3A_643 = vector.broadcast %ge3A_642 : i32 to vector<16xi32>
      %ge3A_644 = arith.cmpi sge, %sub3A_641, %ge3A_643 : vector<16xi32>
      %lt3A_645 = arith.constant 16896 : i32
      %lt3A_646 = vector.broadcast %lt3A_645 : i32 to vector<16xi32>
      %lt3A_647 = arith.cmpi slt, %sub3A_641, %lt3A_646 : vector<16xi32>
      %and3A_648 = arith.andi %ge3A_644, %lt3A_647 : vector<16xi1>
      %add3A_649 = arith.constant 17008 : i32
      %add3A_650 = vector.broadcast %add3A_649 : i32 to vector<16xi32>
      %add3A_651 = arith.addi %add3A_650, %iota3A : vector<16xi32>
      %select_n3A_652 = arith.select %and3A_648, %sub3A_641, %add3A_651 : vector<16xi1>, vector<16xi32>
      %swap3A_653 = arith.index_cast %add3A_464 : i32 to index
      %swap3A_654 = arith.constant 112 : index
      %swap3A_655 = tpu.vector_load %arg6[%swap3A_653, %swap3A_654] {strides = array<i32>} : memref<49x128xi32, #tpu.memory_space<vmem>>, vector<1x16xi32>,
      %swap3A_656 = vector.shape_cast %swap3A_655 : vector<1x16xi32> to vector<16xi32>
      %swap3A_657 = vector.shape_cast %select_n3A_652 : vector<16xi32> to vector<1x16xi32>
      tpu.vector_store %arg6[%swap3A_653, %swap3A_654], %swap3A_657 {strides = array<i32>} : memref<49x128xi32, #tpu.memory_space<vmem>>, vector<1x16xi32>,
    }
    %scan3A_79 = arith.constant 49 : i32
    %barrier3A = arith.constant 0 : index
    tpu.barrier barrier_id(%barrier3A)
    %scan3A_80 = arith.constant 0 : i32
    %scan3A_81 = arith.constant 7 : i32
    %scan3A_82 = arith.addi %scan3A_80, %scan3A_81 : i32
    %scan3A_83 = arith.constant 1 : i32
    scf.for %scan3A_460 = %scan3A_80 to %scan3A_82 step %scan3A_83  : i32 {
      %mul3A_461 = arith.constant 1 : i32
      %mul3A_462 = arith.muli %scan3A_460, %mul3A_461 : i32
      %add3A_463 = arith.constant 0 : i32
      %add3A_464 = arith.addi %add3A_463, %mul3A_462 : i32
      %mul3A_465 = arith.constant 128 : i32
      %mul3A_466 = arith.muli %add3A_464, %mul3A_465 : i32
      %dma_start3A = arith.constant 0 : i32
      %dma_start3A_467 = tpu.memref_slice %arg7[%mul3A_466, %dma_start3A] : memref<6272x16xf32, #tpu.memory_space<vmem>> -> memref<128x16xf32, #tpu.memory_space<vmem>>
      %dma_start3A_468 = arith.constant 0 : i32
      %dma_start3A_469 = tpu.memref_slice %arg6[%add3A_464, %dma_start3A_468] : memref<49x128xi32, #tpu.memory_space<vmem>> -> memref<1x128xi32, #tpu.memory_space<vmem>>
      %dma_start3A_470 = tpu.memref_squeeze %dma_start3A_469 : memref<1x128xi32, #tpu.memory_space<vmem>> -> memref<128xi32, #tpu.memory_space<vmem>>
      %dma_start3A_471 = arith.constant 0 : i32
      %dma_start3A_472 = arith.constant 0 : i32
      %dma_start3A_473 = tpu.memref_slice %arg9[%dma_start3A_471, %dma_start3A_472] : memref<17024x16xf32, #tpu.memory_space<vmem_shared>> -> memref<17024x16xf32, #tpu.memory_space<vmem_shared>>
      tpu.enqueue_indirect_dma source(%dma_start3A_467 : memref<128x16xf32, #tpu.memory_space<vmem>>) target(%dma_start3A_473 : memref<17024x16xf32, #tpu.memory_space<vmem_shared>>) offsets(%dma_start3A_470 : memref<128xi32, #tpu.memory_space<vmem>>) semaphore(%arg10 : memref<!tpu.dma_semaphore, #tpu.memory_space<semaphore_mem>>) {add = true}
    }
    %scan3A_84 = arith.constant 7 : i32
    %scan3A_85 = arith.constant 0 : i32
    %scan3A_86 = arith.constant 7 : i32
    %scan3A_87 = arith.addi %scan3A_85, %scan3A_86 : i32
    %scan3A_88 = arith.constant 1 : i32
    scf.for %scan3A_460 = %scan3A_85 to %scan3A_87 step %scan3A_88  : i32 {
      %mul3A_461 = arith.constant 1 : i32
      %mul3A_462 = arith.muli %scan3A_460, %mul3A_461 : i32
      %add3A_463 = arith.constant 0 : i32
      %add3A_464 = arith.addi %add3A_463, %mul3A_462 : i32
      %mul3A_465 = arith.constant 128 : i32
      %mul3A_466 = arith.muli %add3A_464, %mul3A_465 : i32
      %dma_wait3A = arith.constant 0 : i32
      %dma_wait3A_467 = tpu.memref_slice %arg7[%mul3A_466, %dma_wait3A] : memref<6272x16xf32, #tpu.memory_space<vmem>> -> memref<128x16xf32, #tpu.memory_space<vmem>>
      %dma_wait3A_468 = arith.constant 0 : i32
      %dma_wait3A_469 = tpu.memref_slice %arg6[%add3A_464, %dma_wait3A_468] : memref<49x128xi32, #tpu.memory_space<vmem>> -> memref<1x128xi32, #tpu.memory_space<vmem>>
      %dma_wait3A_470 = tpu.memref_squeeze %dma_wait3A_469 : memref<1x128xi32, #tpu.memory_space<vmem>> -> memref<128xi32, #tpu.memory_space<vmem>>
      %dma_wait3A_471 = arith.constant 0 : i32
      %dma_wait3A_472 = arith.constant 0 : i32
      %dma_wait3A_473 = tpu.memref_slice %arg9[%dma_wait3A_471, %dma_wait3A_472] : memref<17024x16xf32, #tpu.memory_space<vmem_shared>> -> memref<17024x16xf32, #tpu.memory_space<vmem_shared>>
      tpu.wait_indirect_dma semaphore(%arg10 : memref<!tpu.dma_semaphore, #tpu.memory_space<semaphore_mem>>) src(%dma_wait3A_467 : memref<128x16xf32, #tpu.memory_space<vmem>>) dst(%dma_wait3A_473 : memref<17024x16xf32, #tpu.memory_space<vmem_shared>>)
    }
    %scan3A_89 = arith.constant 7 : i32
    %scan3A_90 = arith.constant 0 : i32
    %scan3A_91 = arith.constant 7 : i32
    %scan3A_92 = arith.addi %scan3A_90, %scan3A_91 : i32
    %scan3A_93 = arith.constant 1 : i32
    scf.for %scan3A_460 = %scan3A_90 to %scan3A_92 step %scan3A_93  : i32 {
      %mul3A_461 = arith.constant 1 : i32
      %mul3A_462 = arith.muli %scan3A_460, %mul3A_461 : i32
      %add3A_463 = arith.constant 7 : i32
      %add3A_464 = arith.addi %add3A_463, %mul3A_462 : i32
      %mul3A_465 = arith.constant 128 : i32
      %mul3A_466 = arith.muli %add3A_464, %mul3A_465 : i32
      %dma_start3A = arith.constant 0 : i32
      %dma_start3A_467 = tpu.memref_slice %arg7[%mul3A_466, %dma_start3A] : memref<6272x16xf32, #tpu.memory_space<vmem>> -> memref<128x16xf32, #tpu.memory_space<vmem>>
      %dma_start3A_468 = arith.constant 0 : i32
      %dma_start3A_469 = tpu.memref_slice %arg6[%add3A_464, %dma_start3A_468] : memref<49x128xi32, #tpu.memory_space<vmem>> -> memref<1x128xi32, #tpu.memory_space<vmem>>
      %dma_start3A_470 = tpu.memref_squeeze %dma_start3A_469 : memref<1x128xi32, #tpu.memory_space<vmem>> -> memref<128xi32, #tpu.memory_space<vmem>>
      %dma_start3A_471 = arith.constant 0 : i32
      %dma_start3A_472 = arith.constant 0 : i32
      %dma_start3A_473 = tpu.memref_slice %arg9[%dma_start3A_471, %dma_start3A_472] : memref<17024x16xf32, #tpu.memory_space<vmem_shared>> -> memref<17024x16xf32, #tpu.memory_space<vmem_shared>>
      tpu.enqueue_indirect_dma source(%dma_start3A_467 : memref<128x16xf32, #tpu.memory_space<vmem>>) target(%dma_start3A_473 : memref<17024x16xf32, #tpu.memory_space<vmem_shared>>) offsets(%dma_start3A_470 : memref<128xi32, #tpu.memory_space<vmem>>) semaphore(%arg10 : memref<!tpu.dma_semaphore, #tpu.memory_space<semaphore_mem>>) {add = true}
    }
    %scan3A_94 = arith.constant 7 : i32
    %scan3A_95 = arith.constant 0 : i32
    %scan3A_96 = arith.constant 7 : i32
    %scan3A_97 = arith.addi %scan3A_95, %scan3A_96 : i32
    %scan3A_98 = arith.constant 1 : i32
    scf.for %scan3A_460 = %scan3A_95 to %scan3A_97 step %scan3A_98  : i32 {
      %mul3A_461 = arith.constant 1 : i32
      %mul3A_462 = arith.muli %scan3A_460, %mul3A_461 : i32
      %add3A_463 = arith.constant 7 : i32
      %add3A_464 = arith.addi %add3A_463, %mul3A_462 : i32
      %mul3A_465 = arith.constant 128 : i32
      %mul3A_466 = arith.muli %add3A_464, %mul3A_465 : i32
      %dma_wait3A = arith.constant 0 : i32
      %dma_wait3A_467 = tpu.memref_slice %arg7[%mul3A_466, %dma_wait3A] : memref<6272x16xf32, #tpu.memory_space<vmem>> -> memref<128x16xf32, #tpu.memory_space<vmem>>
      %dma_wait3A_468 = arith.constant 0 : i32
      %dma_wait3A_469 = tpu.memref_slice %arg6[%add3A_464, %dma_wait3A_468] : memref<49x128xi32, #tpu.memory_space<vmem>> -> memref<1x128xi32, #tpu.memory_space<vmem>>
      %dma_wait3A_470 = tpu.memref_squeeze %dma_wait3A_469 : memref<1x128xi32, #tpu.memory_space<vmem>> -> memref<128xi32, #tpu.memory_space<vmem>>
      %dma_wait3A_471 = arith.constant 0 : i32
      %dma_wait3A_472 = arith.constant 0 : i32
      %dma_wait3A_473 = tpu.memref_slice %arg9[%dma_wait3A_471, %dma_wait3A_472] : memref<17024x16xf32, #tpu.memory_space<vmem_shared>> -> memref<17024x16xf32, #tpu.memory_space<vmem_shared>>
      tpu.wait_indirect_dma semaphore(%arg10 : memref<!tpu.dma_semaphore, #tpu.memory_space<semaphore_mem>>) src(%dma_wait3A_467 : memref<128x16xf32, #tpu.memory_space<vmem>>) dst(%dma_wait3A_473 : memref<17024x16xf32, #tpu.memory_space<vmem_shared>>)
    }
    %scan3A_99 = arith.constant 7 : i32
    %scan3A_100 = arith.constant 0 : i32
    %scan3A_101 = arith.constant 7 : i32
    %scan3A_102 = arith.addi %scan3A_100, %scan3A_101 : i32
    %scan3A_103 = arith.constant 1 : i32
    scf.for %scan3A_460 = %scan3A_100 to %scan3A_102 step %scan3A_103  : i32 {
      %mul3A_461 = arith.constant 1 : i32
      %mul3A_462 = arith.muli %scan3A_460, %mul3A_461 : i32
      %add3A_463 = arith.constant 14 : i32
      %add3A_464 = arith.addi %add3A_463, %mul3A_462 : i32
      %mul3A_465 = arith.constant 128 : i32
      %mul3A_466 = arith.muli %add3A_464, %mul3A_465 : i32
      %dma_start3A = arith.constant 0 : i32
      %dma_start3A_467 = tpu.memref_slice %arg7[%mul3A_466, %dma_start3A] : memref<6272x16xf32, #tpu.memory_space<vmem>> -> memref<128x16xf32, #tpu.memory_space<vmem>>
      %dma_start3A_468 = arith.constant 0 : i32
      %dma_start3A_469 = tpu.memref_slice %arg6[%add3A_464, %dma_start3A_468] : memref<49x128xi32, #tpu.memory_space<vmem>> -> memref<1x128xi32, #tpu.memory_space<vmem>>
      %dma_start3A_470 = tpu.memref_squeeze %dma_start3A_469 : memref<1x128xi32, #tpu.memory_space<vmem>> -> memref<128xi32, #tpu.memory_space<vmem>>
      %dma_start3A_471 = arith.constant 0 : i32
      %dma_start3A_472 = arith.constant 0 : i32
      %dma_start3A_473 = tpu.memref_slice %arg9[%dma_start3A_471, %dma_start3A_472] : memref<17024x16xf32, #tpu.memory_space<vmem_shared>> -> memref<17024x16xf32, #tpu.memory_space<vmem_shared>>
      tpu.enqueue_indirect_dma source(%dma_start3A_467 : memref<128x16xf32, #tpu.memory_space<vmem>>) target(%dma_start3A_473 : memref<17024x16xf32, #tpu.memory_space<vmem_shared>>) offsets(%dma_start3A_470 : memref<128xi32, #tpu.memory_space<vmem>>) semaphore(%arg10 : memref<!tpu.dma_semaphore, #tpu.memory_space<semaphore_mem>>) {add = true}
    }
    %scan3A_104 = arith.constant 7 : i32
    %scan3A_105 = arith.constant 0 : i32
    %scan3A_106 = arith.constant 7 : i32
    %scan3A_107 = arith.addi %scan3A_105, %scan3A_106 : i32
    %scan3A_108 = arith.constant 1 : i32
    scf.for %scan3A_460 = %scan3A_105 to %scan3A_107 step %scan3A_108  : i32 {
      %mul3A_461 = arith.constant 1 : i32
      %mul3A_462 = arith.muli %scan3A_460, %mul3A_461 : i32
      %add3A_463 = arith.constant 14 : i32
      %add3A_464 = arith.addi %add3A_463, %mul3A_462 : i32
      %mul3A_465 = arith.constant 128 : i32
      %mul3A_466 = arith.muli %add3A_464, %mul3A_465 : i32
      %dma_wait3A = arith.constant 0 : i32
      %dma_wait3A_467 = tpu.memref_slice %arg7[%mul3A_466, %dma_wait3A] : memref<6272x16xf32, #tpu.memory_space<vmem>> -> memref<128x16xf32, #tpu.memory_space<vmem>>
      %dma_wait3A_468 = arith.constant 0 : i32
      %dma_wait3A_469 = tpu.memref_slice %arg6[%add3A_464, %dma_wait3A_468] : memref<49x128xi32, #tpu.memory_space<vmem>> -> memref<1x128xi32, #tpu.memory_space<vmem>>
      %dma_wait3A_470 = tpu.memref_squeeze %dma_wait3A_469 : memref<1x128xi32, #tpu.memory_space<vmem>> -> memref<128xi32, #tpu.memory_space<vmem>>
      %dma_wait3A_471 = arith.constant 0 : i32
      %dma_wait3A_472 = arith.constant 0 : i32
      %dma_wait3A_473 = tpu.memref_slice %arg9[%dma_wait3A_471, %dma_wait3A_472] : memref<17024x16xf32, #tpu.memory_space<vmem_shared>> -> memref<17024x16xf32, #tpu.memory_space<vmem_shared>>
      tpu.wait_indirect_dma semaphore(%arg10 : memref<!tpu.dma_semaphore, #tpu.memory_space<semaphore_mem>>) src(%dma_wait3A_467 : memref<128x16xf32, #tpu.memory_space<vmem>>) dst(%dma_wait3A_473 : memref<17024x16xf32, #tpu.memory_space<vmem_shared>>)
    }
    %scan3A_109 = arith.constant 7 : i32
    %scan3A_110 = arith.constant 0 : i32
    %scan3A_111 = arith.constant 7 : i32
    %scan3A_112 = arith.addi %scan3A_110, %scan3A_111 : i32
    %scan3A_113 = arith.constant 1 : i32
    scf.for %scan3A_460 = %scan3A_110 to %scan3A_112 step %scan3A_113  : i32 {
      %mul3A_461 = arith.constant 1 : i32
      %mul3A_462 = arith.muli %scan3A_460, %mul3A_461 : i32
      %add3A_463 = arith.constant 21 : i32
      %add3A_464 = arith.addi %add3A_463, %mul3A_462 : i32
      %mul3A_465 = arith.constant 128 : i32
      %mul3A_466 = arith.muli %add3A_464, %mul3A_465 : i32
      %dma_start3A = arith.constant 0 : i32
      %dma_start3A_467 = tpu.memref_slice %arg7[%mul3A_466, %dma_start3A] : memref<6272x16xf32, #tpu.memory_space<vmem>> -> memref<128x16xf32, #tpu.memory_space<vmem>>
      %dma_start3A_468 = arith.constant 0 : i32
      %dma_start3A_469 = tpu.memref_slice %arg6[%add3A_464, %dma_start3A_468] : memref<49x128xi32, #tpu.memory_space<vmem>> -> memref<1x128xi32, #tpu.memory_space<vmem>>
      %dma_start3A_470 = tpu.memref_squeeze %dma_start3A_469 : memref<1x128xi32, #tpu.memory_space<vmem>> -> memref<128xi32, #tpu.memory_space<vmem>>
      %dma_start3A_471 = arith.constant 0 : i32
      %dma_start3A_472 = arith.constant 0 : i32
      %dma_start3A_473 = tpu.memref_slice %arg9[%dma_start3A_471, %dma_start3A_472] : memref<17024x16xf32, #tpu.memory_space<vmem_shared>> -> memref<17024x16xf32, #tpu.memory_space<vmem_shared>>
      tpu.enqueue_indirect_dma source(%dma_start3A_467 : memref<128x16xf32, #tpu.memory_space<vmem>>) target(%dma_start3A_473 : memref<17024x16xf32, #tpu.memory_space<vmem_shared>>) offsets(%dma_start3A_470 : memref<128xi32, #tpu.memory_space<vmem>>) semaphore(%arg10 : memref<!tpu.dma_semaphore, #tpu.memory_space<semaphore_mem>>) {add = true}
    }
    %scan3A_114 = arith.constant 7 : i32
    %scan3A_115 = arith.constant 0 : i32
    %scan3A_116 = arith.constant 7 : i32
    %scan3A_117 = arith.addi %scan3A_115, %scan3A_116 : i32
    %scan3A_118 = arith.constant 1 : i32
    scf.for %scan3A_460 = %scan3A_115 to %scan3A_117 step %scan3A_118  : i32 {
      %mul3A_461 = arith.constant 1 : i32
      %mul3A_462 = arith.muli %scan3A_460, %mul3A_461 : i32
      %add3A_463 = arith.constant 21 : i32
      %add3A_464 = arith.addi %add3A_463, %mul3A_462 : i32
      %mul3A_465 = arith.constant 128 : i32
      %mul3A_466 = arith.muli %add3A_464, %mul3A_465 : i32
      %dma_wait3A = arith.constant 0 : i32
      %dma_wait3A_467 = tpu.memref_slice %arg7[%mul3A_466, %dma_wait3A] : memref<6272x16xf32, #tpu.memory_space<vmem>> -> memref<128x16xf32, #tpu.memory_space<vmem>>
      %dma_wait3A_468 = arith.constant 0 : i32
      %dma_wait3A_469 = tpu.memref_slice %arg6[%add3A_464, %dma_wait3A_468] : memref<49x128xi32, #tpu.memory_space<vmem>> -> memref<1x128xi32, #tpu.memory_space<vmem>>
      %dma_wait3A_470 = tpu.memref_squeeze %dma_wait3A_469 : memref<1x128xi32, #tpu.memory_space<vmem>> -> memref<128xi32, #tpu.memory_space<vmem>>
      %dma_wait3A_471 = arith.constant 0 : i32
      %dma_wait3A_472 = arith.constant 0 : i32
      %dma_wait3A_473 = tpu.memref_slice %arg9[%dma_wait3A_471, %dma_wait3A_472] : memref<17024x16xf32, #tpu.memory_space<vmem_shared>> -> memref<17024x16xf32, #tpu.memory_space<vmem_shared>>
      tpu.wait_indirect_dma semaphore(%arg10 : memref<!tpu.dma_semaphore, #tpu.memory_space<semaphore_mem>>) src(%dma_wait3A_467 : memref<128x16xf32, #tpu.memory_space<vmem>>) dst(%dma_wait3A_473 : memref<17024x16xf32, #tpu.memory_space<vmem_shared>>)
    }
    %scan3A_119 = arith.constant 7 : i32
    %scan3A_120 = arith.constant 0 : i32
    %scan3A_121 = arith.constant 7 : i32
    %scan3A_122 = arith.addi %scan3A_120, %scan3A_121 : i32
    %scan3A_123 = arith.constant 1 : i32
    scf.for %scan3A_460 = %scan3A_120 to %scan3A_122 step %scan3A_123  : i32 {
      %mul3A_461 = arith.constant 1 : i32
      %mul3A_462 = arith.muli %scan3A_460, %mul3A_461 : i32
      %add3A_463 = arith.constant 28 : i32
      %add3A_464 = arith.addi %add3A_463, %mul3A_462 : i32
      %mul3A_465 = arith.constant 128 : i32
      %mul3A_466 = arith.muli %add3A_464, %mul3A_465 : i32
      %dma_start3A = arith.constant 0 : i32
      %dma_start3A_467 = tpu.memref_slice %arg7[%mul3A_466, %dma_start3A] : memref<6272x16xf32, #tpu.memory_space<vmem>> -> memref<128x16xf32, #tpu.memory_space<vmem>>
      %dma_start3A_468 = arith.constant 0 : i32
      %dma_start3A_469 = tpu.memref_slice %arg6[%add3A_464, %dma_start3A_468] : memref<49x128xi32, #tpu.memory_space<vmem>> -> memref<1x128xi32, #tpu.memory_space<vmem>>
      %dma_start3A_470 = tpu.memref_squeeze %dma_start3A_469 : memref<1x128xi32, #tpu.memory_space<vmem>> -> memref<128xi32, #tpu.memory_space<vmem>>
      %dma_start3A_471 = arith.constant 0 : i32
      %dma_start3A_472 = arith.constant 0 : i32
      %dma_start3A_473 = tpu.memref_slice %arg9[%dma_start3A_471, %dma_start3A_472] : memref<17024x16xf32, #tpu.memory_space<vmem_shared>> -> memref<17024x16xf32, #tpu.memory_space<vmem_shared>>
      tpu.enqueue_indirect_dma source(%dma_start3A_467 : memref<128x16xf32, #tpu.memory_space<vmem>>) target(%dma_start3A_473 : memref<17024x16xf32, #tpu.memory_space<vmem_shared>>) offsets(%dma_start3A_470 : memref<128xi32, #tpu.memory_space<vmem>>) semaphore(%arg10 : memref<!tpu.dma_semaphore, #tpu.memory_space<semaphore_mem>>) {add = true}
    }
    %scan3A_124 = arith.constant 7 : i32
    %scan3A_125 = arith.constant 0 : i32
    %scan3A_126 = arith.constant 7 : i32
    %scan3A_127 = arith.addi %scan3A_125, %scan3A_126 : i32
    %scan3A_128 = arith.constant 1 : i32
    scf.for %scan3A_460 = %scan3A_125 to %scan3A_127 step %scan3A_128  : i32 {
      %mul3A_461 = arith.constant 1 : i32
      %mul3A_462 = arith.muli %scan3A_460, %mul3A_461 : i32
      %add3A_463 = arith.constant 28 : i32
      %add3A_464 = arith.addi %add3A_463, %mul3A_462 : i32
      %mul3A_465 = arith.constant 128 : i32
      %mul3A_466 = arith.muli %add3A_464, %mul3A_465 : i32
      %dma_wait3A = arith.constant 0 : i32
      %dma_wait3A_467 = tpu.memref_slice %arg7[%mul3A_466, %dma_wait3A] : memref<6272x16xf32, #tpu.memory_space<vmem>> -> memref<128x16xf32, #tpu.memory_space<vmem>>
      %dma_wait3A_468 = arith.constant 0 : i32
      %dma_wait3A_469 = tpu.memref_slice %arg6[%add3A_464, %dma_wait3A_468] : memref<49x128xi32, #tpu.memory_space<vmem>> -> memref<1x128xi32, #tpu.memory_space<vmem>>
      %dma_wait3A_470 = tpu.memref_squeeze %dma_wait3A_469 : memref<1x128xi32, #tpu.memory_space<vmem>> -> memref<128xi32, #tpu.memory_space<vmem>>
      %dma_wait3A_471 = arith.constant 0 : i32
      %dma_wait3A_472 = arith.constant 0 : i32
      %dma_wait3A_473 = tpu.memref_slice %arg9[%dma_wait3A_471, %dma_wait3A_472] : memref<17024x16xf32, #tpu.memory_space<vmem_shared>> -> memref<17024x16xf32, #tpu.memory_space<vmem_shared>>
      tpu.wait_indirect_dma semaphore(%arg10 : memref<!tpu.dma_semaphore, #tpu.memory_space<semaphore_mem>>) src(%dma_wait3A_467 : memref<128x16xf32, #tpu.memory_space<vmem>>) dst(%dma_wait3A_473 : memref<17024x16xf32, #tpu.memory_space<vmem_shared>>)
    }
    %scan3A_129 = arith.constant 7 : i32
    %scan3A_130 = arith.constant 0 : i32
    %scan3A_131 = arith.constant 7 : i32
    %scan3A_132 = arith.addi %scan3A_130, %scan3A_131 : i32
    %scan3A_133 = arith.constant 1 : i32
    scf.for %scan3A_460 = %scan3A_130 to %scan3A_132 step %scan3A_133  : i32 {
      %mul3A_461 = arith.constant 1 : i32
      %mul3A_462 = arith.muli %scan3A_460, %mul3A_461 : i32
      %add3A_463 = arith.constant 35 : i32
      %add3A_464 = arith.addi %add3A_463, %mul3A_462 : i32
      %mul3A_465 = arith.constant 128 : i32
      %mul3A_466 = arith.muli %add3A_464, %mul3A_465 : i32
      %dma_start3A = arith.constant 0 : i32
      %dma_start3A_467 = tpu.memref_slice %arg7[%mul3A_466, %dma_start3A] : memref<6272x16xf32, #tpu.memory_space<vmem>> -> memref<128x16xf32, #tpu.memory_space<vmem>>
      %dma_start3A_468 = arith.constant 0 : i32
      %dma_start3A_469 = tpu.memref_slice %arg6[%add3A_464, %dma_start3A_468] : memref<49x128xi32, #tpu.memory_space<vmem>> -> memref<1x128xi32, #tpu.memory_space<vmem>>
      %dma_start3A_470 = tpu.memref_squeeze %dma_start3A_469 : memref<1x128xi32, #tpu.memory_space<vmem>> -> memref<128xi32, #tpu.memory_space<vmem>>
      %dma_start3A_471 = arith.constant 0 : i32
      %dma_start3A_472 = arith.constant 0 : i32
      %dma_start3A_473 = tpu.memref_slice %arg9[%dma_start3A_471, %dma_start3A_472] : memref<17024x16xf32, #tpu.memory_space<vmem_shared>> -> memref<17024x16xf32, #tpu.memory_space<vmem_shared>>
      tpu.enqueue_indirect_dma source(%dma_start3A_467 : memref<128x16xf32, #tpu.memory_space<vmem>>) target(%dma_start3A_473 : memref<17024x16xf32, #tpu.memory_space<vmem_shared>>) offsets(%dma_start3A_470 : memref<128xi32, #tpu.memory_space<vmem>>) semaphore(%arg10 : memref<!tpu.dma_semaphore, #tpu.memory_space<semaphore_mem>>) {add = true}
    }
    %scan3A_134 = arith.constant 7 : i32
    %scan3A_135 = arith.constant 0 : i32
    %scan3A_136 = arith.constant 7 : i32
    %scan3A_137 = arith.addi %scan3A_135, %scan3A_136 : i32
    %scan3A_138 = arith.constant 1 : i32
    scf.for %scan3A_460 = %scan3A_135 to %scan3A_137 step %scan3A_138  : i32 {
      %mul3A_461 = arith.constant 1 : i32
      %mul3A_462 = arith.muli %scan3A_460, %mul3A_461 : i32
      %add3A_463 = arith.constant 35 : i32
      %add3A_464 = arith.addi %add3A_463, %mul3A_462 : i32
      %mul3A_465 = arith.constant 128 : i32
      %mul3A_466 = arith.muli %add3A_464, %mul3A_465 : i32
      %dma_wait3A = arith.constant 0 : i32
      %dma_wait3A_467 = tpu.memref_slice %arg7[%mul3A_466, %dma_wait3A] : memref<6272x16xf32, #tpu.memory_space<vmem>> -> memref<128x16xf32, #tpu.memory_space<vmem>>
      %dma_wait3A_468 = arith.constant 0 : i32
      %dma_wait3A_469 = tpu.memref_slice %arg6[%add3A_464, %dma_wait3A_468] : memref<49x128xi32, #tpu.memory_space<vmem>> -> memref<1x128xi32, #tpu.memory_space<vmem>>
      %dma_wait3A_470 = tpu.memref_squeeze %dma_wait3A_469 : memref<1x128xi32, #tpu.memory_space<vmem>> -> memref<128xi32, #tpu.memory_space<vmem>>
      %dma_wait3A_471 = arith.constant 0 : i32
      %dma_wait3A_472 = arith.constant 0 : i32
      %dma_wait3A_473 = tpu.memref_slice %arg9[%dma_wait3A_471, %dma_wait3A_472] : memref<17024x16xf32, #tpu.memory_space<vmem_shared>> -> memref<17024x16xf32, #tpu.memory_space<vmem_shared>>
      tpu.wait_indirect_dma semaphore(%arg10 : memref<!tpu.dma_semaphore, #tpu.memory_space<semaphore_mem>>) src(%dma_wait3A_467 : memref<128x16xf32, #tpu.memory_space<vmem>>) dst(%dma_wait3A_473 : memref<17024x16xf32, #tpu.memory_space<vmem_shared>>)
    }
    %scan3A_139 = arith.constant 7 : i32
    %scan3A_140 = arith.constant 0 : i32
    %scan3A_141 = arith.constant 7 : i32
    %scan3A_142 = arith.addi %scan3A_140, %scan3A_141 : i32
    %scan3A_143 = arith.constant 1 : i32
    scf.for %scan3A_460 = %scan3A_140 to %scan3A_142 step %scan3A_143  : i32 {
      %mul3A_461 = arith.constant 1 : i32
      %mul3A_462 = arith.muli %scan3A_460, %mul3A_461 : i32
      %add3A_463 = arith.constant 42 : i32
      %add3A_464 = arith.addi %add3A_463, %mul3A_462 : i32
      %mul3A_465 = arith.constant 128 : i32
      %mul3A_466 = arith.muli %add3A_464, %mul3A_465 : i32
      %dma_start3A = arith.constant 0 : i32
      %dma_start3A_467 = tpu.memref_slice %arg7[%mul3A_466, %dma_start3A] : memref<6272x16xf32, #tpu.memory_space<vmem>> -> memref<128x16xf32, #tpu.memory_space<vmem>>
      %dma_start3A_468 = arith.constant 0 : i32
      %dma_start3A_469 = tpu.memref_slice %arg6[%add3A_464, %dma_start3A_468] : memref<49x128xi32, #tpu.memory_space<vmem>> -> memref<1x128xi32, #tpu.memory_space<vmem>>
      %dma_start3A_470 = tpu.memref_squeeze %dma_start3A_469 : memref<1x128xi32, #tpu.memory_space<vmem>> -> memref<128xi32, #tpu.memory_space<vmem>>
      %dma_start3A_471 = arith.constant 0 : i32
      %dma_start3A_472 = arith.constant 0 : i32
      %dma_start3A_473 = tpu.memref_slice %arg9[%dma_start3A_471, %dma_start3A_472] : memref<17024x16xf32, #tpu.memory_space<vmem_shared>> -> memref<17024x16xf32, #tpu.memory_space<vmem_shared>>
      tpu.enqueue_indirect_dma source(%dma_start3A_467 : memref<128x16xf32, #tpu.memory_space<vmem>>) target(%dma_start3A_473 : memref<17024x16xf32, #tpu.memory_space<vmem_shared>>) offsets(%dma_start3A_470 : memref<128xi32, #tpu.memory_space<vmem>>) semaphore(%arg10 : memref<!tpu.dma_semaphore, #tpu.memory_space<semaphore_mem>>) {add = true}
    }
    %scan3A_144 = arith.constant 7 : i32
    %scan3A_145 = arith.constant 0 : i32
    %scan3A_146 = arith.constant 7 : i32
    %scan3A_147 = arith.addi %scan3A_145, %scan3A_146 : i32
    %scan3A_148 = arith.constant 1 : i32
    scf.for %scan3A_460 = %scan3A_145 to %scan3A_147 step %scan3A_148  : i32 {
      %mul3A_461 = arith.constant 1 : i32
      %mul3A_462 = arith.muli %scan3A_460, %mul3A_461 : i32
      %add3A_463 = arith.constant 42 : i32
      %add3A_464 = arith.addi %add3A_463, %mul3A_462 : i32
      %mul3A_465 = arith.constant 128 : i32
      %mul3A_466 = arith.muli %add3A_464, %mul3A_465 : i32
      %dma_wait3A = arith.constant 0 : i32
      %dma_wait3A_467 = tpu.memref_slice %arg7[%mul3A_466, %dma_wait3A] : memref<6272x16xf32, #tpu.memory_space<vmem>> -> memref<128x16xf32, #tpu.memory_space<vmem>>
      %dma_wait3A_468 = arith.constant 0 : i32
      %dma_wait3A_469 = tpu.memref_slice %arg6[%add3A_464, %dma_wait3A_468] : memref<49x128xi32, #tpu.memory_space<vmem>> -> memref<1x128xi32, #tpu.memory_space<vmem>>
      %dma_wait3A_470 = tpu.memref_squeeze %dma_wait3A_469 : memref<1x128xi32, #tpu.memory_space<vmem>> -> memref<128xi32, #tpu.memory_space<vmem>>
      %dma_wait3A_471 = arith.constant 0 : i32
      %dma_wait3A_472 = arith.constant 0 : i32
      %dma_wait3A_473 = tpu.memref_slice %arg9[%dma_wait3A_471, %dma_wait3A_472] : memref<17024x16xf32, #tpu.memory_space<vmem_shared>> -> memref<17024x16xf32, #tpu.memory_space<vmem_shared>>
      tpu.wait_indirect_dma semaphore(%arg10 : memref<!tpu.dma_semaphore, #tpu.memory_space<semaphore_mem>>) src(%dma_wait3A_467 : memref<128x16xf32, #tpu.memory_space<vmem>>) dst(%dma_wait3A_473 : memref<17024x16xf32, #tpu.memory_space<vmem_shared>>)
    }
    %scan3A_149 = arith.constant 7 : i32
    %barrier3A_150 = arith.constant 0 : index
    tpu.barrier barrier_id(%barrier3A_150)
    %mul3A_151 = arith.constant 1056 : i32
    %mul3A_152 = arith.muli %arg1, %mul3A_151 : i32
    %mul3A_153 = arith.constant 1056 : i32
    %mul3A_154 = arith.muli %arg1, %mul3A_153 : i32
    %add3A_155 = arith.addi %mul3A_10, %mul3A_154 : i32
    "tpu.region"() ({
      %run_scoped3A = tpu.sem_alloc : memref<!tpu.dma_semaphore, #tpu.memory_space<semaphore_mem>>
      %dma_start3A = arith.constant 0 : i32
      %dma_start3A_460 = tpu.memref_slice %arg4[%add3A_155, %dma_start3A] : memref<101376x16xf32, #tpu.memory_space<hbm>> -> memref<1056x16xf32, #tpu.memory_space<hbm>>
      %dma_start3A_461 = arith.constant 0 : i32
      %dma_start3A_462 = tpu.memref_slice %arg9[%mul3A_152, %dma_start3A_461] : memref<17024x16xf32, #tpu.memory_space<vmem_shared>> -> memref<1056x16xf32, #tpu.memory_space<vmem_shared>>
      tpu.enqueue_dma source(%dma_start3A_462 : memref<1056x16xf32, #tpu.memory_space<vmem_shared>>) target(%dma_start3A_460 : memref<1056x16xf32, #tpu.memory_space<hbm>>) target_semaphore(%run_scoped3A : memref<!tpu.dma_semaphore, #tpu.memory_space<semaphore_mem>>)
      %dma_wait3A = arith.constant 0 : i32
      %dma_wait3A_463 = tpu.memref_slice %arg4[%add3A_155, %dma_wait3A] : memref<101376x16xf32, #tpu.memory_space<hbm>> -> memref<1056x16xf32, #tpu.memory_space<hbm>>
      %dma_wait3A_464 = arith.constant 0 : i32
      %dma_wait3A_465 = tpu.memref_slice %arg9[%mul3A_152, %dma_wait3A_464] : memref<17024x16xf32, #tpu.memory_space<vmem_shared>> -> memref<1056x16xf32, #tpu.memory_space<vmem_shared>>
      tpu.wait_dma2 semaphore(%run_scoped3A : memref<!tpu.dma_semaphore, #tpu.memory_space<semaphore_mem>>) src(%dma_wait3A_465 : memref<1056x16xf32, #tpu.memory_space<vmem_shared>>) dst(%dma_wait3A_463 : memref<1056x16xf32, #tpu.memory_space<hbm>>)
      tpu.yield
    }) : () -> ()
    %mul3A_156 = arith.constant 3 : i32
    %mul3A_157 = arith.muli %arg0, %mul3A_156 : i32
    %add3A_158 = arith.constant 1 : i32
    %add3A_159 = arith.addi %mul3A_157, %add3A_158 : i32
    %mul3A_160 = arith.constant 16896 : i32
    %mul3A_161 = arith.muli %add3A_159, %mul3A_160 : i32
    %mul3A_162 = arith.constant 1056 : i32
    %mul3A_163 = arith.muli %arg1, %mul3A_162 : i32
    %add3A_164 = arith.constant 0 : i32
    %add3A_165 = arith.addi %mul3A_163, %add3A_164 : i32
    "tpu.region"() ({
      %run_scoped3A = tpu.sem_alloc : memref<!tpu.dma_semaphore, #tpu.memory_space<semaphore_mem>>
      %dma_start3A = arith.constant 0 : i32
      %dma_start3A_460 = tpu.memref_slice %arg9[%add3A_165, %dma_start3A] : memref<17024x16xf32, #tpu.memory_space<vmem_shared>> -> memref<66x16xf32, #tpu.memory_space<vmem_shared>>
      %dma_start3A_461 = arith.constant 0 : i32
      %dma_start3A_462 = tpu.memref_slice %arg9[%add3A_165, %dma_start3A_461] : memref<17024x16xf32, #tpu.memory_space<vmem_shared>> -> memref<66x16xf32, #tpu.memory_space<vmem_shared>>
      tpu.enqueue_dma source(%arg8 : memref<66x16xf32, #tpu.memory_space<vmem>>) target(%dma_start3A_462 : memref<66x16xf32, #tpu.memory_space<vmem_shared>>) target_semaphore(%run_scoped3A : memref<!tpu.dma_semaphore, #tpu.memory_space<semaphore_mem>>)
      %dma_wait3A = arith.constant 0 : i32
      %dma_wait3A_463 = tpu.memref_slice %arg9[%add3A_165, %dma_wait3A] : memref<17024x16xf32, #tpu.memory_space<vmem_shared>> -> memref<66x16xf32, #tpu.memory_space<vmem_shared>>
      %dma_wait3A_464 = arith.constant 0 : i32
      %dma_wait3A_465 = tpu.memref_slice %arg9[%add3A_165, %dma_wait3A_464] : memref<17024x16xf32, #tpu.memory_space<vmem_shared>> -> memref<66x16xf32, #tpu.memory_space<vmem_shared>>
      tpu.wait_dma2 semaphore(%run_scoped3A : memref<!tpu.dma_semaphore, #tpu.memory_space<semaphore_mem>>) src(%arg8 : memref<66x16xf32, #tpu.memory_space<vmem>>) dst(%dma_wait3A_465 : memref<66x16xf32, #tpu.memory_space<vmem_shared>>)
      tpu.yield
    }) : () -> ()
    %mul3A_166 = arith.constant 1056 : i32
    %mul3A_167 = arith.muli %arg1, %mul3A_166 : i32
    %add3A_168 = arith.constant 66 : i32
    %add3A_169 = arith.addi %mul3A_167, %add3A_168 : i32
    "tpu.region"() ({
      %run_scoped3A = tpu.sem_alloc : memref<!tpu.dma_semaphore, #tpu.memory_space<semaphore_mem>>
      %dma_start3A = arith.constant 0 : i32
      %dma_start3A_460 = tpu.memref_slice %arg9[%add3A_169, %dma_start3A] : memref<17024x16xf32, #tpu.memory_space<vmem_shared>> -> memref<66x16xf32, #tpu.memory_space<vmem_shared>>
      %dma_start3A_461 = arith.constant 0 : i32
      %dma_start3A_462 = tpu.memref_slice %arg9[%add3A_169, %dma_start3A_461] : memref<17024x16xf32, #tpu.memory_space<vmem_shared>> -> memref<66x16xf32, #tpu.memory_space<vmem_shared>>
      tpu.enqueue_dma source(%arg8 : memref<66x16xf32, #tpu.memory_space<vmem>>) target(%dma_start3A_462 : memref<66x16xf32, #tpu.memory_space<vmem_shared>>) target_semaphore(%run_scoped3A : memref<!tpu.dma_semaphore, #tpu.memory_space<semaphore_mem>>)
      %dma_wait3A = arith.constant 0 : i32
      %dma_wait3A_463 = tpu.memref_slice %arg9[%add3A_169, %dma_wait3A] : memref<17024x16xf32, #tpu.memory_space<vmem_shared>> -> memref<66x16xf32, #tpu.memory_space<vmem_shared>>
      %dma_wait3A_464 = arith.constant 0 : i32
      %dma_wait3A_465 = tpu.memref_slice %arg9[%add3A_169, %dma_wait3A_464] : memref<17024x16xf32, #tpu.memory_space<vmem_shared>> -> memref<66x16xf32, #tpu.memory_space<vmem_shared>>
      tpu.wait_dma2 semaphore(%run_scoped3A : memref<!tpu.dma_semaphore, #tpu.memory_space<semaphore_mem>>) src(%arg8 : memref<66x16xf32, #tpu.memory_space<vmem>>) dst(%dma_wait3A_465 : memref<66x16xf32, #tpu.memory_space<vmem_shared>>)
      tpu.yield
    }) : () -> ()
    %mul3A_170 = arith.constant 1056 : i32
    %mul3A_171 = arith.muli %arg1, %mul3A_170 : i32
    %add3A_172 = arith.constant 132 : i32
    %add3A_173 = arith.addi %mul3A_171, %add3A_172 : i32
    "tpu.region"() ({
      %run_scoped3A = tpu.sem_alloc : memref<!tpu.dma_semaphore, #tpu.memory_space<semaphore_mem>>
      %dma_start3A = arith.constant 0 : i32
      %dma_start3A_460 = tpu.memref_slice %arg9[%add3A_173, %dma_start3A] : memref<17024x16xf32, #tpu.memory_space<vmem_shared>> -> memref<66x16xf32, #tpu.memory_space<vmem_shared>>
      %dma_start3A_461 = arith.constant 0 : i32
      %dma_start3A_462 = tpu.memref_slice %arg9[%add3A_173, %dma_start3A_461] : memref<17024x16xf32, #tpu.memory_space<vmem_shared>> -> memref<66x16xf32, #tpu.memory_space<vmem_shared>>
      tpu.enqueue_dma source(%arg8 : memref<66x16xf32, #tpu.memory_space<vmem>>) target(%dma_start3A_462 : memref<66x16xf32, #tpu.memory_space<vmem_shared>>) target_semaphore(%run_scoped3A : memref<!tpu.dma_semaphore, #tpu.memory_space<semaphore_mem>>)
      %dma_wait3A = arith.constant 0 : i32
      %dma_wait3A_463 = tpu.memref_slice %arg9[%add3A_173, %dma_wait3A] : memref<17024x16xf32, #tpu.memory_space<vmem_shared>> -> memref<66x16xf32, #tpu.memory_space<vmem_shared>>
      %dma_wait3A_464 = arith.constant 0 : i32
      %dma_wait3A_465 = tpu.memref_slice %arg9[%add3A_173, %dma_wait3A_464] : memref<17024x16xf32, #tpu.memory_space<vmem_shared>> -> memref<66x16xf32, #tpu.memory_space<vmem_shared>>
      tpu.wait_dma2 semaphore(%run_scoped3A : memref<!tpu.dma_semaphore, #tpu.memory_space<semaphore_mem>>) src(%arg8 : memref<66x16xf32, #tpu.memory_space<vmem>>) dst(%dma_wait3A_465 : memref<66x16xf32, #tpu.memory_space<vmem_shared>>)
      tpu.yield
    }) : () -> ()
    %mul3A_174 = arith.constant 1056 : i32
    %mul3A_175 = arith.muli %arg1, %mul3A_174 : i32
    %add3A_176 = arith.constant 198 : i32
    %add3A_177 = arith.addi %mul3A_175, %add3A_176 : i32
    "tpu.region"() ({
      %run_scoped3A = tpu.sem_alloc : memref<!tpu.dma_semaphore, #tpu.memory_space<semaphore_mem>>
      %dma_start3A = arith.constant 0 : i32
      %dma_start3A_460 = tpu.memref_slice %arg9[%add3A_177, %dma_start3A] : memref<17024x16xf32, #tpu.memory_space<vmem_shared>> -> memref<66x16xf32, #tpu.memory_space<vmem_shared>>
      %dma_start3A_461 = arith.constant 0 : i32
      %dma_start3A_462 = tpu.memref_slice %arg9[%add3A_177, %dma_start3A_461] : memref<17024x16xf32, #tpu.memory_space<vmem_shared>> -> memref<66x16xf32, #tpu.memory_space<vmem_shared>>
      tpu.enqueue_dma source(%arg8 : memref<66x16xf32, #tpu.memory_space<vmem>>) target(%dma_start3A_462 : memref<66x16xf32, #tpu.memory_space<vmem_shared>>) target_semaphore(%run_scoped3A : memref<!tpu.dma_semaphore, #tpu.memory_space<semaphore_mem>>)
      %dma_wait3A = arith.constant 0 : i32
      %dma_wait3A_463 = tpu.memref_slice %arg9[%add3A_177, %dma_wait3A] : memref<17024x16xf32, #tpu.memory_space<vmem_shared>> -> memref<66x16xf32, #tpu.memory_space<vmem_shared>>
      %dma_wait3A_464 = arith.constant 0 : i32
      %dma_wait3A_465 = tpu.memref_slice %arg9[%add3A_177, %dma_wait3A_464] : memref<17024x16xf32, #tpu.memory_space<vmem_shared>> -> memref<66x16xf32, #tpu.memory_space<vmem_shared>>
      tpu.wait_dma2 semaphore(%run_scoped3A : memref<!tpu.dma_semaphore, #tpu.memory_space<semaphore_mem>>) src(%arg8 : memref<66x16xf32, #tpu.memory_space<vmem>>) dst(%dma_wait3A_465 : memref<66x16xf32, #tpu.memory_space<vmem_shared>>)
      tpu.yield
    }) : () -> ()
    %mul3A_178 = arith.constant 1056 : i32
    %mul3A_179 = arith.muli %arg1, %mul3A_178 : i32
    %add3A_180 = arith.constant 264 : i32
    %add3A_181 = arith.addi %mul3A_179, %add3A_180 : i32
    "tpu.region"() ({
      %run_scoped3A = tpu.sem_alloc : memref<!tpu.dma_semaphore, #tpu.memory_space<semaphore_mem>>
      %dma_start3A = arith.constant 0 : i32
      %dma_start3A_460 = tpu.memref_slice %arg9[%add3A_181, %dma_start3A] : memref<17024x16xf32, #tpu.memory_space<vmem_shared>> -> memref<66x16xf32, #tpu.memory_space<vmem_shared>>
      %dma_start3A_461 = arith.constant 0 : i32
      %dma_start3A_462 = tpu.memref_slice %arg9[%add3A_181, %dma_start3A_461] : memref<17024x16xf32, #tpu.memory_space<vmem_shared>> -> memref<66x16xf32, #tpu.memory_space<vmem_shared>>
      tpu.enqueue_dma source(%arg8 : memref<66x16xf32, #tpu.memory_space<vmem>>) target(%dma_start3A_462 : memref<66x16xf32, #tpu.memory_space<vmem_shared>>) target_semaphore(%run_scoped3A : memref<!tpu.dma_semaphore, #tpu.memory_space<semaphore_mem>>)
      %dma_wait3A = arith.constant 0 : i32
      %dma_wait3A_463 = tpu.memref_slice %arg9[%add3A_181, %dma_wait3A] : memref<17024x16xf32, #tpu.memory_space<vmem_shared>> -> memref<66x16xf32, #tpu.memory_space<vmem_shared>>
      %dma_wait3A_464 = arith.constant 0 : i32
      %dma_wait3A_465 = tpu.memref_slice %arg9[%add3A_181, %dma_wait3A_464] : memref<17024x16xf32, #tpu.memory_space<vmem_shared>> -> memref<66x16xf32, #tpu.memory_space<vmem_shared>>
      tpu.wait_dma2 semaphore(%run_scoped3A : memref<!tpu.dma_semaphore, #tpu.memory_space<semaphore_mem>>) src(%arg8 : memref<66x16xf32, #tpu.memory_space<vmem>>) dst(%dma_wait3A_465 : memref<66x16xf32, #tpu.memory_space<vmem_shared>>)
      tpu.yield
    }) : () -> ()
    %mul3A_182 = arith.constant 1056 : i32
    %mul3A_183 = arith.muli %arg1, %mul3A_182 : i32
    %add3A_184 = arith.constant 330 : i32
    %add3A_185 = arith.addi %mul3A_183, %add3A_184 : i32
    "tpu.region"() ({
      %run_scoped3A = tpu.sem_alloc : memref<!tpu.dma_semaphore, #tpu.memory_space<semaphore_mem>>
      %dma_start3A = arith.constant 0 : i32
      %dma_start3A_460 = tpu.memref_slice %arg9[%add3A_185, %dma_start3A] : memref<17024x16xf32, #tpu.memory_space<vmem_shared>> -> memref<66x16xf32, #tpu.memory_space<vmem_shared>>
      %dma_start3A_461 = arith.constant 0 : i32
      %dma_start3A_462 = tpu.memref_slice %arg9[%add3A_185, %dma_start3A_461] : memref<17024x16xf32, #tpu.memory_space<vmem_shared>> -> memref<66x16xf32, #tpu.memory_space<vmem_shared>>
      tpu.enqueue_dma source(%arg8 : memref<66x16xf32, #tpu.memory_space<vmem>>) target(%dma_start3A_462 : memref<66x16xf32, #tpu.memory_space<vmem_shared>>) target_semaphore(%run_scoped3A : memref<!tpu.dma_semaphore, #tpu.memory_space<semaphore_mem>>)
      %dma_wait3A = arith.constant 0 : i32
      %dma_wait3A_463 = tpu.memref_slice %arg9[%add3A_185, %dma_wait3A] : memref<17024x16xf32, #tpu.memory_space<vmem_shared>> -> memref<66x16xf32, #tpu.memory_space<vmem_shared>>
      %dma_wait3A_464 = arith.constant 0 : i32
      %dma_wait3A_465 = tpu.memref_slice %arg9[%add3A_185, %dma_wait3A_464] : memref<17024x16xf32, #tpu.memory_space<vmem_shared>> -> memref<66x16xf32, #tpu.memory_space<vmem_shared>>
      tpu.wait_dma2 semaphore(%run_scoped3A : memref<!tpu.dma_semaphore, #tpu.memory_space<semaphore_mem>>) src(%arg8 : memref<66x16xf32, #tpu.memory_space<vmem>>) dst(%dma_wait3A_465 : memref<66x16xf32, #tpu.memory_space<vmem_shared>>)
      tpu.yield
    }) : () -> ()
    %mul3A_186 = arith.constant 1056 : i32
    %mul3A_187 = arith.muli %arg1, %mul3A_186 : i32
    %add3A_188 = arith.constant 396 : i32
    %add3A_189 = arith.addi %mul3A_187, %add3A_188 : i32
    "tpu.region"() ({
      %run_scoped3A = tpu.sem_alloc : memref<!tpu.dma_semaphore, #tpu.memory_space<semaphore_mem>>
      %dma_start3A = arith.constant 0 : i32
      %dma_start3A_460 = tpu.memref_slice %arg9[%add3A_189, %dma_start3A] : memref<17024x16xf32, #tpu.memory_space<vmem_shared>> -> memref<66x16xf32, #tpu.memory_space<vmem_shared>>
      %dma_start3A_461 = arith.constant 0 : i32
      %dma_start3A_462 = tpu.memref_slice %arg9[%add3A_189, %dma_start3A_461] : memref<17024x16xf32, #tpu.memory_space<vmem_shared>> -> memref<66x16xf32, #tpu.memory_space<vmem_shared>>
      tpu.enqueue_dma source(%arg8 : memref<66x16xf32, #tpu.memory_space<vmem>>) target(%dma_start3A_462 : memref<66x16xf32, #tpu.memory_space<vmem_shared>>) target_semaphore(%run_scoped3A : memref<!tpu.dma_semaphore, #tpu.memory_space<semaphore_mem>>)
      %dma_wait3A = arith.constant 0 : i32
      %dma_wait3A_463 = tpu.memref_slice %arg9[%add3A_189, %dma_wait3A] : memref<17024x16xf32, #tpu.memory_space<vmem_shared>> -> memref<66x16xf32, #tpu.memory_space<vmem_shared>>
      %dma_wait3A_464 = arith.constant 0 : i32
      %dma_wait3A_465 = tpu.memref_slice %arg9[%add3A_189, %dma_wait3A_464] : memref<17024x16xf32, #tpu.memory_space<vmem_shared>> -> memref<66x16xf32, #tpu.memory_space<vmem_shared>>
      tpu.wait_dma2 semaphore(%run_scoped3A : memref<!tpu.dma_semaphore, #tpu.memory_space<semaphore_mem>>) src(%arg8 : memref<66x16xf32, #tpu.memory_space<vmem>>) dst(%dma_wait3A_465 : memref<66x16xf32, #tpu.memory_space<vmem_shared>>)
      tpu.yield
    }) : () -> ()
    %mul3A_190 = arith.constant 1056 : i32
    %mul3A_191 = arith.muli %arg1, %mul3A_190 : i32
    %add3A_192 = arith.constant 462 : i32
    %add3A_193 = arith.addi %mul3A_191, %add3A_192 : i32
    "tpu.region"() ({
      %run_scoped3A = tpu.sem_alloc : memref<!tpu.dma_semaphore, #tpu.memory_space<semaphore_mem>>
      %dma_start3A = arith.constant 0 : i32
      %dma_start3A_460 = tpu.memref_slice %arg9[%add3A_193, %dma_start3A] : memref<17024x16xf32, #tpu.memory_space<vmem_shared>> -> memref<66x16xf32, #tpu.memory_space<vmem_shared>>
      %dma_start3A_461 = arith.constant 0 : i32
      %dma_start3A_462 = tpu.memref_slice %arg9[%add3A_193, %dma_start3A_461] : memref<17024x16xf32, #tpu.memory_space<vmem_shared>> -> memref<66x16xf32, #tpu.memory_space<vmem_shared>>
      tpu.enqueue_dma source(%arg8 : memref<66x16xf32, #tpu.memory_space<vmem>>) target(%dma_start3A_462 : memref<66x16xf32, #tpu.memory_space<vmem_shared>>) target_semaphore(%run_scoped3A : memref<!tpu.dma_semaphore, #tpu.memory_space<semaphore_mem>>)
      %dma_wait3A = arith.constant 0 : i32
      %dma_wait3A_463 = tpu.memref_slice %arg9[%add3A_193, %dma_wait3A] : memref<17024x16xf32, #tpu.memory_space<vmem_shared>> -> memref<66x16xf32, #tpu.memory_space<vmem_shared>>
      %dma_wait3A_464 = arith.constant 0 : i32
      %dma_wait3A_465 = tpu.memref_slice %arg9[%add3A_193, %dma_wait3A_464] : memref<17024x16xf32, #tpu.memory_space<vmem_shared>> -> memref<66x16xf32, #tpu.memory_space<vmem_shared>>
      tpu.wait_dma2 semaphore(%run_scoped3A : memref<!tpu.dma_semaphore, #tpu.memory_space<semaphore_mem>>) src(%arg8 : memref<66x16xf32, #tpu.memory_space<vmem>>) dst(%dma_wait3A_465 : memref<66x16xf32, #tpu.memory_space<vmem_shared>>)
      tpu.yield
    }) : () -> ()
    %mul3A_194 = arith.constant 1056 : i32
    %mul3A_195 = arith.muli %arg1, %mul3A_194 : i32
    %add3A_196 = arith.constant 528 : i32
    %add3A_197 = arith.addi %mul3A_195, %add3A_196 : i32
    "tpu.region"() ({
      %run_scoped3A = tpu.sem_alloc : memref<!tpu.dma_semaphore, #tpu.memory_space<semaphore_mem>>
      %dma_start3A = arith.constant 0 : i32
      %dma_start3A_460 = tpu.memref_slice %arg9[%add3A_197, %dma_start3A] : memref<17024x16xf32, #tpu.memory_space<vmem_shared>> -> memref<66x16xf32, #tpu.memory_space<vmem_shared>>
      %dma_start3A_461 = arith.constant 0 : i32
      %dma_start3A_462 = tpu.memref_slice %arg9[%add3A_197, %dma_start3A_461] : memref<17024x16xf32, #tpu.memory_space<vmem_shared>> -> memref<66x16xf32, #tpu.memory_space<vmem_shared>>
      tpu.enqueue_dma source(%arg8 : memref<66x16xf32, #tpu.memory_space<vmem>>) target(%dma_start3A_462 : memref<66x16xf32, #tpu.memory_space<vmem_shared>>) target_semaphore(%run_scoped3A : memref<!tpu.dma_semaphore, #tpu.memory_space<semaphore_mem>>)
      %dma_wait3A = arith.constant 0 : i32
      %dma_wait3A_463 = tpu.memref_slice %arg9[%add3A_197, %dma_wait3A] : memref<17024x16xf32, #tpu.memory_space<vmem_shared>> -> memref<66x16xf32, #tpu.memory_space<vmem_shared>>
      %dma_wait3A_464 = arith.constant 0 : i32
      %dma_wait3A_465 = tpu.memref_slice %arg9[%add3A_197, %dma_wait3A_464] : memref<17024x16xf32, #tpu.memory_space<vmem_shared>> -> memref<66x16xf32, #tpu.memory_space<vmem_shared>>
      tpu.wait_dma2 semaphore(%run_scoped3A : memref<!tpu.dma_semaphore, #tpu.memory_space<semaphore_mem>>) src(%arg8 : memref<66x16xf32, #tpu.memory_space<vmem>>) dst(%dma_wait3A_465 : memref<66x16xf32, #tpu.memory_space<vmem_shared>>)
      tpu.yield
    }) : () -> ()
    %mul3A_198 = arith.constant 1056 : i32
    %mul3A_199 = arith.muli %arg1, %mul3A_198 : i32
    %add3A_200 = arith.constant 594 : i32
    %add3A_201 = arith.addi %mul3A_199, %add3A_200 : i32
    "tpu.region"() ({
      %run_scoped3A = tpu.sem_alloc : memref<!tpu.dma_semaphore, #tpu.memory_space<semaphore_mem>>
      %dma_start3A = arith.constant 0 : i32
      %dma_start3A_460 = tpu.memref_slice %arg9[%add3A_201, %dma_start3A] : memref<17024x16xf32, #tpu.memory_space<vmem_shared>> -> memref<66x16xf32, #tpu.memory_space<vmem_shared>>
      %dma_start3A_461 = arith.constant 0 : i32
      %dma_start3A_462 = tpu.memref_slice %arg9[%add3A_201, %dma_start3A_461] : memref<17024x16xf32, #tpu.memory_space<vmem_shared>> -> memref<66x16xf32, #tpu.memory_space<vmem_shared>>
      tpu.enqueue_dma source(%arg8 : memref<66x16xf32, #tpu.memory_space<vmem>>) target(%dma_start3A_462 : memref<66x16xf32, #tpu.memory_space<vmem_shared>>) target_semaphore(%run_scoped3A : memref<!tpu.dma_semaphore, #tpu.memory_space<semaphore_mem>>)
      %dma_wait3A = arith.constant 0 : i32
      %dma_wait3A_463 = tpu.memref_slice %arg9[%add3A_201, %dma_wait3A] : memref<17024x16xf32, #tpu.memory_space<vmem_shared>> -> memref<66x16xf32, #tpu.memory_space<vmem_shared>>
      %dma_wait3A_464 = arith.constant 0 : i32
      %dma_wait3A_465 = tpu.memref_slice %arg9[%add3A_201, %dma_wait3A_464] : memref<17024x16xf32, #tpu.memory_space<vmem_shared>> -> memref<66x16xf32, #tpu.memory_space<vmem_shared>>
      tpu.wait_dma2 semaphore(%run_scoped3A : memref<!tpu.dma_semaphore, #tpu.memory_space<semaphore_mem>>) src(%arg8 : memref<66x16xf32, #tpu.memory_space<vmem>>) dst(%dma_wait3A_465 : memref<66x16xf32, #tpu.memory_space<vmem_shared>>)
      tpu.yield
    }) : () -> ()
    %mul3A_202 = arith.constant 1056 : i32
    %mul3A_203 = arith.muli %arg1, %mul3A_202 : i32
    %add3A_204 = arith.constant 660 : i32
    %add3A_205 = arith.addi %mul3A_203, %add3A_204 : i32
    "tpu.region"() ({
      %run_scoped3A = tpu.sem_alloc : memref<!tpu.dma_semaphore, #tpu.memory_space<semaphore_mem>>
      %dma_start3A = arith.constant 0 : i32
      %dma_start3A_460 = tpu.memref_slice %arg9[%add3A_205, %dma_start3A] : memref<17024x16xf32, #tpu.memory_space<vmem_shared>> -> memref<66x16xf32, #tpu.memory_space<vmem_shared>>
      %dma_start3A_461 = arith.constant 0 : i32
      %dma_start3A_462 = tpu.memref_slice %arg9[%add3A_205, %dma_start3A_461] : memref<17024x16xf32, #tpu.memory_space<vmem_shared>> -> memref<66x16xf32, #tpu.memory_space<vmem_shared>>
      tpu.enqueue_dma source(%arg8 : memref<66x16xf32, #tpu.memory_space<vmem>>) target(%dma_start3A_462 : memref<66x16xf32, #tpu.memory_space<vmem_shared>>) target_semaphore(%run_scoped3A : memref<!tpu.dma_semaphore, #tpu.memory_space<semaphore_mem>>)
      %dma_wait3A = arith.constant 0 : i32
      %dma_wait3A_463 = tpu.memref_slice %arg9[%add3A_205, %dma_wait3A] : memref<17024x16xf32, #tpu.memory_space<vmem_shared>> -> memref<66x16xf32, #tpu.memory_space<vmem_shared>>
      %dma_wait3A_464 = arith.constant 0 : i32
      %dma_wait3A_465 = tpu.memref_slice %arg9[%add3A_205, %dma_wait3A_464] : memref<17024x16xf32, #tpu.memory_space<vmem_shared>> -> memref<66x16xf32, #tpu.memory_space<vmem_shared>>
      tpu.wait_dma2 semaphore(%run_scoped3A : memref<!tpu.dma_semaphore, #tpu.memory_space<semaphore_mem>>) src(%arg8 : memref<66x16xf32, #tpu.memory_space<vmem>>) dst(%dma_wait3A_465 : memref<66x16xf32, #tpu.memory_space<vmem_shared>>)
      tpu.yield
    }) : () -> ()
    %mul3A_206 = arith.constant 1056 : i32
    %mul3A_207 = arith.muli %arg1, %mul3A_206 : i32
    %add3A_208 = arith.constant 726 : i32
    %add3A_209 = arith.addi %mul3A_207, %add3A_208 : i32
    "tpu.region"() ({
      %run_scoped3A = tpu.sem_alloc : memref<!tpu.dma_semaphore, #tpu.memory_space<semaphore_mem>>
      %dma_start3A = arith.constant 0 : i32
      %dma_start3A_460 = tpu.memref_slice %arg9[%add3A_209, %dma_start3A] : memref<17024x16xf32, #tpu.memory_space<vmem_shared>> -> memref<66x16xf32, #tpu.memory_space<vmem_shared>>
      %dma_start3A_461 = arith.constant 0 : i32
      %dma_start3A_462 = tpu.memref_slice %arg9[%add3A_209, %dma_start3A_461] : memref<17024x16xf32, #tpu.memory_space<vmem_shared>> -> memref<66x16xf32, #tpu.memory_space<vmem_shared>>
      tpu.enqueue_dma source(%arg8 : memref<66x16xf32, #tpu.memory_space<vmem>>) target(%dma_start3A_462 : memref<66x16xf32, #tpu.memory_space<vmem_shared>>) target_semaphore(%run_scoped3A : memref<!tpu.dma_semaphore, #tpu.memory_space<semaphore_mem>>)
      %dma_wait3A = arith.constant 0 : i32
      %dma_wait3A_463 = tpu.memref_slice %arg9[%add3A_209, %dma_wait3A] : memref<17024x16xf32, #tpu.memory_space<vmem_shared>> -> memref<66x16xf32, #tpu.memory_space<vmem_shared>>
      %dma_wait3A_464 = arith.constant 0 : i32
      %dma_wait3A_465 = tpu.memref_slice %arg9[%add3A_209, %dma_wait3A_464] : memref<17024x16xf32, #tpu.memory_space<vmem_shared>> -> memref<66x16xf32, #tpu.memory_space<vmem_shared>>
      tpu.wait_dma2 semaphore(%run_scoped3A : memref<!tpu.dma_semaphore, #tpu.memory_space<semaphore_mem>>) src(%arg8 : memref<66x16xf32, #tpu.memory_space<vmem>>) dst(%dma_wait3A_465 : memref<66x16xf32, #tpu.memory_space<vmem_shared>>)
      tpu.yield
    }) : () -> ()
    %mul3A_210 = arith.constant 1056 : i32
    %mul3A_211 = arith.muli %arg1, %mul3A_210 : i32
    %add3A_212 = arith.constant 792 : i32
    %add3A_213 = arith.addi %mul3A_211, %add3A_212 : i32
    "tpu.region"() ({
      %run_scoped3A = tpu.sem_alloc : memref<!tpu.dma_semaphore, #tpu.memory_space<semaphore_mem>>
      %dma_start3A = arith.constant 0 : i32
      %dma_start3A_460 = tpu.memref_slice %arg9[%add3A_213, %dma_start3A] : memref<17024x16xf32, #tpu.memory_space<vmem_shared>> -> memref<66x16xf32, #tpu.memory_space<vmem_shared>>
      %dma_start3A_461 = arith.constant 0 : i32
      %dma_start3A_462 = tpu.memref_slice %arg9[%add3A_213, %dma_start3A_461] : memref<17024x16xf32, #tpu.memory_space<vmem_shared>> -> memref<66x16xf32, #tpu.memory_space<vmem_shared>>
      tpu.enqueue_dma source(%arg8 : memref<66x16xf32, #tpu.memory_space<vmem>>) target(%dma_start3A_462 : memref<66x16xf32, #tpu.memory_space<vmem_shared>>) target_semaphore(%run_scoped3A : memref<!tpu.dma_semaphore, #tpu.memory_space<semaphore_mem>>)
      %dma_wait3A = arith.constant 0 : i32
      %dma_wait3A_463 = tpu.memref_slice %arg9[%add3A_213, %dma_wait3A] : memref<17024x16xf32, #tpu.memory_space<vmem_shared>> -> memref<66x16xf32, #tpu.memory_space<vmem_shared>>
      %dma_wait3A_464 = arith.constant 0 : i32
      %dma_wait3A_465 = tpu.memref_slice %arg9[%add3A_213, %dma_wait3A_464] : memref<17024x16xf32, #tpu.memory_space<vmem_shared>> -> memref<66x16xf32, #tpu.memory_space<vmem_shared>>
      tpu.wait_dma2 semaphore(%run_scoped3A : memref<!tpu.dma_semaphore, #tpu.memory_space<semaphore_mem>>) src(%arg8 : memref<66x16xf32, #tpu.memory_space<vmem>>) dst(%dma_wait3A_465 : memref<66x16xf32, #tpu.memory_space<vmem_shared>>)
      tpu.yield
    }) : () -> ()
    %mul3A_214 = arith.constant 1056 : i32
    %mul3A_215 = arith.muli %arg1, %mul3A_214 : i32
    %add3A_216 = arith.constant 858 : i32
    %add3A_217 = arith.addi %mul3A_215, %add3A_216 : i32
    "tpu.region"() ({
      %run_scoped3A = tpu.sem_alloc : memref<!tpu.dma_semaphore, #tpu.memory_space<semaphore_mem>>
      %dma_start3A = arith.constant 0 : i32
      %dma_start3A_460 = tpu.memref_slice %arg9[%add3A_217, %dma_start3A] : memref<17024x16xf32, #tpu.memory_space<vmem_shared>> -> memref<66x16xf32, #tpu.memory_space<vmem_shared>>
      %dma_start3A_461 = arith.constant 0 : i32
      %dma_start3A_462 = tpu.memref_slice %arg9[%add3A_217, %dma_start3A_461] : memref<17024x16xf32, #tpu.memory_space<vmem_shared>> -> memref<66x16xf32, #tpu.memory_space<vmem_shared>>
      tpu.enqueue_dma source(%arg8 : memref<66x16xf32, #tpu.memory_space<vmem>>) target(%dma_start3A_462 : memref<66x16xf32, #tpu.memory_space<vmem_shared>>) target_semaphore(%run_scoped3A : memref<!tpu.dma_semaphore, #tpu.memory_space<semaphore_mem>>)
      %dma_wait3A = arith.constant 0 : i32
      %dma_wait3A_463 = tpu.memref_slice %arg9[%add3A_217, %dma_wait3A] : memref<17024x16xf32, #tpu.memory_space<vmem_shared>> -> memref<66x16xf32, #tpu.memory_space<vmem_shared>>
      %dma_wait3A_464 = arith.constant 0 : i32
      %dma_wait3A_465 = tpu.memref_slice %arg9[%add3A_217, %dma_wait3A_464] : memref<17024x16xf32, #tpu.memory_space<vmem_shared>> -> memref<66x16xf32, #tpu.memory_space<vmem_shared>>
      tpu.wait_dma2 semaphore(%run_scoped3A : memref<!tpu.dma_semaphore, #tpu.memory_space<semaphore_mem>>) src(%arg8 : memref<66x16xf32, #tpu.memory_space<vmem>>) dst(%dma_wait3A_465 : memref<66x16xf32, #tpu.memory_space<vmem_shared>>)
      tpu.yield
    }) : () -> ()
    %mul3A_218 = arith.constant 1056 : i32
    %mul3A_219 = arith.muli %arg1, %mul3A_218 : i32
    %add3A_220 = arith.constant 924 : i32
    %add3A_221 = arith.addi %mul3A_219, %add3A_220 : i32
    "tpu.region"() ({
      %run_scoped3A = tpu.sem_alloc : memref<!tpu.dma_semaphore, #tpu.memory_space<semaphore_mem>>
      %dma_start3A = arith.constant 0 : i32
      %dma_start3A_460 = tpu.memref_slice %arg9[%add3A_221, %dma_start3A] : memref<17024x16xf32, #tpu.memory_space<vmem_shared>> -> memref<66x16xf32, #tpu.memory_space<vmem_shared>>
      %dma_start3A_461 = arith.constant 0 : i32
      %dma_start3A_462 = tpu.memref_slice %arg9[%add3A_221, %dma_start3A_461] : memref<17024x16xf32, #tpu.memory_space<vmem_shared>> -> memref<66x16xf32, #tpu.memory_space<vmem_shared>>
      tpu.enqueue_dma source(%arg8 : memref<66x16xf32, #tpu.memory_space<vmem>>) target(%dma_start3A_462 : memref<66x16xf32, #tpu.memory_space<vmem_shared>>) target_semaphore(%run_scoped3A : memref<!tpu.dma_semaphore, #tpu.memory_space<semaphore_mem>>)
      %dma_wait3A = arith.constant 0 : i32
      %dma_wait3A_463 = tpu.memref_slice %arg9[%add3A_221, %dma_wait3A] : memref<17024x16xf32, #tpu.memory_space<vmem_shared>> -> memref<66x16xf32, #tpu.memory_space<vmem_shared>>
      %dma_wait3A_464 = arith.constant 0 : i32
      %dma_wait3A_465 = tpu.memref_slice %arg9[%add3A_221, %dma_wait3A_464] : memref<17024x16xf32, #tpu.memory_space<vmem_shared>> -> memref<66x16xf32, #tpu.memory_space<vmem_shared>>
      tpu.wait_dma2 semaphore(%run_scoped3A : memref<!tpu.dma_semaphore, #tpu.memory_space<semaphore_mem>>) src(%arg8 : memref<66x16xf32, #tpu.memory_space<vmem>>) dst(%dma_wait3A_465 : memref<66x16xf32, #tpu.memory_space<vmem_shared>>)
      tpu.yield
    }) : () -> ()
    %mul3A_222 = arith.constant 1056 : i32
    %mul3A_223 = arith.muli %arg1, %mul3A_222 : i32
    %add3A_224 = arith.constant 990 : i32
    %add3A_225 = arith.addi %mul3A_223, %add3A_224 : i32
    "tpu.region"() ({
      %run_scoped3A = tpu.sem_alloc : memref<!tpu.dma_semaphore, #tpu.memory_space<semaphore_mem>>
      %dma_start3A = arith.constant 0 : i32
      %dma_start3A_460 = tpu.memref_slice %arg9[%add3A_225, %dma_start3A] : memref<17024x16xf32, #tpu.memory_space<vmem_shared>> -> memref<66x16xf32, #tpu.memory_space<vmem_shared>>
      %dma_start3A_461 = arith.constant 0 : i32
      %dma_start3A_462 = tpu.memref_slice %arg9[%add3A_225, %dma_start3A_461] : memref<17024x16xf32, #tpu.memory_space<vmem_shared>> -> memref<66x16xf32, #tpu.memory_space<vmem_shared>>
      tpu.enqueue_dma source(%arg8 : memref<66x16xf32, #tpu.memory_space<vmem>>) target(%dma_start3A_462 : memref<66x16xf32, #tpu.memory_space<vmem_shared>>) target_semaphore(%run_scoped3A : memref<!tpu.dma_semaphore, #tpu.memory_space<semaphore_mem>>)
      %dma_wait3A = arith.constant 0 : i32
      %dma_wait3A_463 = tpu.memref_slice %arg9[%add3A_225, %dma_wait3A] : memref<17024x16xf32, #tpu.memory_space<vmem_shared>> -> memref<66x16xf32, #tpu.memory_space<vmem_shared>>
      %dma_wait3A_464 = arith.constant 0 : i32
      %dma_wait3A_465 = tpu.memref_slice %arg9[%add3A_225, %dma_wait3A_464] : memref<17024x16xf32, #tpu.memory_space<vmem_shared>> -> memref<66x16xf32, #tpu.memory_space<vmem_shared>>
      tpu.wait_dma2 semaphore(%run_scoped3A : memref<!tpu.dma_semaphore, #tpu.memory_space<semaphore_mem>>) src(%arg8 : memref<66x16xf32, #tpu.memory_space<vmem>>) dst(%dma_wait3A_465 : memref<66x16xf32, #tpu.memory_space<vmem_shared>>)
      tpu.yield
    }) : () -> ()
    %scan3A_226 = arith.constant 0 : i32
    %scan3A_227 = arith.constant 49 : i32
    %scan3A_228 = arith.addi %scan3A_226, %scan3A_227 : i32
    %scan3A_229 = arith.constant 1 : i32
    scf.for %scan3A_460 = %scan3A_226 to %scan3A_228 step %scan3A_229  : i32 {
      %mul3A_461 = arith.constant 1 : i32
      %mul3A_462 = arith.muli %scan3A_460, %mul3A_461 : i32
      %add3A_463 = arith.constant 0 : i32
      %add3A_464 = arith.addi %add3A_463, %mul3A_462 : i32
      %mul3A_465 = arith.constant 128 : i32
      %mul3A_466 = arith.muli %add3A_464, %mul3A_465 : i32
      %add3A_467 = arith.constant 0 : i32
      %add3A_468 = arith.addi %mul3A_466, %add3A_467 : i32
      %get3A = arith.index_cast %add3A_468 : i32 to index
      %get3A_469 = tpu.vector_load %arg5[%get3A] {strides = array<i32>} : memref<6272xi32, #tpu.memory_space<vmem>>, vector<16xi32>,
      %get3A_470 = vector.shape_cast %get3A_469 : vector<16xi32> to vector<16xi32>
      %sub3A = vector.broadcast %mul3A_161 : i32 to vector<16xi32>
      %sub3A_471 = arith.subi %get3A_470, %sub3A : vector<16xi32>
      %ge3A = arith.constant 0 : i32
      %ge3A_472 = vector.broadcast %ge3A : i32 to vector<16xi32>
      %ge3A_473 = arith.cmpi sge, %sub3A_471, %ge3A_472 : vector<16xi32>
      %lt3A = arith.constant 16896 : i32
      %lt3A_474 = vector.broadcast %lt3A : i32 to vector<16xi32>
      %lt3A_475 = arith.cmpi slt, %sub3A_471, %lt3A_474 : vector<16xi32>
      %and3A = arith.andi %ge3A_473, %lt3A_475 : vector<16xi1>
      %add3A_476 = arith.constant 16896 : i32
      %add3A_477 = vector.broadcast %add3A_476 : i32 to vector<16xi32>
      %add3A_478 = arith.addi %add3A_477, %iota3A : vector<16xi32>
      %select_n3A = arith.select %and3A, %sub3A_471, %add3A_478 : vector<16xi1>, vector<16xi32>
      %swap3A = arith.index_cast %add3A_464 : i32 to index
      %swap3A_479 = arith.constant 0 : index
      %swap3A_480 = tpu.vector_load %arg6[%swap3A, %swap3A_479] {strides = array<i32>} : memref<49x128xi32, #tpu.memory_space<vmem>>, vector<1x16xi32>,
      %swap3A_481 = vector.shape_cast %swap3A_480 : vector<1x16xi32> to vector<16xi32>
      %swap3A_482 = vector.shape_cast %select_n3A : vector<16xi32> to vector<1x16xi32>
      tpu.vector_store %arg6[%swap3A, %swap3A_479], %swap3A_482 {strides = array<i32>} : memref<49x128xi32, #tpu.memory_space<vmem>>, vector<1x16xi32>,
      %mul3A_483 = arith.constant 128 : i32
      %mul3A_484 = arith.muli %add3A_464, %mul3A_483 : i32
      %add3A_485 = arith.constant 16 : i32
      %add3A_486 = arith.addi %mul3A_484, %add3A_485 : i32
      %get3A_487 = arith.index_cast %add3A_486 : i32 to index
      %get3A_488 = tpu.vector_load %arg5[%get3A_487] {strides = array<i32>} : memref<6272xi32, #tpu.memory_space<vmem>>, vector<16xi32>,
      %get3A_489 = vector.shape_cast %get3A_488 : vector<16xi32> to vector<16xi32>
      %sub3A_490 = vector.broadcast %mul3A_161 : i32 to vector<16xi32>
      %sub3A_491 = arith.subi %get3A_489, %sub3A_490 : vector<16xi32>
      %ge3A_492 = arith.constant 0 : i32
      %ge3A_493 = vector.broadcast %ge3A_492 : i32 to vector<16xi32>
      %ge3A_494 = arith.cmpi sge, %sub3A_491, %ge3A_493 : vector<16xi32>
      %lt3A_495 = arith.constant 16896 : i32
      %lt3A_496 = vector.broadcast %lt3A_495 : i32 to vector<16xi32>
      %lt3A_497 = arith.cmpi slt, %sub3A_491, %lt3A_496 : vector<16xi32>
      %and3A_498 = arith.andi %ge3A_494, %lt3A_497 : vector<16xi1>
      %add3A_499 = arith.constant 16912 : i32
      %add3A_500 = vector.broadcast %add3A_499 : i32 to vector<16xi32>
      %add3A_501 = arith.addi %add3A_500, %iota3A : vector<16xi32>
      %select_n3A_502 = arith.select %and3A_498, %sub3A_491, %add3A_501 : vector<16xi1>, vector<16xi32>
      %swap3A_503 = arith.index_cast %add3A_464 : i32 to index
      %swap3A_504 = arith.constant 16 : index
      %swap3A_505 = tpu.vector_load %arg6[%swap3A_503, %swap3A_504] {strides = array<i32>} : memref<49x128xi32, #tpu.memory_space<vmem>>, vector<1x16xi32>,
      %swap3A_506 = vector.shape_cast %swap3A_505 : vector<1x16xi32> to vector<16xi32>
      %swap3A_507 = vector.shape_cast %select_n3A_502 : vector<16xi32> to vector<1x16xi32>
      tpu.vector_store %arg6[%swap3A_503, %swap3A_504], %swap3A_507 {strides = array<i32>} : memref<49x128xi32, #tpu.memory_space<vmem>>, vector<1x16xi32>,
      %mul3A_508 = arith.constant 128 : i32
      %mul3A_509 = arith.muli %add3A_464, %mul3A_508 : i32
      %add3A_510 = arith.constant 32 : i32
      %add3A_511 = arith.addi %mul3A_509, %add3A_510 : i32
      %get3A_512 = arith.index_cast %add3A_511 : i32 to index
      %get3A_513 = tpu.vector_load %arg5[%get3A_512] {strides = array<i32>} : memref<6272xi32, #tpu.memory_space<vmem>>, vector<16xi32>,
      %get3A_514 = vector.shape_cast %get3A_513 : vector<16xi32> to vector<16xi32>
      %sub3A_515 = vector.broadcast %mul3A_161 : i32 to vector<16xi32>
      %sub3A_516 = arith.subi %get3A_514, %sub3A_515 : vector<16xi32>
      %ge3A_517 = arith.constant 0 : i32
      %ge3A_518 = vector.broadcast %ge3A_517 : i32 to vector<16xi32>
      %ge3A_519 = arith.cmpi sge, %sub3A_516, %ge3A_518 : vector<16xi32>
      %lt3A_520 = arith.constant 16896 : i32
      %lt3A_521 = vector.broadcast %lt3A_520 : i32 to vector<16xi32>
      %lt3A_522 = arith.cmpi slt, %sub3A_516, %lt3A_521 : vector<16xi32>
      %and3A_523 = arith.andi %ge3A_519, %lt3A_522 : vector<16xi1>
      %add3A_524 = arith.constant 16928 : i32
      %add3A_525 = vector.broadcast %add3A_524 : i32 to vector<16xi32>
      %add3A_526 = arith.addi %add3A_525, %iota3A : vector<16xi32>
      %select_n3A_527 = arith.select %and3A_523, %sub3A_516, %add3A_526 : vector<16xi1>, vector<16xi32>
      %swap3A_528 = arith.index_cast %add3A_464 : i32 to index
      %swap3A_529 = arith.constant 32 : index
      %swap3A_530 = tpu.vector_load %arg6[%swap3A_528, %swap3A_529] {strides = array<i32>} : memref<49x128xi32, #tpu.memory_space<vmem>>, vector<1x16xi32>,
      %swap3A_531 = vector.shape_cast %swap3A_530 : vector<1x16xi32> to vector<16xi32>
      %swap3A_532 = vector.shape_cast %select_n3A_527 : vector<16xi32> to vector<1x16xi32>
      tpu.vector_store %arg6[%swap3A_528, %swap3A_529], %swap3A_532 {strides = array<i32>} : memref<49x128xi32, #tpu.memory_space<vmem>>, vector<1x16xi32>,
      %mul3A_533 = arith.constant 128 : i32
      %mul3A_534 = arith.muli %add3A_464, %mul3A_533 : i32
      %add3A_535 = arith.constant 48 : i32
      %add3A_536 = arith.addi %mul3A_534, %add3A_535 : i32
      %get3A_537 = arith.index_cast %add3A_536 : i32 to index
      %get3A_538 = tpu.vector_load %arg5[%get3A_537] {strides = array<i32>} : memref<6272xi32, #tpu.memory_space<vmem>>, vector<16xi32>,
      %get3A_539 = vector.shape_cast %get3A_538 : vector<16xi32> to vector<16xi32>
      %sub3A_540 = vector.broadcast %mul3A_161 : i32 to vector<16xi32>
      %sub3A_541 = arith.subi %get3A_539, %sub3A_540 : vector<16xi32>
      %ge3A_542 = arith.constant 0 : i32
      %ge3A_543 = vector.broadcast %ge3A_542 : i32 to vector<16xi32>
      %ge3A_544 = arith.cmpi sge, %sub3A_541, %ge3A_543 : vector<16xi32>
      %lt3A_545 = arith.constant 16896 : i32
      %lt3A_546 = vector.broadcast %lt3A_545 : i32 to vector<16xi32>
      %lt3A_547 = arith.cmpi slt, %sub3A_541, %lt3A_546 : vector<16xi32>
      %and3A_548 = arith.andi %ge3A_544, %lt3A_547 : vector<16xi1>
      %add3A_549 = arith.constant 16944 : i32
      %add3A_550 = vector.broadcast %add3A_549 : i32 to vector<16xi32>
      %add3A_551 = arith.addi %add3A_550, %iota3A : vector<16xi32>
      %select_n3A_552 = arith.select %and3A_548, %sub3A_541, %add3A_551 : vector<16xi1>, vector<16xi32>
      %swap3A_553 = arith.index_cast %add3A_464 : i32 to index
      %swap3A_554 = arith.constant 48 : index
      %swap3A_555 = tpu.vector_load %arg6[%swap3A_553, %swap3A_554] {strides = array<i32>} : memref<49x128xi32, #tpu.memory_space<vmem>>, vector<1x16xi32>,
      %swap3A_556 = vector.shape_cast %swap3A_555 : vector<1x16xi32> to vector<16xi32>
      %swap3A_557 = vector.shape_cast %select_n3A_552 : vector<16xi32> to vector<1x16xi32>
      tpu.vector_store %arg6[%swap3A_553, %swap3A_554], %swap3A_557 {strides = array<i32>} : memref<49x128xi32, #tpu.memory_space<vmem>>, vector<1x16xi32>,
      %mul3A_558 = arith.constant 128 : i32
      %mul3A_559 = arith.muli %add3A_464, %mul3A_558 : i32
      %add3A_560 = arith.constant 64 : i32
      %add3A_561 = arith.addi %mul3A_559, %add3A_560 : i32
      %get3A_562 = arith.index_cast %add3A_561 : i32 to index
      %get3A_563 = tpu.vector_load %arg5[%get3A_562] {strides = array<i32>} : memref<6272xi32, #tpu.memory_space<vmem>>, vector<16xi32>,
      %get3A_564 = vector.shape_cast %get3A_563 : vector<16xi32> to vector<16xi32>
      %sub3A_565 = vector.broadcast %mul3A_161 : i32 to vector<16xi32>
      %sub3A_566 = arith.subi %get3A_564, %sub3A_565 : vector<16xi32>
      %ge3A_567 = arith.constant 0 : i32
      %ge3A_568 = vector.broadcast %ge3A_567 : i32 to vector<16xi32>
      %ge3A_569 = arith.cmpi sge, %sub3A_566, %ge3A_568 : vector<16xi32>
      %lt3A_570 = arith.constant 16896 : i32
      %lt3A_571 = vector.broadcast %lt3A_570 : i32 to vector<16xi32>
      %lt3A_572 = arith.cmpi slt, %sub3A_566, %lt3A_571 : vector<16xi32>
      %and3A_573 = arith.andi %ge3A_569, %lt3A_572 : vector<16xi1>
      %add3A_574 = arith.constant 16960 : i32
      %add3A_575 = vector.broadcast %add3A_574 : i32 to vector<16xi32>
      %add3A_576 = arith.addi %add3A_575, %iota3A : vector<16xi32>
      %select_n3A_577 = arith.select %and3A_573, %sub3A_566, %add3A_576 : vector<16xi1>, vector<16xi32>
      %swap3A_578 = arith.index_cast %add3A_464 : i32 to index
      %swap3A_579 = arith.constant 64 : index
      %swap3A_580 = tpu.vector_load %arg6[%swap3A_578, %swap3A_579] {strides = array<i32>} : memref<49x128xi32, #tpu.memory_space<vmem>>, vector<1x16xi32>,
      %swap3A_581 = vector.shape_cast %swap3A_580 : vector<1x16xi32> to vector<16xi32>
      %swap3A_582 = vector.shape_cast %select_n3A_577 : vector<16xi32> to vector<1x16xi32>
      tpu.vector_store %arg6[%swap3A_578, %swap3A_579], %swap3A_582 {strides = array<i32>} : memref<49x128xi32, #tpu.memory_space<vmem>>, vector<1x16xi32>,
      %mul3A_583 = arith.constant 128 : i32
      %mul3A_584 = arith.muli %add3A_464, %mul3A_583 : i32
      %add3A_585 = arith.constant 80 : i32
      %add3A_586 = arith.addi %mul3A_584, %add3A_585 : i32
      %get3A_587 = arith.index_cast %add3A_586 : i32 to index
      %get3A_588 = tpu.vector_load %arg5[%get3A_587] {strides = array<i32>} : memref<6272xi32, #tpu.memory_space<vmem>>, vector<16xi32>,
      %get3A_589 = vector.shape_cast %get3A_588 : vector<16xi32> to vector<16xi32>
      %sub3A_590 = vector.broadcast %mul3A_161 : i32 to vector<16xi32>
      %sub3A_591 = arith.subi %get3A_589, %sub3A_590 : vector<16xi32>
      %ge3A_592 = arith.constant 0 : i32
      %ge3A_593 = vector.broadcast %ge3A_592 : i32 to vector<16xi32>
      %ge3A_594 = arith.cmpi sge, %sub3A_591, %ge3A_593 : vector<16xi32>
      %lt3A_595 = arith.constant 16896 : i32
      %lt3A_596 = vector.broadcast %lt3A_595 : i32 to vector<16xi32>
      %lt3A_597 = arith.cmpi slt, %sub3A_591, %lt3A_596 : vector<16xi32>
      %and3A_598 = arith.andi %ge3A_594, %lt3A_597 : vector<16xi1>
      %add3A_599 = arith.constant 16976 : i32
      %add3A_600 = vector.broadcast %add3A_599 : i32 to vector<16xi32>
      %add3A_601 = arith.addi %add3A_600, %iota3A : vector<16xi32>
      %select_n3A_602 = arith.select %and3A_598, %sub3A_591, %add3A_601 : vector<16xi1>, vector<16xi32>
      %swap3A_603 = arith.index_cast %add3A_464 : i32 to index
      %swap3A_604 = arith.constant 80 : index
      %swap3A_605 = tpu.vector_load %arg6[%swap3A_603, %swap3A_604] {strides = array<i32>} : memref<49x128xi32, #tpu.memory_space<vmem>>, vector<1x16xi32>,
      %swap3A_606 = vector.shape_cast %swap3A_605 : vector<1x16xi32> to vector<16xi32>
      %swap3A_607 = vector.shape_cast %select_n3A_602 : vector<16xi32> to vector<1x16xi32>
      tpu.vector_store %arg6[%swap3A_603, %swap3A_604], %swap3A_607 {strides = array<i32>} : memref<49x128xi32, #tpu.memory_space<vmem>>, vector<1x16xi32>,
      %mul3A_608 = arith.constant 128 : i32
      %mul3A_609 = arith.muli %add3A_464, %mul3A_608 : i32
      %add3A_610 = arith.constant 96 : i32
      %add3A_611 = arith.addi %mul3A_609, %add3A_610 : i32
      %get3A_612 = arith.index_cast %add3A_611 : i32 to index
      %get3A_613 = tpu.vector_load %arg5[%get3A_612] {strides = array<i32>} : memref<6272xi32, #tpu.memory_space<vmem>>, vector<16xi32>,
      %get3A_614 = vector.shape_cast %get3A_613 : vector<16xi32> to vector<16xi32>
      %sub3A_615 = vector.broadcast %mul3A_161 : i32 to vector<16xi32>
      %sub3A_616 = arith.subi %get3A_614, %sub3A_615 : vector<16xi32>
      %ge3A_617 = arith.constant 0 : i32
      %ge3A_618 = vector.broadcast %ge3A_617 : i32 to vector<16xi32>
      %ge3A_619 = arith.cmpi sge, %sub3A_616, %ge3A_618 : vector<16xi32>
      %lt3A_620 = arith.constant 16896 : i32
      %lt3A_621 = vector.broadcast %lt3A_620 : i32 to vector<16xi32>
      %lt3A_622 = arith.cmpi slt, %sub3A_616, %lt3A_621 : vector<16xi32>
      %and3A_623 = arith.andi %ge3A_619, %lt3A_622 : vector<16xi1>
      %add3A_624 = arith.constant 16992 : i32
      %add3A_625 = vector.broadcast %add3A_624 : i32 to vector<16xi32>
      %add3A_626 = arith.addi %add3A_625, %iota3A : vector<16xi32>
      %select_n3A_627 = arith.select %and3A_623, %sub3A_616, %add3A_626 : vector<16xi1>, vector<16xi32>
      %swap3A_628 = arith.index_cast %add3A_464 : i32 to index
      %swap3A_629 = arith.constant 96 : index
      %swap3A_630 = tpu.vector_load %arg6[%swap3A_628, %swap3A_629] {strides = array<i32>} : memref<49x128xi32, #tpu.memory_space<vmem>>, vector<1x16xi32>,
      %swap3A_631 = vector.shape_cast %swap3A_630 : vector<1x16xi32> to vector<16xi32>
      %swap3A_632 = vector.shape_cast %select_n3A_627 : vector<16xi32> to vector<1x16xi32>
      tpu.vector_store %arg6[%swap3A_628, %swap3A_629], %swap3A_632 {strides = array<i32>} : memref<49x128xi32, #tpu.memory_space<vmem>>, vector<1x16xi32>,
      %mul3A_633 = arith.constant 128 : i32
      %mul3A_634 = arith.muli %add3A_464, %mul3A_633 : i32
      %add3A_635 = arith.constant 112 : i32
      %add3A_636 = arith.addi %mul3A_634, %add3A_635 : i32
      %get3A_637 = arith.index_cast %add3A_636 : i32 to index
      %get3A_638 = tpu.vector_load %arg5[%get3A_637] {strides = array<i32>} : memref<6272xi32, #tpu.memory_space<vmem>>, vector<16xi32>,
      %get3A_639 = vector.shape_cast %get3A_638 : vector<16xi32> to vector<16xi32>
      %sub3A_640 = vector.broadcast %mul3A_161 : i32 to vector<16xi32>
      %sub3A_641 = arith.subi %get3A_639, %sub3A_640 : vector<16xi32>
      %ge3A_642 = arith.constant 0 : i32
      %ge3A_643 = vector.broadcast %ge3A_642 : i32 to vector<16xi32>
      %ge3A_644 = arith.cmpi sge, %sub3A_641, %ge3A_643 : vector<16xi32>
      %lt3A_645 = arith.constant 16896 : i32
      %lt3A_646 = vector.broadcast %lt3A_645 : i32 to vector<16xi32>
      %lt3A_647 = arith.cmpi slt, %sub3A_641, %lt3A_646 : vector<16xi32>
      %and3A_648 = arith.andi %ge3A_644, %lt3A_647 : vector<16xi1>
      %add3A_649 = arith.constant 17008 : i32
      %add3A_650 = vector.broadcast %add3A_649 : i32 to vector<16xi32>
      %add3A_651 = arith.addi %add3A_650, %iota3A : vector<16xi32>
      %select_n3A_652 = arith.select %and3A_648, %sub3A_641, %add3A_651 : vector<16xi1>, vector<16xi32>
      %swap3A_653 = arith.index_cast %add3A_464 : i32 to index
      %swap3A_654 = arith.constant 112 : index
      %swap3A_655 = tpu.vector_load %arg6[%swap3A_653, %swap3A_654] {strides = array<i32>} : memref<49x128xi32, #tpu.memory_space<vmem>>, vector<1x16xi32>,
      %swap3A_656 = vector.shape_cast %swap3A_655 : vector<1x16xi32> to vector<16xi32>
      %swap3A_657 = vector.shape_cast %select_n3A_652 : vector<16xi32> to vector<1x16xi32>
      tpu.vector_store %arg6[%swap3A_653, %swap3A_654], %swap3A_657 {strides = array<i32>} : memref<49x128xi32, #tpu.memory_space<vmem>>, vector<1x16xi32>,
    }
    %scan3A_230 = arith.constant 49 : i32
    %barrier3A_231 = arith.constant 0 : index
    tpu.barrier barrier_id(%barrier3A_231)
    %scan3A_232 = arith.constant 0 : i32
    %scan3A_233 = arith.constant 7 : i32
    %scan3A_234 = arith.addi %scan3A_232, %scan3A_233 : i32
    %scan3A_235 = arith.constant 1 : i32
    scf.for %scan3A_460 = %scan3A_232 to %scan3A_234 step %scan3A_235  : i32 {
      %mul3A_461 = arith.constant 1 : i32
      %mul3A_462 = arith.muli %scan3A_460, %mul3A_461 : i32
      %add3A_463 = arith.constant 0 : i32
      %add3A_464 = arith.addi %add3A_463, %mul3A_462 : i32
      %mul3A_465 = arith.constant 128 : i32
      %mul3A_466 = arith.muli %add3A_464, %mul3A_465 : i32
      %dma_start3A = arith.constant 0 : i32
      %dma_start3A_467 = tpu.memref_slice %arg7[%mul3A_466, %dma_start3A] : memref<6272x16xf32, #tpu.memory_space<vmem>> -> memref<128x16xf32, #tpu.memory_space<vmem>>
      %dma_start3A_468 = arith.constant 0 : i32
      %dma_start3A_469 = tpu.memref_slice %arg6[%add3A_464, %dma_start3A_468] : memref<49x128xi32, #tpu.memory_space<vmem>> -> memref<1x128xi32, #tpu.memory_space<vmem>>
      %dma_start3A_470 = tpu.memref_squeeze %dma_start3A_469 : memref<1x128xi32, #tpu.memory_space<vmem>> -> memref<128xi32, #tpu.memory_space<vmem>>
      %dma_start3A_471 = arith.constant 0 : i32
      %dma_start3A_472 = arith.constant 0 : i32
      %dma_start3A_473 = tpu.memref_slice %arg9[%dma_start3A_471, %dma_start3A_472] : memref<17024x16xf32, #tpu.memory_space<vmem_shared>> -> memref<17024x16xf32, #tpu.memory_space<vmem_shared>>
      tpu.enqueue_indirect_dma source(%dma_start3A_467 : memref<128x16xf32, #tpu.memory_space<vmem>>) target(%dma_start3A_473 : memref<17024x16xf32, #tpu.memory_space<vmem_shared>>) offsets(%dma_start3A_470 : memref<128xi32, #tpu.memory_space<vmem>>) semaphore(%arg10 : memref<!tpu.dma_semaphore, #tpu.memory_space<semaphore_mem>>) {add = true}
    }
    %scan3A_236 = arith.constant 7 : i32
    %scan3A_237 = arith.constant 0 : i32
    %scan3A_238 = arith.constant 7 : i32
    %scan3A_239 = arith.addi %scan3A_237, %scan3A_238 : i32
    %scan3A_240 = arith.constant 1 : i32
    scf.for %scan3A_460 = %scan3A_237 to %scan3A_239 step %scan3A_240  : i32 {
      %mul3A_461 = arith.constant 1 : i32
      %mul3A_462 = arith.muli %scan3A_460, %mul3A_461 : i32
      %add3A_463 = arith.constant 0 : i32
      %add3A_464 = arith.addi %add3A_463, %mul3A_462 : i32
      %mul3A_465 = arith.constant 128 : i32
      %mul3A_466 = arith.muli %add3A_464, %mul3A_465 : i32
      %dma_wait3A = arith.constant 0 : i32
      %dma_wait3A_467 = tpu.memref_slice %arg7[%mul3A_466, %dma_wait3A] : memref<6272x16xf32, #tpu.memory_space<vmem>> -> memref<128x16xf32, #tpu.memory_space<vmem>>
      %dma_wait3A_468 = arith.constant 0 : i32
      %dma_wait3A_469 = tpu.memref_slice %arg6[%add3A_464, %dma_wait3A_468] : memref<49x128xi32, #tpu.memory_space<vmem>> -> memref<1x128xi32, #tpu.memory_space<vmem>>
      %dma_wait3A_470 = tpu.memref_squeeze %dma_wait3A_469 : memref<1x128xi32, #tpu.memory_space<vmem>> -> memref<128xi32, #tpu.memory_space<vmem>>
      %dma_wait3A_471 = arith.constant 0 : i32
      %dma_wait3A_472 = arith.constant 0 : i32
      %dma_wait3A_473 = tpu.memref_slice %arg9[%dma_wait3A_471, %dma_wait3A_472] : memref<17024x16xf32, #tpu.memory_space<vmem_shared>> -> memref<17024x16xf32, #tpu.memory_space<vmem_shared>>
      tpu.wait_indirect_dma semaphore(%arg10 : memref<!tpu.dma_semaphore, #tpu.memory_space<semaphore_mem>>) src(%dma_wait3A_467 : memref<128x16xf32, #tpu.memory_space<vmem>>) dst(%dma_wait3A_473 : memref<17024x16xf32, #tpu.memory_space<vmem_shared>>)
    }
    %scan3A_241 = arith.constant 7 : i32
    %scan3A_242 = arith.constant 0 : i32
    %scan3A_243 = arith.constant 7 : i32
    %scan3A_244 = arith.addi %scan3A_242, %scan3A_243 : i32
    %scan3A_245 = arith.constant 1 : i32
    scf.for %scan3A_460 = %scan3A_242 to %scan3A_244 step %scan3A_245  : i32 {
      %mul3A_461 = arith.constant 1 : i32
      %mul3A_462 = arith.muli %scan3A_460, %mul3A_461 : i32
      %add3A_463 = arith.constant 7 : i32
      %add3A_464 = arith.addi %add3A_463, %mul3A_462 : i32
      %mul3A_465 = arith.constant 128 : i32
      %mul3A_466 = arith.muli %add3A_464, %mul3A_465 : i32
      %dma_start3A = arith.constant 0 : i32
      %dma_start3A_467 = tpu.memref_slice %arg7[%mul3A_466, %dma_start3A] : memref<6272x16xf32, #tpu.memory_space<vmem>> -> memref<128x16xf32, #tpu.memory_space<vmem>>
      %dma_start3A_468 = arith.constant 0 : i32
      %dma_start3A_469 = tpu.memref_slice %arg6[%add3A_464, %dma_start3A_468] : memref<49x128xi32, #tpu.memory_space<vmem>> -> memref<1x128xi32, #tpu.memory_space<vmem>>
      %dma_start3A_470 = tpu.memref_squeeze %dma_start3A_469 : memref<1x128xi32, #tpu.memory_space<vmem>> -> memref<128xi32, #tpu.memory_space<vmem>>
      %dma_start3A_471 = arith.constant 0 : i32
      %dma_start3A_472 = arith.constant 0 : i32
      %dma_start3A_473 = tpu.memref_slice %arg9[%dma_start3A_471, %dma_start3A_472] : memref<17024x16xf32, #tpu.memory_space<vmem_shared>> -> memref<17024x16xf32, #tpu.memory_space<vmem_shared>>
      tpu.enqueue_indirect_dma source(%dma_start3A_467 : memref<128x16xf32, #tpu.memory_space<vmem>>) target(%dma_start3A_473 : memref<17024x16xf32, #tpu.memory_space<vmem_shared>>) offsets(%dma_start3A_470 : memref<128xi32, #tpu.memory_space<vmem>>) semaphore(%arg10 : memref<!tpu.dma_semaphore, #tpu.memory_space<semaphore_mem>>) {add = true}
    }
    %scan3A_246 = arith.constant 7 : i32
    %scan3A_247 = arith.constant 0 : i32
    %scan3A_248 = arith.constant 7 : i32
    %scan3A_249 = arith.addi %scan3A_247, %scan3A_248 : i32
    %scan3A_250 = arith.constant 1 : i32
    scf.for %scan3A_460 = %scan3A_247 to %scan3A_249 step %scan3A_250  : i32 {
      %mul3A_461 = arith.constant 1 : i32
      %mul3A_462 = arith.muli %scan3A_460, %mul3A_461 : i32
      %add3A_463 = arith.constant 7 : i32
      %add3A_464 = arith.addi %add3A_463, %mul3A_462 : i32
      %mul3A_465 = arith.constant 128 : i32
      %mul3A_466 = arith.muli %add3A_464, %mul3A_465 : i32
      %dma_wait3A = arith.constant 0 : i32
      %dma_wait3A_467 = tpu.memref_slice %arg7[%mul3A_466, %dma_wait3A] : memref<6272x16xf32, #tpu.memory_space<vmem>> -> memref<128x16xf32, #tpu.memory_space<vmem>>
      %dma_wait3A_468 = arith.constant 0 : i32
      %dma_wait3A_469 = tpu.memref_slice %arg6[%add3A_464, %dma_wait3A_468] : memref<49x128xi32, #tpu.memory_space<vmem>> -> memref<1x128xi32, #tpu.memory_space<vmem>>
      %dma_wait3A_470 = tpu.memref_squeeze %dma_wait3A_469 : memref<1x128xi32, #tpu.memory_space<vmem>> -> memref<128xi32, #tpu.memory_space<vmem>>
      %dma_wait3A_471 = arith.constant 0 : i32
      %dma_wait3A_472 = arith.constant 0 : i32
      %dma_wait3A_473 = tpu.memref_slice %arg9[%dma_wait3A_471, %dma_wait3A_472] : memref<17024x16xf32, #tpu.memory_space<vmem_shared>> -> memref<17024x16xf32, #tpu.memory_space<vmem_shared>>
      tpu.wait_indirect_dma semaphore(%arg10 : memref<!tpu.dma_semaphore, #tpu.memory_space<semaphore_mem>>) src(%dma_wait3A_467 : memref<128x16xf32, #tpu.memory_space<vmem>>) dst(%dma_wait3A_473 : memref<17024x16xf32, #tpu.memory_space<vmem_shared>>)
    }
    %scan3A_251 = arith.constant 7 : i32
    %scan3A_252 = arith.constant 0 : i32
    %scan3A_253 = arith.constant 7 : i32
    %scan3A_254 = arith.addi %scan3A_252, %scan3A_253 : i32
    %scan3A_255 = arith.constant 1 : i32
    scf.for %scan3A_460 = %scan3A_252 to %scan3A_254 step %scan3A_255  : i32 {
      %mul3A_461 = arith.constant 1 : i32
      %mul3A_462 = arith.muli %scan3A_460, %mul3A_461 : i32
      %add3A_463 = arith.constant 14 : i32
      %add3A_464 = arith.addi %add3A_463, %mul3A_462 : i32
      %mul3A_465 = arith.constant 128 : i32
      %mul3A_466 = arith.muli %add3A_464, %mul3A_465 : i32
      %dma_start3A = arith.constant 0 : i32
      %dma_start3A_467 = tpu.memref_slice %arg7[%mul3A_466, %dma_start3A] : memref<6272x16xf32, #tpu.memory_space<vmem>> -> memref<128x16xf32, #tpu.memory_space<vmem>>
      %dma_start3A_468 = arith.constant 0 : i32
      %dma_start3A_469 = tpu.memref_slice %arg6[%add3A_464, %dma_start3A_468] : memref<49x128xi32, #tpu.memory_space<vmem>> -> memref<1x128xi32, #tpu.memory_space<vmem>>
      %dma_start3A_470 = tpu.memref_squeeze %dma_start3A_469 : memref<1x128xi32, #tpu.memory_space<vmem>> -> memref<128xi32, #tpu.memory_space<vmem>>
      %dma_start3A_471 = arith.constant 0 : i32
      %dma_start3A_472 = arith.constant 0 : i32
      %dma_start3A_473 = tpu.memref_slice %arg9[%dma_start3A_471, %dma_start3A_472] : memref<17024x16xf32, #tpu.memory_space<vmem_shared>> -> memref<17024x16xf32, #tpu.memory_space<vmem_shared>>
      tpu.enqueue_indirect_dma source(%dma_start3A_467 : memref<128x16xf32, #tpu.memory_space<vmem>>) target(%dma_start3A_473 : memref<17024x16xf32, #tpu.memory_space<vmem_shared>>) offsets(%dma_start3A_470 : memref<128xi32, #tpu.memory_space<vmem>>) semaphore(%arg10 : memref<!tpu.dma_semaphore, #tpu.memory_space<semaphore_mem>>) {add = true}
    }
    %scan3A_256 = arith.constant 7 : i32
    %scan3A_257 = arith.constant 0 : i32
    %scan3A_258 = arith.constant 7 : i32
    %scan3A_259 = arith.addi %scan3A_257, %scan3A_258 : i32
    %scan3A_260 = arith.constant 1 : i32
    scf.for %scan3A_460 = %scan3A_257 to %scan3A_259 step %scan3A_260  : i32 {
      %mul3A_461 = arith.constant 1 : i32
      %mul3A_462 = arith.muli %scan3A_460, %mul3A_461 : i32
      %add3A_463 = arith.constant 14 : i32
      %add3A_464 = arith.addi %add3A_463, %mul3A_462 : i32
      %mul3A_465 = arith.constant 128 : i32
      %mul3A_466 = arith.muli %add3A_464, %mul3A_465 : i32
      %dma_wait3A = arith.constant 0 : i32
      %dma_wait3A_467 = tpu.memref_slice %arg7[%mul3A_466, %dma_wait3A] : memref<6272x16xf32, #tpu.memory_space<vmem>> -> memref<128x16xf32, #tpu.memory_space<vmem>>
      %dma_wait3A_468 = arith.constant 0 : i32
      %dma_wait3A_469 = tpu.memref_slice %arg6[%add3A_464, %dma_wait3A_468] : memref<49x128xi32, #tpu.memory_space<vmem>> -> memref<1x128xi32, #tpu.memory_space<vmem>>
      %dma_wait3A_470 = tpu.memref_squeeze %dma_wait3A_469 : memref<1x128xi32, #tpu.memory_space<vmem>> -> memref<128xi32, #tpu.memory_space<vmem>>
      %dma_wait3A_471 = arith.constant 0 : i32
      %dma_wait3A_472 = arith.constant 0 : i32
      %dma_wait3A_473 = tpu.memref_slice %arg9[%dma_wait3A_471, %dma_wait3A_472] : memref<17024x16xf32, #tpu.memory_space<vmem_shared>> -> memref<17024x16xf32, #tpu.memory_space<vmem_shared>>
      tpu.wait_indirect_dma semaphore(%arg10 : memref<!tpu.dma_semaphore, #tpu.memory_space<semaphore_mem>>) src(%dma_wait3A_467 : memref<128x16xf32, #tpu.memory_space<vmem>>) dst(%dma_wait3A_473 : memref<17024x16xf32, #tpu.memory_space<vmem_shared>>)
    }
    %scan3A_261 = arith.constant 7 : i32
    %scan3A_262 = arith.constant 0 : i32
    %scan3A_263 = arith.constant 7 : i32
    %scan3A_264 = arith.addi %scan3A_262, %scan3A_263 : i32
    %scan3A_265 = arith.constant 1 : i32
    scf.for %scan3A_460 = %scan3A_262 to %scan3A_264 step %scan3A_265  : i32 {
      %mul3A_461 = arith.constant 1 : i32
      %mul3A_462 = arith.muli %scan3A_460, %mul3A_461 : i32
      %add3A_463 = arith.constant 21 : i32
      %add3A_464 = arith.addi %add3A_463, %mul3A_462 : i32
      %mul3A_465 = arith.constant 128 : i32
      %mul3A_466 = arith.muli %add3A_464, %mul3A_465 : i32
      %dma_start3A = arith.constant 0 : i32
      %dma_start3A_467 = tpu.memref_slice %arg7[%mul3A_466, %dma_start3A] : memref<6272x16xf32, #tpu.memory_space<vmem>> -> memref<128x16xf32, #tpu.memory_space<vmem>>
      %dma_start3A_468 = arith.constant 0 : i32
      %dma_start3A_469 = tpu.memref_slice %arg6[%add3A_464, %dma_start3A_468] : memref<49x128xi32, #tpu.memory_space<vmem>> -> memref<1x128xi32, #tpu.memory_space<vmem>>
      %dma_start3A_470 = tpu.memref_squeeze %dma_start3A_469 : memref<1x128xi32, #tpu.memory_space<vmem>> -> memref<128xi32, #tpu.memory_space<vmem>>
      %dma_start3A_471 = arith.constant 0 : i32
      %dma_start3A_472 = arith.constant 0 : i32
      %dma_start3A_473 = tpu.memref_slice %arg9[%dma_start3A_471, %dma_start3A_472] : memref<17024x16xf32, #tpu.memory_space<vmem_shared>> -> memref<17024x16xf32, #tpu.memory_space<vmem_shared>>
      tpu.enqueue_indirect_dma source(%dma_start3A_467 : memref<128x16xf32, #tpu.memory_space<vmem>>) target(%dma_start3A_473 : memref<17024x16xf32, #tpu.memory_space<vmem_shared>>) offsets(%dma_start3A_470 : memref<128xi32, #tpu.memory_space<vmem>>) semaphore(%arg10 : memref<!tpu.dma_semaphore, #tpu.memory_space<semaphore_mem>>) {add = true}
    }
    %scan3A_266 = arith.constant 7 : i32
    %scan3A_267 = arith.constant 0 : i32
    %scan3A_268 = arith.constant 7 : i32
    %scan3A_269 = arith.addi %scan3A_267, %scan3A_268 : i32
    %scan3A_270 = arith.constant 1 : i32
    scf.for %scan3A_460 = %scan3A_267 to %scan3A_269 step %scan3A_270  : i32 {
      %mul3A_461 = arith.constant 1 : i32
      %mul3A_462 = arith.muli %scan3A_460, %mul3A_461 : i32
      %add3A_463 = arith.constant 21 : i32
      %add3A_464 = arith.addi %add3A_463, %mul3A_462 : i32
      %mul3A_465 = arith.constant 128 : i32
      %mul3A_466 = arith.muli %add3A_464, %mul3A_465 : i32
      %dma_wait3A = arith.constant 0 : i32
      %dma_wait3A_467 = tpu.memref_slice %arg7[%mul3A_466, %dma_wait3A] : memref<6272x16xf32, #tpu.memory_space<vmem>> -> memref<128x16xf32, #tpu.memory_space<vmem>>
      %dma_wait3A_468 = arith.constant 0 : i32
      %dma_wait3A_469 = tpu.memref_slice %arg6[%add3A_464, %dma_wait3A_468] : memref<49x128xi32, #tpu.memory_space<vmem>> -> memref<1x128xi32, #tpu.memory_space<vmem>>
      %dma_wait3A_470 = tpu.memref_squeeze %dma_wait3A_469 : memref<1x128xi32, #tpu.memory_space<vmem>> -> memref<128xi32, #tpu.memory_space<vmem>>
      %dma_wait3A_471 = arith.constant 0 : i32
      %dma_wait3A_472 = arith.constant 0 : i32
      %dma_wait3A_473 = tpu.memref_slice %arg9[%dma_wait3A_471, %dma_wait3A_472] : memref<17024x16xf32, #tpu.memory_space<vmem_shared>> -> memref<17024x16xf32, #tpu.memory_space<vmem_shared>>
      tpu.wait_indirect_dma semaphore(%arg10 : memref<!tpu.dma_semaphore, #tpu.memory_space<semaphore_mem>>) src(%dma_wait3A_467 : memref<128x16xf32, #tpu.memory_space<vmem>>) dst(%dma_wait3A_473 : memref<17024x16xf32, #tpu.memory_space<vmem_shared>>)
    }
    %scan3A_271 = arith.constant 7 : i32
    %scan3A_272 = arith.constant 0 : i32
    %scan3A_273 = arith.constant 7 : i32
    %scan3A_274 = arith.addi %scan3A_272, %scan3A_273 : i32
    %scan3A_275 = arith.constant 1 : i32
    scf.for %scan3A_460 = %scan3A_272 to %scan3A_274 step %scan3A_275  : i32 {
      %mul3A_461 = arith.constant 1 : i32
      %mul3A_462 = arith.muli %scan3A_460, %mul3A_461 : i32
      %add3A_463 = arith.constant 28 : i32
      %add3A_464 = arith.addi %add3A_463, %mul3A_462 : i32
      %mul3A_465 = arith.constant 128 : i32
      %mul3A_466 = arith.muli %add3A_464, %mul3A_465 : i32
      %dma_start3A = arith.constant 0 : i32
      %dma_start3A_467 = tpu.memref_slice %arg7[%mul3A_466, %dma_start3A] : memref<6272x16xf32, #tpu.memory_space<vmem>> -> memref<128x16xf32, #tpu.memory_space<vmem>>
      %dma_start3A_468 = arith.constant 0 : i32
      %dma_start3A_469 = tpu.memref_slice %arg6[%add3A_464, %dma_start3A_468] : memref<49x128xi32, #tpu.memory_space<vmem>> -> memref<1x128xi32, #tpu.memory_space<vmem>>
      %dma_start3A_470 = tpu.memref_squeeze %dma_start3A_469 : memref<1x128xi32, #tpu.memory_space<vmem>> -> memref<128xi32, #tpu.memory_space<vmem>>
      %dma_start3A_471 = arith.constant 0 : i32
      %dma_start3A_472 = arith.constant 0 : i32
      %dma_start3A_473 = tpu.memref_slice %arg9[%dma_start3A_471, %dma_start3A_472] : memref<17024x16xf32, #tpu.memory_space<vmem_shared>> -> memref<17024x16xf32, #tpu.memory_space<vmem_shared>>
      tpu.enqueue_indirect_dma source(%dma_start3A_467 : memref<128x16xf32, #tpu.memory_space<vmem>>) target(%dma_start3A_473 : memref<17024x16xf32, #tpu.memory_space<vmem_shared>>) offsets(%dma_start3A_470 : memref<128xi32, #tpu.memory_space<vmem>>) semaphore(%arg10 : memref<!tpu.dma_semaphore, #tpu.memory_space<semaphore_mem>>) {add = true}
    }
    %scan3A_276 = arith.constant 7 : i32
    %scan3A_277 = arith.constant 0 : i32
    %scan3A_278 = arith.constant 7 : i32
    %scan3A_279 = arith.addi %scan3A_277, %scan3A_278 : i32
    %scan3A_280 = arith.constant 1 : i32
    scf.for %scan3A_460 = %scan3A_277 to %scan3A_279 step %scan3A_280  : i32 {
      %mul3A_461 = arith.constant 1 : i32
      %mul3A_462 = arith.muli %scan3A_460, %mul3A_461 : i32
      %add3A_463 = arith.constant 28 : i32
      %add3A_464 = arith.addi %add3A_463, %mul3A_462 : i32
      %mul3A_465 = arith.constant 128 : i32
      %mul3A_466 = arith.muli %add3A_464, %mul3A_465 : i32
      %dma_wait3A = arith.constant 0 : i32
      %dma_wait3A_467 = tpu.memref_slice %arg7[%mul3A_466, %dma_wait3A] : memref<6272x16xf32, #tpu.memory_space<vmem>> -> memref<128x16xf32, #tpu.memory_space<vmem>>
      %dma_wait3A_468 = arith.constant 0 : i32
      %dma_wait3A_469 = tpu.memref_slice %arg6[%add3A_464, %dma_wait3A_468] : memref<49x128xi32, #tpu.memory_space<vmem>> -> memref<1x128xi32, #tpu.memory_space<vmem>>
      %dma_wait3A_470 = tpu.memref_squeeze %dma_wait3A_469 : memref<1x128xi32, #tpu.memory_space<vmem>> -> memref<128xi32, #tpu.memory_space<vmem>>
      %dma_wait3A_471 = arith.constant 0 : i32
      %dma_wait3A_472 = arith.constant 0 : i32
      %dma_wait3A_473 = tpu.memref_slice %arg9[%dma_wait3A_471, %dma_wait3A_472] : memref<17024x16xf32, #tpu.memory_space<vmem_shared>> -> memref<17024x16xf32, #tpu.memory_space<vmem_shared>>
      tpu.wait_indirect_dma semaphore(%arg10 : memref<!tpu.dma_semaphore, #tpu.memory_space<semaphore_mem>>) src(%dma_wait3A_467 : memref<128x16xf32, #tpu.memory_space<vmem>>) dst(%dma_wait3A_473 : memref<17024x16xf32, #tpu.memory_space<vmem_shared>>)
    }
    %scan3A_281 = arith.constant 7 : i32
    %scan3A_282 = arith.constant 0 : i32
    %scan3A_283 = arith.constant 7 : i32
    %scan3A_284 = arith.addi %scan3A_282, %scan3A_283 : i32
    %scan3A_285 = arith.constant 1 : i32
    scf.for %scan3A_460 = %scan3A_282 to %scan3A_284 step %scan3A_285  : i32 {
      %mul3A_461 = arith.constant 1 : i32
      %mul3A_462 = arith.muli %scan3A_460, %mul3A_461 : i32
      %add3A_463 = arith.constant 35 : i32
      %add3A_464 = arith.addi %add3A_463, %mul3A_462 : i32
      %mul3A_465 = arith.constant 128 : i32
      %mul3A_466 = arith.muli %add3A_464, %mul3A_465 : i32
      %dma_start3A = arith.constant 0 : i32
      %dma_start3A_467 = tpu.memref_slice %arg7[%mul3A_466, %dma_start3A] : memref<6272x16xf32, #tpu.memory_space<vmem>> -> memref<128x16xf32, #tpu.memory_space<vmem>>
      %dma_start3A_468 = arith.constant 0 : i32
      %dma_start3A_469 = tpu.memref_slice %arg6[%add3A_464, %dma_start3A_468] : memref<49x128xi32, #tpu.memory_space<vmem>> -> memref<1x128xi32, #tpu.memory_space<vmem>>
      %dma_start3A_470 = tpu.memref_squeeze %dma_start3A_469 : memref<1x128xi32, #tpu.memory_space<vmem>> -> memref<128xi32, #tpu.memory_space<vmem>>
      %dma_start3A_471 = arith.constant 0 : i32
      %dma_start3A_472 = arith.constant 0 : i32
      %dma_start3A_473 = tpu.memref_slice %arg9[%dma_start3A_471, %dma_start3A_472] : memref<17024x16xf32, #tpu.memory_space<vmem_shared>> -> memref<17024x16xf32, #tpu.memory_space<vmem_shared>>
      tpu.enqueue_indirect_dma source(%dma_start3A_467 : memref<128x16xf32, #tpu.memory_space<vmem>>) target(%dma_start3A_473 : memref<17024x16xf32, #tpu.memory_space<vmem_shared>>) offsets(%dma_start3A_470 : memref<128xi32, #tpu.memory_space<vmem>>) semaphore(%arg10 : memref<!tpu.dma_semaphore, #tpu.memory_space<semaphore_mem>>) {add = true}
    }
    %scan3A_286 = arith.constant 7 : i32
    %scan3A_287 = arith.constant 0 : i32
    %scan3A_288 = arith.constant 7 : i32
    %scan3A_289 = arith.addi %scan3A_287, %scan3A_288 : i32
    %scan3A_290 = arith.constant 1 : i32
    scf.for %scan3A_460 = %scan3A_287 to %scan3A_289 step %scan3A_290  : i32 {
      %mul3A_461 = arith.constant 1 : i32
      %mul3A_462 = arith.muli %scan3A_460, %mul3A_461 : i32
      %add3A_463 = arith.constant 35 : i32
      %add3A_464 = arith.addi %add3A_463, %mul3A_462 : i32
      %mul3A_465 = arith.constant 128 : i32
      %mul3A_466 = arith.muli %add3A_464, %mul3A_465 : i32
      %dma_wait3A = arith.constant 0 : i32
      %dma_wait3A_467 = tpu.memref_slice %arg7[%mul3A_466, %dma_wait3A] : memref<6272x16xf32, #tpu.memory_space<vmem>> -> memref<128x16xf32, #tpu.memory_space<vmem>>
      %dma_wait3A_468 = arith.constant 0 : i32
      %dma_wait3A_469 = tpu.memref_slice %arg6[%add3A_464, %dma_wait3A_468] : memref<49x128xi32, #tpu.memory_space<vmem>> -> memref<1x128xi32, #tpu.memory_space<vmem>>
      %dma_wait3A_470 = tpu.memref_squeeze %dma_wait3A_469 : memref<1x128xi32, #tpu.memory_space<vmem>> -> memref<128xi32, #tpu.memory_space<vmem>>
      %dma_wait3A_471 = arith.constant 0 : i32
      %dma_wait3A_472 = arith.constant 0 : i32
      %dma_wait3A_473 = tpu.memref_slice %arg9[%dma_wait3A_471, %dma_wait3A_472] : memref<17024x16xf32, #tpu.memory_space<vmem_shared>> -> memref<17024x16xf32, #tpu.memory_space<vmem_shared>>
      tpu.wait_indirect_dma semaphore(%arg10 : memref<!tpu.dma_semaphore, #tpu.memory_space<semaphore_mem>>) src(%dma_wait3A_467 : memref<128x16xf32, #tpu.memory_space<vmem>>) dst(%dma_wait3A_473 : memref<17024x16xf32, #tpu.memory_space<vmem_shared>>)
    }
    %scan3A_291 = arith.constant 7 : i32
    %scan3A_292 = arith.constant 0 : i32
    %scan3A_293 = arith.constant 7 : i32
    %scan3A_294 = arith.addi %scan3A_292, %scan3A_293 : i32
    %scan3A_295 = arith.constant 1 : i32
    scf.for %scan3A_460 = %scan3A_292 to %scan3A_294 step %scan3A_295  : i32 {
      %mul3A_461 = arith.constant 1 : i32
      %mul3A_462 = arith.muli %scan3A_460, %mul3A_461 : i32
      %add3A_463 = arith.constant 42 : i32
      %add3A_464 = arith.addi %add3A_463, %mul3A_462 : i32
      %mul3A_465 = arith.constant 128 : i32
      %mul3A_466 = arith.muli %add3A_464, %mul3A_465 : i32
      %dma_start3A = arith.constant 0 : i32
      %dma_start3A_467 = tpu.memref_slice %arg7[%mul3A_466, %dma_start3A] : memref<6272x16xf32, #tpu.memory_space<vmem>> -> memref<128x16xf32, #tpu.memory_space<vmem>>
      %dma_start3A_468 = arith.constant 0 : i32
      %dma_start3A_469 = tpu.memref_slice %arg6[%add3A_464, %dma_start3A_468] : memref<49x128xi32, #tpu.memory_space<vmem>> -> memref<1x128xi32, #tpu.memory_space<vmem>>
      %dma_start3A_470 = tpu.memref_squeeze %dma_start3A_469 : memref<1x128xi32, #tpu.memory_space<vmem>> -> memref<128xi32, #tpu.memory_space<vmem>>
      %dma_start3A_471 = arith.constant 0 : i32
      %dma_start3A_472 = arith.constant 0 : i32
      %dma_start3A_473 = tpu.memref_slice %arg9[%dma_start3A_471, %dma_start3A_472] : memref<17024x16xf32, #tpu.memory_space<vmem_shared>> -> memref<17024x16xf32, #tpu.memory_space<vmem_shared>>
      tpu.enqueue_indirect_dma source(%dma_start3A_467 : memref<128x16xf32, #tpu.memory_space<vmem>>) target(%dma_start3A_473 : memref<17024x16xf32, #tpu.memory_space<vmem_shared>>) offsets(%dma_start3A_470 : memref<128xi32, #tpu.memory_space<vmem>>) semaphore(%arg10 : memref<!tpu.dma_semaphore, #tpu.memory_space<semaphore_mem>>) {add = true}
    }
    %scan3A_296 = arith.constant 7 : i32
    %scan3A_297 = arith.constant 0 : i32
    %scan3A_298 = arith.constant 7 : i32
    %scan3A_299 = arith.addi %scan3A_297, %scan3A_298 : i32
    %scan3A_300 = arith.constant 1 : i32
    scf.for %scan3A_460 = %scan3A_297 to %scan3A_299 step %scan3A_300  : i32 {
      %mul3A_461 = arith.constant 1 : i32
      %mul3A_462 = arith.muli %scan3A_460, %mul3A_461 : i32
      %add3A_463 = arith.constant 42 : i32
      %add3A_464 = arith.addi %add3A_463, %mul3A_462 : i32
      %mul3A_465 = arith.constant 128 : i32
      %mul3A_466 = arith.muli %add3A_464, %mul3A_465 : i32
      %dma_wait3A = arith.constant 0 : i32
      %dma_wait3A_467 = tpu.memref_slice %arg7[%mul3A_466, %dma_wait3A] : memref<6272x16xf32, #tpu.memory_space<vmem>> -> memref<128x16xf32, #tpu.memory_space<vmem>>
      %dma_wait3A_468 = arith.constant 0 : i32
      %dma_wait3A_469 = tpu.memref_slice %arg6[%add3A_464, %dma_wait3A_468] : memref<49x128xi32, #tpu.memory_space<vmem>> -> memref<1x128xi32, #tpu.memory_space<vmem>>
      %dma_wait3A_470 = tpu.memref_squeeze %dma_wait3A_469 : memref<1x128xi32, #tpu.memory_space<vmem>> -> memref<128xi32, #tpu.memory_space<vmem>>
      %dma_wait3A_471 = arith.constant 0 : i32
      %dma_wait3A_472 = arith.constant 0 : i32
      %dma_wait3A_473 = tpu.memref_slice %arg9[%dma_wait3A_471, %dma_wait3A_472] : memref<17024x16xf32, #tpu.memory_space<vmem_shared>> -> memref<17024x16xf32, #tpu.memory_space<vmem_shared>>
      tpu.wait_indirect_dma semaphore(%arg10 : memref<!tpu.dma_semaphore, #tpu.memory_space<semaphore_mem>>) src(%dma_wait3A_467 : memref<128x16xf32, #tpu.memory_space<vmem>>) dst(%dma_wait3A_473 : memref<17024x16xf32, #tpu.memory_space<vmem_shared>>)
    }
    %scan3A_301 = arith.constant 7 : i32
    %barrier3A_302 = arith.constant 0 : index
    tpu.barrier barrier_id(%barrier3A_302)
    %mul3A_303 = arith.constant 1056 : i32
    %mul3A_304 = arith.muli %arg1, %mul3A_303 : i32
    %mul3A_305 = arith.constant 1056 : i32
    %mul3A_306 = arith.muli %arg1, %mul3A_305 : i32
    %add3A_307 = arith.addi %mul3A_161, %mul3A_306 : i32
    "tpu.region"() ({
      %run_scoped3A = tpu.sem_alloc : memref<!tpu.dma_semaphore, #tpu.memory_space<semaphore_mem>>
      %dma_start3A = arith.constant 0 : i32
      %dma_start3A_460 = tpu.memref_slice %arg4[%add3A_307, %dma_start3A] : memref<101376x16xf32, #tpu.memory_space<hbm>> -> memref<1056x16xf32, #tpu.memory_space<hbm>>
      %dma_start3A_461 = arith.constant 0 : i32
      %dma_start3A_462 = tpu.memref_slice %arg9[%mul3A_304, %dma_start3A_461] : memref<17024x16xf32, #tpu.memory_space<vmem_shared>> -> memref<1056x16xf32, #tpu.memory_space<vmem_shared>>
      tpu.enqueue_dma source(%dma_start3A_462 : memref<1056x16xf32, #tpu.memory_space<vmem_shared>>) target(%dma_start3A_460 : memref<1056x16xf32, #tpu.memory_space<hbm>>) target_semaphore(%run_scoped3A : memref<!tpu.dma_semaphore, #tpu.memory_space<semaphore_mem>>)
      %dma_wait3A = arith.constant 0 : i32
      %dma_wait3A_463 = tpu.memref_slice %arg4[%add3A_307, %dma_wait3A] : memref<101376x16xf32, #tpu.memory_space<hbm>> -> memref<1056x16xf32, #tpu.memory_space<hbm>>
      %dma_wait3A_464 = arith.constant 0 : i32
      %dma_wait3A_465 = tpu.memref_slice %arg9[%mul3A_304, %dma_wait3A_464] : memref<17024x16xf32, #tpu.memory_space<vmem_shared>> -> memref<1056x16xf32, #tpu.memory_space<vmem_shared>>
      tpu.wait_dma2 semaphore(%run_scoped3A : memref<!tpu.dma_semaphore, #tpu.memory_space<semaphore_mem>>) src(%dma_wait3A_465 : memref<1056x16xf32, #tpu.memory_space<vmem_shared>>) dst(%dma_wait3A_463 : memref<1056x16xf32, #tpu.memory_space<hbm>>)
      tpu.yield
    }) : () -> ()
    %mul3A_308 = arith.constant 3 : i32
    %mul3A_309 = arith.muli %arg0, %mul3A_308 : i32
    %add3A_310 = arith.constant 2 : i32
    %add3A_311 = arith.addi %mul3A_309, %add3A_310 : i32
    %mul3A_312 = arith.constant 16896 : i32
    %mul3A_313 = arith.muli %add3A_311, %mul3A_312 : i32
    %mul3A_314 = arith.constant 1056 : i32
    %mul3A_315 = arith.muli %arg1, %mul3A_314 : i32
    %add3A_316 = arith.constant 0 : i32
    %add3A_317 = arith.addi %mul3A_315, %add3A_316 : i32
    "tpu.region"() ({
      %run_scoped3A = tpu.sem_alloc : memref<!tpu.dma_semaphore, #tpu.memory_space<semaphore_mem>>
      %dma_start3A = arith.constant 0 : i32
      %dma_start3A_460 = tpu.memref_slice %arg9[%add3A_317, %dma_start3A] : memref<17024x16xf32, #tpu.memory_space<vmem_shared>> -> memref<66x16xf32, #tpu.memory_space<vmem_shared>>
      %dma_start3A_461 = arith.constant 0 : i32
      %dma_start3A_462 = tpu.memref_slice %arg9[%add3A_317, %dma_start3A_461] : memref<17024x16xf32, #tpu.memory_space<vmem_shared>> -> memref<66x16xf32, #tpu.memory_space<vmem_shared>>
      tpu.enqueue_dma source(%arg8 : memref<66x16xf32, #tpu.memory_space<vmem>>) target(%dma_start3A_462 : memref<66x16xf32, #tpu.memory_space<vmem_shared>>) target_semaphore(%run_scoped3A : memref<!tpu.dma_semaphore, #tpu.memory_space<semaphore_mem>>)
      %dma_wait3A = arith.constant 0 : i32
      %dma_wait3A_463 = tpu.memref_slice %arg9[%add3A_317, %dma_wait3A] : memref<17024x16xf32, #tpu.memory_space<vmem_shared>> -> memref<66x16xf32, #tpu.memory_space<vmem_shared>>
      %dma_wait3A_464 = arith.constant 0 : i32
      %dma_wait3A_465 = tpu.memref_slice %arg9[%add3A_317, %dma_wait3A_464] : memref<17024x16xf32, #tpu.memory_space<vmem_shared>> -> memref<66x16xf32, #tpu.memory_space<vmem_shared>>
      tpu.wait_dma2 semaphore(%run_scoped3A : memref<!tpu.dma_semaphore, #tpu.memory_space<semaphore_mem>>) src(%arg8 : memref<66x16xf32, #tpu.memory_space<vmem>>) dst(%dma_wait3A_465 : memref<66x16xf32, #tpu.memory_space<vmem_shared>>)
      tpu.yield
    }) : () -> ()
    %mul3A_318 = arith.constant 1056 : i32
    %mul3A_319 = arith.muli %arg1, %mul3A_318 : i32
    %add3A_320 = arith.constant 66 : i32
    %add3A_321 = arith.addi %mul3A_319, %add3A_320 : i32
    "tpu.region"() ({
      %run_scoped3A = tpu.sem_alloc : memref<!tpu.dma_semaphore, #tpu.memory_space<semaphore_mem>>
      %dma_start3A = arith.constant 0 : i32
      %dma_start3A_460 = tpu.memref_slice %arg9[%add3A_321, %dma_start3A] : memref<17024x16xf32, #tpu.memory_space<vmem_shared>> -> memref<66x16xf32, #tpu.memory_space<vmem_shared>>
      %dma_start3A_461 = arith.constant 0 : i32
      %dma_start3A_462 = tpu.memref_slice %arg9[%add3A_321, %dma_start3A_461] : memref<17024x16xf32, #tpu.memory_space<vmem_shared>> -> memref<66x16xf32, #tpu.memory_space<vmem_shared>>
      tpu.enqueue_dma source(%arg8 : memref<66x16xf32, #tpu.memory_space<vmem>>) target(%dma_start3A_462 : memref<66x16xf32, #tpu.memory_space<vmem_shared>>) target_semaphore(%run_scoped3A : memref<!tpu.dma_semaphore, #tpu.memory_space<semaphore_mem>>)
      %dma_wait3A = arith.constant 0 : i32
      %dma_wait3A_463 = tpu.memref_slice %arg9[%add3A_321, %dma_wait3A] : memref<17024x16xf32, #tpu.memory_space<vmem_shared>> -> memref<66x16xf32, #tpu.memory_space<vmem_shared>>
      %dma_wait3A_464 = arith.constant 0 : i32
      %dma_wait3A_465 = tpu.memref_slice %arg9[%add3A_321, %dma_wait3A_464] : memref<17024x16xf32, #tpu.memory_space<vmem_shared>> -> memref<66x16xf32, #tpu.memory_space<vmem_shared>>
      tpu.wait_dma2 semaphore(%run_scoped3A : memref<!tpu.dma_semaphore, #tpu.memory_space<semaphore_mem>>) src(%arg8 : memref<66x16xf32, #tpu.memory_space<vmem>>) dst(%dma_wait3A_465 : memref<66x16xf32, #tpu.memory_space<vmem_shared>>)
      tpu.yield
    }) : () -> ()
    %mul3A_322 = arith.constant 1056 : i32
    %mul3A_323 = arith.muli %arg1, %mul3A_322 : i32
    %add3A_324 = arith.constant 132 : i32
    %add3A_325 = arith.addi %mul3A_323, %add3A_324 : i32
    "tpu.region"() ({
      %run_scoped3A = tpu.sem_alloc : memref<!tpu.dma_semaphore, #tpu.memory_space<semaphore_mem>>
      %dma_start3A = arith.constant 0 : i32
      %dma_start3A_460 = tpu.memref_slice %arg9[%add3A_325, %dma_start3A] : memref<17024x16xf32, #tpu.memory_space<vmem_shared>> -> memref<66x16xf32, #tpu.memory_space<vmem_shared>>
      %dma_start3A_461 = arith.constant 0 : i32
      %dma_start3A_462 = tpu.memref_slice %arg9[%add3A_325, %dma_start3A_461] : memref<17024x16xf32, #tpu.memory_space<vmem_shared>> -> memref<66x16xf32, #tpu.memory_space<vmem_shared>>
      tpu.enqueue_dma source(%arg8 : memref<66x16xf32, #tpu.memory_space<vmem>>) target(%dma_start3A_462 : memref<66x16xf32, #tpu.memory_space<vmem_shared>>) target_semaphore(%run_scoped3A : memref<!tpu.dma_semaphore, #tpu.memory_space<semaphore_mem>>)
      %dma_wait3A = arith.constant 0 : i32
      %dma_wait3A_463 = tpu.memref_slice %arg9[%add3A_325, %dma_wait3A] : memref<17024x16xf32, #tpu.memory_space<vmem_shared>> -> memref<66x16xf32, #tpu.memory_space<vmem_shared>>
      %dma_wait3A_464 = arith.constant 0 : i32
      %dma_wait3A_465 = tpu.memref_slice %arg9[%add3A_325, %dma_wait3A_464] : memref<17024x16xf32, #tpu.memory_space<vmem_shared>> -> memref<66x16xf32, #tpu.memory_space<vmem_shared>>
      tpu.wait_dma2 semaphore(%run_scoped3A : memref<!tpu.dma_semaphore, #tpu.memory_space<semaphore_mem>>) src(%arg8 : memref<66x16xf32, #tpu.memory_space<vmem>>) dst(%dma_wait3A_465 : memref<66x16xf32, #tpu.memory_space<vmem_shared>>)
      tpu.yield
    }) : () -> ()
    %mul3A_326 = arith.constant 1056 : i32
    %mul3A_327 = arith.muli %arg1, %mul3A_326 : i32
    %add3A_328 = arith.constant 198 : i32
    %add3A_329 = arith.addi %mul3A_327, %add3A_328 : i32
    "tpu.region"() ({
      %run_scoped3A = tpu.sem_alloc : memref<!tpu.dma_semaphore, #tpu.memory_space<semaphore_mem>>
      %dma_start3A = arith.constant 0 : i32
      %dma_start3A_460 = tpu.memref_slice %arg9[%add3A_329, %dma_start3A] : memref<17024x16xf32, #tpu.memory_space<vmem_shared>> -> memref<66x16xf32, #tpu.memory_space<vmem_shared>>
      %dma_start3A_461 = arith.constant 0 : i32
      %dma_start3A_462 = tpu.memref_slice %arg9[%add3A_329, %dma_start3A_461] : memref<17024x16xf32, #tpu.memory_space<vmem_shared>> -> memref<66x16xf32, #tpu.memory_space<vmem_shared>>
      tpu.enqueue_dma source(%arg8 : memref<66x16xf32, #tpu.memory_space<vmem>>) target(%dma_start3A_462 : memref<66x16xf32, #tpu.memory_space<vmem_shared>>) target_semaphore(%run_scoped3A : memref<!tpu.dma_semaphore, #tpu.memory_space<semaphore_mem>>)
      %dma_wait3A = arith.constant 0 : i32
      %dma_wait3A_463 = tpu.memref_slice %arg9[%add3A_329, %dma_wait3A] : memref<17024x16xf32, #tpu.memory_space<vmem_shared>> -> memref<66x16xf32, #tpu.memory_space<vmem_shared>>
      %dma_wait3A_464 = arith.constant 0 : i32
      %dma_wait3A_465 = tpu.memref_slice %arg9[%add3A_329, %dma_wait3A_464] : memref<17024x16xf32, #tpu.memory_space<vmem_shared>> -> memref<66x16xf32, #tpu.memory_space<vmem_shared>>
      tpu.wait_dma2 semaphore(%run_scoped3A : memref<!tpu.dma_semaphore, #tpu.memory_space<semaphore_mem>>) src(%arg8 : memref<66x16xf32, #tpu.memory_space<vmem>>) dst(%dma_wait3A_465 : memref<66x16xf32, #tpu.memory_space<vmem_shared>>)
      tpu.yield
    }) : () -> ()
    %mul3A_330 = arith.constant 1056 : i32
    %mul3A_331 = arith.muli %arg1, %mul3A_330 : i32
    %add3A_332 = arith.constant 264 : i32
    %add3A_333 = arith.addi %mul3A_331, %add3A_332 : i32
    "tpu.region"() ({
      %run_scoped3A = tpu.sem_alloc : memref<!tpu.dma_semaphore, #tpu.memory_space<semaphore_mem>>
      %dma_start3A = arith.constant 0 : i32
      %dma_start3A_460 = tpu.memref_slice %arg9[%add3A_333, %dma_start3A] : memref<17024x16xf32, #tpu.memory_space<vmem_shared>> -> memref<66x16xf32, #tpu.memory_space<vmem_shared>>
      %dma_start3A_461 = arith.constant 0 : i32
      %dma_start3A_462 = tpu.memref_slice %arg9[%add3A_333, %dma_start3A_461] : memref<17024x16xf32, #tpu.memory_space<vmem_shared>> -> memref<66x16xf32, #tpu.memory_space<vmem_shared>>
      tpu.enqueue_dma source(%arg8 : memref<66x16xf32, #tpu.memory_space<vmem>>) target(%dma_start3A_462 : memref<66x16xf32, #tpu.memory_space<vmem_shared>>) target_semaphore(%run_scoped3A : memref<!tpu.dma_semaphore, #tpu.memory_space<semaphore_mem>>)
      %dma_wait3A = arith.constant 0 : i32
      %dma_wait3A_463 = tpu.memref_slice %arg9[%add3A_333, %dma_wait3A] : memref<17024x16xf32, #tpu.memory_space<vmem_shared>> -> memref<66x16xf32, #tpu.memory_space<vmem_shared>>
      %dma_wait3A_464 = arith.constant 0 : i32
      %dma_wait3A_465 = tpu.memref_slice %arg9[%add3A_333, %dma_wait3A_464] : memref<17024x16xf32, #tpu.memory_space<vmem_shared>> -> memref<66x16xf32, #tpu.memory_space<vmem_shared>>
      tpu.wait_dma2 semaphore(%run_scoped3A : memref<!tpu.dma_semaphore, #tpu.memory_space<semaphore_mem>>) src(%arg8 : memref<66x16xf32, #tpu.memory_space<vmem>>) dst(%dma_wait3A_465 : memref<66x16xf32, #tpu.memory_space<vmem_shared>>)
      tpu.yield
    }) : () -> ()
    %mul3A_334 = arith.constant 1056 : i32
    %mul3A_335 = arith.muli %arg1, %mul3A_334 : i32
    %add3A_336 = arith.constant 330 : i32
    %add3A_337 = arith.addi %mul3A_335, %add3A_336 : i32
    "tpu.region"() ({
      %run_scoped3A = tpu.sem_alloc : memref<!tpu.dma_semaphore, #tpu.memory_space<semaphore_mem>>
      %dma_start3A = arith.constant 0 : i32
      %dma_start3A_460 = tpu.memref_slice %arg9[%add3A_337, %dma_start3A] : memref<17024x16xf32, #tpu.memory_space<vmem_shared>> -> memref<66x16xf32, #tpu.memory_space<vmem_shared>>
      %dma_start3A_461 = arith.constant 0 : i32
      %dma_start3A_462 = tpu.memref_slice %arg9[%add3A_337, %dma_start3A_461] : memref<17024x16xf32, #tpu.memory_space<vmem_shared>> -> memref<66x16xf32, #tpu.memory_space<vmem_shared>>
      tpu.enqueue_dma source(%arg8 : memref<66x16xf32, #tpu.memory_space<vmem>>) target(%dma_start3A_462 : memref<66x16xf32, #tpu.memory_space<vmem_shared>>) target_semaphore(%run_scoped3A : memref<!tpu.dma_semaphore, #tpu.memory_space<semaphore_mem>>)
      %dma_wait3A = arith.constant 0 : i32
      %dma_wait3A_463 = tpu.memref_slice %arg9[%add3A_337, %dma_wait3A] : memref<17024x16xf32, #tpu.memory_space<vmem_shared>> -> memref<66x16xf32, #tpu.memory_space<vmem_shared>>
      %dma_wait3A_464 = arith.constant 0 : i32
      %dma_wait3A_465 = tpu.memref_slice %arg9[%add3A_337, %dma_wait3A_464] : memref<17024x16xf32, #tpu.memory_space<vmem_shared>> -> memref<66x16xf32, #tpu.memory_space<vmem_shared>>
      tpu.wait_dma2 semaphore(%run_scoped3A : memref<!tpu.dma_semaphore, #tpu.memory_space<semaphore_mem>>) src(%arg8 : memref<66x16xf32, #tpu.memory_space<vmem>>) dst(%dma_wait3A_465 : memref<66x16xf32, #tpu.memory_space<vmem_shared>>)
      tpu.yield
    }) : () -> ()
    %mul3A_338 = arith.constant 1056 : i32
    %mul3A_339 = arith.muli %arg1, %mul3A_338 : i32
    %add3A_340 = arith.constant 396 : i32
    %add3A_341 = arith.addi %mul3A_339, %add3A_340 : i32
    "tpu.region"() ({
      %run_scoped3A = tpu.sem_alloc : memref<!tpu.dma_semaphore, #tpu.memory_space<semaphore_mem>>
      %dma_start3A = arith.constant 0 : i32
      %dma_start3A_460 = tpu.memref_slice %arg9[%add3A_341, %dma_start3A] : memref<17024x16xf32, #tpu.memory_space<vmem_shared>> -> memref<66x16xf32, #tpu.memory_space<vmem_shared>>
      %dma_start3A_461 = arith.constant 0 : i32
      %dma_start3A_462 = tpu.memref_slice %arg9[%add3A_341, %dma_start3A_461] : memref<17024x16xf32, #tpu.memory_space<vmem_shared>> -> memref<66x16xf32, #tpu.memory_space<vmem_shared>>
      tpu.enqueue_dma source(%arg8 : memref<66x16xf32, #tpu.memory_space<vmem>>) target(%dma_start3A_462 : memref<66x16xf32, #tpu.memory_space<vmem_shared>>) target_semaphore(%run_scoped3A : memref<!tpu.dma_semaphore, #tpu.memory_space<semaphore_mem>>)
      %dma_wait3A = arith.constant 0 : i32
      %dma_wait3A_463 = tpu.memref_slice %arg9[%add3A_341, %dma_wait3A] : memref<17024x16xf32, #tpu.memory_space<vmem_shared>> -> memref<66x16xf32, #tpu.memory_space<vmem_shared>>
      %dma_wait3A_464 = arith.constant 0 : i32
      %dma_wait3A_465 = tpu.memref_slice %arg9[%add3A_341, %dma_wait3A_464] : memref<17024x16xf32, #tpu.memory_space<vmem_shared>> -> memref<66x16xf32, #tpu.memory_space<vmem_shared>>
      tpu.wait_dma2 semaphore(%run_scoped3A : memref<!tpu.dma_semaphore, #tpu.memory_space<semaphore_mem>>) src(%arg8 : memref<66x16xf32, #tpu.memory_space<vmem>>) dst(%dma_wait3A_465 : memref<66x16xf32, #tpu.memory_space<vmem_shared>>)
      tpu.yield
    }) : () -> ()
    %mul3A_342 = arith.constant 1056 : i32
    %mul3A_343 = arith.muli %arg1, %mul3A_342 : i32
    %add3A_344 = arith.constant 462 : i32
    %add3A_345 = arith.addi %mul3A_343, %add3A_344 : i32
    "tpu.region"() ({
      %run_scoped3A = tpu.sem_alloc : memref<!tpu.dma_semaphore, #tpu.memory_space<semaphore_mem>>
      %dma_start3A = arith.constant 0 : i32
      %dma_start3A_460 = tpu.memref_slice %arg9[%add3A_345, %dma_start3A] : memref<17024x16xf32, #tpu.memory_space<vmem_shared>> -> memref<66x16xf32, #tpu.memory_space<vmem_shared>>
      %dma_start3A_461 = arith.constant 0 : i32
      %dma_start3A_462 = tpu.memref_slice %arg9[%add3A_345, %dma_start3A_461] : memref<17024x16xf32, #tpu.memory_space<vmem_shared>> -> memref<66x16xf32, #tpu.memory_space<vmem_shared>>
      tpu.enqueue_dma source(%arg8 : memref<66x16xf32, #tpu.memory_space<vmem>>) target(%dma_start3A_462 : memref<66x16xf32, #tpu.memory_space<vmem_shared>>) target_semaphore(%run_scoped3A : memref<!tpu.dma_semaphore, #tpu.memory_space<semaphore_mem>>)
      %dma_wait3A = arith.constant 0 : i32
      %dma_wait3A_463 = tpu.memref_slice %arg9[%add3A_345, %dma_wait3A] : memref<17024x16xf32, #tpu.memory_space<vmem_shared>> -> memref<66x16xf32, #tpu.memory_space<vmem_shared>>
      %dma_wait3A_464 = arith.constant 0 : i32
      %dma_wait3A_465 = tpu.memref_slice %arg9[%add3A_345, %dma_wait3A_464] : memref<17024x16xf32, #tpu.memory_space<vmem_shared>> -> memref<66x16xf32, #tpu.memory_space<vmem_shared>>
      tpu.wait_dma2 semaphore(%run_scoped3A : memref<!tpu.dma_semaphore, #tpu.memory_space<semaphore_mem>>) src(%arg8 : memref<66x16xf32, #tpu.memory_space<vmem>>) dst(%dma_wait3A_465 : memref<66x16xf32, #tpu.memory_space<vmem_shared>>)
      tpu.yield
    }) : () -> ()
    %mul3A_346 = arith.constant 1056 : i32
    %mul3A_347 = arith.muli %arg1, %mul3A_346 : i32
    %add3A_348 = arith.constant 528 : i32
    %add3A_349 = arith.addi %mul3A_347, %add3A_348 : i32
    "tpu.region"() ({
      %run_scoped3A = tpu.sem_alloc : memref<!tpu.dma_semaphore, #tpu.memory_space<semaphore_mem>>
      %dma_start3A = arith.constant 0 : i32
      %dma_start3A_460 = tpu.memref_slice %arg9[%add3A_349, %dma_start3A] : memref<17024x16xf32, #tpu.memory_space<vmem_shared>> -> memref<66x16xf32, #tpu.memory_space<vmem_shared>>
      %dma_start3A_461 = arith.constant 0 : i32
      %dma_start3A_462 = tpu.memref_slice %arg9[%add3A_349, %dma_start3A_461] : memref<17024x16xf32, #tpu.memory_space<vmem_shared>> -> memref<66x16xf32, #tpu.memory_space<vmem_shared>>
      tpu.enqueue_dma source(%arg8 : memref<66x16xf32, #tpu.memory_space<vmem>>) target(%dma_start3A_462 : memref<66x16xf32, #tpu.memory_space<vmem_shared>>) target_semaphore(%run_scoped3A : memref<!tpu.dma_semaphore, #tpu.memory_space<semaphore_mem>>)
      %dma_wait3A = arith.constant 0 : i32
      %dma_wait3A_463 = tpu.memref_slice %arg9[%add3A_349, %dma_wait3A] : memref<17024x16xf32, #tpu.memory_space<vmem_shared>> -> memref<66x16xf32, #tpu.memory_space<vmem_shared>>
      %dma_wait3A_464 = arith.constant 0 : i32
      %dma_wait3A_465 = tpu.memref_slice %arg9[%add3A_349, %dma_wait3A_464] : memref<17024x16xf32, #tpu.memory_space<vmem_shared>> -> memref<66x16xf32, #tpu.memory_space<vmem_shared>>
      tpu.wait_dma2 semaphore(%run_scoped3A : memref<!tpu.dma_semaphore, #tpu.memory_space<semaphore_mem>>) src(%arg8 : memref<66x16xf32, #tpu.memory_space<vmem>>) dst(%dma_wait3A_465 : memref<66x16xf32, #tpu.memory_space<vmem_shared>>)
      tpu.yield
    }) : () -> ()
    %mul3A_350 = arith.constant 1056 : i32
    %mul3A_351 = arith.muli %arg1, %mul3A_350 : i32
    %add3A_352 = arith.constant 594 : i32
    %add3A_353 = arith.addi %mul3A_351, %add3A_352 : i32
    "tpu.region"() ({
      %run_scoped3A = tpu.sem_alloc : memref<!tpu.dma_semaphore, #tpu.memory_space<semaphore_mem>>
      %dma_start3A = arith.constant 0 : i32
      %dma_start3A_460 = tpu.memref_slice %arg9[%add3A_353, %dma_start3A] : memref<17024x16xf32, #tpu.memory_space<vmem_shared>> -> memref<66x16xf32, #tpu.memory_space<vmem_shared>>
      %dma_start3A_461 = arith.constant 0 : i32
      %dma_start3A_462 = tpu.memref_slice %arg9[%add3A_353, %dma_start3A_461] : memref<17024x16xf32, #tpu.memory_space<vmem_shared>> -> memref<66x16xf32, #tpu.memory_space<vmem_shared>>
      tpu.enqueue_dma source(%arg8 : memref<66x16xf32, #tpu.memory_space<vmem>>) target(%dma_start3A_462 : memref<66x16xf32, #tpu.memory_space<vmem_shared>>) target_semaphore(%run_scoped3A : memref<!tpu.dma_semaphore, #tpu.memory_space<semaphore_mem>>)
      %dma_wait3A = arith.constant 0 : i32
      %dma_wait3A_463 = tpu.memref_slice %arg9[%add3A_353, %dma_wait3A] : memref<17024x16xf32, #tpu.memory_space<vmem_shared>> -> memref<66x16xf32, #tpu.memory_space<vmem_shared>>
      %dma_wait3A_464 = arith.constant 0 : i32
      %dma_wait3A_465 = tpu.memref_slice %arg9[%add3A_353, %dma_wait3A_464] : memref<17024x16xf32, #tpu.memory_space<vmem_shared>> -> memref<66x16xf32, #tpu.memory_space<vmem_shared>>
      tpu.wait_dma2 semaphore(%run_scoped3A : memref<!tpu.dma_semaphore, #tpu.memory_space<semaphore_mem>>) src(%arg8 : memref<66x16xf32, #tpu.memory_space<vmem>>) dst(%dma_wait3A_465 : memref<66x16xf32, #tpu.memory_space<vmem_shared>>)
      tpu.yield
    }) : () -> ()
    %mul3A_354 = arith.constant 1056 : i32
    %mul3A_355 = arith.muli %arg1, %mul3A_354 : i32
    %add3A_356 = arith.constant 660 : i32
    %add3A_357 = arith.addi %mul3A_355, %add3A_356 : i32
    "tpu.region"() ({
      %run_scoped3A = tpu.sem_alloc : memref<!tpu.dma_semaphore, #tpu.memory_space<semaphore_mem>>
      %dma_start3A = arith.constant 0 : i32
      %dma_start3A_460 = tpu.memref_slice %arg9[%add3A_357, %dma_start3A] : memref<17024x16xf32, #tpu.memory_space<vmem_shared>> -> memref<66x16xf32, #tpu.memory_space<vmem_shared>>
      %dma_start3A_461 = arith.constant 0 : i32
      %dma_start3A_462 = tpu.memref_slice %arg9[%add3A_357, %dma_start3A_461] : memref<17024x16xf32, #tpu.memory_space<vmem_shared>> -> memref<66x16xf32, #tpu.memory_space<vmem_shared>>
      tpu.enqueue_dma source(%arg8 : memref<66x16xf32, #tpu.memory_space<vmem>>) target(%dma_start3A_462 : memref<66x16xf32, #tpu.memory_space<vmem_shared>>) target_semaphore(%run_scoped3A : memref<!tpu.dma_semaphore, #tpu.memory_space<semaphore_mem>>)
      %dma_wait3A = arith.constant 0 : i32
      %dma_wait3A_463 = tpu.memref_slice %arg9[%add3A_357, %dma_wait3A] : memref<17024x16xf32, #tpu.memory_space<vmem_shared>> -> memref<66x16xf32, #tpu.memory_space<vmem_shared>>
      %dma_wait3A_464 = arith.constant 0 : i32
      %dma_wait3A_465 = tpu.memref_slice %arg9[%add3A_357, %dma_wait3A_464] : memref<17024x16xf32, #tpu.memory_space<vmem_shared>> -> memref<66x16xf32, #tpu.memory_space<vmem_shared>>
      tpu.wait_dma2 semaphore(%run_scoped3A : memref<!tpu.dma_semaphore, #tpu.memory_space<semaphore_mem>>) src(%arg8 : memref<66x16xf32, #tpu.memory_space<vmem>>) dst(%dma_wait3A_465 : memref<66x16xf32, #tpu.memory_space<vmem_shared>>)
      tpu.yield
    }) : () -> ()
    %mul3A_358 = arith.constant 1056 : i32
    %mul3A_359 = arith.muli %arg1, %mul3A_358 : i32
    %add3A_360 = arith.constant 726 : i32
    %add3A_361 = arith.addi %mul3A_359, %add3A_360 : i32
    "tpu.region"() ({
      %run_scoped3A = tpu.sem_alloc : memref<!tpu.dma_semaphore, #tpu.memory_space<semaphore_mem>>
      %dma_start3A = arith.constant 0 : i32
      %dma_start3A_460 = tpu.memref_slice %arg9[%add3A_361, %dma_start3A] : memref<17024x16xf32, #tpu.memory_space<vmem_shared>> -> memref<66x16xf32, #tpu.memory_space<vmem_shared>>
      %dma_start3A_461 = arith.constant 0 : i32
      %dma_start3A_462 = tpu.memref_slice %arg9[%add3A_361, %dma_start3A_461] : memref<17024x16xf32, #tpu.memory_space<vmem_shared>> -> memref<66x16xf32, #tpu.memory_space<vmem_shared>>
      tpu.enqueue_dma source(%arg8 : memref<66x16xf32, #tpu.memory_space<vmem>>) target(%dma_start3A_462 : memref<66x16xf32, #tpu.memory_space<vmem_shared>>) target_semaphore(%run_scoped3A : memref<!tpu.dma_semaphore, #tpu.memory_space<semaphore_mem>>)
      %dma_wait3A = arith.constant 0 : i32
      %dma_wait3A_463 = tpu.memref_slice %arg9[%add3A_361, %dma_wait3A] : memref<17024x16xf32, #tpu.memory_space<vmem_shared>> -> memref<66x16xf32, #tpu.memory_space<vmem_shared>>
      %dma_wait3A_464 = arith.constant 0 : i32
      %dma_wait3A_465 = tpu.memref_slice %arg9[%add3A_361, %dma_wait3A_464] : memref<17024x16xf32, #tpu.memory_space<vmem_shared>> -> memref<66x16xf32, #tpu.memory_space<vmem_shared>>
      tpu.wait_dma2 semaphore(%run_scoped3A : memref<!tpu.dma_semaphore, #tpu.memory_space<semaphore_mem>>) src(%arg8 : memref<66x16xf32, #tpu.memory_space<vmem>>) dst(%dma_wait3A_465 : memref<66x16xf32, #tpu.memory_space<vmem_shared>>)
      tpu.yield
    }) : () -> ()
    %mul3A_362 = arith.constant 1056 : i32
    %mul3A_363 = arith.muli %arg1, %mul3A_362 : i32
    %add3A_364 = arith.constant 792 : i32
    %add3A_365 = arith.addi %mul3A_363, %add3A_364 : i32
    "tpu.region"() ({
      %run_scoped3A = tpu.sem_alloc : memref<!tpu.dma_semaphore, #tpu.memory_space<semaphore_mem>>
      %dma_start3A = arith.constant 0 : i32
      %dma_start3A_460 = tpu.memref_slice %arg9[%add3A_365, %dma_start3A] : memref<17024x16xf32, #tpu.memory_space<vmem_shared>> -> memref<66x16xf32, #tpu.memory_space<vmem_shared>>
      %dma_start3A_461 = arith.constant 0 : i32
      %dma_start3A_462 = tpu.memref_slice %arg9[%add3A_365, %dma_start3A_461] : memref<17024x16xf32, #tpu.memory_space<vmem_shared>> -> memref<66x16xf32, #tpu.memory_space<vmem_shared>>
      tpu.enqueue_dma source(%arg8 : memref<66x16xf32, #tpu.memory_space<vmem>>) target(%dma_start3A_462 : memref<66x16xf32, #tpu.memory_space<vmem_shared>>) target_semaphore(%run_scoped3A : memref<!tpu.dma_semaphore, #tpu.memory_space<semaphore_mem>>)
      %dma_wait3A = arith.constant 0 : i32
      %dma_wait3A_463 = tpu.memref_slice %arg9[%add3A_365, %dma_wait3A] : memref<17024x16xf32, #tpu.memory_space<vmem_shared>> -> memref<66x16xf32, #tpu.memory_space<vmem_shared>>
      %dma_wait3A_464 = arith.constant 0 : i32
      %dma_wait3A_465 = tpu.memref_slice %arg9[%add3A_365, %dma_wait3A_464] : memref<17024x16xf32, #tpu.memory_space<vmem_shared>> -> memref<66x16xf32, #tpu.memory_space<vmem_shared>>
      tpu.wait_dma2 semaphore(%run_scoped3A : memref<!tpu.dma_semaphore, #tpu.memory_space<semaphore_mem>>) src(%arg8 : memref<66x16xf32, #tpu.memory_space<vmem>>) dst(%dma_wait3A_465 : memref<66x16xf32, #tpu.memory_space<vmem_shared>>)
      tpu.yield
    }) : () -> ()
    %mul3A_366 = arith.constant 1056 : i32
    %mul3A_367 = arith.muli %arg1, %mul3A_366 : i32
    %add3A_368 = arith.constant 858 : i32
    %add3A_369 = arith.addi %mul3A_367, %add3A_368 : i32
    "tpu.region"() ({
      %run_scoped3A = tpu.sem_alloc : memref<!tpu.dma_semaphore, #tpu.memory_space<semaphore_mem>>
      %dma_start3A = arith.constant 0 : i32
      %dma_start3A_460 = tpu.memref_slice %arg9[%add3A_369, %dma_start3A] : memref<17024x16xf32, #tpu.memory_space<vmem_shared>> -> memref<66x16xf32, #tpu.memory_space<vmem_shared>>
      %dma_start3A_461 = arith.constant 0 : i32
      %dma_start3A_462 = tpu.memref_slice %arg9[%add3A_369, %dma_start3A_461] : memref<17024x16xf32, #tpu.memory_space<vmem_shared>> -> memref<66x16xf32, #tpu.memory_space<vmem_shared>>
      tpu.enqueue_dma source(%arg8 : memref<66x16xf32, #tpu.memory_space<vmem>>) target(%dma_start3A_462 : memref<66x16xf32, #tpu.memory_space<vmem_shared>>) target_semaphore(%run_scoped3A : memref<!tpu.dma_semaphore, #tpu.memory_space<semaphore_mem>>)
      %dma_wait3A = arith.constant 0 : i32
      %dma_wait3A_463 = tpu.memref_slice %arg9[%add3A_369, %dma_wait3A] : memref<17024x16xf32, #tpu.memory_space<vmem_shared>> -> memref<66x16xf32, #tpu.memory_space<vmem_shared>>
      %dma_wait3A_464 = arith.constant 0 : i32
      %dma_wait3A_465 = tpu.memref_slice %arg9[%add3A_369, %dma_wait3A_464] : memref<17024x16xf32, #tpu.memory_space<vmem_shared>> -> memref<66x16xf32, #tpu.memory_space<vmem_shared>>
      tpu.wait_dma2 semaphore(%run_scoped3A : memref<!tpu.dma_semaphore, #tpu.memory_space<semaphore_mem>>) src(%arg8 : memref<66x16xf32, #tpu.memory_space<vmem>>) dst(%dma_wait3A_465 : memref<66x16xf32, #tpu.memory_space<vmem_shared>>)
      tpu.yield
    }) : () -> ()
    %mul3A_370 = arith.constant 1056 : i32
    %mul3A_371 = arith.muli %arg1, %mul3A_370 : i32
    %add3A_372 = arith.constant 924 : i32
    %add3A_373 = arith.addi %mul3A_371, %add3A_372 : i32
    "tpu.region"() ({
      %run_scoped3A = tpu.sem_alloc : memref<!tpu.dma_semaphore, #tpu.memory_space<semaphore_mem>>
      %dma_start3A = arith.constant 0 : i32
      %dma_start3A_460 = tpu.memref_slice %arg9[%add3A_373, %dma_start3A] : memref<17024x16xf32, #tpu.memory_space<vmem_shared>> -> memref<66x16xf32, #tpu.memory_space<vmem_shared>>
      %dma_start3A_461 = arith.constant 0 : i32
      %dma_start3A_462 = tpu.memref_slice %arg9[%add3A_373, %dma_start3A_461] : memref<17024x16xf32, #tpu.memory_space<vmem_shared>> -> memref<66x16xf32, #tpu.memory_space<vmem_shared>>
      tpu.enqueue_dma source(%arg8 : memref<66x16xf32, #tpu.memory_space<vmem>>) target(%dma_start3A_462 : memref<66x16xf32, #tpu.memory_space<vmem_shared>>) target_semaphore(%run_scoped3A : memref<!tpu.dma_semaphore, #tpu.memory_space<semaphore_mem>>)
      %dma_wait3A = arith.constant 0 : i32
      %dma_wait3A_463 = tpu.memref_slice %arg9[%add3A_373, %dma_wait3A] : memref<17024x16xf32, #tpu.memory_space<vmem_shared>> -> memref<66x16xf32, #tpu.memory_space<vmem_shared>>
      %dma_wait3A_464 = arith.constant 0 : i32
      %dma_wait3A_465 = tpu.memref_slice %arg9[%add3A_373, %dma_wait3A_464] : memref<17024x16xf32, #tpu.memory_space<vmem_shared>> -> memref<66x16xf32, #tpu.memory_space<vmem_shared>>
      tpu.wait_dma2 semaphore(%run_scoped3A : memref<!tpu.dma_semaphore, #tpu.memory_space<semaphore_mem>>) src(%arg8 : memref<66x16xf32, #tpu.memory_space<vmem>>) dst(%dma_wait3A_465 : memref<66x16xf32, #tpu.memory_space<vmem_shared>>)
      tpu.yield
    }) : () -> ()
    %mul3A_374 = arith.constant 1056 : i32
    %mul3A_375 = arith.muli %arg1, %mul3A_374 : i32
    %add3A_376 = arith.constant 990 : i32
    %add3A_377 = arith.addi %mul3A_375, %add3A_376 : i32
    "tpu.region"() ({
      %run_scoped3A = tpu.sem_alloc : memref<!tpu.dma_semaphore, #tpu.memory_space<semaphore_mem>>
      %dma_start3A = arith.constant 0 : i32
      %dma_start3A_460 = tpu.memref_slice %arg9[%add3A_377, %dma_start3A] : memref<17024x16xf32, #tpu.memory_space<vmem_shared>> -> memref<66x16xf32, #tpu.memory_space<vmem_shared>>
      %dma_start3A_461 = arith.constant 0 : i32
      %dma_start3A_462 = tpu.memref_slice %arg9[%add3A_377, %dma_start3A_461] : memref<17024x16xf32, #tpu.memory_space<vmem_shared>> -> memref<66x16xf32, #tpu.memory_space<vmem_shared>>
      tpu.enqueue_dma source(%arg8 : memref<66x16xf32, #tpu.memory_space<vmem>>) target(%dma_start3A_462 : memref<66x16xf32, #tpu.memory_space<vmem_shared>>) target_semaphore(%run_scoped3A : memref<!tpu.dma_semaphore, #tpu.memory_space<semaphore_mem>>)
      %dma_wait3A = arith.constant 0 : i32
      %dma_wait3A_463 = tpu.memref_slice %arg9[%add3A_377, %dma_wait3A] : memref<17024x16xf32, #tpu.memory_space<vmem_shared>> -> memref<66x16xf32, #tpu.memory_space<vmem_shared>>
      %dma_wait3A_464 = arith.constant 0 : i32
      %dma_wait3A_465 = tpu.memref_slice %arg9[%add3A_377, %dma_wait3A_464] : memref<17024x16xf32, #tpu.memory_space<vmem_shared>> -> memref<66x16xf32, #tpu.memory_space<vmem_shared>>
      tpu.wait_dma2 semaphore(%run_scoped3A : memref<!tpu.dma_semaphore, #tpu.memory_space<semaphore_mem>>) src(%arg8 : memref<66x16xf32, #tpu.memory_space<vmem>>) dst(%dma_wait3A_465 : memref<66x16xf32, #tpu.memory_space<vmem_shared>>)
      tpu.yield
    }) : () -> ()
    %scan3A_378 = arith.constant 0 : i32
    %scan3A_379 = arith.constant 49 : i32
    %scan3A_380 = arith.addi %scan3A_378, %scan3A_379 : i32
    %scan3A_381 = arith.constant 1 : i32
    scf.for %scan3A_460 = %scan3A_378 to %scan3A_380 step %scan3A_381  : i32 {
      %mul3A_461 = arith.constant 1 : i32
      %mul3A_462 = arith.muli %scan3A_460, %mul3A_461 : i32
      %add3A_463 = arith.constant 0 : i32
      %add3A_464 = arith.addi %add3A_463, %mul3A_462 : i32
      %mul3A_465 = arith.constant 128 : i32
      %mul3A_466 = arith.muli %add3A_464, %mul3A_465 : i32
      %add3A_467 = arith.constant 0 : i32
      %add3A_468 = arith.addi %mul3A_466, %add3A_467 : i32
      %get3A = arith.index_cast %add3A_468 : i32 to index
      %get3A_469 = tpu.vector_load %arg5[%get3A] {strides = array<i32>} : memref<6272xi32, #tpu.memory_space<vmem>>, vector<16xi32>,
      %get3A_470 = vector.shape_cast %get3A_469 : vector<16xi32> to vector<16xi32>
      %sub3A = vector.broadcast %mul3A_313 : i32 to vector<16xi32>
      %sub3A_471 = arith.subi %get3A_470, %sub3A : vector<16xi32>
      %ge3A = arith.constant 0 : i32
      %ge3A_472 = vector.broadcast %ge3A : i32 to vector<16xi32>
      %ge3A_473 = arith.cmpi sge, %sub3A_471, %ge3A_472 : vector<16xi32>
      %lt3A = arith.constant 16896 : i32
      %lt3A_474 = vector.broadcast %lt3A : i32 to vector<16xi32>
      %lt3A_475 = arith.cmpi slt, %sub3A_471, %lt3A_474 : vector<16xi32>
      %and3A = arith.andi %ge3A_473, %lt3A_475 : vector<16xi1>
      %add3A_476 = arith.constant 16896 : i32
      %add3A_477 = vector.broadcast %add3A_476 : i32 to vector<16xi32>
      %add3A_478 = arith.addi %add3A_477, %iota3A : vector<16xi32>
      %select_n3A = arith.select %and3A, %sub3A_471, %add3A_478 : vector<16xi1>, vector<16xi32>
      %swap3A = arith.index_cast %add3A_464 : i32 to index
      %swap3A_479 = arith.constant 0 : index
      %swap3A_480 = tpu.vector_load %arg6[%swap3A, %swap3A_479] {strides = array<i32>} : memref<49x128xi32, #tpu.memory_space<vmem>>, vector<1x16xi32>,
      %swap3A_481 = vector.shape_cast %swap3A_480 : vector<1x16xi32> to vector<16xi32>
      %swap3A_482 = vector.shape_cast %select_n3A : vector<16xi32> to vector<1x16xi32>
      tpu.vector_store %arg6[%swap3A, %swap3A_479], %swap3A_482 {strides = array<i32>} : memref<49x128xi32, #tpu.memory_space<vmem>>, vector<1x16xi32>,
      %mul3A_483 = arith.constant 128 : i32
      %mul3A_484 = arith.muli %add3A_464, %mul3A_483 : i32
      %add3A_485 = arith.constant 16 : i32
      %add3A_486 = arith.addi %mul3A_484, %add3A_485 : i32
      %get3A_487 = arith.index_cast %add3A_486 : i32 to index
      %get3A_488 = tpu.vector_load %arg5[%get3A_487] {strides = array<i32>} : memref<6272xi32, #tpu.memory_space<vmem>>, vector<16xi32>,
      %get3A_489 = vector.shape_cast %get3A_488 : vector<16xi32> to vector<16xi32>
      %sub3A_490 = vector.broadcast %mul3A_313 : i32 to vector<16xi32>
      %sub3A_491 = arith.subi %get3A_489, %sub3A_490 : vector<16xi32>
      %ge3A_492 = arith.constant 0 : i32
      %ge3A_493 = vector.broadcast %ge3A_492 : i32 to vector<16xi32>
      %ge3A_494 = arith.cmpi sge, %sub3A_491, %ge3A_493 : vector<16xi32>
      %lt3A_495 = arith.constant 16896 : i32
      %lt3A_496 = vector.broadcast %lt3A_495 : i32 to vector<16xi32>
      %lt3A_497 = arith.cmpi slt, %sub3A_491, %lt3A_496 : vector<16xi32>
      %and3A_498 = arith.andi %ge3A_494, %lt3A_497 : vector<16xi1>
      %add3A_499 = arith.constant 16912 : i32
      %add3A_500 = vector.broadcast %add3A_499 : i32 to vector<16xi32>
      %add3A_501 = arith.addi %add3A_500, %iota3A : vector<16xi32>
      %select_n3A_502 = arith.select %and3A_498, %sub3A_491, %add3A_501 : vector<16xi1>, vector<16xi32>
      %swap3A_503 = arith.index_cast %add3A_464 : i32 to index
      %swap3A_504 = arith.constant 16 : index
      %swap3A_505 = tpu.vector_load %arg6[%swap3A_503, %swap3A_504] {strides = array<i32>} : memref<49x128xi32, #tpu.memory_space<vmem>>, vector<1x16xi32>,
      %swap3A_506 = vector.shape_cast %swap3A_505 : vector<1x16xi32> to vector<16xi32>
      %swap3A_507 = vector.shape_cast %select_n3A_502 : vector<16xi32> to vector<1x16xi32>
      tpu.vector_store %arg6[%swap3A_503, %swap3A_504], %swap3A_507 {strides = array<i32>} : memref<49x128xi32, #tpu.memory_space<vmem>>, vector<1x16xi32>,
      %mul3A_508 = arith.constant 128 : i32
      %mul3A_509 = arith.muli %add3A_464, %mul3A_508 : i32
      %add3A_510 = arith.constant 32 : i32
      %add3A_511 = arith.addi %mul3A_509, %add3A_510 : i32
      %get3A_512 = arith.index_cast %add3A_511 : i32 to index
      %get3A_513 = tpu.vector_load %arg5[%get3A_512] {strides = array<i32>} : memref<6272xi32, #tpu.memory_space<vmem>>, vector<16xi32>,
      %get3A_514 = vector.shape_cast %get3A_513 : vector<16xi32> to vector<16xi32>
      %sub3A_515 = vector.broadcast %mul3A_313 : i32 to vector<16xi32>
      %sub3A_516 = arith.subi %get3A_514, %sub3A_515 : vector<16xi32>
      %ge3A_517 = arith.constant 0 : i32
      %ge3A_518 = vector.broadcast %ge3A_517 : i32 to vector<16xi32>
      %ge3A_519 = arith.cmpi sge, %sub3A_516, %ge3A_518 : vector<16xi32>
      %lt3A_520 = arith.constant 16896 : i32
      %lt3A_521 = vector.broadcast %lt3A_520 : i32 to vector<16xi32>
      %lt3A_522 = arith.cmpi slt, %sub3A_516, %lt3A_521 : vector<16xi32>
      %and3A_523 = arith.andi %ge3A_519, %lt3A_522 : vector<16xi1>
      %add3A_524 = arith.constant 16928 : i32
      %add3A_525 = vector.broadcast %add3A_524 : i32 to vector<16xi32>
      %add3A_526 = arith.addi %add3A_525, %iota3A : vector<16xi32>
      %select_n3A_527 = arith.select %and3A_523, %sub3A_516, %add3A_526 : vector<16xi1>, vector<16xi32>
      %swap3A_528 = arith.index_cast %add3A_464 : i32 to index
      %swap3A_529 = arith.constant 32 : index
      %swap3A_530 = tpu.vector_load %arg6[%swap3A_528, %swap3A_529] {strides = array<i32>} : memref<49x128xi32, #tpu.memory_space<vmem>>, vector<1x16xi32>,
      %swap3A_531 = vector.shape_cast %swap3A_530 : vector<1x16xi32> to vector<16xi32>
      %swap3A_532 = vector.shape_cast %select_n3A_527 : vector<16xi32> to vector<1x16xi32>
      tpu.vector_store %arg6[%swap3A_528, %swap3A_529], %swap3A_532 {strides = array<i32>} : memref<49x128xi32, #tpu.memory_space<vmem>>, vector<1x16xi32>,
      %mul3A_533 = arith.constant 128 : i32
      %mul3A_534 = arith.muli %add3A_464, %mul3A_533 : i32
      %add3A_535 = arith.constant 48 : i32
      %add3A_536 = arith.addi %mul3A_534, %add3A_535 : i32
      %get3A_537 = arith.index_cast %add3A_536 : i32 to index
      %get3A_538 = tpu.vector_load %arg5[%get3A_537] {strides = array<i32>} : memref<6272xi32, #tpu.memory_space<vmem>>, vector<16xi32>,
      %get3A_539 = vector.shape_cast %get3A_538 : vector<16xi32> to vector<16xi32>
      %sub3A_540 = vector.broadcast %mul3A_313 : i32 to vector<16xi32>
      %sub3A_541 = arith.subi %get3A_539, %sub3A_540 : vector<16xi32>
      %ge3A_542 = arith.constant 0 : i32
      %ge3A_543 = vector.broadcast %ge3A_542 : i32 to vector<16xi32>
      %ge3A_544 = arith.cmpi sge, %sub3A_541, %ge3A_543 : vector<16xi32>
      %lt3A_545 = arith.constant 16896 : i32
      %lt3A_546 = vector.broadcast %lt3A_545 : i32 to vector<16xi32>
      %lt3A_547 = arith.cmpi slt, %sub3A_541, %lt3A_546 : vector<16xi32>
      %and3A_548 = arith.andi %ge3A_544, %lt3A_547 : vector<16xi1>
      %add3A_549 = arith.constant 16944 : i32
      %add3A_550 = vector.broadcast %add3A_549 : i32 to vector<16xi32>
      %add3A_551 = arith.addi %add3A_550, %iota3A : vector<16xi32>
      %select_n3A_552 = arith.select %and3A_548, %sub3A_541, %add3A_551 : vector<16xi1>, vector<16xi32>
      %swap3A_553 = arith.index_cast %add3A_464 : i32 to index
      %swap3A_554 = arith.constant 48 : index
      %swap3A_555 = tpu.vector_load %arg6[%swap3A_553, %swap3A_554] {strides = array<i32>} : memref<49x128xi32, #tpu.memory_space<vmem>>, vector<1x16xi32>,
      %swap3A_556 = vector.shape_cast %swap3A_555 : vector<1x16xi32> to vector<16xi32>
      %swap3A_557 = vector.shape_cast %select_n3A_552 : vector<16xi32> to vector<1x16xi32>
      tpu.vector_store %arg6[%swap3A_553, %swap3A_554], %swap3A_557 {strides = array<i32>} : memref<49x128xi32, #tpu.memory_space<vmem>>, vector<1x16xi32>,
      %mul3A_558 = arith.constant 128 : i32
      %mul3A_559 = arith.muli %add3A_464, %mul3A_558 : i32
      %add3A_560 = arith.constant 64 : i32
      %add3A_561 = arith.addi %mul3A_559, %add3A_560 : i32
      %get3A_562 = arith.index_cast %add3A_561 : i32 to index
      %get3A_563 = tpu.vector_load %arg5[%get3A_562] {strides = array<i32>} : memref<6272xi32, #tpu.memory_space<vmem>>, vector<16xi32>,
      %get3A_564 = vector.shape_cast %get3A_563 : vector<16xi32> to vector<16xi32>
      %sub3A_565 = vector.broadcast %mul3A_313 : i32 to vector<16xi32>
      %sub3A_566 = arith.subi %get3A_564, %sub3A_565 : vector<16xi32>
      %ge3A_567 = arith.constant 0 : i32
      %ge3A_568 = vector.broadcast %ge3A_567 : i32 to vector<16xi32>
      %ge3A_569 = arith.cmpi sge, %sub3A_566, %ge3A_568 : vector<16xi32>
      %lt3A_570 = arith.constant 16896 : i32
      %lt3A_571 = vector.broadcast %lt3A_570 : i32 to vector<16xi32>
      %lt3A_572 = arith.cmpi slt, %sub3A_566, %lt3A_571 : vector<16xi32>
      %and3A_573 = arith.andi %ge3A_569, %lt3A_572 : vector<16xi1>
      %add3A_574 = arith.constant 16960 : i32
      %add3A_575 = vector.broadcast %add3A_574 : i32 to vector<16xi32>
      %add3A_576 = arith.addi %add3A_575, %iota3A : vector<16xi32>
      %select_n3A_577 = arith.select %and3A_573, %sub3A_566, %add3A_576 : vector<16xi1>, vector<16xi32>
      %swap3A_578 = arith.index_cast %add3A_464 : i32 to index
      %swap3A_579 = arith.constant 64 : index
      %swap3A_580 = tpu.vector_load %arg6[%swap3A_578, %swap3A_579] {strides = array<i32>} : memref<49x128xi32, #tpu.memory_space<vmem>>, vector<1x16xi32>,
      %swap3A_581 = vector.shape_cast %swap3A_580 : vector<1x16xi32> to vector<16xi32>
      %swap3A_582 = vector.shape_cast %select_n3A_577 : vector<16xi32> to vector<1x16xi32>
      tpu.vector_store %arg6[%swap3A_578, %swap3A_579], %swap3A_582 {strides = array<i32>} : memref<49x128xi32, #tpu.memory_space<vmem>>, vector<1x16xi32>,
      %mul3A_583 = arith.constant 128 : i32
      %mul3A_584 = arith.muli %add3A_464, %mul3A_583 : i32
      %add3A_585 = arith.constant 80 : i32
      %add3A_586 = arith.addi %mul3A_584, %add3A_585 : i32
      %get3A_587 = arith.index_cast %add3A_586 : i32 to index
      %get3A_588 = tpu.vector_load %arg5[%get3A_587] {strides = array<i32>} : memref<6272xi32, #tpu.memory_space<vmem>>, vector<16xi32>,
      %get3A_589 = vector.shape_cast %get3A_588 : vector<16xi32> to vector<16xi32>
      %sub3A_590 = vector.broadcast %mul3A_313 : i32 to vector<16xi32>
      %sub3A_591 = arith.subi %get3A_589, %sub3A_590 : vector<16xi32>
      %ge3A_592 = arith.constant 0 : i32
      %ge3A_593 = vector.broadcast %ge3A_592 : i32 to vector<16xi32>
      %ge3A_594 = arith.cmpi sge, %sub3A_591, %ge3A_593 : vector<16xi32>
      %lt3A_595 = arith.constant 16896 : i32
      %lt3A_596 = vector.broadcast %lt3A_595 : i32 to vector<16xi32>
      %lt3A_597 = arith.cmpi slt, %sub3A_591, %lt3A_596 : vector<16xi32>
      %and3A_598 = arith.andi %ge3A_594, %lt3A_597 : vector<16xi1>
      %add3A_599 = arith.constant 16976 : i32
      %add3A_600 = vector.broadcast %add3A_599 : i32 to vector<16xi32>
      %add3A_601 = arith.addi %add3A_600, %iota3A : vector<16xi32>
      %select_n3A_602 = arith.select %and3A_598, %sub3A_591, %add3A_601 : vector<16xi1>, vector<16xi32>
      %swap3A_603 = arith.index_cast %add3A_464 : i32 to index
      %swap3A_604 = arith.constant 80 : index
      %swap3A_605 = tpu.vector_load %arg6[%swap3A_603, %swap3A_604] {strides = array<i32>} : memref<49x128xi32, #tpu.memory_space<vmem>>, vector<1x16xi32>,
      %swap3A_606 = vector.shape_cast %swap3A_605 : vector<1x16xi32> to vector<16xi32>
      %swap3A_607 = vector.shape_cast %select_n3A_602 : vector<16xi32> to vector<1x16xi32>
      tpu.vector_store %arg6[%swap3A_603, %swap3A_604], %swap3A_607 {strides = array<i32>} : memref<49x128xi32, #tpu.memory_space<vmem>>, vector<1x16xi32>,
      %mul3A_608 = arith.constant 128 : i32
      %mul3A_609 = arith.muli %add3A_464, %mul3A_608 : i32
      %add3A_610 = arith.constant 96 : i32
      %add3A_611 = arith.addi %mul3A_609, %add3A_610 : i32
      %get3A_612 = arith.index_cast %add3A_611 : i32 to index
      %get3A_613 = tpu.vector_load %arg5[%get3A_612] {strides = array<i32>} : memref<6272xi32, #tpu.memory_space<vmem>>, vector<16xi32>,
      %get3A_614 = vector.shape_cast %get3A_613 : vector<16xi32> to vector<16xi32>
      %sub3A_615 = vector.broadcast %mul3A_313 : i32 to vector<16xi32>
      %sub3A_616 = arith.subi %get3A_614, %sub3A_615 : vector<16xi32>
      %ge3A_617 = arith.constant 0 : i32
      %ge3A_618 = vector.broadcast %ge3A_617 : i32 to vector<16xi32>
      %ge3A_619 = arith.cmpi sge, %sub3A_616, %ge3A_618 : vector<16xi32>
      %lt3A_620 = arith.constant 16896 : i32
      %lt3A_621 = vector.broadcast %lt3A_620 : i32 to vector<16xi32>
      %lt3A_622 = arith.cmpi slt, %sub3A_616, %lt3A_621 : vector<16xi32>
      %and3A_623 = arith.andi %ge3A_619, %lt3A_622 : vector<16xi1>
      %add3A_624 = arith.constant 16992 : i32
      %add3A_625 = vector.broadcast %add3A_624 : i32 to vector<16xi32>
      %add3A_626 = arith.addi %add3A_625, %iota3A : vector<16xi32>
      %select_n3A_627 = arith.select %and3A_623, %sub3A_616, %add3A_626 : vector<16xi1>, vector<16xi32>
      %swap3A_628 = arith.index_cast %add3A_464 : i32 to index
      %swap3A_629 = arith.constant 96 : index
      %swap3A_630 = tpu.vector_load %arg6[%swap3A_628, %swap3A_629] {strides = array<i32>} : memref<49x128xi32, #tpu.memory_space<vmem>>, vector<1x16xi32>,
      %swap3A_631 = vector.shape_cast %swap3A_630 : vector<1x16xi32> to vector<16xi32>
      %swap3A_632 = vector.shape_cast %select_n3A_627 : vector<16xi32> to vector<1x16xi32>
      tpu.vector_store %arg6[%swap3A_628, %swap3A_629], %swap3A_632 {strides = array<i32>} : memref<49x128xi32, #tpu.memory_space<vmem>>, vector<1x16xi32>,
      %mul3A_633 = arith.constant 128 : i32
      %mul3A_634 = arith.muli %add3A_464, %mul3A_633 : i32
      %add3A_635 = arith.constant 112 : i32
      %add3A_636 = arith.addi %mul3A_634, %add3A_635 : i32
      %get3A_637 = arith.index_cast %add3A_636 : i32 to index
      %get3A_638 = tpu.vector_load %arg5[%get3A_637] {strides = array<i32>} : memref<6272xi32, #tpu.memory_space<vmem>>, vector<16xi32>,
      %get3A_639 = vector.shape_cast %get3A_638 : vector<16xi32> to vector<16xi32>
      %sub3A_640 = vector.broadcast %mul3A_313 : i32 to vector<16xi32>
      %sub3A_641 = arith.subi %get3A_639, %sub3A_640 : vector<16xi32>
      %ge3A_642 = arith.constant 0 : i32
      %ge3A_643 = vector.broadcast %ge3A_642 : i32 to vector<16xi32>
      %ge3A_644 = arith.cmpi sge, %sub3A_641, %ge3A_643 : vector<16xi32>
      %lt3A_645 = arith.constant 16896 : i32
      %lt3A_646 = vector.broadcast %lt3A_645 : i32 to vector<16xi32>
      %lt3A_647 = arith.cmpi slt, %sub3A_641, %lt3A_646 : vector<16xi32>
      %and3A_648 = arith.andi %ge3A_644, %lt3A_647 : vector<16xi1>
      %add3A_649 = arith.constant 17008 : i32
      %add3A_650 = vector.broadcast %add3A_649 : i32 to vector<16xi32>
      %add3A_651 = arith.addi %add3A_650, %iota3A : vector<16xi32>
      %select_n3A_652 = arith.select %and3A_648, %sub3A_641, %add3A_651 : vector<16xi1>, vector<16xi32>
      %swap3A_653 = arith.index_cast %add3A_464 : i32 to index
      %swap3A_654 = arith.constant 112 : index
      %swap3A_655 = tpu.vector_load %arg6[%swap3A_653, %swap3A_654] {strides = array<i32>} : memref<49x128xi32, #tpu.memory_space<vmem>>, vector<1x16xi32>,
      %swap3A_656 = vector.shape_cast %swap3A_655 : vector<1x16xi32> to vector<16xi32>
      %swap3A_657 = vector.shape_cast %select_n3A_652 : vector<16xi32> to vector<1x16xi32>
      tpu.vector_store %arg6[%swap3A_653, %swap3A_654], %swap3A_657 {strides = array<i32>} : memref<49x128xi32, #tpu.memory_space<vmem>>, vector<1x16xi32>,
    }
    %scan3A_382 = arith.constant 49 : i32
    %barrier3A_383 = arith.constant 0 : index
    tpu.barrier barrier_id(%barrier3A_383)
    %scan3A_384 = arith.constant 0 : i32
    %scan3A_385 = arith.constant 7 : i32
    %scan3A_386 = arith.addi %scan3A_384, %scan3A_385 : i32
    %scan3A_387 = arith.constant 1 : i32
    scf.for %scan3A_460 = %scan3A_384 to %scan3A_386 step %scan3A_387  : i32 {
      %mul3A_461 = arith.constant 1 : i32
      %mul3A_462 = arith.muli %scan3A_460, %mul3A_461 : i32
      %add3A_463 = arith.constant 0 : i32
      %add3A_464 = arith.addi %add3A_463, %mul3A_462 : i32
      %mul3A_465 = arith.constant 128 : i32
      %mul3A_466 = arith.muli %add3A_464, %mul3A_465 : i32
      %dma_start3A = arith.constant 0 : i32
      %dma_start3A_467 = tpu.memref_slice %arg7[%mul3A_466, %dma_start3A] : memref<6272x16xf32, #tpu.memory_space<vmem>> -> memref<128x16xf32, #tpu.memory_space<vmem>>
      %dma_start3A_468 = arith.constant 0 : i32
      %dma_start3A_469 = tpu.memref_slice %arg6[%add3A_464, %dma_start3A_468] : memref<49x128xi32, #tpu.memory_space<vmem>> -> memref<1x128xi32, #tpu.memory_space<vmem>>
      %dma_start3A_470 = tpu.memref_squeeze %dma_start3A_469 : memref<1x128xi32, #tpu.memory_space<vmem>> -> memref<128xi32, #tpu.memory_space<vmem>>
      %dma_start3A_471 = arith.constant 0 : i32
      %dma_start3A_472 = arith.constant 0 : i32
      %dma_start3A_473 = tpu.memref_slice %arg9[%dma_start3A_471, %dma_start3A_472] : memref<17024x16xf32, #tpu.memory_space<vmem_shared>> -> memref<17024x16xf32, #tpu.memory_space<vmem_shared>>
      tpu.enqueue_indirect_dma source(%dma_start3A_467 : memref<128x16xf32, #tpu.memory_space<vmem>>) target(%dma_start3A_473 : memref<17024x16xf32, #tpu.memory_space<vmem_shared>>) offsets(%dma_start3A_470 : memref<128xi32, #tpu.memory_space<vmem>>) semaphore(%arg10 : memref<!tpu.dma_semaphore, #tpu.memory_space<semaphore_mem>>) {add = true}
    }
    %scan3A_388 = arith.constant 7 : i32
    %scan3A_389 = arith.constant 0 : i32
    %scan3A_390 = arith.constant 7 : i32
    %scan3A_391 = arith.addi %scan3A_389, %scan3A_390 : i32
    %scan3A_392 = arith.constant 1 : i32
    scf.for %scan3A_460 = %scan3A_389 to %scan3A_391 step %scan3A_392  : i32 {
      %mul3A_461 = arith.constant 1 : i32
      %mul3A_462 = arith.muli %scan3A_460, %mul3A_461 : i32
      %add3A_463 = arith.constant 0 : i32
      %add3A_464 = arith.addi %add3A_463, %mul3A_462 : i32
      %mul3A_465 = arith.constant 128 : i32
      %mul3A_466 = arith.muli %add3A_464, %mul3A_465 : i32
      %dma_wait3A = arith.constant 0 : i32
      %dma_wait3A_467 = tpu.memref_slice %arg7[%mul3A_466, %dma_wait3A] : memref<6272x16xf32, #tpu.memory_space<vmem>> -> memref<128x16xf32, #tpu.memory_space<vmem>>
      %dma_wait3A_468 = arith.constant 0 : i32
      %dma_wait3A_469 = tpu.memref_slice %arg6[%add3A_464, %dma_wait3A_468] : memref<49x128xi32, #tpu.memory_space<vmem>> -> memref<1x128xi32, #tpu.memory_space<vmem>>
      %dma_wait3A_470 = tpu.memref_squeeze %dma_wait3A_469 : memref<1x128xi32, #tpu.memory_space<vmem>> -> memref<128xi32, #tpu.memory_space<vmem>>
      %dma_wait3A_471 = arith.constant 0 : i32
      %dma_wait3A_472 = arith.constant 0 : i32
      %dma_wait3A_473 = tpu.memref_slice %arg9[%dma_wait3A_471, %dma_wait3A_472] : memref<17024x16xf32, #tpu.memory_space<vmem_shared>> -> memref<17024x16xf32, #tpu.memory_space<vmem_shared>>
      tpu.wait_indirect_dma semaphore(%arg10 : memref<!tpu.dma_semaphore, #tpu.memory_space<semaphore_mem>>) src(%dma_wait3A_467 : memref<128x16xf32, #tpu.memory_space<vmem>>) dst(%dma_wait3A_473 : memref<17024x16xf32, #tpu.memory_space<vmem_shared>>)
    }
    %scan3A_393 = arith.constant 7 : i32
    %scan3A_394 = arith.constant 0 : i32
    %scan3A_395 = arith.constant 7 : i32
    %scan3A_396 = arith.addi %scan3A_394, %scan3A_395 : i32
    %scan3A_397 = arith.constant 1 : i32
    scf.for %scan3A_460 = %scan3A_394 to %scan3A_396 step %scan3A_397  : i32 {
      %mul3A_461 = arith.constant 1 : i32
      %mul3A_462 = arith.muli %scan3A_460, %mul3A_461 : i32
      %add3A_463 = arith.constant 7 : i32
      %add3A_464 = arith.addi %add3A_463, %mul3A_462 : i32
      %mul3A_465 = arith.constant 128 : i32
      %mul3A_466 = arith.muli %add3A_464, %mul3A_465 : i32
      %dma_start3A = arith.constant 0 : i32
      %dma_start3A_467 = tpu.memref_slice %arg7[%mul3A_466, %dma_start3A] : memref<6272x16xf32, #tpu.memory_space<vmem>> -> memref<128x16xf32, #tpu.memory_space<vmem>>
      %dma_start3A_468 = arith.constant 0 : i32
      %dma_start3A_469 = tpu.memref_slice %arg6[%add3A_464, %dma_start3A_468] : memref<49x128xi32, #tpu.memory_space<vmem>> -> memref<1x128xi32, #tpu.memory_space<vmem>>
      %dma_start3A_470 = tpu.memref_squeeze %dma_start3A_469 : memref<1x128xi32, #tpu.memory_space<vmem>> -> memref<128xi32, #tpu.memory_space<vmem>>
      %dma_start3A_471 = arith.constant 0 : i32
      %dma_start3A_472 = arith.constant 0 : i32
      %dma_start3A_473 = tpu.memref_slice %arg9[%dma_start3A_471, %dma_start3A_472] : memref<17024x16xf32, #tpu.memory_space<vmem_shared>> -> memref<17024x16xf32, #tpu.memory_space<vmem_shared>>
      tpu.enqueue_indirect_dma source(%dma_start3A_467 : memref<128x16xf32, #tpu.memory_space<vmem>>) target(%dma_start3A_473 : memref<17024x16xf32, #tpu.memory_space<vmem_shared>>) offsets(%dma_start3A_470 : memref<128xi32, #tpu.memory_space<vmem>>) semaphore(%arg10 : memref<!tpu.dma_semaphore, #tpu.memory_space<semaphore_mem>>) {add = true}
    }
    %scan3A_398 = arith.constant 7 : i32
    %scan3A_399 = arith.constant 0 : i32
    %scan3A_400 = arith.constant 7 : i32
    %scan3A_401 = arith.addi %scan3A_399, %scan3A_400 : i32
    %scan3A_402 = arith.constant 1 : i32
    scf.for %scan3A_460 = %scan3A_399 to %scan3A_401 step %scan3A_402  : i32 {
      %mul3A_461 = arith.constant 1 : i32
      %mul3A_462 = arith.muli %scan3A_460, %mul3A_461 : i32
      %add3A_463 = arith.constant 7 : i32
      %add3A_464 = arith.addi %add3A_463, %mul3A_462 : i32
      %mul3A_465 = arith.constant 128 : i32
      %mul3A_466 = arith.muli %add3A_464, %mul3A_465 : i32
      %dma_wait3A = arith.constant 0 : i32
      %dma_wait3A_467 = tpu.memref_slice %arg7[%mul3A_466, %dma_wait3A] : memref<6272x16xf32, #tpu.memory_space<vmem>> -> memref<128x16xf32, #tpu.memory_space<vmem>>
      %dma_wait3A_468 = arith.constant 0 : i32
      %dma_wait3A_469 = tpu.memref_slice %arg6[%add3A_464, %dma_wait3A_468] : memref<49x128xi32, #tpu.memory_space<vmem>> -> memref<1x128xi32, #tpu.memory_space<vmem>>
      %dma_wait3A_470 = tpu.memref_squeeze %dma_wait3A_469 : memref<1x128xi32, #tpu.memory_space<vmem>> -> memref<128xi32, #tpu.memory_space<vmem>>
      %dma_wait3A_471 = arith.constant 0 : i32
      %dma_wait3A_472 = arith.constant 0 : i32
      %dma_wait3A_473 = tpu.memref_slice %arg9[%dma_wait3A_471, %dma_wait3A_472] : memref<17024x16xf32, #tpu.memory_space<vmem_shared>> -> memref<17024x16xf32, #tpu.memory_space<vmem_shared>>
      tpu.wait_indirect_dma semaphore(%arg10 : memref<!tpu.dma_semaphore, #tpu.memory_space<semaphore_mem>>) src(%dma_wait3A_467 : memref<128x16xf32, #tpu.memory_space<vmem>>) dst(%dma_wait3A_473 : memref<17024x16xf32, #tpu.memory_space<vmem_shared>>)
    }
    %scan3A_403 = arith.constant 7 : i32
    %scan3A_404 = arith.constant 0 : i32
    %scan3A_405 = arith.constant 7 : i32
    %scan3A_406 = arith.addi %scan3A_404, %scan3A_405 : i32
    %scan3A_407 = arith.constant 1 : i32
    scf.for %scan3A_460 = %scan3A_404 to %scan3A_406 step %scan3A_407  : i32 {
      %mul3A_461 = arith.constant 1 : i32
      %mul3A_462 = arith.muli %scan3A_460, %mul3A_461 : i32
      %add3A_463 = arith.constant 14 : i32
      %add3A_464 = arith.addi %add3A_463, %mul3A_462 : i32
      %mul3A_465 = arith.constant 128 : i32
      %mul3A_466 = arith.muli %add3A_464, %mul3A_465 : i32
      %dma_start3A = arith.constant 0 : i32
      %dma_start3A_467 = tpu.memref_slice %arg7[%mul3A_466, %dma_start3A] : memref<6272x16xf32, #tpu.memory_space<vmem>> -> memref<128x16xf32, #tpu.memory_space<vmem>>
      %dma_start3A_468 = arith.constant 0 : i32
      %dma_start3A_469 = tpu.memref_slice %arg6[%add3A_464, %dma_start3A_468] : memref<49x128xi32, #tpu.memory_space<vmem>> -> memref<1x128xi32, #tpu.memory_space<vmem>>
      %dma_start3A_470 = tpu.memref_squeeze %dma_start3A_469 : memref<1x128xi32, #tpu.memory_space<vmem>> -> memref<128xi32, #tpu.memory_space<vmem>>
      %dma_start3A_471 = arith.constant 0 : i32
      %dma_start3A_472 = arith.constant 0 : i32
      %dma_start3A_473 = tpu.memref_slice %arg9[%dma_start3A_471, %dma_start3A_472] : memref<17024x16xf32, #tpu.memory_space<vmem_shared>> -> memref<17024x16xf32, #tpu.memory_space<vmem_shared>>
      tpu.enqueue_indirect_dma source(%dma_start3A_467 : memref<128x16xf32, #tpu.memory_space<vmem>>) target(%dma_start3A_473 : memref<17024x16xf32, #tpu.memory_space<vmem_shared>>) offsets(%dma_start3A_470 : memref<128xi32, #tpu.memory_space<vmem>>) semaphore(%arg10 : memref<!tpu.dma_semaphore, #tpu.memory_space<semaphore_mem>>) {add = true}
    }
    %scan3A_408 = arith.constant 7 : i32
    %scan3A_409 = arith.constant 0 : i32
    %scan3A_410 = arith.constant 7 : i32
    %scan3A_411 = arith.addi %scan3A_409, %scan3A_410 : i32
    %scan3A_412 = arith.constant 1 : i32
    scf.for %scan3A_460 = %scan3A_409 to %scan3A_411 step %scan3A_412  : i32 {
      %mul3A_461 = arith.constant 1 : i32
      %mul3A_462 = arith.muli %scan3A_460, %mul3A_461 : i32
      %add3A_463 = arith.constant 14 : i32
      %add3A_464 = arith.addi %add3A_463, %mul3A_462 : i32
      %mul3A_465 = arith.constant 128 : i32
      %mul3A_466 = arith.muli %add3A_464, %mul3A_465 : i32
      %dma_wait3A = arith.constant 0 : i32
      %dma_wait3A_467 = tpu.memref_slice %arg7[%mul3A_466, %dma_wait3A] : memref<6272x16xf32, #tpu.memory_space<vmem>> -> memref<128x16xf32, #tpu.memory_space<vmem>>
      %dma_wait3A_468 = arith.constant 0 : i32
      %dma_wait3A_469 = tpu.memref_slice %arg6[%add3A_464, %dma_wait3A_468] : memref<49x128xi32, #tpu.memory_space<vmem>> -> memref<1x128xi32, #tpu.memory_space<vmem>>
      %dma_wait3A_470 = tpu.memref_squeeze %dma_wait3A_469 : memref<1x128xi32, #tpu.memory_space<vmem>> -> memref<128xi32, #tpu.memory_space<vmem>>
      %dma_wait3A_471 = arith.constant 0 : i32
      %dma_wait3A_472 = arith.constant 0 : i32
      %dma_wait3A_473 = tpu.memref_slice %arg9[%dma_wait3A_471, %dma_wait3A_472] : memref<17024x16xf32, #tpu.memory_space<vmem_shared>> -> memref<17024x16xf32, #tpu.memory_space<vmem_shared>>
      tpu.wait_indirect_dma semaphore(%arg10 : memref<!tpu.dma_semaphore, #tpu.memory_space<semaphore_mem>>) src(%dma_wait3A_467 : memref<128x16xf32, #tpu.memory_space<vmem>>) dst(%dma_wait3A_473 : memref<17024x16xf32, #tpu.memory_space<vmem_shared>>)
    }
    %scan3A_413 = arith.constant 7 : i32
    %scan3A_414 = arith.constant 0 : i32
    %scan3A_415 = arith.constant 7 : i32
    %scan3A_416 = arith.addi %scan3A_414, %scan3A_415 : i32
    %scan3A_417 = arith.constant 1 : i32
    scf.for %scan3A_460 = %scan3A_414 to %scan3A_416 step %scan3A_417  : i32 {
      %mul3A_461 = arith.constant 1 : i32
      %mul3A_462 = arith.muli %scan3A_460, %mul3A_461 : i32
      %add3A_463 = arith.constant 21 : i32
      %add3A_464 = arith.addi %add3A_463, %mul3A_462 : i32
      %mul3A_465 = arith.constant 128 : i32
      %mul3A_466 = arith.muli %add3A_464, %mul3A_465 : i32
      %dma_start3A = arith.constant 0 : i32
      %dma_start3A_467 = tpu.memref_slice %arg7[%mul3A_466, %dma_start3A] : memref<6272x16xf32, #tpu.memory_space<vmem>> -> memref<128x16xf32, #tpu.memory_space<vmem>>
      %dma_start3A_468 = arith.constant 0 : i32
      %dma_start3A_469 = tpu.memref_slice %arg6[%add3A_464, %dma_start3A_468] : memref<49x128xi32, #tpu.memory_space<vmem>> -> memref<1x128xi32, #tpu.memory_space<vmem>>
      %dma_start3A_470 = tpu.memref_squeeze %dma_start3A_469 : memref<1x128xi32, #tpu.memory_space<vmem>> -> memref<128xi32, #tpu.memory_space<vmem>>
      %dma_start3A_471 = arith.constant 0 : i32
      %dma_start3A_472 = arith.constant 0 : i32
      %dma_start3A_473 = tpu.memref_slice %arg9[%dma_start3A_471, %dma_start3A_472] : memref<17024x16xf32, #tpu.memory_space<vmem_shared>> -> memref<17024x16xf32, #tpu.memory_space<vmem_shared>>
      tpu.enqueue_indirect_dma source(%dma_start3A_467 : memref<128x16xf32, #tpu.memory_space<vmem>>) target(%dma_start3A_473 : memref<17024x16xf32, #tpu.memory_space<vmem_shared>>) offsets(%dma_start3A_470 : memref<128xi32, #tpu.memory_space<vmem>>) semaphore(%arg10 : memref<!tpu.dma_semaphore, #tpu.memory_space<semaphore_mem>>) {add = true}
    }
    %scan3A_418 = arith.constant 7 : i32
    %scan3A_419 = arith.constant 0 : i32
    %scan3A_420 = arith.constant 7 : i32
    %scan3A_421 = arith.addi %scan3A_419, %scan3A_420 : i32
    %scan3A_422 = arith.constant 1 : i32
    scf.for %scan3A_460 = %scan3A_419 to %scan3A_421 step %scan3A_422  : i32 {
      %mul3A_461 = arith.constant 1 : i32
      %mul3A_462 = arith.muli %scan3A_460, %mul3A_461 : i32
      %add3A_463 = arith.constant 21 : i32
      %add3A_464 = arith.addi %add3A_463, %mul3A_462 : i32
      %mul3A_465 = arith.constant 128 : i32
      %mul3A_466 = arith.muli %add3A_464, %mul3A_465 : i32
      %dma_wait3A = arith.constant 0 : i32
      %dma_wait3A_467 = tpu.memref_slice %arg7[%mul3A_466, %dma_wait3A] : memref<6272x16xf32, #tpu.memory_space<vmem>> -> memref<128x16xf32, #tpu.memory_space<vmem>>
      %dma_wait3A_468 = arith.constant 0 : i32
      %dma_wait3A_469 = tpu.memref_slice %arg6[%add3A_464, %dma_wait3A_468] : memref<49x128xi32, #tpu.memory_space<vmem>> -> memref<1x128xi32, #tpu.memory_space<vmem>>
      %dma_wait3A_470 = tpu.memref_squeeze %dma_wait3A_469 : memref<1x128xi32, #tpu.memory_space<vmem>> -> memref<128xi32, #tpu.memory_space<vmem>>
      %dma_wait3A_471 = arith.constant 0 : i32
      %dma_wait3A_472 = arith.constant 0 : i32
      %dma_wait3A_473 = tpu.memref_slice %arg9[%dma_wait3A_471, %dma_wait3A_472] : memref<17024x16xf32, #tpu.memory_space<vmem_shared>> -> memref<17024x16xf32, #tpu.memory_space<vmem_shared>>
      tpu.wait_indirect_dma semaphore(%arg10 : memref<!tpu.dma_semaphore, #tpu.memory_space<semaphore_mem>>) src(%dma_wait3A_467 : memref<128x16xf32, #tpu.memory_space<vmem>>) dst(%dma_wait3A_473 : memref<17024x16xf32, #tpu.memory_space<vmem_shared>>)
    }
    %scan3A_423 = arith.constant 7 : i32
    %scan3A_424 = arith.constant 0 : i32
    %scan3A_425 = arith.constant 7 : i32
    %scan3A_426 = arith.addi %scan3A_424, %scan3A_425 : i32
    %scan3A_427 = arith.constant 1 : i32
    scf.for %scan3A_460 = %scan3A_424 to %scan3A_426 step %scan3A_427  : i32 {
      %mul3A_461 = arith.constant 1 : i32
      %mul3A_462 = arith.muli %scan3A_460, %mul3A_461 : i32
      %add3A_463 = arith.constant 28 : i32
      %add3A_464 = arith.addi %add3A_463, %mul3A_462 : i32
      %mul3A_465 = arith.constant 128 : i32
      %mul3A_466 = arith.muli %add3A_464, %mul3A_465 : i32
      %dma_start3A = arith.constant 0 : i32
      %dma_start3A_467 = tpu.memref_slice %arg7[%mul3A_466, %dma_start3A] : memref<6272x16xf32, #tpu.memory_space<vmem>> -> memref<128x16xf32, #tpu.memory_space<vmem>>
      %dma_start3A_468 = arith.constant 0 : i32
      %dma_start3A_469 = tpu.memref_slice %arg6[%add3A_464, %dma_start3A_468] : memref<49x128xi32, #tpu.memory_space<vmem>> -> memref<1x128xi32, #tpu.memory_space<vmem>>
      %dma_start3A_470 = tpu.memref_squeeze %dma_start3A_469 : memref<1x128xi32, #tpu.memory_space<vmem>> -> memref<128xi32, #tpu.memory_space<vmem>>
      %dma_start3A_471 = arith.constant 0 : i32
      %dma_start3A_472 = arith.constant 0 : i32
      %dma_start3A_473 = tpu.memref_slice %arg9[%dma_start3A_471, %dma_start3A_472] : memref<17024x16xf32, #tpu.memory_space<vmem_shared>> -> memref<17024x16xf32, #tpu.memory_space<vmem_shared>>
      tpu.enqueue_indirect_dma source(%dma_start3A_467 : memref<128x16xf32, #tpu.memory_space<vmem>>) target(%dma_start3A_473 : memref<17024x16xf32, #tpu.memory_space<vmem_shared>>) offsets(%dma_start3A_470 : memref<128xi32, #tpu.memory_space<vmem>>) semaphore(%arg10 : memref<!tpu.dma_semaphore, #tpu.memory_space<semaphore_mem>>) {add = true}
    }
    %scan3A_428 = arith.constant 7 : i32
    %scan3A_429 = arith.constant 0 : i32
    %scan3A_430 = arith.constant 7 : i32
    %scan3A_431 = arith.addi %scan3A_429, %scan3A_430 : i32
    %scan3A_432 = arith.constant 1 : i32
    scf.for %scan3A_460 = %scan3A_429 to %scan3A_431 step %scan3A_432  : i32 {
      %mul3A_461 = arith.constant 1 : i32
      %mul3A_462 = arith.muli %scan3A_460, %mul3A_461 : i32
      %add3A_463 = arith.constant 28 : i32
      %add3A_464 = arith.addi %add3A_463, %mul3A_462 : i32
      %mul3A_465 = arith.constant 128 : i32
      %mul3A_466 = arith.muli %add3A_464, %mul3A_465 : i32
      %dma_wait3A = arith.constant 0 : i32
      %dma_wait3A_467 = tpu.memref_slice %arg7[%mul3A_466, %dma_wait3A] : memref<6272x16xf32, #tpu.memory_space<vmem>> -> memref<128x16xf32, #tpu.memory_space<vmem>>
      %dma_wait3A_468 = arith.constant 0 : i32
      %dma_wait3A_469 = tpu.memref_slice %arg6[%add3A_464, %dma_wait3A_468] : memref<49x128xi32, #tpu.memory_space<vmem>> -> memref<1x128xi32, #tpu.memory_space<vmem>>
      %dma_wait3A_470 = tpu.memref_squeeze %dma_wait3A_469 : memref<1x128xi32, #tpu.memory_space<vmem>> -> memref<128xi32, #tpu.memory_space<vmem>>
      %dma_wait3A_471 = arith.constant 0 : i32
      %dma_wait3A_472 = arith.constant 0 : i32
      %dma_wait3A_473 = tpu.memref_slice %arg9[%dma_wait3A_471, %dma_wait3A_472] : memref<17024x16xf32, #tpu.memory_space<vmem_shared>> -> memref<17024x16xf32, #tpu.memory_space<vmem_shared>>
      tpu.wait_indirect_dma semaphore(%arg10 : memref<!tpu.dma_semaphore, #tpu.memory_space<semaphore_mem>>) src(%dma_wait3A_467 : memref<128x16xf32, #tpu.memory_space<vmem>>) dst(%dma_wait3A_473 : memref<17024x16xf32, #tpu.memory_space<vmem_shared>>)
    }
    %scan3A_433 = arith.constant 7 : i32
    %scan3A_434 = arith.constant 0 : i32
    %scan3A_435 = arith.constant 7 : i32
    %scan3A_436 = arith.addi %scan3A_434, %scan3A_435 : i32
    %scan3A_437 = arith.constant 1 : i32
    scf.for %scan3A_460 = %scan3A_434 to %scan3A_436 step %scan3A_437  : i32 {
      %mul3A_461 = arith.constant 1 : i32
      %mul3A_462 = arith.muli %scan3A_460, %mul3A_461 : i32
      %add3A_463 = arith.constant 35 : i32
      %add3A_464 = arith.addi %add3A_463, %mul3A_462 : i32
      %mul3A_465 = arith.constant 128 : i32
      %mul3A_466 = arith.muli %add3A_464, %mul3A_465 : i32
      %dma_start3A = arith.constant 0 : i32
      %dma_start3A_467 = tpu.memref_slice %arg7[%mul3A_466, %dma_start3A] : memref<6272x16xf32, #tpu.memory_space<vmem>> -> memref<128x16xf32, #tpu.memory_space<vmem>>
      %dma_start3A_468 = arith.constant 0 : i32
      %dma_start3A_469 = tpu.memref_slice %arg6[%add3A_464, %dma_start3A_468] : memref<49x128xi32, #tpu.memory_space<vmem>> -> memref<1x128xi32, #tpu.memory_space<vmem>>
      %dma_start3A_470 = tpu.memref_squeeze %dma_start3A_469 : memref<1x128xi32, #tpu.memory_space<vmem>> -> memref<128xi32, #tpu.memory_space<vmem>>
      %dma_start3A_471 = arith.constant 0 : i32
      %dma_start3A_472 = arith.constant 0 : i32
      %dma_start3A_473 = tpu.memref_slice %arg9[%dma_start3A_471, %dma_start3A_472] : memref<17024x16xf32, #tpu.memory_space<vmem_shared>> -> memref<17024x16xf32, #tpu.memory_space<vmem_shared>>
      tpu.enqueue_indirect_dma source(%dma_start3A_467 : memref<128x16xf32, #tpu.memory_space<vmem>>) target(%dma_start3A_473 : memref<17024x16xf32, #tpu.memory_space<vmem_shared>>) offsets(%dma_start3A_470 : memref<128xi32, #tpu.memory_space<vmem>>) semaphore(%arg10 : memref<!tpu.dma_semaphore, #tpu.memory_space<semaphore_mem>>) {add = true}
    }
    %scan3A_438 = arith.constant 7 : i32
    %scan3A_439 = arith.constant 0 : i32
    %scan3A_440 = arith.constant 7 : i32
    %scan3A_441 = arith.addi %scan3A_439, %scan3A_440 : i32
    %scan3A_442 = arith.constant 1 : i32
    scf.for %scan3A_460 = %scan3A_439 to %scan3A_441 step %scan3A_442  : i32 {
      %mul3A_461 = arith.constant 1 : i32
      %mul3A_462 = arith.muli %scan3A_460, %mul3A_461 : i32
      %add3A_463 = arith.constant 35 : i32
      %add3A_464 = arith.addi %add3A_463, %mul3A_462 : i32
      %mul3A_465 = arith.constant 128 : i32
      %mul3A_466 = arith.muli %add3A_464, %mul3A_465 : i32
      %dma_wait3A = arith.constant 0 : i32
      %dma_wait3A_467 = tpu.memref_slice %arg7[%mul3A_466, %dma_wait3A] : memref<6272x16xf32, #tpu.memory_space<vmem>> -> memref<128x16xf32, #tpu.memory_space<vmem>>
      %dma_wait3A_468 = arith.constant 0 : i32
      %dma_wait3A_469 = tpu.memref_slice %arg6[%add3A_464, %dma_wait3A_468] : memref<49x128xi32, #tpu.memory_space<vmem>> -> memref<1x128xi32, #tpu.memory_space<vmem>>
      %dma_wait3A_470 = tpu.memref_squeeze %dma_wait3A_469 : memref<1x128xi32, #tpu.memory_space<vmem>> -> memref<128xi32, #tpu.memory_space<vmem>>
      %dma_wait3A_471 = arith.constant 0 : i32
      %dma_wait3A_472 = arith.constant 0 : i32
      %dma_wait3A_473 = tpu.memref_slice %arg9[%dma_wait3A_471, %dma_wait3A_472] : memref<17024x16xf32, #tpu.memory_space<vmem_shared>> -> memref<17024x16xf32, #tpu.memory_space<vmem_shared>>
      tpu.wait_indirect_dma semaphore(%arg10 : memref<!tpu.dma_semaphore, #tpu.memory_space<semaphore_mem>>) src(%dma_wait3A_467 : memref<128x16xf32, #tpu.memory_space<vmem>>) dst(%dma_wait3A_473 : memref<17024x16xf32, #tpu.memory_space<vmem_shared>>)
    }
    %scan3A_443 = arith.constant 7 : i32
    %scan3A_444 = arith.constant 0 : i32
    %scan3A_445 = arith.constant 7 : i32
    %scan3A_446 = arith.addi %scan3A_444, %scan3A_445 : i32
    %scan3A_447 = arith.constant 1 : i32
    scf.for %scan3A_460 = %scan3A_444 to %scan3A_446 step %scan3A_447  : i32 {
      %mul3A_461 = arith.constant 1 : i32
      %mul3A_462 = arith.muli %scan3A_460, %mul3A_461 : i32
      %add3A_463 = arith.constant 42 : i32
      %add3A_464 = arith.addi %add3A_463, %mul3A_462 : i32
      %mul3A_465 = arith.constant 128 : i32
      %mul3A_466 = arith.muli %add3A_464, %mul3A_465 : i32
      %dma_start3A = arith.constant 0 : i32
      %dma_start3A_467 = tpu.memref_slice %arg7[%mul3A_466, %dma_start3A] : memref<6272x16xf32, #tpu.memory_space<vmem>> -> memref<128x16xf32, #tpu.memory_space<vmem>>
      %dma_start3A_468 = arith.constant 0 : i32
      %dma_start3A_469 = tpu.memref_slice %arg6[%add3A_464, %dma_start3A_468] : memref<49x128xi32, #tpu.memory_space<vmem>> -> memref<1x128xi32, #tpu.memory_space<vmem>>
      %dma_start3A_470 = tpu.memref_squeeze %dma_start3A_469 : memref<1x128xi32, #tpu.memory_space<vmem>> -> memref<128xi32, #tpu.memory_space<vmem>>
      %dma_start3A_471 = arith.constant 0 : i32
      %dma_start3A_472 = arith.constant 0 : i32
      %dma_start3A_473 = tpu.memref_slice %arg9[%dma_start3A_471, %dma_start3A_472] : memref<17024x16xf32, #tpu.memory_space<vmem_shared>> -> memref<17024x16xf32, #tpu.memory_space<vmem_shared>>
      tpu.enqueue_indirect_dma source(%dma_start3A_467 : memref<128x16xf32, #tpu.memory_space<vmem>>) target(%dma_start3A_473 : memref<17024x16xf32, #tpu.memory_space<vmem_shared>>) offsets(%dma_start3A_470 : memref<128xi32, #tpu.memory_space<vmem>>) semaphore(%arg10 : memref<!tpu.dma_semaphore, #tpu.memory_space<semaphore_mem>>) {add = true}
    }
    %scan3A_448 = arith.constant 7 : i32
    %scan3A_449 = arith.constant 0 : i32
    %scan3A_450 = arith.constant 7 : i32
    %scan3A_451 = arith.addi %scan3A_449, %scan3A_450 : i32
    %scan3A_452 = arith.constant 1 : i32
    scf.for %scan3A_460 = %scan3A_449 to %scan3A_451 step %scan3A_452  : i32 {
      %mul3A_461 = arith.constant 1 : i32
      %mul3A_462 = arith.muli %scan3A_460, %mul3A_461 : i32
      %add3A_463 = arith.constant 42 : i32
      %add3A_464 = arith.addi %add3A_463, %mul3A_462 : i32
      %mul3A_465 = arith.constant 128 : i32
      %mul3A_466 = arith.muli %add3A_464, %mul3A_465 : i32
      %dma_wait3A = arith.constant 0 : i32
      %dma_wait3A_467 = tpu.memref_slice %arg7[%mul3A_466, %dma_wait3A] : memref<6272x16xf32, #tpu.memory_space<vmem>> -> memref<128x16xf32, #tpu.memory_space<vmem>>
      %dma_wait3A_468 = arith.constant 0 : i32
      %dma_wait3A_469 = tpu.memref_slice %arg6[%add3A_464, %dma_wait3A_468] : memref<49x128xi32, #tpu.memory_space<vmem>> -> memref<1x128xi32, #tpu.memory_space<vmem>>
      %dma_wait3A_470 = tpu.memref_squeeze %dma_wait3A_469 : memref<1x128xi32, #tpu.memory_space<vmem>> -> memref<128xi32, #tpu.memory_space<vmem>>
      %dma_wait3A_471 = arith.constant 0 : i32
      %dma_wait3A_472 = arith.constant 0 : i32
      %dma_wait3A_473 = tpu.memref_slice %arg9[%dma_wait3A_471, %dma_wait3A_472] : memref<17024x16xf32, #tpu.memory_space<vmem_shared>> -> memref<17024x16xf32, #tpu.memory_space<vmem_shared>>
      tpu.wait_indirect_dma semaphore(%arg10 : memref<!tpu.dma_semaphore, #tpu.memory_space<semaphore_mem>>) src(%dma_wait3A_467 : memref<128x16xf32, #tpu.memory_space<vmem>>) dst(%dma_wait3A_473 : memref<17024x16xf32, #tpu.memory_space<vmem_shared>>)
    }
    %scan3A_453 = arith.constant 7 : i32
    %barrier3A_454 = arith.constant 0 : index
    tpu.barrier barrier_id(%barrier3A_454)
    %mul3A_455 = arith.constant 1056 : i32
    %mul3A_456 = arith.muli %arg1, %mul3A_455 : i32
    %mul3A_457 = arith.constant 1056 : i32
    %mul3A_458 = arith.muli %arg1, %mul3A_457 : i32
    %add3A_459 = arith.addi %mul3A_313, %mul3A_458 : i32
    "tpu.region"() ({
      %run_scoped3A = tpu.sem_alloc : memref<!tpu.dma_semaphore, #tpu.memory_space<semaphore_mem>>
      %dma_start3A = arith.constant 0 : i32
      %dma_start3A_460 = tpu.memref_slice %arg4[%add3A_459, %dma_start3A] : memref<101376x16xf32, #tpu.memory_space<hbm>> -> memref<1056x16xf32, #tpu.memory_space<hbm>>
      %dma_start3A_461 = arith.constant 0 : i32
      %dma_start3A_462 = tpu.memref_slice %arg9[%mul3A_456, %dma_start3A_461] : memref<17024x16xf32, #tpu.memory_space<vmem_shared>> -> memref<1056x16xf32, #tpu.memory_space<vmem_shared>>
      tpu.enqueue_dma source(%dma_start3A_462 : memref<1056x16xf32, #tpu.memory_space<vmem_shared>>) target(%dma_start3A_460 : memref<1056x16xf32, #tpu.memory_space<hbm>>) target_semaphore(%run_scoped3A : memref<!tpu.dma_semaphore, #tpu.memory_space<semaphore_mem>>)
      %dma_wait3A = arith.constant 0 : i32
      %dma_wait3A_463 = tpu.memref_slice %arg4[%add3A_459, %dma_wait3A] : memref<101376x16xf32, #tpu.memory_space<hbm>> -> memref<1056x16xf32, #tpu.memory_space<hbm>>
      %dma_wait3A_464 = arith.constant 0 : i32
      %dma_wait3A_465 = tpu.memref_slice %arg9[%mul3A_456, %dma_wait3A_464] : memref<17024x16xf32, #tpu.memory_space<vmem_shared>> -> memref<1056x16xf32, #tpu.memory_space<vmem_shared>>
      tpu.wait_dma2 semaphore(%run_scoped3A : memref<!tpu.dma_semaphore, #tpu.memory_space<semaphore_mem>>) src(%dma_wait3A_465 : memref<1056x16xf32, #tpu.memory_space<vmem_shared>>) dst(%dma_wait3A_463 : memref<1056x16xf32, #tpu.memory_space<hbm>>)
      tpu.yield
    }) : () -> ()
    return
  }
}

module attributes {stable_mosaic.version = 14 : i64} {
  func.func @_tc_matmul_body(%arg0: i32, %arg1: memref<64x9216xf32, #tpu.memory_space<vmem>>, %arg2: memref<9216x16xf32, #tpu.memory_space<vmem>>, %arg3: memref<64x16xf32, #tpu.memory_space<vmem>>) attributes {dimension_semantics = [#tpu.dimension_semantics<arbitrary>], iteration_bounds = array<i64: 11>, scalar_prefetch = 0 : i64, scratch_operands = 0 : i64, tpu.core_type = #tpu.core_type<tc>, window_params = [{transform_indices = @transform_0, window_bounds = array<i64: 64, 9216>}, {transform_indices = @transform_1, window_bounds = array<i64: 9216, 16>}, {pipeline_mode = #tpu.pipeline_mode<synchronous>, transform_indices = @transform_2, window_bounds = array<i64: 64, 16>}]} {
    %eq3A = arith.constant 0 : i32
    %eq3A_0 = arith.cmpi eq, %arg0, %eq3A : i32
    %convert_element_type3A = arith.extui %eq3A_0 : i1 to i32
    %cond3A = arith.constant 0 : i32
    %cond3A_1 = arith.cmpi ne, %convert_element_type3A, %cond3A : i32
    scf.if %cond3A_1 {
      %broadcast_in_dim3A_20 = arith.constant 0.000000e+00 : f32
      %broadcast_in_dim3A_21 = vector.broadcast %broadcast_in_dim3A_20 : f32 to vector<64x16xf32>
      %swap3A_22 = arith.constant 0 : index
      %swap3A_23 = arith.constant 0 : index
      %swap3A_24 = vector.load %arg3[%swap3A_22, %swap3A_23] : memref<64x16xf32, #tpu.memory_space<vmem>>, vector<64x16xf32>
      tpu.vector_store %arg3[%swap3A_22, %swap3A_23], %broadcast_in_dim3A_21 {strides = array<i32>} : memref<64x16xf32, #tpu.memory_space<vmem>>, vector<64x16xf32>,
    } else {
    }
    %get3A = arith.constant 0 : index
    %get3A_2 = arith.constant 0 : index
    %get3A_3 = vector.load %arg1[%get3A, %get3A_2] : memref<64x9216xf32, #tpu.memory_space<vmem>>, vector<64x9216xf32>
    %iota3A = tpu.iota {dimensions = array<i32: 1>} : vector<1x9216xi32>
    %mul3A = arith.constant 9216 : i32
    %mul3A_4 = arith.muli %arg0, %mul3A : i32
    %add3A = vector.broadcast %mul3A_4 : i32 to vector<1x9216xi32>
    %add3A_5 = arith.addi %iota3A, %add3A : vector<1x9216xi32>
    %lt3A = arith.constant 100000 : i32
    %lt3A_6 = vector.broadcast %lt3A : i32 to vector<1x9216xi32>
    %lt3A_7 = arith.cmpi slt, %add3A_5, %lt3A_6 : vector<1x9216xi32>
    %jit3A = arith.constant 0.000000e+00 : f32
    %broadcast_in_dim3A = vector.shape_cast %lt3A_7 : vector<1x9216xi1> to vector<1x9216xi1>
    %broadcast_in_dim3A_8 = vector.broadcast %broadcast_in_dim3A : vector<1x9216xi1> to vector<64x9216xi1>
    %broadcast_in_dim3A_9 = vector.broadcast %jit3A : f32 to vector<64x9216xf32>
    %select_n3A = arith.select %broadcast_in_dim3A_8, %get3A_3, %broadcast_in_dim3A_9 : vector<64x9216xi1>, vector<64x9216xf32>
    %get3A_10 = arith.constant 0 : index
    %get3A_11 = arith.constant 0 : index
    %get3A_12 = vector.load %arg3[%get3A_10, %get3A_11] : memref<64x16xf32, #tpu.memory_space<vmem>>, vector<64x16xf32>
    %get3A_13 = arith.constant 0 : index
    %get3A_14 = arith.constant 0 : index
    %get3A_15 = vector.load %arg2[%get3A_13, %get3A_14] : memref<9216x16xf32, #tpu.memory_space<vmem>>, vector<9216x16xf32>
    %dot_general3A = arith.constant dense<0.000000e+00> : vector<64x16xf32>
    %dot_general3A_16 = tpu.matmul %select_n3A, %get3A_15, %dot_general3A {dimension_numbers = #tpu.dot_dimension_numbers<[1], [0], [0], [1], [0, 0, 1, 1], [], []>, transpose_lhs_hint = false} : vector<64x9216xf32>, vector<9216x16xf32>, vector<64x16xf32> -> vector<64x16xf32>
    %add3A_17 = arith.addf %get3A_12, %dot_general3A_16 : vector<64x16xf32>
    %swap3A = arith.constant 0 : index
    %swap3A_18 = arith.constant 0 : index
    %swap3A_19 = vector.load %arg3[%swap3A, %swap3A_18] : memref<64x16xf32, #tpu.memory_space<vmem>>, vector<64x16xf32>
    tpu.vector_store %arg3[%swap3A, %swap3A_18], %add3A_17 {strides = array<i32>} : memref<64x16xf32, #tpu.memory_space<vmem>>, vector<64x16xf32>,
    return
  }
  func.func @transform_0(%arg0: i32) -> (i32, i32) {
    %c0_i32 = arith.constant 0 : i32
    %c0_i32_0 = arith.constant 0 : i32
    return %c0_i32, %arg0 : i32, i32
  }
  func.func @transform_1(%arg0: i32) -> (i32, i32) {
    %c0_i32 = arith.constant 0 : i32
    %c0_i32_0 = arith.constant 0 : i32
    return %arg0, %c0_i32 : i32, i32
  }
  func.func @transform_2(%arg0: i32) -> (i32, i32) {
    %c0_i32 = arith.constant 0 : i32
    %c0_i32_0 = arith.constant 0 : i32
    %c0_i32_1 = arith.constant 0 : i32
    return %c0_i32, %c0_i32_0 : i32, i32
  }
}

</mosaic_0001>

<sc_bundles>
// kernel: kernel.4.cloned.1.call-start
scs
__scs_entry_jumppad:
0x0: {  	(pc) =	sbr.rel $0x88, $3  }
0x1: {  	(tag) =	ssettag $0x0;
	lr =	simm.s32 $0x1  }
0x2: {  	[smem:$0x3F9D] =	sst lr;
	_ =	strace $0xD0000000  }
0x3: {  	_ = 	snop  }
0x4: {  	_ = 	snop  }
0x5: {  	_ = 	snop  }
0x6: {  	_ = 	snop  }
0x7: {  	_ = 	snop  }
__scs_overlays_trampoline_lowered:
0x8: {  	[smem:$0x3FAC] =	sst s0  }
0x9: {  	[smem:$0x3FAD] =	sst s1  }
0xa: {  	[smem:$0x3FAE] =	sst s2  }
0xb: {  	[smem:$0x3FAF] =	sst s3  }
0xc: {  	[smem:$0x3FB0] =	sst s4  }
0xd: {  	[smem:$0x3FB1] =	sst s5  }
0xe: {  	[smem:$0x3FB2] =	sst s6  }
0xf: {  	[smem:$0x3FB3] =	sst s7  }
0x10: {  	[smem:$0x3FB4] =	sst s8  }
0x11: {  	[smem:$0x3FB5] =	sst s9;
	s0 =	simm.s32 @!p0 $0x0  }
0x12: {  	s1 =	sld [smem:$0x3F9B];
	s0 =	simm.s32 @p0 $0x1  }
0x13: {  	[smem:$0x3FB6] =	sst s0;
	s0 =	simm.s32 @!p1 $0x0  }
0x14: {  	s2 =	sld [smem:$0x3F9A];
	s0 =	simm.s32 @p1 $0x1  }
0x15: {  	[smem:$0x3FB7] =	sst s0;
	s0 =	simm.s32 @!p2 $0x0  }
0x16: {  	s3 =	sld [smem:$0x3FDB];
	s0 =	simm.s32 @p2 $0x1  }
0x17: {  	s4 =	simm.s32 $0x1BF5;
	[smem:$0x3FB9] =	sst s0  }
0x18: {  	s0 =	sld [smem:$0x3F9C];
	_ =	swait.ge [sflag:s4], $0x0  }
0x19: {  	s7 =	sld [smem:$0x3F9D]  }
0x1a: {  	s8 =	sadd.s32 $0xFFFFE003, lr  }
0x1b: {  	s9 =	sadd.s32 $0xFFFFFEF7, lr;
	s5 =	simm.s32 $0xFFFFFFFF;
	p2 =	slt.u32 s8, $0xFFFFF086  }
0x1c: {  	p1 =	slt.u32 s9, $0xF7A;
	s5 =	simm.s32 @!p2 $0x0  }
0x1d: {  	s5 =	simm.s32 @p1 $0x1;
	p0 =	seq.s32 s7, s2  }
0x1e: {  	s7 =	smul.u32 @!p0 $0xF7A, s2;
	p2 =	seq.s32 @!p0 s5, $0x0  }
0x1f: {  	s9 =	smul.u32 $0xF7A, s1;
	s8 =	simm.s32 @!p0 $0x1BF5;
	p2 =	por !p2, p0  }
0x20: {  	[sflag:s8] =	ssyncset.s32 @!p0 $0xFFFFF086;
	s6 =	sadd.s32 @!p0 s3, s7;
	s7 =	simm.s32 @!p0 $0x108  }
0x21: {  	s3 =	sadd.s32 s3, s9;
	s6 =	sadd.s32 @!p0 $0x88, s6;
	s7 =	simm.s32 @p2 $0x1082  }
0x22: {  	[simem:s7], [sflag:s8] =	dma.local @!p0 [hbm:s6], $0xF7A  }
0x23: {  	s9 =	sor.u32 $0xD0000000, s2;
	s6 =	simm.s32 $0x108;
	_ =	swait.ge @!p0 [sflag:s8], $0x0  }
0x24: {  	s3 =	sadd.s32 $0x88, s3;
	s6 =	simm.s32 @!p1 $0x1082;
	[sflag:s4] =	ssyncset.s32 $0xFFFFF086  }
0x25: {  	[simem:s6], [sflag:s4] =	dma.local [hbm:s3], $0xF7A  }
0x26: {  	[smem:$0x3F9D] =	sst s1;
	(tag) =	ssettag s2;
	_ =	strace s9  }
0x27: {  	s1 =	sld [smem:$0x3FAD]  }
0x28: {  	s2 =	sld [smem:$0x3FAE]  }
0x29: {  	s4 =	sld [smem:$0x3FB0]  }
0x2a: {  	p0 =	seq.s32 s5, $0x0;
	s5 =	sld [smem:$0x3FB1]  }
0x2b: {  	s6 =	sld [smem:$0x3FB2]  }
0x2c: {  	s7 =	sld [smem:$0x3FB3]  }
0x2d: {  	s3 =	simm.s32 $0x108;
	s8 =	sld [smem:$0x3FB4]  }
0x2e: {  	s3 =	simm.s32 @!p0 $0x1082;
	s9 =	sld [smem:$0x3FB5]  }
0x2f: {  	lr =	sadd.s32 s0, s3;
	s0 =	sld [smem:$0x3FAC]  }
0x30: {  	s3 =	sld [smem:$0x3FAF]  }
0x31: {  	[smem:$0x3FB8] =	sst s10  }
0x32: {  	s10 =	sld [smem:$0x3FB6];
	_ =	sdelay $0x3  }
0x33: {  	p0 =	seq.s32 s10, $0x1;
	s10 =	sld [smem:$0x3FB8];
	_ =	sdelay $0x3  }
0x34: {  	[smem:$0x3FB8] =	sst s10  }
0x35: {  	s10 =	sld [smem:$0x3FB7];
	_ =	sdelay $0x3  }
0x36: {  	p1 =	seq.s32 s10, $0x1;
	s10 =	sld [smem:$0x3FB8];
	_ =	sdelay $0x3  }
0x37: {  	[smem:$0x3FB8] =	sst s10  }
0x38: {  	s10 =	sld [smem:$0x3FB9]  }
0x39: {  	_ = 	snop;
	(pc) =	sbr.ind lr, $3  }
0x3a: {  	_ = 	snop  }
0x3b: {  	_ = 	snop  }
0x3c: {  	p2 =	seq.s32 s10, $0x1;
	s10 =	sld [smem:$0x3FB8]  }
0x3d: {  	_ =	shalt  }
0x3e: {  	_ =	shalt  }
0x3f: {  	_ =	shalt  }
0x40: {  	_ =	shalt  }
0x41: {  	_ =	shalt  }
0x42: {  	_ =	shalt  }
0x43: {  	_ =	shalt  }
0x44: {  	_ =	shalt  }
0x45: {  	_ =	shalt  }
0x46: {  	_ =	shalt  }
0x47: {  	_ =	shalt  }
0x48: {  	_ =	shalt  }
0x49: {  	_ =	shalt  }
0x4a: {  	_ =	shalt  }
0x4b: {  	_ =	shalt  }
0x4c: {  	_ =	shalt  }
0x4d: {  	_ =	shalt  }
0x4e: {  	_ =	shalt  }
0x4f: {  	_ =	shalt  }
0x50: {  	_ =	shalt  }
0x51: {  	_ =	shalt  }
0x52: {  	_ =	shalt  }
0x53: {  	_ =	shalt  }
0x54: {  	_ =	shalt  }
0x55: {  	_ =	shalt  }
0x56: {  	_ =	shalt  }
0x57: {  	_ =	shalt  }
0x58: {  	_ =	shalt  }
0x59: {  	_ =	shalt  }
0x5a: {  	_ =	shalt  }
0x5b: {  	_ =	shalt  }
0x5c: {  	_ =	shalt  }
0x5d: {  	_ =	shalt  }
0x5e: {  	_ =	shalt  }
0x5f: {  	_ =	shalt  }
0x60: {  	_ =	shalt  }
0x61: {  	_ =	shalt  }
0x62: {  	_ =	shalt  }
0x63: {  	_ =	shalt  }
0x64: {  	_ =	shalt  }
0x65: {  	_ =	shalt  }
0x66: {  	_ =	shalt  }
0x67: {  	_ =	shalt  }
0x68: {  	_ =	shalt  }
0x69: {  	_ =	shalt  }
0x6a: {  	_ =	shalt  }
0x6b: {  	_ =	shalt  }
0x6c: {  	_ =	shalt  }
0x6d: {  	_ =	shalt  }
0x6e: {  	_ =	shalt  }
0x6f: {  	_ =	shalt  }
0x70: {  	_ =	shalt  }
0x71: {  	_ =	shalt  }
0x72: {  	_ =	shalt  }
0x73: {  	_ =	shalt  }
0x74: {  	_ =	shalt  }
0x75: {  	_ =	shalt  }
0x76: {  	_ =	shalt  }
0x77: {  	_ =	shalt  }
0x78: {  	_ =	shalt  }
0x79: {  	_ =	shalt  }
0x7a: {  	_ =	shalt  }
0x7b: {  	_ =	shalt  }
0x7c: {  	_ =	shalt  }
0x7d: {  	_ =	shalt  }
0x7e: {  	_ =	shalt  }
0x7f: {  	_ =	shalt  }
0x80: {  	_ =	shalt  }
0x81: {  	_ =	shalt  }
0x82: {  	_ =	shalt  }
0x83: {  	_ =	shalt  }
0x84: {  	_ =	shalt  }
0x85: {  	_ =	shalt  }
0x86: {  	_ =	shalt  }
0x87: {  	_ =	shalt  }
.Lfunc_end0:
.L_simem_size_0:
called_computation_lowered:
.L_overlay_start_0:
0x88: {  	s2 =	sld [smem:$0x3FD9]  }
0x89: {  	s3 =	sld [smem:$0x3FFE];
	_ =	sdelay $0x1  }
0x8a: {  	s1 =	srdreg.scid  }
0x8b: {  	s0 =	sand.u32 $0x1, s1  }
0x8c: {  	s16 =	sshll.u32 s0, $0xA;
	s2 =	sadd.s32 s3, s2  }
0x8d: {  	s2 =	sadd.s32 s2, s16  }
0x8e: {  	[smem:$0x3FC4] =	sst s2  }
0x8f: {  	_ = 	snop  }
0x90: {  	(tm) =	ssettm $0x1  }
0x91: {  	s17 =	sld [smem:$0x3FFB];
	_ =	sdelay $0x3  }
0x92: {  	_ =	strace s17  }
0x93: {  	s2 =	sld [smem:$0x3FFC];
	_ =	sdelay $0x3  }
0x94: {  	_ =	strace s2  }
0x95: {  	s2 =	sld [smem:$0x3FFD];
	_ =	sdelay $0x3  }
0x96: {  	_ =	strace s2  }
0x97: {  	_ =	strace $0x8FFFFFFF  }
0x98: {  	s18 =	sld [smem:$0x3FDB];
	_ =	sdelay $0x1  }
0x99: {  	s19 =	simm.s32 $_scs_section_size  }
0x9a: {  	s4 =	simm.s32 $_size__tile_overlayer_lowered;
	s5 =	simm.s32 $_tile_overlayer_lowered  }
0x9b: {  	s22 =	simm.s32 $0x1BFF;
	s21 =	sshll.u32 s5, $0x1;
	s2 =	sadd.s32 s19, s18  }
0x9c: {  	s6 =	simm.s32 $0x0;
	s20 =	sshll.u32 s4, $0x1;
	s4 =	sadd.s32 s21, s2  }
0x9d: {  	[timem:s6], [sflag:s22] =	dma.local [hbm:s4], s20  }
0x9e: {  	_ =	swait.ge [sflag:s22], s20  }
0x9f: {  	s3 =	ssub.s32 $0x0, s20;
	[sflag:s22] =	ssyncset.done $0x0  }
0xa0: {  	[sflag:s22] =	ssyncadd.s32 s3;
	_ =	sdelay $0x1  }
0xa1: {  	s23 =	simm.s32 $0x1B8B  }
0xa2: {  	_ =	swait.ge [sflag:s23], $0x1  }
0xa3: {  	[sflag:s23] =	ssyncset.done $0x0  }
0xa4: {  	s25 =	simm.s32 $0x1B8E;
	s24 =	sld [smem:$0x3FFE];
	[sflag:s23] =	ssyncadd.s32 $0xFFFFFFFF  }
0xa5: {  	s26 =	simm.s32 $execute0_lowered;
	[smem:$0x3FD2] =	sst s25  }
0xa6: {  	s4 =	sshll.u32 s26, $0x1;
	_ =	strace $0x80000046;
	[dreg:$0x1] =	wrdreg $0xFFFFFFFF  }
0xa7: {  	s28 =	simm.s32 $_size_execute0_lowered;
	s2 =	sadd.s32 s2, s4;
	[dreg:$0x0] =	wrdreg $0x0  }
0xa8: {  	s4 =	sshll.u32 s28, $0x1;
	[dreg:$0x2] =	wrdreg s2  }
0xa9: {  	[dreg:$0x3] =	wrdreg s4  }
0xaa: {  	[dreg:$0x4] =	wrdreg $0xC0  }
0xab: {  	_ =	task [dreg:s6], $0x5FFFF  }
0xac: {  	[dreg:$0x1] =	wrdreg $0xFFFFFFFF  }
0xad: {  	[dreg:$0x0] =	wrdreg $0x60  }
0xae: {  	[dreg:$0x2] =	wrdreg s24  }
0xaf: {  	[dreg:$0x3] =	wrdreg $0x1BD200  }
0xb0: {  	[dreg:$0x4] =	wrdreg $0x9  }
0xb1: {  	_ =	task.clear_ibuf [dreg:s6], $0x5FFFF;
	_ =	strace $0x90000046  }
0xb2: {  	s29 =	simm.s32 $0x9;
	_ =	strace $0x80000048  }
0xb3: {  	_ =	swait.ge [sflag:s29], $0x1  }
0xb4: {  	[sflag:s29] =	ssyncadd.s32 $0xFFFFFFFF  }
0xb5: {  	_ =	strace $0x90000048  }
0xb6: {  	_ =	sfence  }
0xb7: {  	s30 =	sld [smem:$0x0];
	_ =	sdelay $0x2  }
0xb8: {  	s31 =	sshll.u32 s1, $0xD;
	s1 =	sshrl.u32 s1, $0x2  }
0xb9: {  	s3 =	sand.u32 $0x4000, s31;
	s1 =	sadd.s32 s1, s30  }
0xba: {  	s0 =	sor.u32 s3, s0;
	s1 =	sshll.u32 s1, $0x11  }
0xbb: {  	s0 =	sor.u32 s1, s0  }
0xbc: {  	s0 =	sadd.s32 $0x8F2B, s0  }
0xbd: {  	[sflag:s0] =	ssyncadd.remote.s32 $0x1  }
0xbe: {  	_ =	sfence.sel $0xFFFF  }
0xbf: {  	[dreg:$0x0] =	wrdreg $0xFFFFFFFF;
	(pc) =	sbr.abs _section_cstart, $3  }
0xc0: {  	[dreg:$0x1] =	wrdreg $0xFFFFFFFF  }
0xc1: {  	_ =	task.clear_ibuf [dreg:s6], $0x2FFFF;
	_ =	strace $0x9FFFFFFF  }
0xc2: {  	(tm) =	ssettm $0x7FFFFFFF  }
0xc3: {  	_ =	shalt  }
tec
execute0_lowered:
.L_overlay_start_1:
0x0: {  	(tag) =	ssettag $0x1  }
0x1: {  	s0 =	rddreg [dreg:$0x0]  }
0x2: {  	s2 =	rddreg [dreg:$0x1];
	s3 =	simm.s32 $0x0;
	s9 =	stileid.u32  }
0x3: {  	s1 =	srdreg.scid;
	s28 =	simm.s32 $0x3100;
	s4 =	smul.u32 $0x30D4, s9  }
0x4: {  	s29 =	simm.s32 $0x1B900;
	s30 =	simm.s32 $0x80;
	s5 =	smul.u32 $0x310, s9  }
0x5: {  	[smem:$0x7FF] =	sst s3;
	s1 =	sand.u32 $0x1, s1;
	s8 =	smul.u32 $0x10800, s9  }
0x6: {  	s18 =	sadd.s32 $0x5600, s0;
	s31 =	smul.u32 $0x420, s9;
	_ =	strace $0x80000047  }
0x7: {  	s6 =	ssub.s32 $0x2, s1;
	s4 =	sadd.s32 s4, s0;
	s5 =	sadd.s32 s5, s0  }
0x8: {  	s7 =	sshrl.u32 s6, $0x1;
	s0 =	smul.u32 $0xC600, s1;
	s25 =	sadd.s32 $0x2400, s5  }
0x9: {  	s26 =	sshrl.u32 s8, $0x2;
	s4 =	sadd.s32 $0x188E00, s4;
	[dreg:$0x3] =	wrdreg s25  }
0xa: {  	s19 =	ssub.s32 s6, s7;
	s6 =	sadd.s32 s26, s2;
	[dreg:$0x4] =	wrdreg s4  }
0xb: {  	s7 =	sadd.s32 $0x420, s6;
	s8 =	sadd.s32 $0x840, s6;
	s9 =	sadd.s32 $0xC60, s6  }
0xc: {  	s10 =	sadd.s32 $0x1080, s6;
	s11 =	sadd.s32 $0x14A0, s6;
	s12 =	sadd.s32 $0x18C0, s6  }
0xd: {  	s13 =	sadd.s32 $0x1CE0, s6;
	s14 =	sadd.s32 $0x2100, s6;
	s15 =	sadd.s32 $0x2520, s6  }
0xe: {  	s16 =	sadd.s32 $0x2940, s6;
	s17 =	sadd.s32 $0x2D60, s6;
	s4 =	sadd.s32 $0x4200, s0  }
0xf: {  	s20 =	sadd.s32 s31, s0;
	s22 =	sadd.s32 $0x8400, s0;
	s23 =	sadd.s32 $0x35A0, s6  }
0x10: {  	s24 =	sadd.s32 $0x39C0, s6;
	s25 =	sadd.s32 $0x3DE0, s6;
	s21 =	sadd.s32 s31, s4  }
0x11: {  	s20 =	sshll.u32 s20, $0x1;
	s5 =	sadd.s32 s31, s22;
	s31 =	smax.u32 s19, $0x1  }
0x12: {  	v11 =	vlaneseq.u32;
	v2 =	vmov s22;
	s19 =	simm.s32 $0x1A900;
	s22 =	simm.s32 $0x1B100;
	s21 =	sshll.u32 s21, $0x1  }
0x13: {  	v3 =	vimm.f32 $0.0e+00;
	v4 =	vor.u32 $0x4200, v11;
	s20 =	sadd.s32 s18, s20;
	s5 =	sshll.u32 s5, $0x1;
	[dreg:$0x8] =	wrdreg s31  }
0x14: {  	v5 =	vor.u32 $0x4210, v11;
	v6 =	vor.u32 $0x4220, v11;
	v7 =	vor.u32 $0x4230, v11;
	[dreg:$0x5] =	wrdreg s20;
	s26 =	sadd.s32 s18, s21;
	s5 =	sadd.s32 s18, s5  }
0x15: {  	v8 =	vor.u32 $0x4240, v11;
	v9 =	vor.u32 $0x4250, v11;
	v10 =	vor.u32 $0x4260, v11;
	s21 =	sadd.s32 $0x3180, s6;
	s20 =	simm.s32 $0x3080;
	[dreg:$0x6] =	wrdreg s26  }
0x16: {  	v11 =	vor.u32 $0x4270, v11;
	v0 =	vmov s0;
	v1 =	vmov s4;
	[dreg:$0x7] =	wrdreg s5;
	s26 =	simm.s32 $0x2;
	s5 =	simm.s32 $0x1  }
.LBB2_1:
0x17: {  	s0 =	simm.s32 $0x40;
	s1 =	simm.s32 $0x0  }
.LBB2_2:
0x18: {  	p0 =	sne.s32 s0, $0x1040;
	[tilespmem:s1+$0x1B900] =	vst v3;
	s1 =	smov.u32 s0;
	s0 =	sadd.s32 $0x40, s0  }
.Ltmp0:
0x19: {  	(pc) =	sbr.rel @p0 .LBB2_2-.Ltmp0, $2  }
0x1a: {  	_ =	sdelay $0x2  }
0x1b: {  	s1 =	sshra.s32 s1, $0x2  }
0x1c: {  	[tilespmem:s1+$0x1B900] =	vst v3;
	s0 =	simm.s32 $0x0;
	s18 =	rddreg [dreg:$0x3]  }
0x1d: {  	[tilespmem:s0], [sflag:$0x2] =	stream.linear.gather [hbm4b:s18+s0], $0x1880, $0x38;
	[tilespmem:$0x1FFA0] =	vst v63  }
0x1e: {  	_ =	swait.ge [sflag:s26], $0x1880  }
0x1f: {  	[sflag:s26] =	ssyncset.done $0x0  }
0x20: {  	s31 =	rddreg [dreg:$0x4];
	[sflag:s26] =	ssyncadd.s32 $0xFFFFE780  }
0x21: {  	[tilespmem:s28], [sflag:$0x2] =	stream.linear.gather [hbm4b:s31+s0], $0x186A0, $0x38;
	[tilespmem:$0x1FFA0] =	vst v63  }
0x22: {  	_ =	swait.ge [sflag:s26], $0x186A0  }
0x23: {  	[sflag:s26] =	ssyncset.done $0x0  }
0x24: {  	[sflag:s26] =	ssyncadd.s32 $0xFFFE7960  }
0x25: {  	[spmem:s6] =	stream.linear.scatter [tilespmem:s29], [sflag:$0x2], $0x420, $0x38;
	[tilespmem:$0x1FFA0] =	vst v63  }
0x26: {  	_ =	swait.ge [sflag:s26], $0x420  }
0x27: {  	[sflag:s26] =	ssyncset.done $0x0  }
0x28: {  	[sflag:s26] =	ssyncadd.s32 $0xFFFFFBE0  }
0x29: {  	[spmem:s7] =	stream.linear.scatter [tilespmem:s29], [sflag:$0x2], $0x420, $0x38;
	[tilespmem:$0x1FFA0] =	vst v63  }
0x2a: {  	_ =	swait.ge [sflag:s26], $0x420  }
0x2b: {  	[sflag:s26] =	ssyncset.done $0x0  }
0x2c: {  	[sflag:s26] =	ssyncadd.s32 $0xFFFFFBE0  }
0x2d: {  	[spmem:s8] =	stream.linear.scatter [tilespmem:s29], [sflag:$0x2], $0x420, $0x38;
	[tilespmem:$0x1FFA0] =	vst v63  }
0x2e: {  	_ =	swait.ge [sflag:s26], $0x420  }
0x2f: {  	[sflag:s26] =	ssyncset.done $0x0  }
0x30: {  	[sflag:s26] =	ssyncadd.s32 $0xFFFFFBE0  }
0x31: {  	[spmem:s9] =	stream.linear.scatter [tilespmem:s29], [sflag:$0x2], $0x420, $0x38;
	[tilespmem:$0x1FFA0] =	vst v63  }
0x32: {  	_ =	swait.ge [sflag:s26], $0x420  }
0x33: {  	[sflag:s26] =	ssyncset.done $0x0  }
0x34: {  	[sflag:s26] =	ssyncadd.s32 $0xFFFFFBE0  }
0x35: {  	[spmem:s10] =	stream.linear.scatter [tilespmem:s29], [sflag:$0x2], $0x420, $0x38;
	[tilespmem:$0x1FFA0] =	vst v63  }
0x36: {  	_ =	swait.ge [sflag:s26], $0x420  }
0x37: {  	[sflag:s26] =	ssyncset.done $0x0  }
0x38: {  	[sflag:s26] =	ssyncadd.s32 $0xFFFFFBE0  }
0x39: {  	[spmem:s11] =	stream.linear.scatter [tilespmem:s29], [sflag:$0x2], $0x420, $0x38;
	[tilespmem:$0x1FFA0] =	vst v63  }
0x3a: {  	_ =	swait.ge [sflag:s26], $0x420  }
0x3b: {  	[sflag:s26] =	ssyncset.done $0x0  }
0x3c: {  	[sflag:s26] =	ssyncadd.s32 $0xFFFFFBE0  }
0x3d: {  	[spmem:s12] =	stream.linear.scatter [tilespmem:s29], [sflag:$0x2], $0x420, $0x38;
	[tilespmem:$0x1FFA0] =	vst v63  }
0x3e: {  	_ =	swait.ge [sflag:s26], $0x420  }
0x3f: {  	[sflag:s26] =	ssyncset.done $0x0  }
0x40: {  	[sflag:s26] =	ssyncadd.s32 $0xFFFFFBE0  }
0x41: {  	[spmem:s13] =	stream.linear.scatter [tilespmem:s29], [sflag:$0x2], $0x420, $0x38;
	[tilespmem:$0x1FFA0] =	vst v63  }
0x42: {  	_ =	swait.ge [sflag:s26], $0x420  }
0x43: {  	[sflag:s26] =	ssyncset.done $0x0  }
0x44: {  	[sflag:s26] =	ssyncadd.s32 $0xFFFFFBE0  }
0x45: {  	[spmem:s14] =	stream.linear.scatter [tilespmem:s29], [sflag:$0x2], $0x420, $0x38;
	[tilespmem:$0x1FFA0] =	vst v63  }
0x46: {  	_ =	swait.ge [sflag:s26], $0x420  }
0x47: {  	[sflag:s26] =	ssyncset.done $0x0  }
0x48: {  	[sflag:s26] =	ssyncadd.s32 $0xFFFFFBE0  }
0x49: {  	[spmem:s15] =	stream.linear.scatter [tilespmem:s29], [sflag:$0x2], $0x420, $0x38;
	[tilespmem:$0x1FFA0] =	vst v63  }
0x4a: {  	_ =	swait.ge [sflag:s26], $0x420  }
0x4b: {  	[sflag:s26] =	ssyncset.done $0x0  }
0x4c: {  	[sflag:s26] =	ssyncadd.s32 $0xFFFFFBE0  }
0x4d: {  	[spmem:s16] =	stream.linear.scatter [tilespmem:s29], [sflag:$0x2], $0x420, $0x38;
	[tilespmem:$0x1FFA0] =	vst v63  }
0x4e: {  	_ =	swait.ge [sflag:s26], $0x420  }
0x4f: {  	[sflag:s26] =	ssyncset.done $0x0  }
0x50: {  	[sflag:s26] =	ssyncadd.s32 $0xFFFFFBE0  }
0x51: {  	[spmem:s17] =	stream.linear.scatter [tilespmem:s29], [sflag:$0x2], $0x420, $0x38;
	[tilespmem:$0x1FFA0] =	vst v63  }
0x52: {  	_ =	swait.ge [sflag:s26], $0x420  }
0x53: {  	[sflag:s26] =	ssyncset.done $0x0  }
0x54: {  	[sflag:s26] =	ssyncadd.s32 $0xFFFFFBE0  }
0x55: {  	[spmem:s21] =	stream.linear.scatter [tilespmem:s29], [sflag:$0x2], $0x420, $0x38;
	[tilespmem:$0x1FFA0] =	vst v63  }
0x56: {  	_ =	swait.ge [sflag:s26], $0x420  }
0x57: {  	[sflag:s26] =	ssyncset.done $0x0  }
0x58: {  	[sflag:s26] =	ssyncadd.s32 $0xFFFFFBE0  }
0x59: {  	[spmem:s23] =	stream.linear.scatter [tilespmem:s29], [sflag:$0x2], $0x420, $0x38;
	[tilespmem:$0x1FFA0] =	vst v63  }
0x5a: {  	_ =	swait.ge [sflag:s26], $0x420  }
0x5b: {  	[sflag:s26] =	ssyncset.done $0x0  }
0x5c: {  	[sflag:s26] =	ssyncadd.s32 $0xFFFFFBE0  }
0x5d: {  	[spmem:s24] =	stream.linear.scatter [tilespmem:s29], [sflag:$0x2], $0x420, $0x38;
	[tilespmem:$0x1FFA0] =	vst v63  }
0x5e: {  	_ =	swait.ge [sflag:s26], $0x420  }
0x5f: {  	[sflag:s26] =	ssyncset.done $0x0  }
0x60: {  	[sflag:s26] =	ssyncadd.s32 $0xFFFFFBE0  }
0x61: {  	[spmem:s25] =	stream.linear.scatter [tilespmem:s29], [sflag:$0x2], $0x420, $0x38;
	[tilespmem:$0x1FFA0] =	vst v63  }
0x62: {  	_ =	swait.ge [sflag:s26], $0x420  }
0x63: {  	[sflag:s26] =	ssyncset.done $0x0  }
0x64: {  	s1 =	simm.s32 $0x0;
	[sflag:s26] =	ssyncadd.s32 $0xFFFFFBE0  }
0x65: {  	v12 =	vld [tilespmem:s1+$0x70]  }
0x66: {  	v14 =	vld [tilespmem:s1+$0x0]  }
0x67: {  	v18 =	vld [tilespmem:s1+$0x10]  }
0x68: {  	v16 =	vld [tilespmem:s1+$0x20]  }
0x69: {  	v15 =	vld [tilespmem:s1+$0x30]  }
0x6a: {  	v13 =	vld [tilespmem:s1+$0x40];
	v19 =	vsub.s32 v12, v0  }
0x6b: {  	v17 =	vsub.s32 v14, v0;
	v12 =	vld [tilespmem:s1+$0x50];
	vm1 =	vlt.u32 v19, $0x4200  }
0x6c: {  	s4 =	simm.s32 $0x400;
	s0 =	simm.s32 $0x80;
	v18 =	vsub.s32 v18, v0;
	v14 =	vld [tilespmem:s1+$0x60];
	vm0 =	vlt.u32 v17, $0x4200;
	v19 =	vsel vm1, v19, v11  }
.LBB2_4:
0x6d: {  	p0 =	sne.s32 s4, $0x6000;
	v20 =	vld [tilespmem:s0+$0x70];
	v17 =	vsel vm0, v17, v4;
	vm0 =	vlt.u32 v18, $0x4200;
	v16 =	vsub.s32 v16, v0;
	[tilespmem:s1+$0x18F0] =	vst v19  }
0x6e: {  	v19 =	vld [tilespmem:s0+$0x0];
	[tilespmem:s1+$0x1880] =	vst v17;
	v17 =	vsel vm0, v18, v5;
	vm0 =	vlt.u32 v16, $0x4200;
	v15 =	vsub.s32 v15, v0  }
0x6f: {  	v18 =	vld [tilespmem:s0+$0x10];
	[tilespmem:s1+$0x1890] =	vst v17;
	v17 =	vsel vm0, v16, v6;
	vm0 =	vlt.u32 v15, $0x4200;
	v13 =	vsub.s32 v13, v0  }
.Ltmp1:
0x70: {  	v16 =	vld [tilespmem:s0+$0x20];
	[tilespmem:s1+$0x18A0] =	vst v17;
	v17 =	vsel vm0, v15, v7;
	vm0 =	vlt.u32 v13, $0x4200;
	v12 =	vsub.s32 v12, v0;
	(pc) =	sbr.rel @p0 .LBB2_4-.Ltmp1, $4  }
0x71: {  	v15 =	vld [tilespmem:s0+$0x30];
	[tilespmem:s1+$0x18B0] =	vst v17;
	v17 =	vsel vm0, v13, v8;
	vm0 =	vlt.u32 v12, $0x4200;
	v14 =	vsub.s32 v14, v0  }
0x72: {  	v13 =	vld [tilespmem:s0+$0x40];
	v20 =	vsub.s32 v20, v0;
	[tilespmem:s1+$0x18C0] =	vst v17;
	v21 =	vsel vm0, v12, v9;
	vm0 =	vlt.u32 v14, $0x4200  }
0x73: {  	v17 =	vsub.s32 v19, v0;
	v12 =	vld [tilespmem:s0+$0x50];
	vm1 =	vlt.u32 v20, $0x4200;
	[tilespmem:s1+$0x18D0] =	vst v21;
	v21 =	vsel vm0, v14, v10  }
0x74: {  	vm0 =	vlt.u32 v17, $0x4200;
	v18 =	vsub.s32 v18, v0;
	v14 =	vld [tilespmem:s0+$0x60];
	v19 =	vsel vm1, v20, v11;
	[tilespmem:s1+$0x18E0] =	vst v21;
	s1 =	smov.u32 s0;
	s0 =	sshra.s32 s4, $0x2;
	s4 =	sadd.s32 $0x200, s4  }
0x75: {  	v20 =	vld [tilespmem:s0+$0x70];
	[tilespmem:s1+$0x18F0] =	vst v19;
	v17 =	vsel vm0, v17, v4;
	vm0 =	vlt.u32 v18, $0x4200;
	v16 =	vsub.s32 v16, v0  }
0x76: {  	v19 =	vld [tilespmem:s0+$0x0];
	[tilespmem:s1+$0x1880] =	vst v17;
	v17 =	vsel vm0, v18, v5;
	vm0 =	vlt.u32 v16, $0x4200;
	v15 =	vsub.s32 v15, v0  }
0x77: {  	v18 =	vld [tilespmem:s0+$0x10];
	[tilespmem:s1+$0x1890] =	vst v17;
	v16 =	vsel vm0, v16, v6;
	vm0 =	vlt.u32 v15, $0x4200;
	v13 =	vsub.s32 v13, v0  }
0x78: {  	v17 =	vld [tilespmem:s0+$0x20];
	[tilespmem:s1+$0x18A0] =	vst v16;
	v15 =	vsel vm0, v15, v7;
	vm0 =	vlt.u32 v13, $0x4200  }
0x79: {  	v12 =	vsub.s32 v12, v0;
	v16 =	vld [tilespmem:s0+$0x30];
	[tilespmem:s1+$0x18B0] =	vst v15;
	v13 =	vsel vm0, v13, v8  }
0x7a: {  	vm0 =	vlt.u32 v12, $0x4200;
	v15 =	vld [tilespmem:s0+$0x40];
	[tilespmem:s1+$0x18C0] =	vst v13;
	v13 =	vsub.s32 v14, v0  }
0x7b: {  	v12 =	vsel vm0, v12, v9;
	v20 =	vsub.s32 v20, v0;
	vm0 =	vlt.u32 v13, $0x4200  }
0x7c: {  	v14 =	vld [tilespmem:s0+$0x50];
	[tilespmem:s1+$0x18D0] =	vst v12;
	v12 =	vsub.s32 v19, v0;
	vm1 =	vlt.u32 v20, $0x4200;
	v13 =	vsel vm0, v13, v10  }
0x7d: {  	v19 =	vld [tilespmem:s0+$0x60];
	vm0 =	vlt.u32 v12, $0x4200;
	v18 =	vsub.s32 v18, v0;
	v20 =	vsel vm1, v20, v11;
	[tilespmem:s1+$0x18E0] =	vst v13  }
0x7e: {  	v12 =	vsel vm0, v12, v4;
	vm0 =	vlt.u32 v18, $0x4200;
	v13 =	vsub.s32 v17, v0;
	[tilespmem:s0+$0x18F0] =	vst v20  }
0x7f: {  	[tilespmem:s0+$0x1880] =	vst v12;
	v12 =	vsel vm0, v18, v5;
	vm0 =	vlt.u32 v13, $0x4200;
	v16 =	vsub.s32 v16, v0  }
0x80: {  	[tilespmem:s0+$0x1890] =	vst v12;
	v12 =	vsel vm0, v13, v6;
	vm0 =	vlt.u32 v16, $0x4200;
	v13 =	vsub.s32 v15, v0  }
0x81: {  	[tilespmem:s0+$0x18A0] =	vst v12;
	v12 =	vsel vm0, v16, v7;
	vm0 =	vlt.u32 v13, $0x4200;
	v14 =	vsub.s32 v14, v0  }
0x82: {  	[tilespmem:s0+$0x18B0] =	vst v12;
	v12 =	vsel vm0, v13, v8;
	vm0 =	vlt.u32 v14, $0x4200;
	v13 =	vsub.s32 v19, v0  }
0x83: {  	[tilespmem:s0+$0x18C0] =	vst v12;
	v12 =	vsel vm0, v14, v9;
	vm0 =	vlt.u32 v13, $0x4200  }
0x84: {  	[tilespmem:s0+$0x18D0] =	vst v12;
	v12 =	vsel vm0, v13, v10  }
0x85: {  	[tilespmem:s0+$0x18E0] =	vst v12  }
0x86: {  	s1 =	simm.s32 $0x1880;
	[bflag:$0x0] =	sbarrier.arrive $0xFFFF  }
0x87: {  	[spmem:s2] =	stream.indirect.scatter.add.f32 [tilespmem:s28], [sflag:$0x1], $0x10, s1, s30, $0xb8;
	[tilespmem:$0x1FFA0] =	vst v63  }
0x88: {  	s4 =	simm.s32 $0x1900;
	s18 =	simm.s32 $0x3900  }
0x89: {  	[spmem:s2] =	stream.indirect.scatter.add.f32 [tilespmem:s18], [sflag:$0x1], $0x10, s4, s30, $0xb8;
	[tilespmem:$0x1FFA0] =	vst v63  }
0x8a: {  	s4 =	simm.s32 $0x1980;
	s18 =	simm.s32 $0x4100  }
0x8b: {  	[spmem:s2] =	stream.indirect.scatter.add.f32 [tilespmem:s18], [sflag:$0x1], $0x10, s4, s30, $0xb8;
	[tilespmem:$0x1FFA0] =	vst v63  }
0x8c: {  	s4 =	simm.s32 $0x1A00;
	s18 =	simm.s32 $0x4900  }
0x8d: {  	[spmem:s2] =	stream.indirect.scatter.add.f32 [tilespmem:s18], [sflag:$0x1], $0x10, s4, s30, $0xb8;
	[tilespmem:$0x1FFA0] =	vst v63  }
0x8e: {  	s4 =	simm.s32 $0x1A80;
	s18 =	simm.s32 $0x5100  }
0x8f: {  	[spmem:s2] =	stream.indirect.scatter.add.f32 [tilespmem:s18], [sflag:$0x1], $0x10, s4, s30, $0xb8;
	[tilespmem:$0x1FFA0] =	vst v63  }
0x90: {  	s4 =	simm.s32 $0x1B00;
	s18 =	simm.s32 $0x5900  }
0x91: {  	[spmem:s2] =	stream.indirect.scatter.add.f32 [tilespmem:s18], [sflag:$0x1], $0x10, s4, s30, $0xb8;
	[tilespmem:$0x1FFA0] =	vst v63  }
0x92: {  	s4 =	simm.s32 $0x1B80;
	s18 =	simm.s32 $0x6100  }
0x93: {  	[spmem:s2] =	stream.indirect.scatter.add.f32 [tilespmem:s18], [sflag:$0x1], $0x10, s4, s30, $0xb8;
	[tilespmem:$0x1FFA0] =	vst v63  }
0x94: {  	_ =	swait.ge [sflag:s5], $0x800  }
0x95: {  	[sflag:s5] =	ssyncset.done $0x0  }
0x96: {  	[sflag:s5] =	ssyncadd.s32 $0xFFFFF800  }
0x97: {  	_ =	swait.ge [sflag:s5], $0x800  }
0x98: {  	[sflag:s5] =	ssyncset.done $0x0  }
0x99: {  	[sflag:s5] =	ssyncadd.s32 $0xFFFFF800  }
0x9a: {  	_ =	swait.ge [sflag:s5], $0x800  }
0x9b: {  	[sflag:s5] =	ssyncset.done $0x0  }
0x9c: {  	[sflag:s5] =	ssyncadd.s32 $0xFFFFF800  }
0x9d: {  	_ =	swait.ge [sflag:s5], $0x800  }
0x9e: {  	[sflag:s5] =	ssyncset.done $0x0  }
0x9f: {  	[sflag:s5] =	ssyncadd.s32 $0xFFFFF800  }
0xa0: {  	_ =	swait.ge [sflag:s5], $0x800  }
0xa1: {  	[sflag:s5] =	ssyncset.done $0x0  }
0xa2: {  	[sflag:s5] =	ssyncadd.s32 $0xFFFFF800  }
0xa3: {  	_ =	swait.ge [sflag:s5], $0x800  }
0xa4: {  	[sflag:s5] =	ssyncset.done $0x0  }
0xa5: {  	[sflag:s5] =	ssyncadd.s32 $0xFFFFF800  }
0xa6: {  	_ =	swait.ge [sflag:s5], $0x800  }
0xa7: {  	[sflag:s5] =	ssyncset.done $0x0  }
0xa8: {  	s4 =	simm.s32 $0x1C00;
	s18 =	simm.s32 $0x6900;
	[sflag:s5] =	ssyncadd.s32 $0xFFFFF800  }
0xa9: {  	[spmem:s2] =	stream.indirect.scatter.add.f32 [tilespmem:s18], [sflag:$0x1], $0x10, s4, s30, $0xb8;
	[tilespmem:$0x1FFA0] =	vst v63  }
0xaa: {  	s4 =	simm.s32 $0x1C80;
	s18 =	simm.s32 $0x7100  }
0xab: {  	[spmem:s2] =	stream.indirect.scatter.add.f32 [tilespmem:s18], [sflag:$0x1], $0x10, s4, s30, $0xb8;
	[tilespmem:$0x1FFA0] =	vst v63  }
0xac: {  	s4 =	simm.s32 $0x1D00;
	s18 =	simm.s32 $0x7900  }
0xad: {  	[spmem:s2] =	stream.indirect.scatter.add.f32 [tilespmem:s18], [sflag:$0x1], $0x10, s4, s30, $0xb8;
	[tilespmem:$0x1FFA0] =	vst v63  }
0xae: {  	s4 =	simm.s32 $0x1D80;
	s18 =	simm.s32 $0x8100  }
0xaf: {  	[spmem:s2] =	stream.indirect.scatter.add.f32 [tilespmem:s18], [sflag:$0x1], $0x10, s4, s30, $0xb8;
	[tilespmem:$0x1FFA0] =	vst v63  }
0xb0: {  	s4 =	simm.s32 $0x1E00;
	s18 =	simm.s32 $0x8900  }
0xb1: {  	[spmem:s2] =	stream.indirect.scatter.add.f32 [tilespmem:s18], [sflag:$0x1], $0x10, s4, s30, $0xb8;
	[tilespmem:$0x1FFA0] =	vst v63  }
0xb2: {  	s4 =	simm.s32 $0x1E80;
	s18 =	simm.s32 $0x9100  }
0xb3: {  	[spmem:s2] =	stream.indirect.scatter.add.f32 [tilespmem:s18], [sflag:$0x1], $0x10, s4, s30, $0xb8;
	[tilespmem:$0x1FFA0] =	vst v63  }
0xb4: {  	s4 =	simm.s32 $0x1F00;
	s18 =	simm.s32 $0x9900  }
0xb5: {  	[spmem:s2] =	stream.indirect.scatter.add.f32 [tilespmem:s18], [sflag:$0x1], $0x10, s4, s30, $0xb8;
	[tilespmem:$0x1FFA0] =	vst v63  }
0xb6: {  	_ =	swait.ge [sflag:s5], $0x800  }
0xb7: {  	[sflag:s5] =	ssyncset.done $0x0  }
0xb8: {  	[sflag:s5] =	ssyncadd.s32 $0xFFFFF800  }
0xb9: {  	_ =	swait.ge [sflag:s5], $0x800  }
0xba: {  	[sflag:s5] =	ssyncset.done $0x0  }
0xbb: {  	[sflag:s5] =	ssyncadd.s32 $0xFFFFF800  }
0xbc: {  	_ =	swait.ge [sflag:s5], $0x800  }
0xbd: {  	[sflag:s5] =	ssyncset.done $0x0  }
0xbe: {  	[sflag:s5] =	ssyncadd.s32 $0xFFFFF800  }
0xbf: {  	_ =	swait.ge [sflag:s5], $0x800  }
0xc0: {  	[sflag:s5] =	ssyncset.done $0x0  }
0xc1: {  	[sflag:s5] =	ssyncadd.s32 $0xFFFFF800  }
0xc2: {  	_ =	swait.ge [sflag:s5], $0x800  }
0xc3: {  	[sflag:s5] =	ssyncset.done $0x0  }
0xc4: {  	[sflag:s5] =	ssyncadd.s32 $0xFFFFF800  }
0xc5: {  	_ =	swait.ge [sflag:s5], $0x800  }
0xc6: {  	[sflag:s5] =	ssyncset.done $0x0  }
0xc7: {  	[sflag:s5] =	ssyncadd.s32 $0xFFFFF800  }
0xc8: {  	_ =	swait.ge [sflag:s5], $0x800  }
0xc9: {  	[sflag:s5] =	ssyncset.done $0x0  }
0xca: {  	s4 =	simm.s32 $0x1F80;
	s18 =	simm.s32 $0xA100;
	[sflag:s5] =	ssyncadd.s32 $0xFFFFF800  }
0xcb: {  	[spmem:s2] =	stream.indirect.scatter.add.f32 [tilespmem:s18], [sflag:$0x1], $0x10, s4, s30, $0xb8;
	[tilespmem:$0x1FFA0] =	vst v63  }
0xcc: {  	s4 =	simm.s32 $0x2000;
	s18 =	simm.s32 $0xA900  }
0xcd: {  	[spmem:s2] =	stream.indirect.scatter.add.f32 [tilespmem:s18], [sflag:$0x1], $0x10, s4, s30, $0xb8;
	[tilespmem:$0x1FFA0] =	vst v63  }
0xce: {  	s4 =	simm.s32 $0x2080;
	s18 =	simm.s32 $0xB100  }
0xcf: {  	[spmem:s2] =	stream.indirect.scatter.add.f32 [tilespmem:s18], [sflag:$0x1], $0x10, s4, s30, $0xb8;
	[tilespmem:$0x1FFA0] =	vst v63  }
0xd0: {  	s4 =	simm.s32 $0x2100;
	s18 =	simm.s32 $0xB900  }
0xd1: {  	[spmem:s2] =	stream.indirect.scatter.add.f32 [tilespmem:s18], [sflag:$0x1], $0x10, s4, s30, $0xb8;
	[tilespmem:$0x1FFA0] =	vst v63  }
0xd2: {  	s4 =	simm.s32 $0x2180;
	s18 =	simm.s32 $0xC100  }
0xd3: {  	[spmem:s2] =	stream.indirect.scatter.add.f32 [tilespmem:s18], [sflag:$0x1], $0x10, s4, s30, $0xb8;
	[tilespmem:$0x1FFA0] =	vst v63  }
0xd4: {  	s4 =	simm.s32 $0x2200;
	s18 =	simm.s32 $0xC900  }
0xd5: {  	[spmem:s2] =	stream.indirect.scatter.add.f32 [tilespmem:s18], [sflag:$0x1], $0x10, s4, s30, $0xb8;
	[tilespmem:$0x1FFA0] =	vst v63  }
0xd6: {  	s4 =	simm.s32 $0x2280;
	s18 =	simm.s32 $0xD100  }
0xd7: {  	[spmem:s2] =	stream.indirect.scatter.add.f32 [tilespmem:s18], [sflag:$0x1], $0x10, s4, s30, $0xb8;
	[tilespmem:$0x1FFA0] =	vst v63  }
0xd8: {  	_ =	swait.ge [sflag:s5], $0x800  }
0xd9: {  	[sflag:s5] =	ssyncset.done $0x0  }
0xda: {  	[sflag:s5] =	ssyncadd.s32 $0xFFFFF800  }
0xdb: {  	_ =	swait.ge [sflag:s5], $0x800  }
0xdc: {  	[sflag:s5] =	ssyncset.done $0x0  }
0xdd: {  	[sflag:s5] =	ssyncadd.s32 $0xFFFFF800  }
0xde: {  	_ =	swait.ge [sflag:s5], $0x800  }
0xdf: {  	[sflag:s5] =	ssyncset.done $0x0  }
0xe0: {  	[sflag:s5] =	ssyncadd.s32 $0xFFFFF800  }
0xe1: {  	_ =	swait.ge [sflag:s5], $0x800  }
0xe2: {  	[sflag:s5] =	ssyncset.done $0x0  }
0xe3: {  	[sflag:s5] =	ssyncadd.s32 $0xFFFFF800  }
0xe4: {  	_ =	swait.ge [sflag:s5], $0x800  }
0xe5: {  	[sflag:s5] =	ssyncset.done $0x0  }
0xe6: {  	[sflag:s5] =	ssyncadd.s32 $0xFFFFF800  }
0xe7: {  	_ =	swait.ge [sflag:s5], $0x800  }
0xe8: {  	[sflag:s5] =	ssyncset.done $0x0  }
0xe9: {  	[sflag:s5] =	ssyncadd.s32 $0xFFFFF800  }
0xea: {  	_ =	swait.ge [sflag:s5], $0x800  }
0xeb: {  	[sflag:s5] =	ssyncset.done $0x0  }
0xec: {  	s4 =	simm.s32 $0x2300;
	s18 =	simm.s32 $0xD900;
	[sflag:s5] =	ssyncadd.s32 $0xFFFFF800  }
0xed: {  	[spmem:s2] =	stream.indirect.scatter.add.f32 [tilespmem:s18], [sflag:$0x1], $0x10, s4, s30, $0xb8;
	[tilespmem:$0x1FFA0] =	vst v63  }
0xee: {  	s4 =	simm.s32 $0x2380;
	s18 =	simm.s32 $0xE100  }
0xef: {  	[spmem:s2] =	stream.indirect.scatter.add.f32 [tilespmem:s18], [sflag:$0x1], $0x10, s4, s30, $0xb8;
	[tilespmem:$0x1FFA0] =	vst v63  }
0xf0: {  	s4 =	simm.s32 $0x2400;
	s18 =	simm.s32 $0xE900  }
0xf1: {  	[spmem:s2] =	stream.indirect.scatter.add.f32 [tilespmem:s18], [sflag:$0x1], $0x10, s4, s30, $0xb8;
	[tilespmem:$0x1FFA0] =	vst v63  }
0xf2: {  	s4 =	simm.s32 $0x2480;
	s18 =	simm.s32 $0xF100  }
0xf3: {  	[spmem:s2] =	stream.indirect.scatter.add.f32 [tilespmem:s18], [sflag:$0x1], $0x10, s4, s30, $0xb8;
	[tilespmem:$0x1FFA0] =	vst v63  }
0xf4: {  	s4 =	simm.s32 $0x2500;
	s18 =	simm.s32 $0xF900  }
0xf5: {  	[spmem:s2] =	stream.indirect.scatter.add.f32 [tilespmem:s18], [sflag:$0x1], $0x10, s4, s30, $0xb8;
	[tilespmem:$0x1FFA0] =	vst v63  }
0xf6: {  	s4 =	simm.s32 $0x2580;
	s18 =	simm.s32 $0x10100  }
0xf7: {  	[spmem:s2] =	stream.indirect.scatter.add.f32 [tilespmem:s18], [sflag:$0x1], $0x10, s4, s30, $0xb8;
	[tilespmem:$0x1FFA0] =	vst v63  }
0xf8: {  	s4 =	simm.s32 $0x2600;
	s18 =	simm.s32 $0x10900  }
0xf9: {  	[spmem:s2] =	stream.indirect.scatter.add.f32 [tilespmem:s18], [sflag:$0x1], $0x10, s4, s30, $0xb8;
	[tilespmem:$0x1FFA0] =	vst v63  }
0xfa: {  	_ =	swait.ge [sflag:s5], $0x800  }
0xfb: {  	[sflag:s5] =	ssyncset.done $0x0  }
0xfc: {  	[sflag:s5] =	ssyncadd.s32 $0xFFFFF800  }
0xfd: {  	_ =	swait.ge [sflag:s5], $0x800  }
0xfe: {  	[sflag:s5] =	ssyncset.done $0x0  }
0xff: {  	[sflag:s5] =	ssyncadd.s32 $0xFFFFF800  }
0x100: {  	_ =	swait.ge [sflag:s5], $0x800  }
0x101: {  	[sflag:s5] =	ssyncset.done $0x0  }
0x102: {  	[sflag:s5] =	ssyncadd.s32 $0xFFFFF800  }
0x103: {  	_ =	swait.ge [sflag:s5], $0x800  }
0x104: {  	[sflag:s5] =	ssyncset.done $0x0  }
0x105: {  	[sflag:s5] =	ssyncadd.s32 $0xFFFFF800  }
0x106: {  	_ =	swait.ge [sflag:s5], $0x800  }
0x107: {  	[sflag:s5] =	ssyncset.done $0x0  }
0x108: {  	[sflag:s5] =	ssyncadd.s32 $0xFFFFF800  }
0x109: {  	_ =	swait.ge [sflag:s5], $0x800  }
0x10a: {  	[sflag:s5] =	ssyncset.done $0x0  }
0x10b: {  	[sflag:s5] =	ssyncadd.s32 $0xFFFFF800  }
0x10c: {  	_ =	swait.ge [sflag:s5], $0x800  }
0x10d: {  	[sflag:s5] =	ssyncset.done $0x0  }
0x10e: {  	s4 =	simm.s32 $0x2680;
	s18 =	simm.s32 $0x11100;
	[sflag:s5] =	ssyncadd.s32 $0xFFFFF800  }
0x10f: {  	[spmem:s2] =	stream.indirect.scatter.add.f32 [tilespmem:s18], [sflag:$0x1], $0x10, s4, s30, $0xb8;
	[tilespmem:$0x1FFA0] =	vst v63  }
0x110: {  	s4 =	simm.s32 $0x2700;
	s18 =	simm.s32 $0x11900  }
0x111: {  	[spmem:s2] =	stream.indirect.scatter.add.f32 [tilespmem:s18], [sflag:$0x1], $0x10, s4, s30, $0xb8;
	[tilespmem:$0x1FFA0] =	vst v63  }
0x112: {  	s4 =	simm.s32 $0x2780;
	s18 =	simm.s32 $0x12100  }
0x113: {  	[spmem:s2] =	stream.indirect.scatter.add.f32 [tilespmem:s18], [sflag:$0x1], $0x10, s4, s30, $0xb8;
	[tilespmem:$0x1FFA0] =	vst v63  }
0x114: {  	s4 =	simm.s32 $0x2800;
	s18 =	simm.s32 $0x12900  }
0x115: {  	[spmem:s2] =	stream.indirect.scatter.add.f32 [tilespmem:s18], [sflag:$0x1], $0x10, s4, s30, $0xb8;
	[tilespmem:$0x1FFA0] =	vst v63  }
0x116: {  	s4 =	simm.s32 $0x2880;
	s18 =	simm.s32 $0x13100  }
0x117: {  	[spmem:s2] =	stream.indirect.scatter.add.f32 [tilespmem:s18], [sflag:$0x1], $0x10, s4, s30, $0xb8;
	[tilespmem:$0x1FFA0] =	vst v63  }
0x118: {  	s4 =	simm.s32 $0x2900;
	s18 =	simm.s32 $0x13900  }
0x119: {  	[spmem:s2] =	stream.indirect.scatter.add.f32 [tilespmem:s18], [sflag:$0x1], $0x10, s4, s30, $0xb8;
	[tilespmem:$0x1FFA0] =	vst v63  }
0x11a: {  	s4 =	simm.s32 $0x2980;
	s18 =	simm.s32 $0x14100  }
0x11b: {  	[spmem:s2] =	stream.indirect.scatter.add.f32 [tilespmem:s18], [sflag:$0x1], $0x10, s4, s30, $0xb8;
	[tilespmem:$0x1FFA0] =	vst v63  }
0x11c: {  	_ =	swait.ge [sflag:s5], $0x800  }
0x11d: {  	[sflag:s5] =	ssyncset.done $0x0  }
0x11e: {  	[sflag:s5] =	ssyncadd.s32 $0xFFFFF800  }
0x11f: {  	_ =	swait.ge [sflag:s5], $0x800  }
0x120: {  	[sflag:s5] =	ssyncset.done $0x0  }
0x121: {  	[sflag:s5] =	ssyncadd.s32 $0xFFFFF800  }
0x122: {  	_ =	swait.ge [sflag:s5], $0x800  }
0x123: {  	[sflag:s5] =	ssyncset.done $0x0  }
0x124: {  	[sflag:s5] =	ssyncadd.s32 $0xFFFFF800  }
0x125: {  	_ =	swait.ge [sflag:s5], $0x800  }
0x126: {  	[sflag:s5] =	ssyncset.done $0x0  }
0x127: {  	[sflag:s5] =	ssyncadd.s32 $0xFFFFF800  }
0x128: {  	_ =	swait.ge [sflag:s5], $0x800  }
0x129: {  	[sflag:s5] =	ssyncset.done $0x0  }
0x12a: {  	[sflag:s5] =	ssyncadd.s32 $0xFFFFF800  }
0x12b: {  	_ =	swait.ge [sflag:s5], $0x800  }
0x12c: {  	[sflag:s5] =	ssyncset.done $0x0  }
0x12d: {  	[sflag:s5] =	ssyncadd.s32 $0xFFFFF800  }
0x12e: {  	_ =	swait.ge [sflag:s5], $0x800  }
0x12f: {  	[sflag:s5] =	ssyncset.done $0x0  }
0x130: {  	s4 =	simm.s32 $0x2A00;
	s18 =	simm.s32 $0x14900;
	[sflag:s5] =	ssyncadd.s32 $0xFFFFF800  }
0x131: {  	[spmem:s2] =	stream.indirect.scatter.add.f32 [tilespmem:s18], [sflag:$0x1], $0x10, s4, s30, $0xb8;
	[tilespmem:$0x1FFA0] =	vst v63  }
0x132: {  	s4 =	simm.s32 $0x2A80;
	s18 =	simm.s32 $0x15100  }
0x133: {  	[spmem:s2] =	stream.indirect.scatter.add.f32 [tilespmem:s18], [sflag:$0x1], $0x10, s4, s30, $0xb8;
	[tilespmem:$0x1FFA0] =	vst v63  }
0x134: {  	s4 =	simm.s32 $0x2B00;
	s18 =	simm.s32 $0x15900  }
0x135: {  	[spmem:s2] =	stream.indirect.scatter.add.f32 [tilespmem:s18], [sflag:$0x1], $0x10, s4, s30, $0xb8;
	[tilespmem:$0x1FFA0] =	vst v63  }
0x136: {  	s4 =	simm.s32 $0x2B80;
	s18 =	simm.s32 $0x16100  }
0x137: {  	[spmem:s2] =	stream.indirect.scatter.add.f32 [tilespmem:s18], [sflag:$0x1], $0x10, s4, s30, $0xb8;
	[tilespmem:$0x1FFA0] =	vst v63  }
0x138: {  	s4 =	simm.s32 $0x2C00;
	s18 =	simm.s32 $0x16900  }
0x139: {  	[spmem:s2] =	stream.indirect.scatter.add.f32 [tilespmem:s18], [sflag:$0x1], $0x10, s4, s30, $0xb8;
	[tilespmem:$0x1FFA0] =	vst v63  }
0x13a: {  	s4 =	simm.s32 $0x2C80;
	s18 =	simm.s32 $0x17100  }
0x13b: {  	[spmem:s2] =	stream.indirect.scatter.add.f32 [tilespmem:s18], [sflag:$0x1], $0x10, s4, s30, $0xb8;
	[tilespmem:$0x1FFA0] =	vst v63  }
0x13c: {  	s4 =	simm.s32 $0x2D00;
	s18 =	simm.s32 $0x17900  }
0x13d: {  	[spmem:s2] =	stream.indirect.scatter.add.f32 [tilespmem:s18], [sflag:$0x1], $0x10, s4, s30, $0xb8;
	[tilespmem:$0x1FFA0] =	vst v63  }
0x13e: {  	_ =	swait.ge [sflag:s5], $0x800  }
0x13f: {  	[sflag:s5] =	ssyncset.done $0x0  }
0x140: {  	[sflag:s5] =	ssyncadd.s32 $0xFFFFF800  }
0x141: {  	_ =	swait.ge [sflag:s5], $0x800  }
0x142: {  	[sflag:s5] =	ssyncset.done $0x0  }
0x143: {  	[sflag:s5] =	ssyncadd.s32 $0xFFFFF800  }
0x144: {  	_ =	swait.ge [sflag:s5], $0x800  }
0x145: {  	[sflag:s5] =	ssyncset.done $0x0  }
0x146: {  	[sflag:s5] =	ssyncadd.s32 $0xFFFFF800  }
0x147: {  	_ =	swait.ge [sflag:s5], $0x800  }
0x148: {  	[sflag:s5] =	ssyncset.done $0x0  }
0x149: {  	[sflag:s5] =	ssyncadd.s32 $0xFFFFF800  }
0x14a: {  	_ =	swait.ge [sflag:s5], $0x800  }
0x14b: {  	[sflag:s5] =	ssyncset.done $0x0  }
0x14c: {  	[sflag:s5] =	ssyncadd.s32 $0xFFFFF800  }
0x14d: {  	_ =	swait.ge [sflag:s5], $0x800  }
0x14e: {  	[sflag:s5] =	ssyncset.done $0x0  }
0x14f: {  	[sflag:s5] =	ssyncadd.s32 $0xFFFFF800  }
0x150: {  	_ =	swait.ge [sflag:s5], $0x800  }
0x151: {  	[sflag:s5] =	ssyncset.done $0x0  }
0x152: {  	s4 =	simm.s32 $0x2D80;
	s18 =	simm.s32 $0x18100;
	[sflag:s5] =	ssyncadd.s32 $0xFFFFF800  }
0x153: {  	[spmem:s2] =	stream.indirect.scatter.add.f32 [tilespmem:s18], [sflag:$0x1], $0x10, s4, s30, $0xb8;
	[tilespmem:$0x1FFA0] =	vst v63  }
0x154: {  	s4 =	simm.s32 $0x2E00;
	s18 =	simm.s32 $0x18900  }
0x155: {  	[spmem:s2] =	stream.indirect.scatter.add.f32 [tilespmem:s18], [sflag:$0x1], $0x10, s4, s30, $0xb8;
	[tilespmem:$0x1FFA0] =	vst v63  }
0x156: {  	s4 =	simm.s32 $0x2E80;
	s18 =	simm.s32 $0x19100  }
0x157: {  	[spmem:s2] =	stream.indirect.scatter.add.f32 [tilespmem:s18], [sflag:$0x1], $0x10, s4, s30, $0xb8;
	[tilespmem:$0x1FFA0] =	vst v63  }
0x158: {  	s4 =	simm.s32 $0x2F00;
	s18 =	simm.s32 $0x19900  }
0x159: {  	[spmem:s2] =	stream.indirect.scatter.add.f32 [tilespmem:s18], [sflag:$0x1], $0x10, s4, s30, $0xb8;
	[tilespmem:$0x1FFA0] =	vst v63  }
0x15a: {  	s4 =	simm.s32 $0x2F80;
	s18 =	simm.s32 $0x1A100  }
0x15b: {  	[spmem:s2] =	stream.indirect.scatter.add.f32 [tilespmem:s18], [sflag:$0x1], $0x10, s4, s30, $0xb8;
	[tilespmem:$0x1FFA0] =	vst v63  }
0x15c: {  	s1 =	simm.s32 $0x3000  }
0x15d: {  	[spmem:s2] =	stream.indirect.scatter.add.f32 [tilespmem:s19], [sflag:$0x1], $0x10, s1, s30, $0xb8;
	[tilespmem:$0x1FFA0] =	vst v63  }
0x15e: {  	_ = 	snop  }
0x15f: {  	[spmem:s2] =	stream.indirect.scatter.add.f32 [tilespmem:s22], [sflag:$0x1], $0x10, s20, s30, $0xb8;
	[tilespmem:$0x1FFA0] =	vst v63  }
0x160: {  	_ =	swait.ge [sflag:s5], $0x800  }
0x161: {  	[sflag:s5] =	ssyncset.done $0x0  }
0x162: {  	[sflag:s5] =	ssyncadd.s32 $0xFFFFF800  }
0x163: {  	_ =	swait.ge [sflag:s5], $0x800  }
0x164: {  	[sflag:s5] =	ssyncset.done $0x0  }
0x165: {  	[sflag:s5] =	ssyncadd.s32 $0xFFFFF800  }
0x166: {  	_ =	swait.ge [sflag:s5], $0x800  }
0x167: {  	[sflag:s5] =	ssyncset.done $0x0  }
0x168: {  	[sflag:s5] =	ssyncadd.s32 $0xFFFFF800  }
0x169: {  	_ =	swait.ge [sflag:s5], $0x800  }
0x16a: {  	[sflag:s5] =	ssyncset.done $0x0  }
0x16b: {  	[sflag:s5] =	ssyncadd.s32 $0xFFFFF800  }
0x16c: {  	_ =	swait.ge [sflag:s5], $0x800  }
0x16d: {  	[sflag:s5] =	ssyncset.done $0x0  }
0x16e: {  	[sflag:s5] =	ssyncadd.s32 $0xFFFFF800  }
0x16f: {  	_ =	swait.ge [sflag:s5], $0x800  }
0x170: {  	[sflag:s5] =	ssyncset.done $0x0  }
0x171: {  	[sflag:s5] =	ssyncadd.s32 $0xFFFFF800  }
0x172: {  	_ =	swait.ge [sflag:s5], $0x800  }
0x173: {  	[sflag:s5] =	ssyncset.done $0x0  }
0x174: {  	s4 =	stileid.u32;
	[sflag:s5] =	ssyncadd.s32 $0xFFFFF800  }
0x175: {  	s0 =	sshll.u32 s4, $0x6;
	[bflag:$0x0] =	sbarrier.arrive $0xFFFF  }
0x176: {  	s31 =	sor.u32 $0x1C02, s0;
	s0 =	sshrl.u32 s6, $0x3;
	s18 =	rddreg [dreg:$0x5]  }
0x177: {  	[hbm:s18], [sflag:s31] =	dma.local [spmem:s0], $0x840  }
0x178: {  	_ =	swait.ge [sflag:s26], $0x840  }
0x179: {  	[sflag:s26] =	ssyncset.done $0x0  }
0x17a: {  	[sflag:s26] =	ssyncadd.s32 $0xFFFFF7C0  }
0x17b: {  	[spmem:s6] =	stream.linear.scatter [tilespmem:s29], [sflag:$0x2], $0x420, $0x38;
	[tilespmem:$0x1FFA0] =	vst v63  }
0x17c: {  	_ =	swait.ge [sflag:s26], $0x420  }
0x17d: {  	[sflag:s26] =	ssyncset.done $0x0  }
0x17e: {  	[sflag:s26] =	ssyncadd.s32 $0xFFFFFBE0  }
0x17f: {  	[spmem:s7] =	stream.linear.scatter [tilespmem:s29], [sflag:$0x2], $0x420, $0x38;
	[tilespmem:$0x1FFA0] =	vst v63  }
0x180: {  	_ =	swait.ge [sflag:s26], $0x420  }
0x181: {  	[sflag:s26] =	ssyncset.done $0x0  }
0x182: {  	[sflag:s26] =	ssyncadd.s32 $0xFFFFFBE0  }
0x183: {  	[spmem:s8] =	stream.linear.scatter [tilespmem:s29], [sflag:$0x2], $0x420, $0x38;
	[tilespmem:$0x1FFA0] =	vst v63  }
0x184: {  	_ =	swait.ge [sflag:s26], $0x420  }
0x185: {  	[sflag:s26] =	ssyncset.done $0x0  }
0x186: {  	[sflag:s26] =	ssyncadd.s32 $0xFFFFFBE0  }
0x187: {  	[spmem:s9] =	stream.linear.scatter [tilespmem:s29], [sflag:$0x2], $0x420, $0x38;
	[tilespmem:$0x1FFA0] =	vst v63  }
0x188: {  	_ =	swait.ge [sflag:s26], $0x420  }
0x189: {  	[sflag:s26] =	ssyncset.done $0x0  }
0x18a: {  	[sflag:s26] =	ssyncadd.s32 $0xFFFFFBE0  }
0x18b: {  	[spmem:s10] =	stream.linear.scatter [tilespmem:s29], [sflag:$0x2], $0x420, $0x38;
	[tilespmem:$0x1FFA0] =	vst v63  }
0x18c: {  	_ =	swait.ge [sflag:s26], $0x420  }
0x18d: {  	[sflag:s26] =	ssyncset.done $0x0  }
0x18e: {  	[sflag:s26] =	ssyncadd.s32 $0xFFFFFBE0  }
0x18f: {  	[spmem:s11] =	stream.linear.scatter [tilespmem:s29], [sflag:$0x2], $0x420, $0x38;
	[tilespmem:$0x1FFA0] =	vst v63  }
0x190: {  	_ =	swait.ge [sflag:s26], $0x420  }
0x191: {  	[sflag:s26] =	ssyncset.done $0x0  }
0x192: {  	[sflag:s26] =	ssyncadd.s32 $0xFFFFFBE0  }
0x193: {  	[spmem:s12] =	stream.linear.scatter [tilespmem:s29], [sflag:$0x2], $0x420, $0x38;
	[tilespmem:$0x1FFA0] =	vst v63  }
0x194: {  	_ =	swait.ge [sflag:s26], $0x420  }
0x195: {  	[sflag:s26] =	ssyncset.done $0x0  }
0x196: {  	[sflag:s26] =	ssyncadd.s32 $0xFFFFFBE0  }
0x197: {  	[spmem:s13] =	stream.linear.scatter [tilespmem:s29], [sflag:$0x2], $0x420, $0x38;
	[tilespmem:$0x1FFA0] =	vst v63  }
0x198: {  	_ =	swait.ge [sflag:s26], $0x420  }
0x199: {  	[sflag:s26] =	ssyncset.done $0x0  }
0x19a: {  	[sflag:s26] =	ssyncadd.s32 $0xFFFFFBE0  }
0x19b: {  	[spmem:s14] =	stream.linear.scatter [tilespmem:s29], [sflag:$0x2], $0x420, $0x38;
	[tilespmem:$0x1FFA0] =	vst v63  }
0x19c: {  	_ =	swait.ge [sflag:s26], $0x420  }
0x19d: {  	[sflag:s26] =	ssyncset.done $0x0  }
0x19e: {  	[sflag:s26] =	ssyncadd.s32 $0xFFFFFBE0  }
0x19f: {  	[spmem:s15] =	stream.linear.scatter [tilespmem:s29], [sflag:$0x2], $0x420, $0x38;
	[tilespmem:$0x1FFA0] =	vst v63  }
0x1a0: {  	_ =	swait.ge [sflag:s26], $0x420  }
0x1a1: {  	[sflag:s26] =	ssyncset.done $0x0  }
0x1a2: {  	[sflag:s26] =	ssyncadd.s32 $0xFFFFFBE0  }
0x1a3: {  	[spmem:s16] =	stream.linear.scatter [tilespmem:s29], [sflag:$0x2], $0x420, $0x38;
	[tilespmem:$0x1FFA0] =	vst v63  }
0x1a4: {  	_ =	swait.ge [sflag:s26], $0x420  }
0x1a5: {  	[sflag:s26] =	ssyncset.done $0x0  }
0x1a6: {  	[sflag:s26] =	ssyncadd.s32 $0xFFFFFBE0  }
0x1a7: {  	[spmem:s17] =	stream.linear.scatter [tilespmem:s29], [sflag:$0x2], $0x420, $0x38;
	[tilespmem:$0x1FFA0] =	vst v63  }
0x1a8: {  	_ =	swait.ge [sflag:s26], $0x420  }
0x1a9: {  	[sflag:s26] =	ssyncset.done $0x0  }
0x1aa: {  	[sflag:s26] =	ssyncadd.s32 $0xFFFFFBE0  }
0x1ab: {  	[spmem:s21] =	stream.linear.scatter [tilespmem:s29], [sflag:$0x2], $0x420, $0x38;
	[tilespmem:$0x1FFA0] =	vst v63  }
0x1ac: {  	_ =	swait.ge [sflag:s26], $0x420  }
0x1ad: {  	[sflag:s26] =	ssyncset.done $0x0  }
0x1ae: {  	[sflag:s26] =	ssyncadd.s32 $0xFFFFFBE0  }
0x1af: {  	[spmem:s23] =	stream.linear.scatter [tilespmem:s29], [sflag:$0x2], $0x420, $0x38;
	[tilespmem:$0x1FFA0] =	vst v63  }
0x1b0: {  	_ =	swait.ge [sflag:s26], $0x420  }
0x1b1: {  	[sflag:s26] =	ssyncset.done $0x0  }
0x1b2: {  	[sflag:s26] =	ssyncadd.s32 $0xFFFFFBE0  }
0x1b3: {  	[spmem:s24] =	stream.linear.scatter [tilespmem:s29], [sflag:$0x2], $0x420, $0x38;
	[tilespmem:$0x1FFA0] =	vst v63  }
0x1b4: {  	_ =	swait.ge [sflag:s26], $0x420  }
0x1b5: {  	[sflag:s26] =	ssyncset.done $0x0  }
0x1b6: {  	[sflag:s26] =	ssyncadd.s32 $0xFFFFFBE0  }
0x1b7: {  	[spmem:s25] =	stream.linear.scatter [tilespmem:s29], [sflag:$0x2], $0x420, $0x38;
	[tilespmem:$0x1FFA0] =	vst v63  }
0x1b8: {  	_ =	swait.ge [sflag:s26], $0x420  }
0x1b9: {  	[sflag:s26] =	ssyncset.done $0x0  }
0x1ba: {  	s4 =	simm.s32 $0x0;
	[sflag:s26] =	ssyncadd.s32 $0xFFFFFBE0  }
0x1bb: {  	v12 =	vld [tilespmem:s4+$0x70]  }
0x1bc: {  	v14 =	vld [tilespmem:s4+$0x0]  }
0x1bd: {  	v18 =	vld [tilespmem:s4+$0x10]  }
0x1be: {  	v16 =	vld [tilespmem:s4+$0x20]  }
0x1bf: {  	v15 =	vld [tilespmem:s4+$0x30]  }
0x1c0: {  	v13 =	vld [tilespmem:s4+$0x40];
	v19 =	vsub.s32 v12, v1  }
0x1c1: {  	v17 =	vsub.s32 v14, v1;
	v12 =	vld [tilespmem:s4+$0x50];
	vm1 =	vlt.u32 v19, $0x4200  }
0x1c2: {  	s1 =	simm.s32 $0x80;
	s18 =	simm.s32 $0x400;
	v18 =	vsub.s32 v18, v1;
	v14 =	vld [tilespmem:s4+$0x60];
	vm0 =	vlt.u32 v17, $0x4200;
	v19 =	vsel vm1, v19, v11  }
.LBB2_6:
0x1c3: {  	p0 =	sne.s32 s18, $0x6000;
	v20 =	vld [tilespmem:s1+$0x70];
	v17 =	vsel vm0, v17, v4;
	vm0 =	vlt.u32 v18, $0x4200;
	v16 =	vsub.s32 v16, v1;
	[tilespmem:s4+$0x18F0] =	vst v19  }
0x1c4: {  	v19 =	vld [tilespmem:s1+$0x0];
	[tilespmem:s4+$0x1880] =	vst v17;
	v17 =	vsel vm0, v18, v5;
	vm0 =	vlt.u32 v16, $0x4200;
	v15 =	vsub.s32 v15, v1  }
0x1c5: {  	v18 =	vld [tilespmem:s1+$0x10];
	[tilespmem:s4+$0x1890] =	vst v17;
	v17 =	vsel vm0, v16, v6;
	vm0 =	vlt.u32 v15, $0x4200;
	v13 =	vsub.s32 v13, v1  }
.Ltmp2:
0x1c6: {  	v16 =	vld [tilespmem:s1+$0x20];
	[tilespmem:s4+$0x18A0] =	vst v17;
	v17 =	vsel vm0, v15, v7;
	vm0 =	vlt.u32 v13, $0x4200;
	v12 =	vsub.s32 v12, v1;
	(pc) =	sbr.rel @p0 .LBB2_6-.Ltmp2, $4  }
0x1c7: {  	v15 =	vld [tilespmem:s1+$0x30];
	[tilespmem:s4+$0x18B0] =	vst v17;
	v17 =	vsel vm0, v13, v8;
	vm0 =	vlt.u32 v12, $0x4200;
	v14 =	vsub.s32 v14, v1  }
0x1c8: {  	v13 =	vld [tilespmem:s1+$0x40];
	v20 =	vsub.s32 v20, v1;
	[tilespmem:s4+$0x18C0] =	vst v17;
	v21 =	vsel vm0, v12, v9;
	vm0 =	vlt.u32 v14, $0x4200  }
0x1c9: {  	v17 =	vsub.s32 v19, v1;
	v12 =	vld [tilespmem:s1+$0x50];
	vm1 =	vlt.u32 v20, $0x4200;
	[tilespmem:s4+$0x18D0] =	vst v21;
	v21 =	vsel vm0, v14, v10  }
0x1ca: {  	vm0 =	vlt.u32 v17, $0x4200;
	v18 =	vsub.s32 v18, v1;
	v14 =	vld [tilespmem:s1+$0x60];
	v19 =	vsel vm1, v20, v11;
	[tilespmem:s4+$0x18E0] =	vst v21;
	s4 =	smov.u32 s1;
	s1 =	sshra.s32 s18, $0x2;
	s18 =	sadd.s32 $0x200, s18  }
0x1cb: {  	v20 =	vld [tilespmem:s1+$0x70];
	[tilespmem:s4+$0x18F0] =	vst v19;
	v17 =	vsel vm0, v17, v4;
	vm0 =	vlt.u32 v18, $0x4200;
	v16 =	vsub.s32 v16, v1  }
0x1cc: {  	v19 =	vld [tilespmem:s1+$0x0];
	[tilespmem:s4+$0x1880] =	vst v17;
	v17 =	vsel vm0, v18, v5;
	vm0 =	vlt.u32 v16, $0x4200;
	v15 =	vsub.s32 v15, v1  }
0x1cd: {  	v18 =	vld [tilespmem:s1+$0x10];
	[tilespmem:s4+$0x1890] =	vst v17;
	v16 =	vsel vm0, v16, v6;
	vm0 =	vlt.u32 v15, $0x4200;
	v13 =	vsub.s32 v13, v1  }
0x1ce: {  	v17 =	vld [tilespmem:s1+$0x20];
	[tilespmem:s4+$0x18A0] =	vst v16;
	v15 =	vsel vm0, v15, v7;
	vm0 =	vlt.u32 v13, $0x4200  }
0x1cf: {  	v12 =	vsub.s32 v12, v1;
	v16 =	vld [tilespmem:s1+$0x30];
	[tilespmem:s4+$0x18B0] =	vst v15;
	v13 =	vsel vm0, v13, v8  }
0x1d0: {  	vm0 =	vlt.u32 v12, $0x4200;
	v15 =	vld [tilespmem:s1+$0x40];
	[tilespmem:s4+$0x18C0] =	vst v13;
	v13 =	vsub.s32 v14, v1  }
0x1d1: {  	v12 =	vsel vm0, v12, v9;
	v20 =	vsub.s32 v20, v1;
	vm0 =	vlt.u32 v13, $0x4200  }
0x1d2: {  	v14 =	vld [tilespmem:s1+$0x50];
	[tilespmem:s4+$0x18D0] =	vst v12;
	v12 =	vsub.s32 v19, v1;
	vm1 =	vlt.u32 v20, $0x4200;
	v13 =	vsel vm0, v13, v10  }
0x1d3: {  	v19 =	vld [tilespmem:s1+$0x60];
	vm0 =	vlt.u32 v12, $0x4200;
	v18 =	vsub.s32 v18, v1;
	v20 =	vsel vm1, v20, v11;
	[tilespmem:s4+$0x18E0] =	vst v13  }
0x1d4: {  	v12 =	vsel vm0, v12, v4;
	vm0 =	vlt.u32 v18, $0x4200;
	v13 =	vsub.s32 v17, v1;
	[tilespmem:s1+$0x18F0] =	vst v20  }
0x1d5: {  	[tilespmem:s1+$0x1880] =	vst v12;
	v12 =	vsel vm0, v18, v5;
	vm0 =	vlt.u32 v13, $0x4200;
	v16 =	vsub.s32 v16, v1  }
0x1d6: {  	[tilespmem:s1+$0x1890] =	vst v12;
	v12 =	vsel vm0, v13, v6;
	vm0 =	vlt.u32 v16, $0x4200;
	v13 =	vsub.s32 v15, v1  }
0x1d7: {  	[tilespmem:s1+$0x18A0] =	vst v12;
	v12 =	vsel vm0, v16, v7;
	vm0 =	vlt.u32 v13, $0x4200;
	v14 =	vsub.s32 v14, v1  }
0x1d8: {  	[tilespmem:s1+$0x18B0] =	vst v12;
	v12 =	vsel vm0, v13, v8;
	vm0 =	vlt.u32 v14, $0x4200;
	v13 =	vsub.s32 v19, v1  }
0x1d9: {  	[tilespmem:s1+$0x18C0] =	vst v12;
	v12 =	vsel vm0, v14, v9;
	vm0 =	vlt.u32 v13, $0x4200  }
0x1da: {  	[tilespmem:s1+$0x18D0] =	vst v12;
	v12 =	vsel vm0, v13, v10  }
0x1db: {  	[tilespmem:s1+$0x18E0] =	vst v12  }
0x1dc: {  	s18 =	simm.s32 $0x1880;
	[bflag:$0x0] =	sbarrier.arrive $0xFFFF  }
0x1dd: {  	[spmem:s2] =	stream.indirect.scatter.add.f32 [tilespmem:s28], [sflag:$0x1], $0x10, s18, s30, $0xb8;
	[tilespmem:$0x1FFA0] =	vst v63  }
0x1de: {  	s4 =	simm.s32 $0x1900;
	s18 =	simm.s32 $0x3900  }
0x1df: {  	[spmem:s2] =	stream.indirect.scatter.add.f32 [tilespmem:s18], [sflag:$0x1], $0x10, s4, s30, $0xb8;
	[tilespmem:$0x1FFA0] =	vst v63  }
0x1e0: {  	s4 =	simm.s32 $0x1980;
	s18 =	simm.s32 $0x4100  }
0x1e1: {  	[spmem:s2] =	stream.indirect.scatter.add.f32 [tilespmem:s18], [sflag:$0x1], $0x10, s4, s30, $0xb8;
	[tilespmem:$0x1FFA0] =	vst v63  }
0x1e2: {  	s4 =	simm.s32 $0x1A00;
	s18 =	simm.s32 $0x4900  }
0x1e3: {  	[spmem:s2] =	stream.indirect.scatter.add.f32 [tilespmem:s18], [sflag:$0x1], $0x10, s4, s30, $0xb8;
	[tilespmem:$0x1FFA0] =	vst v63  }
0x1e4: {  	s4 =	simm.s32 $0x1A80;
	s18 =	simm.s32 $0x5100  }
0x1e5: {  	[spmem:s2] =	stream.indirect.scatter.add.f32 [tilespmem:s18], [sflag:$0x1], $0x10, s4, s30, $0xb8;
	[tilespmem:$0x1FFA0] =	vst v63  }
0x1e6: {  	s4 =	simm.s32 $0x1B00;
	s18 =	simm.s32 $0x5900  }
0x1e7: {  	[spmem:s2] =	stream.indirect.scatter.add.f32 [tilespmem:s18], [sflag:$0x1], $0x10, s4, s30, $0xb8;
	[tilespmem:$0x1FFA0] =	vst v63  }
0x1e8: {  	s4 =	simm.s32 $0x1B80;
	s18 =	simm.s32 $0x6100  }
0x1e9: {  	[spmem:s2] =	stream.indirect.scatter.add.f32 [tilespmem:s18], [sflag:$0x1], $0x10, s4, s30, $0xb8;
	[tilespmem:$0x1FFA0] =	vst v63  }
0x1ea: {  	_ =	swait.ge [sflag:s5], $0x800  }
0x1eb: {  	[sflag:s5] =	ssyncset.done $0x0  }
0x1ec: {  	[sflag:s5] =	ssyncadd.s32 $0xFFFFF800  }
0x1ed: {  	_ =	swait.ge [sflag:s5], $0x800  }
0x1ee: {  	[sflag:s5] =	ssyncset.done $0x0  }
0x1ef: {  	[sflag:s5] =	ssyncadd.s32 $0xFFFFF800  }
0x1f0: {  	_ =	swait.ge [sflag:s5], $0x800  }
0x1f1: {  	[sflag:s5] =	ssyncset.done $0x0  }
0x1f2: {  	[sflag:s5] =	ssyncadd.s32 $0xFFFFF800  }
0x1f3: {  	_ =	swait.ge [sflag:s5], $0x800  }
0x1f4: {  	[sflag:s5] =	ssyncset.done $0x0  }
0x1f5: {  	[sflag:s5] =	ssyncadd.s32 $0xFFFFF800  }
0x1f6: {  	_ =	swait.ge [sflag:s5], $0x800  }
0x1f7: {  	[sflag:s5] =	ssyncset.done $0x0  }
0x1f8: {  	[sflag:s5] =	ssyncadd.s32 $0xFFFFF800  }
0x1f9: {  	_ =	swait.ge [sflag:s5], $0x800  }
0x1fa: {  	[sflag:s5] =	ssyncset.done $0x0  }
0x1fb: {  	[sflag:s5] =	ssyncadd.s32 $0xFFFFF800  }
0x1fc: {  	_ =	swait.ge [sflag:s5], $0x800  }
0x1fd: {  	[sflag:s5] =	ssyncset.done $0x0  }
0x1fe: {  	s4 =	simm.s32 $0x1C00;
	s18 =	simm.s32 $0x6900;
	[sflag:s5] =	ssyncadd.s32 $0xFFFFF800  }
0x1ff: {  	[spmem:s2] =	stream.indirect.scatter.add.f32 [tilespmem:s18], [sflag:$0x1], $0x10, s4, s30, $0xb8;
	[tilespmem:$0x1FFA0] =	vst v63  }
0x200: {  	s4 =	simm.s32 $0x1C80;
	s18 =	simm.s32 $0x7100  }
0x201: {  	[spmem:s2] =	stream.indirect.scatter.add.f32 [tilespmem:s18], [sflag:$0x1], $0x10, s4, s30, $0xb8;
	[tilespmem:$0x1FFA0] =	vst v63  }
0x202: {  	s4 =	simm.s32 $0x1D00;
	s18 =	simm.s32 $0x7900  }
0x203: {  	[spmem:s2] =	stream.indirect.scatter.add.f32 [tilespmem:s18], [sflag:$0x1], $0x10, s4, s30, $0xb8;
	[tilespmem:$0x1FFA0] =	vst v63  }
0x204: {  	s4 =	simm.s32 $0x1D80;
	s18 =	simm.s32 $0x8100  }
0x205: {  	[spmem:s2] =	stream.indirect.scatter.add.f32 [tilespmem:s18], [sflag:$0x1], $0x10, s4, s30, $0xb8;
	[tilespmem:$0x1FFA0] =	vst v63  }
0x206: {  	s4 =	simm.s32 $0x1E00;
	s18 =	simm.s32 $0x8900  }
0x207: {  	[spmem:s2] =	stream.indirect.scatter.add.f32 [tilespmem:s18], [sflag:$0x1], $0x10, s4, s30, $0xb8;
	[tilespmem:$0x1FFA0] =	vst v63  }
0x208: {  	s4 =	simm.s32 $0x1E80;
	s18 =	simm.s32 $0x9100  }
0x209: {  	[spmem:s2] =	stream.indirect.scatter.add.f32 [tilespmem:s18], [sflag:$0x1], $0x10, s4, s30, $0xb8;
	[tilespmem:$0x1FFA0] =	vst v63  }
0x20a: {  	s4 =	simm.s32 $0x1F00;
	s18 =	simm.s32 $0x9900  }
0x20b: {  	[spmem:s2] =	stream.indirect.scatter.add.f32 [tilespmem:s18], [sflag:$0x1], $0x10, s4, s30, $0xb8;
	[tilespmem:$0x1FFA0] =	vst v63  }
0x20c: {  	_ =	swait.ge [sflag:s5], $0x800  }
0x20d: {  	[sflag:s5] =	ssyncset.done $0x0  }
0x20e: {  	[sflag:s5] =	ssyncadd.s32 $0xFFFFF800  }
0x20f: {  	_ =	swait.ge [sflag:s5], $0x800  }
0x210: {  	[sflag:s5] =	ssyncset.done $0x0  }
0x211: {  	[sflag:s5] =	ssyncadd.s32 $0xFFFFF800  }
0x212: {  	_ =	swait.ge [sflag:s5], $0x800  }
0x213: {  	[sflag:s5] =	ssyncset.done $0x0  }
0x214: {  	[sflag:s5] =	ssyncadd.s32 $0xFFFFF800  }
0x215: {  	_ =	swait.ge [sflag:s5], $0x800  }
0x216: {  	[sflag:s5] =	ssyncset.done $0x0  }
0x217: {  	[sflag:s5] =	ssyncadd.s32 $0xFFFFF800  }
0x218: {  	_ =	swait.ge [sflag:s5], $0x800  }
0x219: {  	[sflag:s5] =	ssyncset.done $0x0  }
0x21a: {  	[sflag:s5] =	ssyncadd.s32 $0xFFFFF800  }
0x21b: {  	_ =	swait.ge [sflag:s5], $0x800  }
0x21c: {  	[sflag:s5] =	ssyncset.done $0x0  }
0x21d: {  	[sflag:s5] =	ssyncadd.s32 $0xFFFFF800  }
0x21e: {  	_ =	swait.ge [sflag:s5], $0x800  }
0x21f: {  	[sflag:s5] =	ssyncset.done $0x0  }
0x220: {  	s4 =	simm.s32 $0x1F80;
	s18 =	simm.s32 $0xA100;
	[sflag:s5] =	ssyncadd.s32 $0xFFFFF800  }
0x221: {  	[spmem:s2] =	stream.indirect.scatter.add.f32 [tilespmem:s18], [sflag:$0x1], $0x10, s4, s30, $0xb8;
	[tilespmem:$0x1FFA0] =	vst v63  }
0x222: {  	s4 =	simm.s32 $0x2000;
	s18 =	simm.s32 $0xA900  }
0x223: {  	[spmem:s2] =	stream.indirect.scatter.add.f32 [tilespmem:s18], [sflag:$0x1], $0x10, s4, s30, $0xb8;
	[tilespmem:$0x1FFA0] =	vst v63  }
0x224: {  	s4 =	simm.s32 $0x2080;
	s18 =	simm.s32 $0xB100  }
0x225: {  	[spmem:s2] =	stream.indirect.scatter.add.f32 [tilespmem:s18], [sflag:$0x1], $0x10, s4, s30, $0xb8;
	[tilespmem:$0x1FFA0] =	vst v63  }
0x226: {  	s4 =	simm.s32 $0x2100;
	s18 =	simm.s32 $0xB900  }
0x227: {  	[spmem:s2] =	stream.indirect.scatter.add.f32 [tilespmem:s18], [sflag:$0x1], $0x10, s4, s30, $0xb8;
	[tilespmem:$0x1FFA0] =	vst v63  }
0x228: {  	s4 =	simm.s32 $0x2180;
	s18 =	simm.s32 $0xC100  }
0x229: {  	[spmem:s2] =	stream.indirect.scatter.add.f32 [tilespmem:s18], [sflag:$0x1], $0x10, s4, s30, $0xb8;
	[tilespmem:$0x1FFA0] =	vst v63  }
0x22a: {  	s4 =	simm.s32 $0x2200;
	s18 =	simm.s32 $0xC900  }
0x22b: {  	[spmem:s2] =	stream.indirect.scatter.add.f32 [tilespmem:s18], [sflag:$0x1], $0x10, s4, s30, $0xb8;
	[tilespmem:$0x1FFA0] =	vst v63  }
0x22c: {  	s4 =	simm.s32 $0x2280;
	s18 =	simm.s32 $0xD100  }
0x22d: {  	[spmem:s2] =	stream.indirect.scatter.add.f32 [tilespmem:s18], [sflag:$0x1], $0x10, s4, s30, $0xb8;
	[tilespmem:$0x1FFA0] =	vst v63  }
0x22e: {  	_ =	swait.ge [sflag:s5], $0x800  }
0x22f: {  	[sflag:s5] =	ssyncset.done $0x0  }
0x230: {  	[sflag:s5] =	ssyncadd.s32 $0xFFFFF800  }
0x231: {  	_ =	swait.ge [sflag:s5], $0x800  }
0x232: {  	[sflag:s5] =	ssyncset.done $0x0  }
0x233: {  	[sflag:s5] =	ssyncadd.s32 $0xFFFFF800  }
0x234: {  	_ =	swait.ge [sflag:s5], $0x800  }
0x235: {  	[sflag:s5] =	ssyncset.done $0x0  }
0x236: {  	[sflag:s5] =	ssyncadd.s32 $0xFFFFF800  }
0x237: {  	_ =	swait.ge [sflag:s5], $0x800  }
0x238: {  	[sflag:s5] =	ssyncset.done $0x0  }
0x239: {  	[sflag:s5] =	ssyncadd.s32 $0xFFFFF800  }
0x23a: {  	_ =	swait.ge [sflag:s5], $0x800  }
0x23b: {  	[sflag:s5] =	ssyncset.done $0x0  }
0x23c: {  	[sflag:s5] =	ssyncadd.s32 $0xFFFFF800  }
0x23d: {  	_ =	swait.ge [sflag:s5], $0x800  }
0x23e: {  	[sflag:s5] =	ssyncset.done $0x0  }
0x23f: {  	[sflag:s5] =	ssyncadd.s32 $0xFFFFF800  }
0x240: {  	_ =	swait.ge [sflag:s5], $0x800  }
0x241: {  	[sflag:s5] =	ssyncset.done $0x0  }
0x242: {  	s4 =	simm.s32 $0x2300;
	s18 =	simm.s32 $0xD900;
	[sflag:s5] =	ssyncadd.s32 $0xFFFFF800  }
0x243: {  	[spmem:s2] =	stream.indirect.scatter.add.f32 [tilespmem:s18], [sflag:$0x1], $0x10, s4, s30, $0xb8;
	[tilespmem:$0x1FFA0] =	vst v63  }
0x244: {  	s4 =	simm.s32 $0x2380;
	s18 =	simm.s32 $0xE100  }
0x245: {  	[spmem:s2] =	stream.indirect.scatter.add.f32 [tilespmem:s18], [sflag:$0x1], $0x10, s4, s30, $0xb8;
	[tilespmem:$0x1FFA0] =	vst v63  }
0x246: {  	s4 =	simm.s32 $0x2400;
	s18 =	simm.s32 $0xE900  }
0x247: {  	[spmem:s2] =	stream.indirect.scatter.add.f32 [tilespmem:s18], [sflag:$0x1], $0x10, s4, s30, $0xb8;
	[tilespmem:$0x1FFA0] =	vst v63  }
0x248: {  	s4 =	simm.s32 $0x2480;
	s18 =	simm.s32 $0xF100  }
0x249: {  	[spmem:s2] =	stream.indirect.scatter.add.f32 [tilespmem:s18], [sflag:$0x1], $0x10, s4, s30, $0xb8;
	[tilespmem:$0x1FFA0] =	vst v63  }
0x24a: {  	s4 =	simm.s32 $0x2500;
	s18 =	simm.s32 $0xF900  }
0x24b: {  	[spmem:s2] =	stream.indirect.scatter.add.f32 [tilespmem:s18], [sflag:$0x1], $0x10, s4, s30, $0xb8;
	[tilespmem:$0x1FFA0] =	vst v63  }
0x24c: {  	s4 =	simm.s32 $0x2580;
	s18 =	simm.s32 $0x10100  }
0x24d: {  	[spmem:s2] =	stream.indirect.scatter.add.f32 [tilespmem:s18], [sflag:$0x1], $0x10, s4, s30, $0xb8;
	[tilespmem:$0x1FFA0] =	vst v63  }
0x24e: {  	s4 =	simm.s32 $0x2600;
	s18 =	simm.s32 $0x10900  }
0x24f: {  	[spmem:s2] =	stream.indirect.scatter.add.f32 [tilespmem:s18], [sflag:$0x1], $0x10, s4, s30, $0xb8;
	[tilespmem:$0x1FFA0] =	vst v63  }
0x250: {  	_ =	swait.ge [sflag:s5], $0x800  }
0x251: {  	[sflag:s5] =	ssyncset.done $0x0  }
0x252: {  	[sflag:s5] =	ssyncadd.s32 $0xFFFFF800  }
0x253: {  	_ =	swait.ge [sflag:s5], $0x800  }
0x254: {  	[sflag:s5] =	ssyncset.done $0x0  }
0x255: {  	[sflag:s5] =	ssyncadd.s32 $0xFFFFF800  }
0x256: {  	_ =	swait.ge [sflag:s5], $0x800  }
0x257: {  	[sflag:s5] =	ssyncset.done $0x0  }
0x258: {  	[sflag:s5] =	ssyncadd.s32 $0xFFFFF800  }
0x259: {  	_ =	swait.ge [sflag:s5], $0x800  }
0x25a: {  	[sflag:s5] =	ssyncset.done $0x0  }
0x25b: {  	[sflag:s5] =	ssyncadd.s32 $0xFFFFF800  }
0x25c: {  	_ =	swait.ge [sflag:s5], $0x800  }
0x25d: {  	[sflag:s5] =	ssyncset.done $0x0  }
0x25e: {  	[sflag:s5] =	ssyncadd.s32 $0xFFFFF800  }
0x25f: {  	_ =	swait.ge [sflag:s5], $0x800  }
0x260: {  	[sflag:s5] =	ssyncset.done $0x0  }
0x261: {  	[sflag:s5] =	ssyncadd.s32 $0xFFFFF800  }
0x262: {  	_ =	swait.ge [sflag:s5], $0x800  }
0x263: {  	[sflag:s5] =	ssyncset.done $0x0  }
0x264: {  	s4 =	simm.s32 $0x2680;
	s18 =	simm.s32 $0x11100;
	[sflag:s5] =	ssyncadd.s32 $0xFFFFF800  }
0x265: {  	[spmem:s2] =	stream.indirect.scatter.add.f32 [tilespmem:s18], [sflag:$0x1], $0x10, s4, s30, $0xb8;
	[tilespmem:$0x1FFA0] =	vst v63  }
0x266: {  	s4 =	simm.s32 $0x2700;
	s18 =	simm.s32 $0x11900  }
0x267: {  	[spmem:s2] =	stream.indirect.scatter.add.f32 [tilespmem:s18], [sflag:$0x1], $0x10, s4, s30, $0xb8;
	[tilespmem:$0x1FFA0] =	vst v63  }
0x268: {  	s4 =	simm.s32 $0x2780;
	s18 =	simm.s32 $0x12100  }
0x269: {  	[spmem:s2] =	stream.indirect.scatter.add.f32 [tilespmem:s18], [sflag:$0x1], $0x10, s4, s30, $0xb8;
	[tilespmem:$0x1FFA0] =	vst v63  }
0x26a: {  	s4 =	simm.s32 $0x2800;
	s18 =	simm.s32 $0x12900  }
0x26b: {  	[spmem:s2] =	stream.indirect.scatter.add.f32 [tilespmem:s18], [sflag:$0x1], $0x10, s4, s30, $0xb8;
	[tilespmem:$0x1FFA0] =	vst v63  }
0x26c: {  	s4 =	simm.s32 $0x2880;
	s18 =	simm.s32 $0x13100  }
0x26d: {  	[spmem:s2] =	stream.indirect.scatter.add.f32 [tilespmem:s18], [sflag:$0x1], $0x10, s4, s30, $0xb8;
	[tilespmem:$0x1FFA0] =	vst v63  }
0x26e: {  	s4 =	simm.s32 $0x2900;
	s18 =	simm.s32 $0x13900  }
0x26f: {  	[spmem:s2] =	stream.indirect.scatter.add.f32 [tilespmem:s18], [sflag:$0x1], $0x10, s4, s30, $0xb8;
	[tilespmem:$0x1FFA0] =	vst v63  }
0x270: {  	s4 =	simm.s32 $0x2980;
	s18 =	simm.s32 $0x14100  }
0x271: {  	[spmem:s2] =	stream.indirect.scatter.add.f32 [tilespmem:s18], [sflag:$0x1], $0x10, s4, s30, $0xb8;
	[tilespmem:$0x1FFA0] =	vst v63  }
0x272: {  	_ =	swait.ge [sflag:s5], $0x800  }
0x273: {  	[sflag:s5] =	ssyncset.done $0x0  }
0x274: {  	[sflag:s5] =	ssyncadd.s32 $0xFFFFF800  }
0x275: {  	_ =	swait.ge [sflag:s5], $0x800  }
0x276: {  	[sflag:s5] =	ssyncset.done $0x0  }
0x277: {  	[sflag:s5] =	ssyncadd.s32 $0xFFFFF800  }
0x278: {  	_ =	swait.ge [sflag:s5], $0x800  }
0x279: {  	[sflag:s5] =	ssyncset.done $0x0  }
0x27a: {  	[sflag:s5] =	ssyncadd.s32 $0xFFFFF800  }
0x27b: {  	_ =	swait.ge [sflag:s5], $0x800  }
0x27c: {  	[sflag:s5] =	ssyncset.done $0x0  }
0x27d: {  	[sflag:s5] =	ssyncadd.s32 $0xFFFFF800  }
0x27e: {  	_ =	swait.ge [sflag:s5], $0x800  }
0x27f: {  	[sflag:s5] =	ssyncset.done $0x0  }
0x280: {  	[sflag:s5] =	ssyncadd.s32 $0xFFFFF800  }
0x281: {  	_ =	swait.ge [sflag:s5], $0x800  }
0x282: {  	[sflag:s5] =	ssyncset.done $0x0  }
0x283: {  	[sflag:s5] =	ssyncadd.s32 $0xFFFFF800  }
0x284: {  	_ =	swait.ge [sflag:s5], $0x800  }
0x285: {  	[sflag:s5] =	ssyncset.done $0x0  }
0x286: {  	s4 =	simm.s32 $0x2A00;
	s18 =	simm.s32 $0x14900;
	[sflag:s5] =	ssyncadd.s32 $0xFFFFF800  }
0x287: {  	[spmem:s2] =	stream.indirect.scatter.add.f32 [tilespmem:s18], [sflag:$0x1], $0x10, s4, s30, $0xb8;
	[tilespmem:$0x1FFA0] =	vst v63  }
0x288: {  	s4 =	simm.s32 $0x2A80;
	s18 =	simm.s32 $0x15100  }
0x289: {  	[spmem:s2] =	stream.indirect.scatter.add.f32 [tilespmem:s18], [sflag:$0x1], $0x10, s4, s30, $0xb8;
	[tilespmem:$0x1FFA0] =	vst v63  }
0x28a: {  	s4 =	simm.s32 $0x2B00;
	s18 =	simm.s32 $0x15900  }
0x28b: {  	[spmem:s2] =	stream.indirect.scatter.add.f32 [tilespmem:s18], [sflag:$0x1], $0x10, s4, s30, $0xb8;
	[tilespmem:$0x1FFA0] =	vst v63  }
0x28c: {  	s4 =	simm.s32 $0x2B80;
	s18 =	simm.s32 $0x16100  }
0x28d: {  	[spmem:s2] =	stream.indirect.scatter.add.f32 [tilespmem:s18], [sflag:$0x1], $0x10, s4, s30, $0xb8;
	[tilespmem:$0x1FFA0] =	vst v63  }
0x28e: {  	s4 =	simm.s32 $0x2C00;
	s18 =	simm.s32 $0x16900  }
0x28f: {  	[spmem:s2] =	stream.indirect.scatter.add.f32 [tilespmem:s18], [sflag:$0x1], $0x10, s4, s30, $0xb8;
	[tilespmem:$0x1FFA0] =	vst v63  }
0x290: {  	s4 =	simm.s32 $0x2C80;
	s18 =	simm.s32 $0x17100  }
0x291: {  	[spmem:s2] =	stream.indirect.scatter.add.f32 [tilespmem:s18], [sflag:$0x1], $0x10, s4, s30, $0xb8;
	[tilespmem:$0x1FFA0] =	vst v63  }
0x292: {  	s4 =	simm.s32 $0x2D00;
	s18 =	simm.s32 $0x17900  }
0x293: {  	[spmem:s2] =	stream.indirect.scatter.add.f32 [tilespmem:s18], [sflag:$0x1], $0x10, s4, s30, $0xb8;
	[tilespmem:$0x1FFA0] =	vst v63  }
0x294: {  	_ =	swait.ge [sflag:s5], $0x800  }
0x295: {  	[sflag:s5] =	ssyncset.done $0x0  }
0x296: {  	[sflag:s5] =	ssyncadd.s32 $0xFFFFF800  }
0x297: {  	_ =	swait.ge [sflag:s5], $0x800  }
0x298: {  	[sflag:s5] =	ssyncset.done $0x0  }
0x299: {  	[sflag:s5] =	ssyncadd.s32 $0xFFFFF800  }
0x29a: {  	_ =	swait.ge [sflag:s5], $0x800  }
0x29b: {  	[sflag:s5] =	ssyncset.done $0x0  }
0x29c: {  	[sflag:s5] =	ssyncadd.s32 $0xFFFFF800  }
0x29d: {  	_ =	swait.ge [sflag:s5], $0x800  }
0x29e: {  	[sflag:s5] =	ssyncset.done $0x0  }
0x29f: {  	[sflag:s5] =	ssyncadd.s32 $0xFFFFF800  }
0x2a0: {  	_ =	swait.ge [sflag:s5], $0x800  }
0x2a1: {  	[sflag:s5] =	ssyncset.done $0x0  }
0x2a2: {  	[sflag:s5] =	ssyncadd.s32 $0xFFFFF800  }
0x2a3: {  	_ =	swait.ge [sflag:s5], $0x800  }
0x2a4: {  	[sflag:s5] =	ssyncset.done $0x0  }
0x2a5: {  	[sflag:s5] =	ssyncadd.s32 $0xFFFFF800  }
0x2a6: {  	_ =	swait.ge [sflag:s5], $0x800  }
0x2a7: {  	[sflag:s5] =	ssyncset.done $0x0  }
0x2a8: {  	s4 =	simm.s32 $0x2D80;
	s18 =	simm.s32 $0x18100;
	[sflag:s5] =	ssyncadd.s32 $0xFFFFF800  }
0x2a9: {  	[spmem:s2] =	stream.indirect.scatter.add.f32 [tilespmem:s18], [sflag:$0x1], $0x10, s4, s30, $0xb8;
	[tilespmem:$0x1FFA0] =	vst v63  }
0x2aa: {  	s4 =	simm.s32 $0x2E00;
	s18 =	simm.s32 $0x18900  }
0x2ab: {  	[spmem:s2] =	stream.indirect.scatter.add.f32 [tilespmem:s18], [sflag:$0x1], $0x10, s4, s30, $0xb8;
	[tilespmem:$0x1FFA0] =	vst v63  }
0x2ac: {  	s4 =	simm.s32 $0x2E80;
	s18 =	simm.s32 $0x19100  }
0x2ad: {  	[spmem:s2] =	stream.indirect.scatter.add.f32 [tilespmem:s18], [sflag:$0x1], $0x10, s4, s30, $0xb8;
	[tilespmem:$0x1FFA0] =	vst v63  }
0x2ae: {  	s4 =	simm.s32 $0x2F00;
	s18 =	simm.s32 $0x19900  }
0x2af: {  	[spmem:s2] =	stream.indirect.scatter.add.f32 [tilespmem:s18], [sflag:$0x1], $0x10, s4, s30, $0xb8;
	[tilespmem:$0x1FFA0] =	vst v63  }
0x2b0: {  	s4 =	simm.s32 $0x2F80;
	s18 =	simm.s32 $0x1A100  }
0x2b1: {  	[spmem:s2] =	stream.indirect.scatter.add.f32 [tilespmem:s18], [sflag:$0x1], $0x10, s4, s30, $0xb8;
	[tilespmem:$0x1FFA0] =	vst v63  }
0x2b2: {  	s4 =	simm.s32 $0x3000  }
0x2b3: {  	[spmem:s2] =	stream.indirect.scatter.add.f32 [tilespmem:s19], [sflag:$0x1], $0x10, s4, s30, $0xb8;
	[tilespmem:$0x1FFA0] =	vst v63  }
0x2b4: {  	_ = 	snop  }
0x2b5: {  	[spmem:s2] =	stream.indirect.scatter.add.f32 [tilespmem:s22], [sflag:$0x1], $0x10, s20, s30, $0xb8;
	[tilespmem:$0x1FFA0] =	vst v63  }
0x2b6: {  	_ =	swait.ge [sflag:s5], $0x800  }
0x2b7: {  	[sflag:s5] =	ssyncset.done $0x0  }
0x2b8: {  	[sflag:s5] =	ssyncadd.s32 $0xFFFFF800  }
0x2b9: {  	_ =	swait.ge [sflag:s5], $0x800  }
0x2ba: {  	[sflag:s5] =	ssyncset.done $0x0  }
0x2bb: {  	[sflag:s5] =	ssyncadd.s32 $0xFFFFF800  }
0x2bc: {  	_ =	swait.ge [sflag:s5], $0x800  }
0x2bd: {  	[sflag:s5] =	ssyncset.done $0x0  }
0x2be: {  	[sflag:s5] =	ssyncadd.s32 $0xFFFFF800  }
0x2bf: {  	_ =	swait.ge [sflag:s5], $0x800  }
0x2c0: {  	[sflag:s5] =	ssyncset.done $0x0  }
0x2c1: {  	[sflag:s5] =	ssyncadd.s32 $0xFFFFF800  }
0x2c2: {  	_ =	swait.ge [sflag:s5], $0x800  }
0x2c3: {  	[sflag:s5] =	ssyncset.done $0x0  }
0x2c4: {  	[sflag:s5] =	ssyncadd.s32 $0xFFFFF800  }
0x2c5: {  	_ =	swait.ge [sflag:s5], $0x800  }
0x2c6: {  	[sflag:s5] =	ssyncset.done $0x0  }
0x2c7: {  	[sflag:s5] =	ssyncadd.s32 $0xFFFFF800  }
0x2c8: {  	_ =	swait.ge [sflag:s5], $0x800  }
0x2c9: {  	[sflag:s5] =	ssyncset.done $0x0  }
0x2ca: {  	[sflag:s5] =	ssyncadd.s32 $0xFFFFF800  }
0x2cb: {  	[bflag:$0x0] =	sbarrier.arrive $0xFFFF  }
0x2cc: {  	s18 =	rddreg [dreg:$0x6]  }
0x2cd: {  	[hbm:s18], [sflag:s31] =	dma.local [spmem:s0], $0x840  }
0x2ce: {  	_ =	swait.ge [sflag:s26], $0x840  }
0x2cf: {  	[sflag:s26] =	ssyncset.done $0x0  }
0x2d0: {  	[sflag:s26] =	ssyncadd.s32 $0xFFFFF7C0  }
0x2d1: {  	[spmem:s6] =	stream.linear.scatter [tilespmem:s29], [sflag:$0x2], $0x420, $0x38;
	[tilespmem:$0x1FFA0] =	vst v63  }
0x2d2: {  	_ =	swait.ge [sflag:s26], $0x420  }
0x2d3: {  	[sflag:s26] =	ssyncset.done $0x0  }
0x2d4: {  	[sflag:s26] =	ssyncadd.s32 $0xFFFFFBE0  }
0x2d5: {  	[spmem:s7] =	stream.linear.scatter [tilespmem:s29], [sflag:$0x2], $0x420, $0x38;
	[tilespmem:$0x1FFA0] =	vst v63  }
0x2d6: {  	_ =	swait.ge [sflag:s26], $0x420  }
0x2d7: {  	[sflag:s26] =	ssyncset.done $0x0  }
0x2d8: {  	[sflag:s26] =	ssyncadd.s32 $0xFFFFFBE0  }
0x2d9: {  	[spmem:s8] =	stream.linear.scatter [tilespmem:s29], [sflag:$0x2], $0x420, $0x38;
	[tilespmem:$0x1FFA0] =	vst v63  }
0x2da: {  	_ =	swait.ge [sflag:s26], $0x420  }
0x2db: {  	[sflag:s26] =	ssyncset.done $0x0  }
0x2dc: {  	[sflag:s26] =	ssyncadd.s32 $0xFFFFFBE0  }
0x2dd: {  	[spmem:s9] =	stream.linear.scatter [tilespmem:s29], [sflag:$0x2], $0x420, $0x38;
	[tilespmem:$0x1FFA0] =	vst v63  }
0x2de: {  	_ =	swait.ge [sflag:s26], $0x420  }
0x2df: {  	[sflag:s26] =	ssyncset.done $0x0  }
0x2e0: {  	[sflag:s26] =	ssyncadd.s32 $0xFFFFFBE0  }
0x2e1: {  	[spmem:s10] =	stream.linear.scatter [tilespmem:s29], [sflag:$0x2], $0x420, $0x38;
	[tilespmem:$0x1FFA0] =	vst v63  }
0x2e2: {  	_ =	swait.ge [sflag:s26], $0x420  }
0x2e3: {  	[sflag:s26] =	ssyncset.done $0x0  }
0x2e4: {  	[sflag:s26] =	ssyncadd.s32 $0xFFFFFBE0  }
0x2e5: {  	[spmem:s11] =	stream.linear.scatter [tilespmem:s29], [sflag:$0x2], $0x420, $0x38;
	[tilespmem:$0x1FFA0] =	vst v63  }
0x2e6: {  	_ =	swait.ge [sflag:s26], $0x420  }
0x2e7: {  	[sflag:s26] =	ssyncset.done $0x0  }
0x2e8: {  	[sflag:s26] =	ssyncadd.s32 $0xFFFFFBE0  }
0x2e9: {  	[spmem:s12] =	stream.linear.scatter [tilespmem:s29], [sflag:$0x2], $0x420, $0x38;
	[tilespmem:$0x1FFA0] =	vst v63  }
0x2ea: {  	_ =	swait.ge [sflag:s26], $0x420  }
0x2eb: {  	[sflag:s26] =	ssyncset.done $0x0  }
0x2ec: {  	[sflag:s26] =	ssyncadd.s32 $0xFFFFFBE0  }
0x2ed: {  	[spmem:s13] =	stream.linear.scatter [tilespmem:s29], [sflag:$0x2], $0x420, $0x38;
	[tilespmem:$0x1FFA0] =	vst v63  }
0x2ee: {  	_ =	swait.ge [sflag:s26], $0x420  }
0x2ef: {  	[sflag:s26] =	ssyncset.done $0x0  }
0x2f0: {  	[sflag:s26] =	ssyncadd.s32 $0xFFFFFBE0  }
0x2f1: {  	[spmem:s14] =	stream.linear.scatter [tilespmem:s29], [sflag:$0x2], $0x420, $0x38;
	[tilespmem:$0x1FFA0] =	vst v63  }
0x2f2: {  	_ =	swait.ge [sflag:s26], $0x420  }
0x2f3: {  	[sflag:s26] =	ssyncset.done $0x0  }
0x2f4: {  	[sflag:s26] =	ssyncadd.s32 $0xFFFFFBE0  }
0x2f5: {  	[spmem:s15] =	stream.linear.scatter [tilespmem:s29], [sflag:$0x2], $0x420, $0x38;
	[tilespmem:$0x1FFA0] =	vst v63  }
0x2f6: {  	_ =	swait.ge [sflag:s26], $0x420  }
0x2f7: {  	[sflag:s26] =	ssyncset.done $0x0  }
0x2f8: {  	[sflag:s26] =	ssyncadd.s32 $0xFFFFFBE0  }
0x2f9: {  	[spmem:s16] =	stream.linear.scatter [tilespmem:s29], [sflag:$0x2], $0x420, $0x38;
	[tilespmem:$0x1FFA0] =	vst v63  }
0x2fa: {  	_ =	swait.ge [sflag:s26], $0x420  }
0x2fb: {  	[sflag:s26] =	ssyncset.done $0x0  }
0x2fc: {  	[sflag:s26] =	ssyncadd.s32 $0xFFFFFBE0  }
0x2fd: {  	[spmem:s17] =	stream.linear.scatter [tilespmem:s29], [sflag:$0x2], $0x420, $0x38;
	[tilespmem:$0x1FFA0] =	vst v63  }
0x2fe: {  	_ =	swait.ge [sflag:s26], $0x420  }
0x2ff: {  	[sflag:s26] =	ssyncset.done $0x0  }
0x300: {  	[sflag:s26] =	ssyncadd.s32 $0xFFFFFBE0  }
0x301: {  	[spmem:s21] =	stream.linear.scatter [tilespmem:s29], [sflag:$0x2], $0x420, $0x38;
	[tilespmem:$0x1FFA0] =	vst v63  }
0x302: {  	_ =	swait.ge [sflag:s26], $0x420  }
0x303: {  	[sflag:s26] =	ssyncset.done $0x0  }
0x304: {  	[sflag:s26] =	ssyncadd.s32 $0xFFFFFBE0  }
0x305: {  	[spmem:s23] =	stream.linear.scatter [tilespmem:s29], [sflag:$0x2], $0x420, $0x38;
	[tilespmem:$0x1FFA0] =	vst v63  }
0x306: {  	_ =	swait.ge [sflag:s26], $0x420  }
0x307: {  	[sflag:s26] =	ssyncset.done $0x0  }
0x308: {  	[sflag:s26] =	ssyncadd.s32 $0xFFFFFBE0  }
0x309: {  	[spmem:s24] =	stream.linear.scatter [tilespmem:s29], [sflag:$0x2], $0x420, $0x38;
	[tilespmem:$0x1FFA0] =	vst v63  }
0x30a: {  	_ =	swait.ge [sflag:s26], $0x420  }
0x30b: {  	[sflag:s26] =	ssyncset.done $0x0  }
0x30c: {  	[sflag:s26] =	ssyncadd.s32 $0xFFFFFBE0  }
0x30d: {  	[spmem:s25] =	stream.linear.scatter [tilespmem:s29], [sflag:$0x2], $0x420, $0x38;
	[tilespmem:$0x1FFA0] =	vst v63  }
0x30e: {  	_ =	swait.ge [sflag:s26], $0x420  }
0x30f: {  	[sflag:s26] =	ssyncset.done $0x0  }
0x310: {  	s4 =	simm.s32 $0x0;
	[sflag:s26] =	ssyncadd.s32 $0xFFFFFBE0  }
0x311: {  	v12 =	vld [tilespmem:s4+$0x70]  }
0x312: {  	v14 =	vld [tilespmem:s4+$0x0]  }
0x313: {  	v18 =	vld [tilespmem:s4+$0x10]  }
0x314: {  	v16 =	vld [tilespmem:s4+$0x20]  }
0x315: {  	v15 =	vld [tilespmem:s4+$0x30]  }
0x316: {  	v13 =	vld [tilespmem:s4+$0x40];
	v19 =	vsub.s32 v12, v2  }
0x317: {  	v17 =	vsub.s32 v14, v2;
	v12 =	vld [tilespmem:s4+$0x50];
	vm1 =	vlt.u32 v19, $0x4200  }
0x318: {  	s1 =	simm.s32 $0x80;
	s18 =	simm.s32 $0x400;
	v18 =	vsub.s32 v18, v2;
	v14 =	vld [tilespmem:s4+$0x60];
	vm0 =	vlt.u32 v17, $0x4200;
	v19 =	vsel vm1, v19, v11  }
.LBB2_8:
0x319: {  	p0 =	sne.s32 s18, $0x6000;
	v20 =	vld [tilespmem:s1+$0x70];
	v17 =	vsel vm0, v17, v4;
	vm0 =	vlt.u32 v18, $0x4200;
	v16 =	vsub.s32 v16, v2;
	[tilespmem:s4+$0x18F0] =	vst v19  }
0x31a: {  	v19 =	vld [tilespmem:s1+$0x0];
	[tilespmem:s4+$0x1880] =	vst v17;
	v17 =	vsel vm0, v18, v5;
	vm0 =	vlt.u32 v16, $0x4200;
	v15 =	vsub.s32 v15, v2  }
0x31b: {  	v18 =	vld [tilespmem:s1+$0x10];
	[tilespmem:s4+$0x1890] =	vst v17;
	v17 =	vsel vm0, v16, v6;
	vm0 =	vlt.u32 v15, $0x4200;
	v13 =	vsub.s32 v13, v2  }
.Ltmp3:
0x31c: {  	v16 =	vld [tilespmem:s1+$0x20];
	[tilespmem:s4+$0x18A0] =	vst v17;
	v17 =	vsel vm0, v15, v7;
	vm0 =	vlt.u32 v13, $0x4200;
	v12 =	vsub.s32 v12, v2;
	(pc) =	sbr.rel @p0 .LBB2_8-.Ltmp3, $4  }
0x31d: {  	v15 =	vld [tilespmem:s1+$0x30];
	[tilespmem:s4+$0x18B0] =	vst v17;
	v17 =	vsel vm0, v13, v8;
	vm0 =	vlt.u32 v12, $0x4200;
	v14 =	vsub.s32 v14, v2  }
0x31e: {  	v13 =	vld [tilespmem:s1+$0x40];
	v20 =	vsub.s32 v20, v2;
	[tilespmem:s4+$0x18C0] =	vst v17;
	v21 =	vsel vm0, v12, v9;
	vm0 =	vlt.u32 v14, $0x4200  }
0x31f: {  	v17 =	vsub.s32 v19, v2;
	v12 =	vld [tilespmem:s1+$0x50];
	vm1 =	vlt.u32 v20, $0x4200;
	[tilespmem:s4+$0x18D0] =	vst v21;
	v21 =	vsel vm0, v14, v10  }
0x320: {  	vm0 =	vlt.u32 v17, $0x4200;
	v18 =	vsub.s32 v18, v2;
	v14 =	vld [tilespmem:s1+$0x60];
	v19 =	vsel vm1, v20, v11;
	[tilespmem:s4+$0x18E0] =	vst v21;
	s4 =	smov.u32 s1;
	s1 =	sshra.s32 s18, $0x2;
	s18 =	sadd.s32 $0x200, s18  }
0x321: {  	v20 =	vld [tilespmem:s1+$0x70];
	[tilespmem:s4+$0x18F0] =	vst v19;
	v17 =	vsel vm0, v17, v4;
	vm15 =	vlt.u32 v18, $0x4200;
	v16 =	vsub.s32 v16, v2  }
0x322: {  	v19 =	vld [tilespmem:s1+$0x0];
	[tilespmem:s4+$0x1880] =	vst v17;
	v47 =	vsel vm15, v18, v5;
	vm4 =	vlt.u32 v16, $0x4200;
	v15 =	vsub.s32 v15, v2  }
0x323: {  	v48 =	vld [tilespmem:s1+$0x10];
	[tilespmem:s4+$0x1890] =	vst v47;
	v16 =	vsel vm4, v16, v6;
	vm5 =	vlt.u32 v15, $0x4200;
	v13 =	vsub.s32 v13, v2  }
0x324: {  	v17 =	vld [tilespmem:s1+$0x20];
	[tilespmem:s4+$0x18A0] =	vst v16;
	v15 =	vsel vm5, v15, v7;
	vm6 =	vlt.u32 v13, $0x4200;
	v12 =	vsub.s32 v12, v2  }
0x325: {  	v16 =	vld [tilespmem:s1+$0x30];
	[tilespmem:s4+$0x18B0] =	vst v15;
	v13 =	vsel vm6, v13, v8;
	vm7 =	vlt.u32 v12, $0x4200;
	v49 =	vsub.s32 v14, v2  }
0x326: {  	v15 =	vld [tilespmem:s1+$0x40];
	[tilespmem:s4+$0x18C0] =	vst v13;
	v12 =	vsel vm7, v12, v9;
	v20 =	vsub.s32 v20, v2;
	vm8 =	vlt.u32 v49, $0x4200  }
0x327: {  	v50 =	vld [tilespmem:s1+$0x50];
	[tilespmem:s4+$0x18D0] =	vst v12;
	v51 =	vsub.s32 v19, v2;
	vm1 =	vlt.u32 v20, $0x4200;
	v13 =	vsel vm8, v49, v10  }
0x328: {  	v52 =	vld [tilespmem:s1+$0x60];
	[tilespmem:s4+$0x18E0] =	vst v13;
	vm9 =	vlt.u32 v51, $0x4200;
	v53 =	vsub.s32 v48, v2;
	v54 =	vsel vm1, v20, v11  }
0x329: {  	v12 =	vsel vm9, v51, v4;
	vm10 =	vlt.u32 v53, $0x4200;
	v17 =	vsub.s32 v17, v2;
	[tilespmem:s1+$0x18F0] =	vst v54  }
0x32a: {  	[tilespmem:s1+$0x1880] =	vst v12;
	v55 =	vsel vm10, v53, v5;
	vm11 =	vlt.u32 v17, $0x4200;
	v56 =	vsub.s32 v16, v2  }
0x32b: {  	[tilespmem:s1+$0x1890] =	vst v55;
	v57 =	vsel vm11, v17, v6;
	vm12 =	vlt.u32 v56, $0x4200;
	v15 =	vsub.s32 v15, v2  }
0x32c: {  	[tilespmem:s1+$0x18A0] =	vst v57;
	v58 =	vsel vm12, v56, v7;
	vm13 =	vlt.u32 v15, $0x4200;
	v59 =	vsub.s32 v50, v2  }
0x32d: {  	[tilespmem:s1+$0x18B0] =	vst v58;
	v60 =	vsel vm13, v15, v8;
	vm14 =	vlt.u32 v59, $0x4200;
	v61 =	vsub.s32 v52, v2  }
0x32e: {  	[tilespmem:s1+$0x18C0] =	vst v60;
	v62 =	vsel vm14, v59, v9;
	vm15 =	vlt.u32 v61, $0x4200  }
0x32f: {  	[tilespmem:s1+$0x18D0] =	vst v62;
	v63 =	vsel vm15, v61, v10  }
0x330: {  	[tilespmem:s1+$0x18E0] =	vst v63  }
0x331: {  	s18 =	simm.s32 $0x1880;
	[bflag:$0x0] =	sbarrier.arrive $0xFFFF  }
0x332: {  	[spmem:s2] =	stream.indirect.scatter.add.f32 [tilespmem:s28], [sflag:$0x1], $0x10, s18, s30, $0xb8;
	[tilespmem:$0x1FFA0] =	vst v63  }
0x333: {  	s4 =	simm.s32 $0x1900;
	s18 =	simm.s32 $0x3900  }
0x334: {  	[spmem:s2] =	stream.indirect.scatter.add.f32 [tilespmem:s18], [sflag:$0x1], $0x10, s4, s30, $0xb8;
	[tilespmem:$0x1FFA0] =	vst v63  }
0x335: {  	s4 =	simm.s32 $0x1980;
	s18 =	simm.s32 $0x4100  }
0x336: {  	[spmem:s2] =	stream.indirect.scatter.add.f32 [tilespmem:s18], [sflag:$0x1], $0x10, s4, s30, $0xb8;
	[tilespmem:$0x1FFA0] =	vst v63  }
0x337: {  	s4 =	simm.s32 $0x1A00;
	s18 =	simm.s32 $0x4900  }
0x338: {  	[spmem:s2] =	stream.indirect.scatter.add.f32 [tilespmem:s18], [sflag:$0x1], $0x10, s4, s30, $0xb8;
	[tilespmem:$0x1FFA0] =	vst v63  }
0x339: {  	s4 =	simm.s32 $0x1A80;
	s18 =	simm.s32 $0x5100  }
0x33a: {  	[spmem:s2] =	stream.indirect.scatter.add.f32 [tilespmem:s18], [sflag:$0x1], $0x10, s4, s30, $0xb8;
	[tilespmem:$0x1FFA0] =	vst v63  }
0x33b: {  	s4 =	simm.s32 $0x1B00;
	s18 =	simm.s32 $0x5900  }
0x33c: {  	[spmem:s2] =	stream.indirect.scatter.add.f32 [tilespmem:s18], [sflag:$0x1], $0x10, s4, s30, $0xb8;
	[tilespmem:$0x1FFA0] =	vst v63  }
0x33d: {  	s4 =	simm.s32 $0x1B80;
	s18 =	simm.s32 $0x6100  }
0x33e: {  	[spmem:s2] =	stream.indirect.scatter.add.f32 [tilespmem:s18], [sflag:$0x1], $0x10, s4, s30, $0xb8;
	[tilespmem:$0x1FFA0] =	vst v63  }
0x33f: {  	_ =	swait.ge [sflag:s5], $0x800  }
0x340: {  	[sflag:s5] =	ssyncset.done $0x0  }
0x341: {  	[sflag:s5] =	ssyncadd.s32 $0xFFFFF800  }
0x342: {  	_ =	swait.ge [sflag:s5], $0x800  }
0x343: {  	[sflag:s5] =	ssyncset.done $0x0  }
0x344: {  	[sflag:s5] =	ssyncadd.s32 $0xFFFFF800  }
0x345: {  	_ =	swait.ge [sflag:s5], $0x800  }
0x346: {  	[sflag:s5] =	ssyncset.done $0x0  }
0x347: {  	[sflag:s5] =	ssyncadd.s32 $0xFFFFF800  }
0x348: {  	_ =	swait.ge [sflag:s5], $0x800  }
0x349: {  	[sflag:s5] =	ssyncset.done $0x0  }
0x34a: {  	[sflag:s5] =	ssyncadd.s32 $0xFFFFF800  }
0x34b: {  	_ =	swait.ge [sflag:s5], $0x800  }
0x34c: {  	[sflag:s5] =	ssyncset.done $0x0  }
0x34d: {  	[sflag:s5] =	ssyncadd.s32 $0xFFFFF800  }
0x34e: {  	_ =	swait.ge [sflag:s5], $0x800  }
0x34f: {  	[sflag:s5] =	ssyncset.done $0x0  }
0x350: {  	[sflag:s5] =	ssyncadd.s32 $0xFFFFF800  }
0x351: {  	_ =	swait.ge [sflag:s5], $0x800  }
0x352: {  	[sflag:s5] =	ssyncset.done $0x0  }
0x353: {  	s4 =	simm.s32 $0x1C00;
	s18 =	simm.s32 $0x6900;
	[sflag:s5] =	ssyncadd.s32 $0xFFFFF800  }
0x354: {  	[spmem:s2] =	stream.indirect.scatter.add.f32 [tilespmem:s18], [sflag:$0x1], $0x10, s4, s30, $0xb8;
	[tilespmem:$0x1FFA0] =	vst v63  }
0x355: {  	s4 =	simm.s32 $0x1C80;
	s18 =	simm.s32 $0x7100  }
0x356: {  	[spmem:s2] =	stream.indirect.scatter.add.f32 [tilespmem:s18], [sflag:$0x1], $0x10, s4, s30, $0xb8;
	[tilespmem:$0x1FFA0] =	vst v63  }
0x357: {  	s4 =	simm.s32 $0x1D00;
	s18 =	simm.s32 $0x7900  }
0x358: {  	[spmem:s2] =	stream.indirect.scatter.add.f32 [tilespmem:s18], [sflag:$0x1], $0x10, s4, s30, $0xb8;
	[tilespmem:$0x1FFA0] =	vst v63  }
0x359: {  	s4 =	simm.s32 $0x1D80;
	s18 =	simm.s32 $0x8100  }
0x35a: {  	[spmem:s2] =	stream.indirect.scatter.add.f32 [tilespmem:s18], [sflag:$0x1], $0x10, s4, s30, $0xb8;
	[tilespmem:$0x1FFA0] =	vst v63  }
0x35b: {  	s4 =	simm.s32 $0x1E00;
	s18 =	simm.s32 $0x8900  }
0x35c: {  	[spmem:s2] =	stream.indirect.scatter.add.f32 [tilespmem:s18], [sflag:$0x1], $0x10, s4, s30, $0xb8;
	[tilespmem:$0x1FFA0] =	vst v63  }
0x35d: {  	s4 =	simm.s32 $0x1E80;
	s18 =	simm.s32 $0x9100  }
0x35e: {  	[spmem:s2] =	stream.indirect.scatter.add.f32 [tilespmem:s18], [sflag:$0x1], $0x10, s4, s30, $0xb8;
	[tilespmem:$0x1FFA0] =	vst v63  }
0x35f: {  	s4 =	simm.s32 $0x1F00;
	s18 =	simm.s32 $0x9900  }
0x360: {  	[spmem:s2] =	stream.indirect.scatter.add.f32 [tilespmem:s18], [sflag:$0x1], $0x10, s4, s30, $0xb8;
	[tilespmem:$0x1FFA0] =	vst v63  }
0x361: {  	_ =	swait.ge [sflag:s5], $0x800  }
0x362: {  	[sflag:s5] =	ssyncset.done $0x0  }
0x363: {  	[sflag:s5] =	ssyncadd.s32 $0xFFFFF800  }
0x364: {  	_ =	swait.ge [sflag:s5], $0x800  }
0x365: {  	[sflag:s5] =	ssyncset.done $0x0  }
0x366: {  	[sflag:s5] =	ssyncadd.s32 $0xFFFFF800  }
0x367: {  	_ =	swait.ge [sflag:s5], $0x800  }
0x368: {  	[sflag:s5] =	ssyncset.done $0x0  }
0x369: {  	[sflag:s5] =	ssyncadd.s32 $0xFFFFF800  }
0x36a: {  	_ =	swait.ge [sflag:s5], $0x800  }
0x36b: {  	[sflag:s5] =	ssyncset.done $0x0  }
0x36c: {  	[sflag:s5] =	ssyncadd.s32 $0xFFFFF800  }
0x36d: {  	_ =	swait.ge [sflag:s5], $0x800  }
0x36e: {  	[sflag:s5] =	ssyncset.done $0x0  }
0x36f: {  	[sflag:s5] =	ssyncadd.s32 $0xFFFFF800  }
0x370: {  	_ =	swait.ge [sflag:s5], $0x800  }
0x371: {  	[sflag:s5] =	ssyncset.done $0x0  }
0x372: {  	[sflag:s5] =	ssyncadd.s32 $0xFFFFF800  }
0x373: {  	_ =	swait.ge [sflag:s5], $0x800  }
0x374: {  	[sflag:s5] =	ssyncset.done $0x0  }
0x375: {  	s4 =	simm.s32 $0x1F80;
	s18 =	simm.s32 $0xA100;
	[sflag:s5] =	ssyncadd.s32 $0xFFFFF800  }
0x376: {  	[spmem:s2] =	stream.indirect.scatter.add.f32 [tilespmem:s18], [sflag:$0x1], $0x10, s4, s30, $0xb8;
	[tilespmem:$0x1FFA0] =	vst v63  }
0x377: {  	s4 =	simm.s32 $0x2000;
	s18 =	simm.s32 $0xA900  }
0x378: {  	[spmem:s2] =	stream.indirect.scatter.add.f32 [tilespmem:s18], [sflag:$0x1], $0x10, s4, s30, $0xb8;
	[tilespmem:$0x1FFA0] =	vst v63  }
0x379: {  	s4 =	simm.s32 $0x2080;
	s18 =	simm.s32 $0xB100  }
0x37a: {  	[spmem:s2] =	stream.indirect.scatter.add.f32 [tilespmem:s18], [sflag:$0x1], $0x10, s4, s30, $0xb8;
	[tilespmem:$0x1FFA0] =	vst v63  }
0x37b: {  	s4 =	simm.s32 $0x2100;
	s18 =	simm.s32 $0xB900  }
0x37c: {  	[spmem:s2] =	stream.indirect.scatter.add.f32 [tilespmem:s18], [sflag:$0x1], $0x10, s4, s30, $0xb8;
	[tilespmem:$0x1FFA0] =	vst v63  }
0x37d: {  	s4 =	simm.s32 $0x2180;
	s18 =	simm.s32 $0xC100  }
0x37e: {  	[spmem:s2] =	stream.indirect.scatter.add.f32 [tilespmem:s18], [sflag:$0x1], $0x10, s4, s30, $0xb8;
	[tilespmem:$0x1FFA0] =	vst v63  }
0x37f: {  	s4 =	simm.s32 $0x2200;
	s18 =	simm.s32 $0xC900  }
0x380: {  	[spmem:s2] =	stream.indirect.scatter.add.f32 [tilespmem:s18], [sflag:$0x1], $0x10, s4, s30, $0xb8;
	[tilespmem:$0x1FFA0] =	vst v63  }
0x381: {  	s4 =	simm.s32 $0x2280;
	s18 =	simm.s32 $0xD100  }
0x382: {  	[spmem:s2] =	stream.indirect.scatter.add.f32 [tilespmem:s18], [sflag:$0x1], $0x10, s4, s30, $0xb8;
	[tilespmem:$0x1FFA0] =	vst v63  }
0x383: {  	_ =	swait.ge [sflag:s5], $0x800  }
0x384: {  	[sflag:s5] =	ssyncset.done $0x0  }
0x385: {  	[sflag:s5] =	ssyncadd.s32 $0xFFFFF800  }
0x386: {  	_ =	swait.ge [sflag:s5], $0x800  }
0x387: {  	[sflag:s5] =	ssyncset.done $0x0  }
0x388: {  	[sflag:s5] =	ssyncadd.s32 $0xFFFFF800  }
0x389: {  	_ =	swait.ge [sflag:s5], $0x800  }
0x38a: {  	[sflag:s5] =	ssyncset.done $0x0  }
0x38b: {  	[sflag:s5] =	ssyncadd.s32 $0xFFFFF800  }
0x38c: {  	_ =	swait.ge [sflag:s5], $0x800  }
0x38d: {  	[sflag:s5] =	ssyncset.done $0x0  }
0x38e: {  	[sflag:s5] =	ssyncadd.s32 $0xFFFFF800  }
0x38f: {  	_ =	swait.ge [sflag:s5], $0x800  }
0x390: {  	[sflag:s5] =	ssyncset.done $0x0  }
0x391: {  	[sflag:s5] =	ssyncadd.s32 $0xFFFFF800  }
0x392: {  	_ =	swait.ge [sflag:s5], $0x800  }
0x393: {  	[sflag:s5] =	ssyncset.done $0x0  }
0x394: {  	[sflag:s5] =	ssyncadd.s32 $0xFFFFF800  }
0x395: {  	_ =	swait.ge [sflag:s5], $0x800  }
0x396: {  	[sflag:s5] =	ssyncset.done $0x0  }
0x397: {  	s4 =	simm.s32 $0x2300;
	s18 =	simm.s32 $0xD900;
	[sflag:s5] =	ssyncadd.s32 $0xFFFFF800  }
0x398: {  	[spmem:s2] =	stream.indirect.scatter.add.f32 [tilespmem:s18], [sflag:$0x1], $0x10, s4, s30, $0xb8;
	[tilespmem:$0x1FFA0] =	vst v63  }
0x399: {  	s4 =	simm.s32 $0x2380;
	s18 =	simm.s32 $0xE100  }
0x39a: {  	[spmem:s2] =	stream.indirect.scatter.add.f32 [tilespmem:s18], [sflag:$0x1], $0x10, s4, s30, $0xb8;
	[tilespmem:$0x1FFA0] =	vst v63  }
0x39b: {  	s4 =	simm.s32 $0x2400;
	s18 =	simm.s32 $0xE900  }
0x39c: {  	[spmem:s2] =	stream.indirect.scatter.add.f32 [tilespmem:s18], [sflag:$0x1], $0x10, s4, s30, $0xb8;
	[tilespmem:$0x1FFA0] =	vst v63  }
0x39d: {  	s4 =	simm.s32 $0x2480;
	s18 =	simm.s32 $0xF100  }
0x39e: {  	[spmem:s2] =	stream.indirect.scatter.add.f32 [tilespmem:s18], [sflag:$0x1], $0x10, s4, s30, $0xb8;
	[tilespmem:$0x1FFA0] =	vst v63  }
0x39f: {  	s4 =	simm.s32 $0x2500;
	s18 =	simm.s32 $0xF900  }
0x3a0: {  	[spmem:s2] =	stream.indirect.scatter.add.f32 [tilespmem:s18], [sflag:$0x1], $0x10, s4, s30, $0xb8;
	[tilespmem:$0x1FFA0] =	vst v63  }
0x3a1: {  	s4 =	simm.s32 $0x2580;
	s18 =	simm.s32 $0x10100  }
0x3a2: {  	[spmem:s2] =	stream.indirect.scatter.add.f32 [tilespmem:s18], [sflag:$0x1], $0x10, s4, s30, $0xb8;
	[tilespmem:$0x1FFA0] =	vst v63  }
0x3a3: {  	s4 =	simm.s32 $0x2600;
	s18 =	simm.s32 $0x10900  }
0x3a4: {  	[spmem:s2] =	stream.indirect.scatter.add.f32 [tilespmem:s18], [sflag:$0x1], $0x10, s4, s30, $0xb8;
	[tilespmem:$0x1FFA0] =	vst v63  }
0x3a5: {  	_ =	swait.ge [sflag:s5], $0x800  }
0x3a6: {  	[sflag:s5] =	ssyncset.done $0x0  }
0x3a7: {  	[sflag:s5] =	ssyncadd.s32 $0xFFFFF800  }
0x3a8: {  	_ =	swait.ge [sflag:s5], $0x800  }
0x3a9: {  	[sflag:s5] =	ssyncset.done $0x0  }
0x3aa: {  	[sflag:s5] =	ssyncadd.s32 $0xFFFFF800  }
0x3ab: {  	_ =	swait.ge [sflag:s5], $0x800  }
0x3ac: {  	[sflag:s5] =	ssyncset.done $0x0  }
0x3ad: {  	[sflag:s5] =	ssyncadd.s32 $0xFFFFF800  }
0x3ae: {  	_ =	swait.ge [sflag:s5], $0x800  }
0x3af: {  	[sflag:s5] =	ssyncset.done $0x0  }
0x3b0: {  	[sflag:s5] =	ssyncadd.s32 $0xFFFFF800  }
0x3b1: {  	_ =	swait.ge [sflag:s5], $0x800  }
0x3b2: {  	[sflag:s5] =	ssyncset.done $0x0  }
0x3b3: {  	[sflag:s5] =	ssyncadd.s32 $0xFFFFF800  }
0x3b4: {  	_ =	swait.ge [sflag:s5], $0x800  }
0x3b5: {  	[sflag:s5] =	ssyncset.done $0x0  }
0x3b6: {  	[sflag:s5] =	ssyncadd.s32 $0xFFFFF800  }
0x3b7: {  	_ =	swait.ge [sflag:s5], $0x800  }
0x3b8: {  	[sflag:s5] =	ssyncset.done $0x0  }
0x3b9: {  	s4 =	simm.s32 $0x2680;
	s18 =	simm.s32 $0x11100;
	[sflag:s5] =	ssyncadd.s32 $0xFFFFF800  }
0x3ba: {  	[spmem:s2] =	stream.indirect.scatter.add.f32 [tilespmem:s18], [sflag:$0x1], $0x10, s4, s30, $0xb8;
	[tilespmem:$0x1FFA0] =	vst v63  }
0x3bb: {  	s4 =	simm.s32 $0x2700;
	s18 =	simm.s32 $0x11900  }
0x3bc: {  	[spmem:s2] =	stream.indirect.scatter.add.f32 [tilespmem:s18], [sflag:$0x1], $0x10, s4, s30, $0xb8;
	[tilespmem:$0x1FFA0] =	vst v63  }
0x3bd: {  	s4 =	simm.s32 $0x2780;
	s18 =	simm.s32 $0x12100  }
0x3be: {  	[spmem:s2] =	stream.indirect.scatter.add.f32 [tilespmem:s18], [sflag:$0x1], $0x10, s4, s30, $0xb8;
	[tilespmem:$0x1FFA0] =	vst v63  }
0x3bf: {  	s4 =	simm.s32 $0x2800;
	s18 =	simm.s32 $0x12900  }
0x3c0: {  	[spmem:s2] =	stream.indirect.scatter.add.f32 [tilespmem:s18], [sflag:$0x1], $0x10, s4, s30, $0xb8;
	[tilespmem:$0x1FFA0] =	vst v63  }
0x3c1: {  	s4 =	simm.s32 $0x2880;
	s18 =	simm.s32 $0x13100  }
0x3c2: {  	[spmem:s2] =	stream.indirect.scatter.add.f32 [tilespmem:s18], [sflag:$0x1], $0x10, s4, s30, $0xb8;
	[tilespmem:$0x1FFA0] =	vst v63  }
0x3c3: {  	s4 =	simm.s32 $0x2900;
	s18 =	simm.s32 $0x13900  }
0x3c4: {  	[spmem:s2] =	stream.indirect.scatter.add.f32 [tilespmem:s18], [sflag:$0x1], $0x10, s4, s30, $0xb8;
	[tilespmem:$0x1FFA0] =	vst v63  }
0x3c5: {  	s4 =	simm.s32 $0x2980;
	s18 =	simm.s32 $0x14100  }
0x3c6: {  	[spmem:s2] =	stream.indirect.scatter.add.f32 [tilespmem:s18], [sflag:$0x1], $0x10, s4, s30, $0xb8;
	[tilespmem:$0x1FFA0] =	vst v63  }
0x3c7: {  	_ =	swait.ge [sflag:s5], $0x800  }
0x3c8: {  	[sflag:s5] =	ssyncset.done $0x0  }
0x3c9: {  	[sflag:s5] =	ssyncadd.s32 $0xFFFFF800  }
0x3ca: {  	_ =	swait.ge [sflag:s5], $0x800  }
0x3cb: {  	[sflag:s5] =	ssyncset.done $0x0  }
0x3cc: {  	[sflag:s5] =	ssyncadd.s32 $0xFFFFF800  }
0x3cd: {  	_ =	swait.ge [sflag:s5], $0x800  }
0x3ce: {  	[sflag:s5] =	ssyncset.done $0x0  }
0x3cf: {  	[sflag:s5] =	ssyncadd.s32 $0xFFFFF800  }
0x3d0: {  	_ =	swait.ge [sflag:s5], $0x800  }
0x3d1: {  	[sflag:s5] =	ssyncset.done $0x0  }
0x3d2: {  	[sflag:s5] =	ssyncadd.s32 $0xFFFFF800  }
0x3d3: {  	_ =	swait.ge [sflag:s5], $0x800  }
0x3d4: {  	[sflag:s5] =	ssyncset.done $0x0  }
0x3d5: {  	[sflag:s5] =	ssyncadd.s32 $0xFFFFF800  }
0x3d6: {  	_ =	swait.ge [sflag:s5], $0x800  }
0x3d7: {  	[sflag:s5] =	ssyncset.done $0x0  }
0x3d8: {  	[sflag:s5] =	ssyncadd.s32 $0xFFFFF800  }
0x3d9: {  	_ =	swait.ge [sflag:s5], $0x800  }
0x3da: {  	[sflag:s5] =	ssyncset.done $0x0  }
0x3db: {  	s4 =	simm.s32 $0x2A00;
	s18 =	simm.s32 $0x14900;
	[sflag:s5] =	ssyncadd.s32 $0xFFFFF800  }
0x3dc: {  	[spmem:s2] =	stream.indirect.scatter.add.f32 [tilespmem:s18], [sflag:$0x1], $0x10, s4, s30, $0xb8;
	[tilespmem:$0x1FFA0] =	vst v63  }
0x3dd: {  	s4 =	simm.s32 $0x2A80;
	s18 =	simm.s32 $0x15100  }
0x3de: {  	[spmem:s2] =	stream.indirect.scatter.add.f32 [tilespmem:s18], [sflag:$0x1], $0x10, s4, s30, $0xb8;
	[tilespmem:$0x1FFA0] =	vst v63  }
0x3df: {  	s4 =	simm.s32 $0x2B00;
	s18 =	simm.s32 $0x15900  }
0x3e0: {  	[spmem:s2] =	stream.indirect.scatter.add.f32 [tilespmem:s18], [sflag:$0x1], $0x10, s4, s30, $0xb8;
	[tilespmem:$0x1FFA0] =	vst v63  }
0x3e1: {  	s4 =	simm.s32 $0x2B80;
	s18 =	simm.s32 $0x16100  }
0x3e2: {  	[spmem:s2] =	stream.indirect.scatter.add.f32 [tilespmem:s18], [sflag:$0x1], $0x10, s4, s30, $0xb8;
	[tilespmem:$0x1FFA0] =	vst v63  }
0x3e3: {  	s4 =	simm.s32 $0x2C00;
	s18 =	simm.s32 $0x16900  }
0x3e4: {  	[spmem:s2] =	stream.indirect.scatter.add.f32 [tilespmem:s18], [sflag:$0x1], $0x10, s4, s30, $0xb8;
	[tilespmem:$0x1FFA0] =	vst v63  }
0x3e5: {  	s4 =	simm.s32 $0x2C80;
	s18 =	simm.s32 $0x17100  }
0x3e6: {  	[spmem:s2] =	stream.indirect.scatter.add.f32 [tilespmem:s18], [sflag:$0x1], $0x10, s4, s30, $0xb8;
	[tilespmem:$0x1FFA0] =	vst v63  }
0x3e7: {  	s4 =	simm.s32 $0x2D00;
	s18 =	simm.s32 $0x17900  }
0x3e8: {  	[spmem:s2] =	stream.indirect.scatter.add.f32 [tilespmem:s18], [sflag:$0x1], $0x10, s4, s30, $0xb8;
	[tilespmem:$0x1FFA0] =	vst v63  }
0x3e9: {  	_ =	swait.ge [sflag:s5], $0x800  }
0x3ea: {  	[sflag:s5] =	ssyncset.done $0x0  }
0x3eb: {  	[sflag:s5] =	ssyncadd.s32 $0xFFFFF800  }
0x3ec: {  	_ =	swait.ge [sflag:s5], $0x800  }
0x3ed: {  	[sflag:s5] =	ssyncset.done $0x0  }
0x3ee: {  	[sflag:s5] =	ssyncadd.s32 $0xFFFFF800  }
0x3ef: {  	_ =	swait.ge [sflag:s5], $0x800  }
0x3f0: {  	[sflag:s5] =	ssyncset.done $0x0  }
0x3f1: {  	[sflag:s5] =	ssyncadd.s32 $0xFFFFF800  }
0x3f2: {  	_ =	swait.ge [sflag:s5], $0x800  }
0x3f3: {  	[sflag:s5] =	ssyncset.done $0x0  }
0x3f4: {  	[sflag:s5] =	ssyncadd.s32 $0xFFFFF800  }
0x3f5: {  	_ =	swait.ge [sflag:s5], $0x800  }
0x3f6: {  	[sflag:s5] =	ssyncset.done $0x0  }
0x3f7: {  	[sflag:s5] =	ssyncadd.s32 $0xFFFFF800  }
0x3f8: {  	_ =	swait.ge [sflag:s5], $0x800  }
0x3f9: {  	[sflag:s5] =	ssyncset.done $0x0  }
0x3fa: {  	[sflag:s5] =	ssyncadd.s32 $0xFFFFF800  }
0x3fb: {  	_ =	swait.ge [sflag:s5], $0x800  }
0x3fc: {  	[sflag:s5] =	ssyncset.done $0x0  }
0x3fd: {  	s4 =	simm.s32 $0x2D80;
	s18 =	simm.s32 $0x18100;
	[sflag:s5] =	ssyncadd.s32 $0xFFFFF800  }
0x3fe: {  	[spmem:s2] =	stream.indirect.scatter.add.f32 [tilespmem:s18], [sflag:$0x1], $0x10, s4, s30, $0xb8;
	[tilespmem:$0x1FFA0] =	vst v63  }
0x3ff: {  	s4 =	simm.s32 $0x2E00;
	s18 =	simm.s32 $0x18900  }
0x400: {  	[spmem:s2] =	stream.indirect.scatter.add.f32 [tilespmem:s18], [sflag:$0x1], $0x10, s4, s30, $0xb8;
	[tilespmem:$0x1FFA0] =	vst v63  }
0x401: {  	s4 =	simm.s32 $0x2E80;
	s18 =	simm.s32 $0x19100  }
0x402: {  	[spmem:s2] =	stream.indirect.scatter.add.f32 [tilespmem:s18], [sflag:$0x1], $0x10, s4, s30, $0xb8;
	[tilespmem:$0x1FFA0] =	vst v63  }
0x403: {  	s4 =	simm.s32 $0x2F00;
	s18 =	simm.s32 $0x19900  }
0x404: {  	[spmem:s2] =	stream.indirect.scatter.add.f32 [tilespmem:s18], [sflag:$0x1], $0x10, s4, s30, $0xb8;
	[tilespmem:$0x1FFA0] =	vst v63  }
0x405: {  	s4 =	simm.s32 $0x2F80;
	s18 =	simm.s32 $0x1A100  }
0x406: {  	[spmem:s2] =	stream.indirect.scatter.add.f32 [tilespmem:s18], [sflag:$0x1], $0x10, s4, s30, $0xb8;
	[tilespmem:$0x1FFA0] =	vst v63  }
0x407: {  	s4 =	simm.s32 $0x3000  }
0x408: {  	[spmem:s2] =	stream.indirect.scatter.add.f32 [tilespmem:s19], [sflag:$0x1], $0x10, s4, s30, $0xb8;
	[tilespmem:$0x1FFA0] =	vst v63  }
0x409: {  	_ = 	snop  }
0x40a: {  	[spmem:s2] =	stream.indirect.scatter.add.f32 [tilespmem:s22], [sflag:$0x1], $0x10, s20, s30, $0xb8;
	[tilespmem:$0x1FFA0] =	vst v63  }
0x40b: {  	_ =	swait.ge [sflag:s5], $0x800  }
0x40c: {  	[sflag:s5] =	ssyncset.done $0x0  }
0x40d: {  	[sflag:s5] =	ssyncadd.s32 $0xFFFFF800  }
0x40e: {  	_ =	swait.ge [sflag:s5], $0x800  }
0x40f: {  	[sflag:s5] =	ssyncset.done $0x0  }
0x410: {  	[sflag:s5] =	ssyncadd.s32 $0xFFFFF800  }
0x411: {  	_ =	swait.ge [sflag:s5], $0x800  }
0x412: {  	[sflag:s5] =	ssyncset.done $0x0  }
0x413: {  	[sflag:s5] =	ssyncadd.s32 $0xFFFFF800  }
0x414: {  	_ =	swait.ge [sflag:s5], $0x800  }
0x415: {  	[sflag:s5] =	ssyncset.done $0x0  }
0x416: {  	[sflag:s5] =	ssyncadd.s32 $0xFFFFF800  }
0x417: {  	_ =	swait.ge [sflag:s5], $0x800  }
0x418: {  	[sflag:s5] =	ssyncset.done $0x0  }
0x419: {  	[sflag:s5] =	ssyncadd.s32 $0xFFFFF800  }
0x41a: {  	_ =	swait.ge [sflag:s5], $0x800  }
0x41b: {  	[sflag:s5] =	ssyncset.done $0x0  }
0x41c: {  	[sflag:s5] =	ssyncadd.s32 $0xFFFFF800  }
0x41d: {  	_ =	swait.ge [sflag:s5], $0x800  }
0x41e: {  	[sflag:s5] =	ssyncset.done $0x0  }
0x41f: {  	[sflag:s5] =	ssyncadd.s32 $0xFFFFF800  }
0x420: {  	[bflag:$0x0] =	sbarrier.arrive $0xFFFF  }
0x421: {  	s18 =	rddreg [dreg:$0x7]  }
0x422: {  	[hbm:s18], [sflag:s31] =	dma.local [spmem:s0], $0x840  }
0x423: {  	_ =	swait.ge [sflag:s26], $0x840  }
0x424: {  	s3 =	sadd.s32 $0x1, s3;
	s31 =	rddreg [dreg:$0x8]  }
0x425: {  	p0 =	sne.s32 s3, s31  }
.Ltmp4:
0x426: {  	_ = 	snop;
	(pc) =	sbr.rel @p0 .LBB2_1-.Ltmp4, $3  }
0x427: {  	_ =	sdelay $0x1  }
0x428: {  	[sflag:s26] =	ssyncset.done $0x0  }
0x429: {  	[sflag:s26] =	ssyncadd.s32 $0xFFFFF7C0  }
0x42a: {  	_ =	sfence.sel $0x180000  }
0x42b: {  	[bflag:$0x0] =	sbarrier.arrive $0xFFFF  }
0x42c: {  	_ =	strace $0x90000047  }
0x42d: {  	s0 =	stileid.u32;
	[bflag:$0x2] =	sbarrier.arrive $0xFFFF  }
0x42e: {  	p0 =	sne.s32 s0, $0x0;
	s0 =	rddreg [dreg:$0x2]  }
0x42f: {  	s0 =	sadd.s32 @!p0 $0x100000, s0  }
0x430: {  	[sflag:s0] =	ssyncadd.tile.s32 @!p0 $0x1;
	_ =	shalt  }
.Lfunc_end2:
_tile_overlayer_lowered:
.L_overlay_start_2:
0x431: {  	(tag) =	ssettag $0x2  }
0x432: {  	s0 =	rddreg [dreg:$0x0];
	s2 =	stileid.u32  }
0x433: {  	s1 =	rddreg [dreg:$0x1];
	p0 =	sne.s32 s2, $0x0  }
0x434: {  	s3 =	rddreg [dreg:$0x2];
	[bflag:$0x3] =	sbarrier.arrive $0xFFFF;
	s2 =	simm.s32 @!p0 $0x1C02  }
0x435: {  	[timem:s3], [sflag:s2] =	dma.local @!p0 [hbm:s0], s1  }
0x436: {  	s0 =	simm.s32 @!p0 $0x2  }
0x437: {  	_ =	swait.ge @!p0 [sflag:s0], s1  }
0x438: {  	s1 =	ssub.s32 @!p0 $0x0, s1;
	[sflag:s0] =	ssyncset.done @!p0 $0x0  }
0x439: {  	[sflag:s0] =	ssyncadd.s32 @!p0 s1  }
0x43a: {  	[bflag:$0x3] =	sbarrier.arrive $0xFFFF  }
0x43b: {  	_ =	shalt  }

</sc_bundles>
